<compile_context>
chip_gen: v7x
topology: tpu7x:2x2x1
jax: 0.10.2.dev20260603
libtpu: 0.0.44.dev20260713+nightly
codegen_flags: <defaults>
</compile_context>

<pallas_src>
import functools

import jax
import jax.numpy as jnp
from jax import lax
from jax.experimental import pallas as pl
from jax.experimental.pallas import tpu as pltpu
from jax.experimental.pallas import tpu_sc as plsc

N = 10000
E = 320000
D = 128
H = 64
NG = 64
NL = 6

NC = 2
NS = 16
CH = 128
CPT = 158
EP = NS * CPT * CH
ROWS_PER_TILE = 640
ACC_ROWS = NS * ROWS_PER_TILE
TRASH = N + 100

BN_ROWS = 2000
NB = (2 * N) // BN_ROWS
NBH = NB // 2


def _mesh():
    return plsc.VectorSubcoreMesh(core_axis_name="c", subcore_axis_name="s",
                                  num_cores=NC, num_subcores=NS)


@functools.cache
def _sc_scatter_kernel():
    return pl.kernel(
        _sc_scatter_body,
        out_type=jax.ShapeDtypeStruct((NC, ACC_ROWS, H), jnp.float32),
        mesh=_mesh(),
        scratch_types=[
            pltpu.VMEM_SHARED((ACC_ROWS, H), jnp.float32),
            pltpu.VMEM((CPT, CH), jnp.int32),
            pltpu.VMEM((CPT, CH), jnp.int32),
            pltpu.VMEM((2, CH, H), jnp.float32),
            pltpu.SemaphoreType.DMA,
            pltpu.SemaphoreType.DMA,
        ],
        compiler_params=pltpu.CompilerParams(use_tc_tiling_on_sc=False),
    )


def _sc_scatter_body(a_hbm, src_hbm, dst_hbm, zeros_hbm, out_hbm,
                     acc, sidx, didx, rows, sem_g, sem_s):
    c = lax.axis_index("c")
    s = lax.axis_index("s")
    base = s * ROWS_PER_TILE
    pltpu.sync_copy(zeros_hbm.at[pl.ds(base, ROWS_PER_TILE)],
                    acc.at[pl.ds(base, ROWS_PER_TILE)])
    pltpu.sync_copy(src_hbm.at[c, pl.ds(s * CPT, CPT)], sidx)
    pltpu.sync_copy(dst_hbm.at[c, pl.ds(s * CPT, CPT)], didx)
    plsc.subcore_barrier()

    def g_start(i, b):
        pltpu.async_copy(a_hbm.at[sidx.at[i]], rows.at[b], sem_g)

    def g_wait(b):
        pltpu.make_async_copy(a_hbm.at[sidx.at[0]], rows.at[b], sem_g).wait()

    def s_start(i, b):
        pltpu.async_copy(rows.at[b], acc.at[didx.at[i]], sem_s, add=True)

    def s_wait(i, b):
        pltpu.make_async_copy(rows.at[b], acc.at[didx.at[i]], sem_s).wait()

    npairs = CPT // 2
    g_start(0, 0)

    def pair(j, carry):
        i0 = 2 * j
        i1 = i0 + 1
        g_wait(0)

        @pl.when(j > 0)
        def _():
            s_wait(i1 - 2, 1)

        g_start(i1, 1)
        s_start(i0, 0)
        g_wait(1)
        s_wait(i0, 0)

        @pl.when(j + 1 < npairs)
        def _():
            g_start(i0 + 2, 0)

        s_start(i1, 1)
        return carry

    lax.fori_loop(0, npairs, pair, 0)
    s_wait(CPT - 1, 1)
    plsc.subcore_barrier()
    pltpu.sync_copy(acc.at[pl.ds(base, ROWS_PER_TILE)],
                    out_hbm.at[c, pl.ds(base, ROWS_PER_TILE)])


DEGW = 16


@functools.cache
def _sc_degree_kernel():
    return pl.kernel(
        _sc_degree_body,
        out_type=jax.ShapeDtypeStruct((NC, ACC_ROWS, DEGW), jnp.float32),
        mesh=_mesh(),
        scratch_types=[
            pltpu.VMEM_SHARED((ACC_ROWS, DEGW), jnp.float32),
            pltpu.VMEM((CPT, CH), jnp.int32),
            pltpu.VMEM((CH, DEGW), jnp.float32),
            pltpu.SemaphoreType.DMA,
        ],
        compiler_params=pltpu.CompilerParams(use_tc_tiling_on_sc=False),
    )


def _sc_degree_body(dst_hbm, zeros_hbm, ones_hbm, out_hbm, acc, didx, rows,
                    sem_s):
    c = lax.axis_index("c")
    s = lax.axis_index("s")
    base = s * ROWS_PER_TILE
    pltpu.sync_copy(zeros_hbm.at[pl.ds(base, ROWS_PER_TILE)],
                    acc.at[pl.ds(base, ROWS_PER_TILE)])
    pltpu.sync_copy(ones_hbm, rows)
    pltpu.sync_copy(dst_hbm.at[c, pl.ds(s * CPT, CPT)], didx)
    plsc.subcore_barrier()

    def step(i, carry):
        pltpu.async_copy(rows, acc.at[didx.at[i]], sem_s, add=True)

        @pl.when(i > 0)
        def _():
            pltpu.make_async_copy(rows, acc.at[didx.at[0]], sem_s).wait()

        return carry

    lax.fori_loop(0, CPT, step, 0)
    pltpu.make_async_copy(rows, acc.at[didx.at[0]], sem_s).wait()
    plsc.subcore_barrier()
    pltpu.sync_copy(acc.at[pl.ds(base, ROWS_PER_TILE)],
                    out_hbm.at[c, pl.ds(base, ROWS_PER_TILE)])


def _mm(x, w):
    return jax.lax.dot_general(x, w, (((1,), (0,)), ((), ())),
                               preferred_element_type=jnp.float32)


def _mm_hi(x, w):
    return jax.lax.dot_general(x, w, (((1,), (0,)), ((), ())),
                               precision=jax.lax.Precision.HIGHEST,
                               preferred_element_type=jnp.float32)


def _lin3(h, w1, b1, w2, b2, w3, b3, deg):
    a = _mm(h, w1[...]) + b1[...]
    b = _mm(h, w2[...]) + b2[...]
    cc = _mm(h, w3[...]) + b3[...]
    return a, cc - deg * b


def _row_spec(bs, cols):
    return pl.BlockSpec((bs, cols), lambda *g: (g[-1], 0))


def _const_spec(shape):
    nd = len(shape)
    return pl.BlockSpec(shape, lambda *g: (0,) * nd)


def _tc_first_body(x_ref, w1, b1, w2, b2, w3, b3, deg_ref, a_out, d_out):
    a, d = _lin3(x_ref[...], w1, b1, w2, b2, w3, b3, deg_ref[...])
    a_out[...] = a
    d_out[...] = d


def _tc_first(x, w1, b1, w2, b2, w3, b3, deg):
    return pl.pallas_call(
        _tc_first_body,
        grid=(NB,),
        in_specs=[_row_spec(BN_ROWS, D)] + [_const_spec(s) for s in
                  ((D, H), (1, H), (D, H), (1, H), (D, H), (1, H))]
                 + [_row_spec(BN_ROWS, 1)],
        out_specs=[_row_spec(BN_ROWS, H), _row_spec(BN_ROWS, H)],
        out_shape=[jax.ShapeDtypeStruct((2 * N, H), jnp.float32)] * 2,
    )(x, w1, b1, w2, b2, w3, b3, deg)


def _bn_h(h2, half, gamma, beta, sum_ref, sq_ref):
    m = sum_ref[pl.ds(half, 1), :] / N
    v = sq_ref[pl.ds(half, 1), :] / N
    return jax.nn.relu((h2 - m) / jnp.sqrt(v + 1e-5) * gamma[...] + beta[...])


def _sum_phase(h2, i, half, sum_ref):
    @pl.when(i == 0)
    def _():
        sum_ref[...] = jnp.zeros_like(sum_ref)

    sum_ref[pl.ds(half, 1), :] += jnp.sum(h2, axis=0, keepdims=True)


def _sq_phase(h2, i, half, sum_ref, sq_ref):
    @pl.when(i == 0)
    def _():
        sq_ref[...] = jnp.zeros_like(sq_ref)

    dev = h2 - sum_ref[pl.ds(half, 1), :] / N
    sq_ref[pl.ds(half, 1), :] += jnp.sum(dev * dev, axis=0, keepdims=True)


def _tc_mid_body(agg_ref, d_ref, gamma, beta, w1, b1, w2, b2, w3, b3, deg_ref,
                 a_out, d_out, sum_ref, sq_ref):
    ph = pl.program_id(0)
    i = pl.program_id(1)
    half = i // NBH
    h2 = agg_ref[...] + d_ref[...]

    @pl.when(ph == 0)
    def _():
        _sum_phase(h2, i, half, sum_ref)

    @pl.when(ph == 1)
    def _():
        _sq_phase(h2, i, half, sum_ref, sq_ref)

    @pl.when(ph == 2)
    def _():
        h = _bn_h(h2, half, gamma, beta, sum_ref, sq_ref)
        a, d = _lin3(h, w1, b1, w2, b2, w3, b3, deg_ref[...])
        a_out[...] = a
        d_out[...] = d


def _tc_mid(agg, d, gamma, beta, w1, b1, w2, b2, w3, b3, deg):
    return pl.pallas_call(
        _tc_mid_body,
        grid=(3, NB),
        in_specs=[_row_spec(BN_ROWS, H), _row_spec(BN_ROWS, H)]
                 + [_const_spec(s) for s in
                    ((1, H), (1, H), (H, H), (1, H), (H, H), (1, H),
                     (H, H), (1, H))]
                 + [_row_spec(BN_ROWS, 1)],
        out_specs=[_row_spec(BN_ROWS, H), _row_spec(BN_ROWS, H)],
        out_shape=[jax.ShapeDtypeStruct((2 * N, H), jnp.float32)] * 2,
        scratch_shapes=[pltpu.VMEM((2, H), jnp.float32),
                        pltpu.VMEM((2, H), jnp.float32)],
    )(agg, d, gamma, beta, w1, b1, w2, b2, w3, b3, deg)


def _tc_final_body(agg_ref, d_ref, gamma, beta, gw1, gb1, gw2, gb2,
                   batch_c, batch_r,
                   ow0, ob0, ow1, ob1, ow2, ob2, ow3, ob3, out_ref,
                   sum_ref, sq_ref, gmax_ref, esum_ref, num_ref):
    ph = pl.program_id(0)
    i = pl.program_id(1)
    half = i // NBH
    h2 = agg_ref[...] + d_ref[...]

    def gate_h():
        h = _bn_h(h2, half, gamma, beta, sum_ref, sq_ref)
        gate = jax.nn.relu(_mm(jax.nn.relu(_mm(h, gw1[...]) + gb1[...]),
                               gw2[...]) + gb2[...])
        return h, gate

    @pl.when(ph == 0)
    def _():
        _sum_phase(h2, i, half, sum_ref)

        @pl.when(i == 0)
        def _():
            gmax_ref[...] = jnp.full_like(gmax_ref, -3.0e38)
            esum_ref[...] = jnp.zeros_like(esum_ref)
            num_ref[...] = jnp.zeros_like(num_ref)

    @pl.when(ph == 1)
    def _():
        _sq_phase(h2, i, half, sum_ref, sq_ref)

    @pl.when(ph == 2)
    def _():
        _, gate = gate_h()
        onehot = batch_c[...] == lax.broadcasted_iota(
            jnp.int32, (BN_ROWS, 2 * NG), 1)
        bm = jnp.max(jnp.where(onehot, gate, jnp.float32(-3.0e38)),
                     axis=0, keepdims=True)
        gmax_ref[...] = jnp.maximum(gmax_ref[...], bm)

    def node_softmax():
        h, gate = gate_h()
        onehot = (batch_c[...] == lax.broadcasted_iota(
            jnp.int32, (BN_ROWS, 2 * NG), 1)).astype(jnp.float32)
        gmax_node = jnp.sum(onehot * gmax_ref[...], axis=1, keepdims=True)
        e = jnp.exp(gate - gmax_node)
        onehot_g = (batch_r[0, :1, :] == lax.broadcasted_iota(
            jnp.int32, (2 * NG, BN_ROWS), 0)).astype(jnp.float32)
        return h, onehot, onehot_g, e

    @pl.when(ph == 3)
    def _():
        _, _, onehot_g, e = node_softmax()
        esum_ref[...] += _mm_hi(onehot_g, e)

    @pl.when(ph == 4)
    def _():
        h, onehot, onehot_g, e = node_softmax()
        esum_node = jnp.sum(onehot * esum_ref[...].reshape(1, 2 * NG),
                            axis=1, keepdims=True)
        attn = e / (esum_node + 1e-16)
        num_ref[...] += _mm_hi(onehot_g, attn * h)

    @pl.when((ph == 5) & (i == 0))
    def _():
        pooled = num_ref[...]
        hh = jnp.abs(pooled[:NG] - pooled[NG:])
        hh = jax.nn.relu(_mm(hh, ow0[...]) + ob0[...])
        hh = jax.nn.relu(_mm(hh, ow1[...]) + ob1[...])
        hh = jax.nn.relu(_mm(hh, ow2[...]) + ob2[...])
        out_ref[...] = _mm(hh, ow3[...]) + ob3[...]


def _tc_final(agg, d, gamma, beta, gw1, gb1, gw2, gb2, batch_c, batch_r,
              *mlp):
    return pl.pallas_call(
        _tc_final_body,
        grid=(6, NB),
        in_specs=[_row_spec(BN_ROWS, H), _row_spec(BN_ROWS, H)]
                 + [_const_spec(s) for s in
                    ((1, H), (1, H), (H, 32), (1, 32), (32, 1), (1, 1))]
                 + [_row_spec(BN_ROWS, 1),
                    pl.BlockSpec((1, 8, BN_ROWS), lambda *g: (g[-1], 0, 0))]
                 + [_const_spec(s) for s in
                    ((H, 64), (1, 64), (64, 64), (1, 64), (64, 64), (1, 64),
                     (64, 1), (1, 1))],
        out_specs=pl.BlockSpec((NG, 1), lambda *g: (0, 0)),
        out_shape=jax.ShapeDtypeStruct((NG, 1), jnp.float32),
        scratch_shapes=[pltpu.VMEM((2, H), jnp.float32),
                        pltpu.VMEM((2, H), jnp.float32),
                        pltpu.VMEM((1, 2 * NG), jnp.float32),
                        pltpu.VMEM((2 * NG, 1), jnp.float32),
                        pltpu.VMEM((2 * NG, H), jnp.float32)],
    )(agg, d, gamma, beta, gw1, gb1, gw2, gb2, batch_c, batch_r, *mlp)


def _forward(x_s, x_t, params, edge_index_s, batch_s, edge_index_t, batch_t,
             degree_fn, scatter_fn):
    p = params
    X = jnp.concatenate([x_s, x_t], axis=0)

    deg = degree_fn(edge_index_s, edge_index_t).reshape(2 * N, 1)

    def b2d(name):
        return p[name].reshape(1, -1)

    a, d = _tc_first(
        X, p["conv0_W1"], b2d("conv0_b1"), p["conv0_W2"], b2d("conv0_b2"),
        p["conv0_W3"], b2d("conv0_b3"), deg)

    out = None
    for l in range(NL):
        agg = scatter_fn(a, edge_index_s, edge_index_t)
        if l < NL - 1:
            nl = l + 1
            a, d = _tc_mid(
                agg, d, b2d("conv%d_gamma" % l), b2d("conv%d_beta" % l),
                p["conv%d_W1" % nl], b2d("conv%d_b1" % nl),
                p["conv%d_W2" % nl], b2d("conv%d_b2" % nl),
                p["conv%d_W3" % nl], b2d("conv%d_b3" % nl), deg)
        else:
            batch_c = jnp.concatenate([batch_s, batch_t + NG]).reshape(
                2 * N, 1)
            batch_r = jnp.broadcast_to(
                batch_c.reshape(NB, 1, BN_ROWS), (NB, 8, BN_ROWS))
            out = _tc_final(
                agg, d, b2d("conv%d_gamma" % l), b2d("conv%d_beta" % l),
                p["gate_W1"], b2d("gate_b1"), p["gate_W2"], b2d("gate_b2"),
                batch_c, batch_r,
                p["out_W0"], b2d("out_b0"), p["out_W1"], b2d("out_b1"),
                p["out_W2"], b2d("out_b2"), p["out_W3"], b2d("out_b3"))
    return out


def _edge_arrays(edge_index_s, edge_index_t):
    ept = E // NS
    pad_n = CPT * CH - ept
    pad_src = jnp.zeros((NS, pad_n), jnp.int32)
    pad_dst = jnp.broadcast_to(
        TRASH + (jnp.arange(pad_n, dtype=jnp.int32) % 128)[None, :],
        (NS, pad_n))

    def build(src_row, dst_row):
        s = jnp.concatenate([src_row.reshape(NS, ept), pad_src], axis=1)
        d = jnp.concatenate([dst_row.reshape(NS, ept), pad_dst], axis=1)
        return s.reshape(NS * CPT, CH), d.reshape(NS * CPT, CH)

    ss, ds = build(edge_index_s[0], edge_index_s[1])
    st, dt = build(edge_index_t[0] + N, edge_index_t[1])
    return jnp.stack([ss, st]), jnp.stack([ds, dt])


def kernel(x_s, x_t, params, edge_index_s, batch_s, edge_index_t, batch_t):
    src, dst = _edge_arrays(edge_index_s, edge_index_t)
    zeros_h = jnp.zeros((ACC_ROWS, H), jnp.float32)
    zeros_d = jnp.zeros((ACC_ROWS, DEGW), jnp.float32)
    ones_d = jnp.ones((CH, DEGW), jnp.float32)

    def degree_fn(eis, eit):
        return _sc_degree_kernel()(dst, zeros_d, ones_d)[:, :N, 0]

    def scatter_fn(a, eis, eit):
        return _sc_scatter_kernel()(a, src, dst, zeros_h)[:, :N, :].reshape(
            2 * N, H)

    return _forward(x_s, x_t, params, edge_index_s, batch_s,
                    edge_index_t, batch_t, degree_fn, scatter_fn)

# --- scband reference (transcript-rebuilt; emitter-appended) ---
"""Pipeline reference for scband-siamese-network-8624294331070 (READ-ONLY COPY).

The authoritative reference and input builder live on the scoring server;
editing this copy changes nothing except your own understanding.
"""

import jax, jax.numpy as jnp
import numpy as np

N_NODES = 10000
N_EDGES = 320000
D_FEAT = 128
H_CH = 64
OUT_CH = 64
POOL_ATT_CH = 32
NUM_GRAPHS = 64
N_LAYERS = 6


def _init_params(key):
    params = {}
    dims = [(D_FEAT, H_CH)] + [(H_CH, H_CH)] * (N_LAYERS - 2) + [(H_CH, OUT_CH)]
    k = key
    for l, (din, dout) in enumerate(dims):
        for nm in ("W1", "W2", "W3"):
            k, s = jax.random.split(k)
            params["conv%d_%s" % (l, nm)] = jax.random.normal(s, (din, dout), jnp.float32) * 0.05
        for nm in ("b1", "b2", "b3"):
            params["conv%d_%s" % (l, nm)] = jnp.zeros((dout,), jnp.float32)
        params["conv%d_gamma" % l] = jnp.ones((dout,), jnp.float32)
        params["conv%d_beta" % l] = jnp.zeros((dout,), jnp.float32)
    k, s = jax.random.split(k)
    params["gate_W1"] = jax.random.normal(s, (OUT_CH, POOL_ATT_CH), jnp.float32) * 0.05
    params["gate_b1"] = jnp.zeros((POOL_ATT_CH,), jnp.float32)
    k, s = jax.random.split(k)
    params["gate_W2"] = jax.random.normal(s, (POOL_ATT_CH, 1), jnp.float32) * 0.05
    params["gate_b2"] = jnp.zeros((1,), jnp.float32)
    mlp_dims = [(OUT_CH, 64), (64, 64), (64, 64), (64, 1)]
    for l, (din, dout) in enumerate(mlp_dims):
        k, s = jax.random.split(k)
        params["out_W%d" % l] = jax.random.normal(s, (din, dout), jnp.float32) * 0.05
        params["out_b%d" % l] = jnp.zeros((dout,), jnp.float32)
    return params


def _gb_forward(x, edge_index, batch, params):
    # GBFeatures: 6 x (LEConv -> BatchNorm -> ReLU) then GlobalAttentionSelect pool (pool_ref='last')
    src = edge_index[0]
    dst = edge_index[1]
    n = x.shape[0]
    h = x
    for l in range(N_LAYERS):
        # LEConv: out_i = lin3(x_i) + sum_{j in N(i)} (lin1(x_j) - lin2(x_i)), edge_weight=None
        a = h @ params["conv%d_W1" % l] + params["conv%d_b1" % l]
        b = h @ params["conv%d_W2" % l] + params["conv%d_b2" % l]
        c = h @ params["conv%d_W3" % l] + params["conv%d_b3" % l]
        msg = a[src] - b[dst]
        agg = jax.ops.segment_sum(msg, dst, num_segments=n)
        h2 = agg + c
        # BatchNorm over nodes (training-mode batch statistics)
        mean = jnp.mean(h2, axis=0)
        var = jnp.var(h2, axis=0)
        h2 = (h2 - mean) / jnp.sqrt(var + 1e-5) * params["conv%d_gamma" % l] + params["conv%d_beta" % l]
        h = jax.nn.relu(h2)
    # gate_nn: Linear(64,32)-ReLU-Linear(32,1)-ReLU, softmax per graph, scatter_add
    gate = jax.nn.relu(jax.nn.relu(h @ params["gate_W1"] + params["gate_b1"]) @ params["gate_W2"] + params["gate_b2"])
    gmax = jax.ops.segment_max(gate, batch, num_segments=NUM_GRAPHS)
    gmax = jnp.where(jnp.isfinite(gmax), gmax, 0.0)
    e = jnp.exp(gate - gmax[batch])
    esum = jax.ops.segment_sum(e, batch, num_segments=NUM_GRAPHS)
    attn = e / (esum[batch] + 1e-16)
    return jax.ops.segment_sum(attn * h, batch, num_segments=NUM_GRAPHS)


def _siamese(x_s, x_t, params, edge_index_s, batch_s, edge_index_t, batch_t):
    emb_s = _gb_forward(x_s, edge_index_s, batch_s, params)
    emb_t = _gb_forward(x_t, edge_index_t, batch_t, params)  # shared weights (siamese)
    h = jnp.abs(emb_s - emb_t)  # final_out_join='abs'
    for l in range(3):
        h = jax.nn.relu(h @ params["out_W%d" % l] + params["out_b%d" % l])
    return h @ params["out_W3"] + params["out_b3"]


def setup_inputs(seed: int = 0):
    key = jax.random.key(seed)
    ks = jax.random.split(key, 7)
    x_s = jax.random.normal(ks[0], (N_NODES, D_FEAT), jnp.float32)
    x_t = jax.random.normal(ks[1], (N_NODES, D_FEAT), jnp.float32)
    edge_index_s = jax.random.randint(ks[2], (2, N_EDGES), 0, N_NODES, dtype=jnp.int32)
    edge_index_t = jax.random.randint(ks[3], (2, N_EDGES), 0, N_NODES, dtype=jnp.int32)
    batch_s = jnp.sort(jax.random.randint(ks[4], (N_NODES,), 0, NUM_GRAPHS, dtype=jnp.int32))
    batch_t = jnp.sort(jax.random.randint(ks[5], (N_NODES,), 0, NUM_GRAPHS, dtype=jnp.int32))
    params = _init_params(ks[6])
    return {"x_s": x_s, "x_t": x_t, "params": params, "edge_index_s": edge_index_s, "batch_s": batch_s, "edge_index_t": edge_index_t, "batch_t": batch_t}


def reference(x_s, x_t, params, edge_index_s, batch_s, edge_index_t, batch_t):
    return _siamese(x_s, x_t, params, edge_index_s, batch_s, edge_index_t, batch_t)

if __name__ == "__main__":
    import jax
    _d = setup_inputs()
    print(jax.jit(kernel)(*tuple(_d.values())))

</pallas_src>

<mosaic_0001>
#map = affine_map<(d0, d1) -> (0, 0, 0)>
#map1 = affine_map<(d0, d1) -> (0, 0)>
module attributes {stable_mosaic.version = 14 : i64} {
  func.func @_sc_degree_body(%arg0: i32, %arg1: i32, %arg2: memref<2x2528x128xi32, #tpu.memory_space<hbm>>, %arg3: memref<10240x16xf32, #tpu.memory_space<hbm>>, %arg4: memref<128x16xf32, #tpu.memory_space<hbm>>, %arg5: memref<2x10240x16xf32, #tpu.memory_space<hbm>>, %arg6: memref<10240x16xf32, #tpu.memory_space<vmem_shared>>, %arg7: memref<158x128xi32, #tpu.memory_space<vmem>>, %arg8: memref<128x16xf32, #tpu.memory_space<vmem>>, %arg9: memref<!tpu.dma_semaphore, #tpu.memory_space<semaphore_mem>>) attributes {dimension_semantics = [#tpu.dimension_semantics<core_parallel>, #tpu.dimension_semantics<subcore_parallel>], iteration_bounds = array<i64: 2, 16>, scalar_prefetch = 0 : i64, scratch_operands = 4 : i64, tpu.core_type = #tpu.core_type<sc_vector_subcore>, window_params = [{transform_indices = #map}, {transform_indices = #map1}, {transform_indices = #map1}, {transform_indices = #map}]} {
    %mul3A = arith.constant 640 : i32
    %mul3A_0 = arith.muli %arg1, %mul3A : i32
    "tpu.region"() ({
      %run_scoped3A = tpu.sem_alloc : memref<!tpu.dma_semaphore, #tpu.memory_space<semaphore_mem>>
      %dma_start3A = arith.constant 0 : i32
      %dma_start3A_15 = tpu.memref_slice %arg6[%mul3A_0, %dma_start3A] : memref<10240x16xf32, #tpu.memory_space<vmem_shared>> -> memref<640x16xf32, #tpu.memory_space<vmem_shared>>
      %dma_start3A_16 = arith.constant 0 : i32
      %dma_start3A_17 = tpu.memref_slice %arg3[%mul3A_0, %dma_start3A_16] : memref<10240x16xf32, #tpu.memory_space<hbm>> -> memref<640x16xf32, #tpu.memory_space<hbm>>
      tpu.enqueue_dma source(%dma_start3A_17 : memref<640x16xf32, #tpu.memory_space<hbm>>) target(%dma_start3A_15 : memref<640x16xf32, #tpu.memory_space<vmem_shared>>) target_semaphore(%run_scoped3A : memref<!tpu.dma_semaphore, #tpu.memory_space<semaphore_mem>>)
      %dma_wait3A_18 = arith.constant 0 : i32
      %dma_wait3A_19 = tpu.memref_slice %arg6[%mul3A_0, %dma_wait3A_18] : memref<10240x16xf32, #tpu.memory_space<vmem_shared>> -> memref<640x16xf32, #tpu.memory_space<vmem_shared>>
      %dma_wait3A_20 = arith.constant 0 : i32
      %dma_wait3A_21 = tpu.memref_slice %arg3[%mul3A_0, %dma_wait3A_20] : memref<10240x16xf32, #tpu.memory_space<hbm>> -> memref<640x16xf32, #tpu.memory_space<hbm>>
      tpu.wait_dma2 semaphore(%run_scoped3A : memref<!tpu.dma_semaphore, #tpu.memory_space<semaphore_mem>>) src(%dma_wait3A_21 : memref<640x16xf32, #tpu.memory_space<hbm>>) dst(%dma_wait3A_19 : memref<640x16xf32, #tpu.memory_space<vmem_shared>>)
      tpu.yield
    }) : () -> ()
    "tpu.region"() ({
      %run_scoped3A = tpu.sem_alloc : memref<!tpu.dma_semaphore, #tpu.memory_space<semaphore_mem>>
      tpu.enqueue_dma source(%arg4 : memref<128x16xf32, #tpu.memory_space<hbm>>) target(%arg8 : memref<128x16xf32, #tpu.memory_space<vmem>>) target_semaphore(%run_scoped3A : memref<!tpu.dma_semaphore, #tpu.memory_space<semaphore_mem>>)
      tpu.wait_dma2 semaphore(%run_scoped3A : memref<!tpu.dma_semaphore, #tpu.memory_space<semaphore_mem>>) src(%arg4 : memref<128x16xf32, #tpu.memory_space<hbm>>) dst(%arg8 : memref<128x16xf32, #tpu.memory_space<vmem>>)
      tpu.yield
    }) : () -> ()
    %mul3A_1 = arith.constant 158 : i32
    %mul3A_2 = arith.muli %arg1, %mul3A_1 : i32
    "tpu.region"() ({
      %run_scoped3A = tpu.sem_alloc : memref<!tpu.dma_semaphore, #tpu.memory_space<semaphore_mem>>
      %dma_start3A = arith.constant 0 : i32
      %dma_start3A_15 = tpu.memref_slice %arg2[%arg0, %mul3A_2, %dma_start3A] : memref<2x2528x128xi32, #tpu.memory_space<hbm>> -> memref<1x158x128xi32, #tpu.memory_space<hbm>>
      %dma_start3A_16 = tpu.memref_squeeze %dma_start3A_15 : memref<1x158x128xi32, #tpu.memory_space<hbm>> -> memref<158x128xi32, #tpu.memory_space<hbm>>
      %dma_start3A_17 = arith.constant 0 : i32
      %dma_start3A_18 = tpu.memref_slice %arg2[%arg0, %mul3A_2, %dma_start3A_17] : memref<2x2528x128xi32, #tpu.memory_space<hbm>> -> memref<1x158x128xi32, #tpu.memory_space<hbm>>
      %dma_start3A_19 = tpu.memref_squeeze %dma_start3A_18 : memref<1x158x128xi32, #tpu.memory_space<hbm>> -> memref<158x128xi32, #tpu.memory_space<hbm>>
      tpu.enqueue_dma source(%dma_start3A_19 : memref<158x128xi32, #tpu.memory_space<hbm>>) target(%arg7 : memref<158x128xi32, #tpu.memory_space<vmem>>) target_semaphore(%run_scoped3A : memref<!tpu.dma_semaphore, #tpu.memory_space<semaphore_mem>>)
      %dma_wait3A_20 = arith.constant 0 : i32
      %dma_wait3A_21 = tpu.memref_slice %arg2[%arg0, %mul3A_2, %dma_wait3A_20] : memref<2x2528x128xi32, #tpu.memory_space<hbm>> -> memref<1x158x128xi32, #tpu.memory_space<hbm>>
      %dma_wait3A_22 = tpu.memref_squeeze %dma_wait3A_21 : memref<1x158x128xi32, #tpu.memory_space<hbm>> -> memref<158x128xi32, #tpu.memory_space<hbm>>
      %dma_wait3A_23 = arith.constant 0 : i32
      %dma_wait3A_24 = tpu.memref_slice %arg2[%arg0, %mul3A_2, %dma_wait3A_23] : memref<2x2528x128xi32, #tpu.memory_space<hbm>> -> memref<1x158x128xi32, #tpu.memory_space<hbm>>
      %dma_wait3A_25 = tpu.memref_squeeze %dma_wait3A_24 : memref<1x158x128xi32, #tpu.memory_space<hbm>> -> memref<158x128xi32, #tpu.memory_space<hbm>>
      tpu.wait_dma2 semaphore(%run_scoped3A : memref<!tpu.dma_semaphore, #tpu.memory_space<semaphore_mem>>) src(%dma_wait3A_25 : memref<158x128xi32, #tpu.memory_space<hbm>>) dst(%arg7 : memref<158x128xi32, #tpu.memory_space<vmem>>)
      tpu.yield
    }) : () -> ()
    %barrier3A = arith.constant 0 : index
    tpu.barrier barrier_id(%barrier3A)
    %scan3A = arith.constant 0 : i32
    %scan3A_3 = arith.constant 0 : i32
    %scan3A_4 = arith.constant 158 : i32
    %scan3A_5 = arith.addi %scan3A_3, %scan3A_4 : i32
    %scan3A_6 = arith.constant 1 : i32
    scf.for %scan3A_15 = %scan3A_3 to %scan3A_5 step %scan3A_6  : i32 {
      %dma_start3A = arith.constant 0 : i32
      %dma_start3A_16 = tpu.memref_slice %arg7[%scan3A_15, %dma_start3A] : memref<158x128xi32, #tpu.memory_space<vmem>> -> memref<1x128xi32, #tpu.memory_space<vmem>>
      %dma_start3A_17 = tpu.memref_squeeze %dma_start3A_16 : memref<1x128xi32, #tpu.memory_space<vmem>> -> memref<128xi32, #tpu.memory_space<vmem>>
      %dma_start3A_18 = arith.constant 0 : i32
      %dma_start3A_19 = arith.constant 0 : i32
      %dma_start3A_20 = tpu.memref_slice %arg6[%dma_start3A_18, %dma_start3A_19] : memref<10240x16xf32, #tpu.memory_space<vmem_shared>> -> memref<10240x16xf32, #tpu.memory_space<vmem_shared>>
      tpu.enqueue_indirect_dma source(%arg8 : memref<128x16xf32, #tpu.memory_space<vmem>>) target(%dma_start3A_20 : memref<10240x16xf32, #tpu.memory_space<vmem_shared>>) offsets(%dma_start3A_17 : memref<128xi32, #tpu.memory_space<vmem>>) semaphore(%arg9 : memref<!tpu.dma_semaphore, #tpu.memory_space<semaphore_mem>>) {add = true}
      %gt3A = arith.constant 0 : i32
      %gt3A_21 = arith.cmpi sgt, %scan3A_15, %gt3A : i32
      %convert_element_type3A = arith.extui %gt3A_21 : i1 to i32
      %cond3A = arith.constant 0 : i32
      %cond3A_22 = arith.cmpi ne, %convert_element_type3A, %cond3A : i32
      scf.if %cond3A_22 {
        %dma_wait3A_23 = arith.constant 0 : i32
        %dma_wait3A_24 = arith.constant 0 : i32
        %dma_wait3A_25 = tpu.memref_slice %arg7[%dma_wait3A_23, %dma_wait3A_24] : memref<158x128xi32, #tpu.memory_space<vmem>> -> memref<1x128xi32, #tpu.memory_space<vmem>>
        %dma_wait3A_26 = tpu.memref_squeeze %dma_wait3A_25 : memref<1x128xi32, #tpu.memory_space<vmem>> -> memref<128xi32, #tpu.memory_space<vmem>>
        %dma_wait3A_27 = arith.constant 0 : i32
        %dma_wait3A_28 = arith.constant 0 : i32
        %dma_wait3A_29 = tpu.memref_slice %arg6[%dma_wait3A_27, %dma_wait3A_28] : memref<10240x16xf32, #tpu.memory_space<vmem_shared>> -> memref<10240x16xf32, #tpu.memory_space<vmem_shared>>
        tpu.wait_indirect_dma semaphore(%arg9 : memref<!tpu.dma_semaphore, #tpu.memory_space<semaphore_mem>>) src(%arg8 : memref<128x16xf32, #tpu.memory_space<vmem>>) dst(%dma_wait3A_29 : memref<10240x16xf32, #tpu.memory_space<vmem_shared>>)
      } else {
      }
    }
    %scan3A_7 = arith.constant 158 : i32
    %dma_wait3A = arith.constant 0 : i32
    %dma_wait3A_8 = arith.constant 0 : i32
    %dma_wait3A_9 = tpu.memref_slice %arg7[%dma_wait3A, %dma_wait3A_8] : memref<158x128xi32, #tpu.memory_space<vmem>> -> memref<1x128xi32, #tpu.memory_space<vmem>>
    %dma_wait3A_10 = tpu.memref_squeeze %dma_wait3A_9 : memref<1x128xi32, #tpu.memory_space<vmem>> -> memref<128xi32, #tpu.memory_space<vmem>>
    %dma_wait3A_11 = arith.constant 0 : i32
    %dma_wait3A_12 = arith.constant 0 : i32
    %dma_wait3A_13 = tpu.memref_slice %arg6[%dma_wait3A_11, %dma_wait3A_12] : memref<10240x16xf32, #tpu.memory_space<vmem_shared>> -> memref<10240x16xf32, #tpu.memory_space<vmem_shared>>
    tpu.wait_indirect_dma semaphore(%arg9 : memref<!tpu.dma_semaphore, #tpu.memory_space<semaphore_mem>>) src(%arg8 : memref<128x16xf32, #tpu.memory_space<vmem>>) dst(%dma_wait3A_13 : memref<10240x16xf32, #tpu.memory_space<vmem_shared>>)
    %barrier3A_14 = arith.constant 0 : index
    tpu.barrier barrier_id(%barrier3A_14)
    "tpu.region"() ({
      %run_scoped3A = tpu.sem_alloc : memref<!tpu.dma_semaphore, #tpu.memory_space<semaphore_mem>>
      %dma_start3A = arith.constant 0 : i32
      %dma_start3A_15 = tpu.memref_slice %arg5[%arg0, %mul3A_0, %dma_start3A] : memref<2x10240x16xf32, #tpu.memory_space<hbm>> -> memref<1x640x16xf32, #tpu.memory_space<hbm>>
      %dma_start3A_16 = tpu.memref_squeeze %dma_start3A_15 : memref<1x640x16xf32, #tpu.memory_space<hbm>> -> memref<640x16xf32, #tpu.memory_space<hbm>>
      %dma_start3A_17 = arith.constant 0 : i32
      %dma_start3A_18 = tpu.memref_slice %arg6[%mul3A_0, %dma_start3A_17] : memref<10240x16xf32, #tpu.memory_space<vmem_shared>> -> memref<640x16xf32, #tpu.memory_space<vmem_shared>>
      tpu.enqueue_dma source(%dma_start3A_18 : memref<640x16xf32, #tpu.memory_space<vmem_shared>>) target(%dma_start3A_16 : memref<640x16xf32, #tpu.memory_space<hbm>>) target_semaphore(%run_scoped3A : memref<!tpu.dma_semaphore, #tpu.memory_space<semaphore_mem>>)
      %dma_wait3A_19 = arith.constant 0 : i32
      %dma_wait3A_20 = tpu.memref_slice %arg5[%arg0, %mul3A_0, %dma_wait3A_19] : memref<2x10240x16xf32, #tpu.memory_space<hbm>> -> memref<1x640x16xf32, #tpu.memory_space<hbm>>
      %dma_wait3A_21 = tpu.memref_squeeze %dma_wait3A_20 : memref<1x640x16xf32, #tpu.memory_space<hbm>> -> memref<640x16xf32, #tpu.memory_space<hbm>>
      %dma_wait3A_22 = arith.constant 0 : i32
      %dma_wait3A_23 = tpu.memref_slice %arg6[%mul3A_0, %dma_wait3A_22] : memref<10240x16xf32, #tpu.memory_space<vmem_shared>> -> memref<640x16xf32, #tpu.memory_space<vmem_shared>>
      tpu.wait_dma2 semaphore(%run_scoped3A : memref<!tpu.dma_semaphore, #tpu.memory_space<semaphore_mem>>) src(%dma_wait3A_23 : memref<640x16xf32, #tpu.memory_space<vmem_shared>>) dst(%dma_wait3A_21 : memref<640x16xf32, #tpu.memory_space<hbm>>)
      tpu.yield
    }) : () -> ()
    return
  }
}

#map = affine_map<(d0, d1) -> (0, 0)>
#map1 = affine_map<(d0, d1) -> (0, 0, 0)>
module attributes {stable_mosaic.version = 14 : i64} {
  func.func @_sc_scatter_body(%arg0: i32, %arg1: i32, %arg2: memref<20000x64xf32, #tpu.memory_space<hbm>>, %arg3: memref<2x2528x128xi32, #tpu.memory_space<hbm>>, %arg4: memref<2x2528x128xi32, #tpu.memory_space<hbm>>, %arg5: memref<10240x64xf32, #tpu.memory_space<hbm>>, %arg6: memref<2x10240x64xf32, #tpu.memory_space<hbm>>, %arg7: memref<10240x64xf32, #tpu.memory_space<vmem_shared>>, %arg8: memref<158x128xi32, #tpu.memory_space<vmem>>, %arg9: memref<158x128xi32, #tpu.memory_space<vmem>>, %arg10: memref<2x128x64xf32, #tpu.memory_space<vmem>>, %arg11: memref<!tpu.dma_semaphore, #tpu.memory_space<semaphore_mem>>, %arg12: memref<!tpu.dma_semaphore, #tpu.memory_space<semaphore_mem>>) attributes {dimension_semantics = [#tpu.dimension_semantics<core_parallel>, #tpu.dimension_semantics<subcore_parallel>], iteration_bounds = array<i64: 2, 16>, scalar_prefetch = 0 : i64, scratch_operands = 6 : i64, tpu.core_type = #tpu.core_type<sc_vector_subcore>, window_params = [{transform_indices = #map}, {transform_indices = #map1}, {transform_indices = #map1}, {transform_indices = #map}, {transform_indices = #map1}]} {
    %mul3A = arith.constant 640 : i32
    %mul3A_0 = arith.muli %arg1, %mul3A : i32
    "tpu.region"() ({
      %run_scoped3A = tpu.sem_alloc : memref<!tpu.dma_semaphore, #tpu.memory_space<semaphore_mem>>
      %dma_start3A_33 = arith.constant 0 : i32
      %dma_start3A_34 = tpu.memref_slice %arg7[%mul3A_0, %dma_start3A_33] : memref<10240x64xf32, #tpu.memory_space<vmem_shared>> -> memref<640x64xf32, #tpu.memory_space<vmem_shared>>
      %dma_start3A_35 = arith.constant 0 : i32
      %dma_start3A_36 = tpu.memref_slice %arg5[%mul3A_0, %dma_start3A_35] : memref<10240x64xf32, #tpu.memory_space<hbm>> -> memref<640x64xf32, #tpu.memory_space<hbm>>
      tpu.enqueue_dma source(%dma_start3A_36 : memref<640x64xf32, #tpu.memory_space<hbm>>) target(%dma_start3A_34 : memref<640x64xf32, #tpu.memory_space<vmem_shared>>) target_semaphore(%run_scoped3A : memref<!tpu.dma_semaphore, #tpu.memory_space<semaphore_mem>>)
      %dma_wait3A_37 = arith.constant 0 : i32
      %dma_wait3A_38 = tpu.memref_slice %arg7[%mul3A_0, %dma_wait3A_37] : memref<10240x64xf32, #tpu.memory_space<vmem_shared>> -> memref<640x64xf32, #tpu.memory_space<vmem_shared>>
      %dma_wait3A_39 = arith.constant 0 : i32
      %dma_wait3A_40 = tpu.memref_slice %arg5[%mul3A_0, %dma_wait3A_39] : memref<10240x64xf32, #tpu.memory_space<hbm>> -> memref<640x64xf32, #tpu.memory_space<hbm>>
      tpu.wait_dma2 semaphore(%run_scoped3A : memref<!tpu.dma_semaphore, #tpu.memory_space<semaphore_mem>>) src(%dma_wait3A_40 : memref<640x64xf32, #tpu.memory_space<hbm>>) dst(%dma_wait3A_38 : memref<640x64xf32, #tpu.memory_space<vmem_shared>>)
      tpu.yield
    }) : () -> ()
    %mul3A_1 = arith.constant 158 : i32
    %mul3A_2 = arith.muli %arg1, %mul3A_1 : i32
    "tpu.region"() ({
      %run_scoped3A = tpu.sem_alloc : memref<!tpu.dma_semaphore, #tpu.memory_space<semaphore_mem>>
      %dma_start3A_33 = arith.constant 0 : i32
      %dma_start3A_34 = tpu.memref_slice %arg3[%arg0, %mul3A_2, %dma_start3A_33] : memref<2x2528x128xi32, #tpu.memory_space<hbm>> -> memref<1x158x128xi32, #tpu.memory_space<hbm>>
      %dma_start3A_35 = tpu.memref_squeeze %dma_start3A_34 : memref<1x158x128xi32, #tpu.memory_space<hbm>> -> memref<158x128xi32, #tpu.memory_space<hbm>>
      %dma_start3A_36 = arith.constant 0 : i32
      %dma_start3A_37 = tpu.memref_slice %arg3[%arg0, %mul3A_2, %dma_start3A_36] : memref<2x2528x128xi32, #tpu.memory_space<hbm>> -> memref<1x158x128xi32, #tpu.memory_space<hbm>>
      %dma_start3A_38 = tpu.memref_squeeze %dma_start3A_37 : memref<1x158x128xi32, #tpu.memory_space<hbm>> -> memref<158x128xi32, #tpu.memory_space<hbm>>
      tpu.enqueue_dma source(%dma_start3A_38 : memref<158x128xi32, #tpu.memory_space<hbm>>) target(%arg8 : memref<158x128xi32, #tpu.memory_space<vmem>>) target_semaphore(%run_scoped3A : memref<!tpu.dma_semaphore, #tpu.memory_space<semaphore_mem>>)
      %dma_wait3A_39 = arith.constant 0 : i32
      %dma_wait3A_40 = tpu.memref_slice %arg3[%arg0, %mul3A_2, %dma_wait3A_39] : memref<2x2528x128xi32, #tpu.memory_space<hbm>> -> memref<1x158x128xi32, #tpu.memory_space<hbm>>
      %dma_wait3A_41 = tpu.memref_squeeze %dma_wait3A_40 : memref<1x158x128xi32, #tpu.memory_space<hbm>> -> memref<158x128xi32, #tpu.memory_space<hbm>>
      %dma_wait3A_42 = arith.constant 0 : i32
      %dma_wait3A_43 = tpu.memref_slice %arg3[%arg0, %mul3A_2, %dma_wait3A_42] : memref<2x2528x128xi32, #tpu.memory_space<hbm>> -> memref<1x158x128xi32, #tpu.memory_space<hbm>>
      %dma_wait3A_44 = tpu.memref_squeeze %dma_wait3A_43 : memref<1x158x128xi32, #tpu.memory_space<hbm>> -> memref<158x128xi32, #tpu.memory_space<hbm>>
      tpu.wait_dma2 semaphore(%run_scoped3A : memref<!tpu.dma_semaphore, #tpu.memory_space<semaphore_mem>>) src(%dma_wait3A_44 : memref<158x128xi32, #tpu.memory_space<hbm>>) dst(%arg8 : memref<158x128xi32, #tpu.memory_space<vmem>>)
      tpu.yield
    }) : () -> ()
    %mul3A_3 = arith.constant 158 : i32
    %mul3A_4 = arith.muli %arg1, %mul3A_3 : i32
    "tpu.region"() ({
      %run_scoped3A = tpu.sem_alloc : memref<!tpu.dma_semaphore, #tpu.memory_space<semaphore_mem>>
      %dma_start3A_33 = arith.constant 0 : i32
      %dma_start3A_34 = tpu.memref_slice %arg4[%arg0, %mul3A_4, %dma_start3A_33] : memref<2x2528x128xi32, #tpu.memory_space<hbm>> -> memref<1x158x128xi32, #tpu.memory_space<hbm>>
      %dma_start3A_35 = tpu.memref_squeeze %dma_start3A_34 : memref<1x158x128xi32, #tpu.memory_space<hbm>> -> memref<158x128xi32, #tpu.memory_space<hbm>>
      %dma_start3A_36 = arith.constant 0 : i32
      %dma_start3A_37 = tpu.memref_slice %arg4[%arg0, %mul3A_4, %dma_start3A_36] : memref<2x2528x128xi32, #tpu.memory_space<hbm>> -> memref<1x158x128xi32, #tpu.memory_space<hbm>>
      %dma_start3A_38 = tpu.memref_squeeze %dma_start3A_37 : memref<1x158x128xi32, #tpu.memory_space<hbm>> -> memref<158x128xi32, #tpu.memory_space<hbm>>
      tpu.enqueue_dma source(%dma_start3A_38 : memref<158x128xi32, #tpu.memory_space<hbm>>) target(%arg9 : memref<158x128xi32, #tpu.memory_space<vmem>>) target_semaphore(%run_scoped3A : memref<!tpu.dma_semaphore, #tpu.memory_space<semaphore_mem>>)
      %dma_wait3A_39 = arith.constant 0 : i32
      %dma_wait3A_40 = tpu.memref_slice %arg4[%arg0, %mul3A_4, %dma_wait3A_39] : memref<2x2528x128xi32, #tpu.memory_space<hbm>> -> memref<1x158x128xi32, #tpu.memory_space<hbm>>
      %dma_wait3A_41 = tpu.memref_squeeze %dma_wait3A_40 : memref<1x158x128xi32, #tpu.memory_space<hbm>> -> memref<158x128xi32, #tpu.memory_space<hbm>>
      %dma_wait3A_42 = arith.constant 0 : i32
      %dma_wait3A_43 = tpu.memref_slice %arg4[%arg0, %mul3A_4, %dma_wait3A_42] : memref<2x2528x128xi32, #tpu.memory_space<hbm>> -> memref<1x158x128xi32, #tpu.memory_space<hbm>>
      %dma_wait3A_44 = tpu.memref_squeeze %dma_wait3A_43 : memref<1x158x128xi32, #tpu.memory_space<hbm>> -> memref<158x128xi32, #tpu.memory_space<hbm>>
      tpu.wait_dma2 semaphore(%run_scoped3A : memref<!tpu.dma_semaphore, #tpu.memory_space<semaphore_mem>>) src(%dma_wait3A_44 : memref<158x128xi32, #tpu.memory_space<hbm>>) dst(%arg9 : memref<158x128xi32, #tpu.memory_space<vmem>>)
      tpu.yield
    }) : () -> ()
    %barrier3A = arith.constant 0 : index
    tpu.barrier barrier_id(%barrier3A)
    %dma_start3A = arith.constant 0 : i32
    %dma_start3A_5 = arith.constant 0 : i32
    %dma_start3A_6 = arith.constant 0 : i32
    %dma_start3A_7 = arith.constant 0 : i32
    %dma_start3A_8 = tpu.memref_slice %arg10[%dma_start3A_5, %dma_start3A_6, %dma_start3A_7] : memref<2x128x64xf32, #tpu.memory_space<vmem>> -> memref<1x128x64xf32, #tpu.memory_space<vmem>>
    %dma_start3A_9 = tpu.memref_squeeze %dma_start3A_8 : memref<1x128x64xf32, #tpu.memory_space<vmem>> -> memref<128x64xf32, #tpu.memory_space<vmem>>
    %dma_start3A_10 = arith.constant 0 : i32
    %dma_start3A_11 = tpu.memref_slice %arg8[%dma_start3A, %dma_start3A_10] : memref<158x128xi32, #tpu.memory_space<vmem>> -> memref<1x128xi32, #tpu.memory_space<vmem>>
    %dma_start3A_12 = tpu.memref_squeeze %dma_start3A_11 : memref<1x128xi32, #tpu.memory_space<vmem>> -> memref<128xi32, #tpu.memory_space<vmem>>
    %dma_start3A_13 = arith.constant 0 : i32
    %dma_start3A_14 = arith.constant 0 : i32
    %dma_start3A_15 = tpu.memref_slice %arg2[%dma_start3A_13, %dma_start3A_14] : memref<20000x64xf32, #tpu.memory_space<hbm>> -> memref<20000x64xf32, #tpu.memory_space<hbm>>
    tpu.enqueue_indirect_dma source(%dma_start3A_15 : memref<20000x64xf32, #tpu.memory_space<hbm>>) target(%dma_start3A_9 : memref<128x64xf32, #tpu.memory_space<vmem>>) offsets(%dma_start3A_12 : memref<128xi32, #tpu.memory_space<vmem>>) semaphore(%arg11 : memref<!tpu.dma_semaphore, #tpu.memory_space<semaphore_mem>>)
    %scan3A = arith.constant 0 : i32
    %scan3A_16 = arith.constant 0 : i32
    %scan3A_17 = arith.constant 79 : i32
    %scan3A_18 = arith.addi %scan3A_16, %scan3A_17 : i32
    %scan3A_19 = arith.constant 1 : i32
    scf.for %scan3A_33 = %scan3A_16 to %scan3A_18 step %scan3A_19  : i32 {
      %mul3A_34 = arith.constant 2 : i32
      %mul3A_35 = arith.muli %mul3A_34, %scan3A_33 : i32
      %add3A = arith.constant 1 : i32
      %add3A_36 = arith.addi %mul3A_35, %add3A : i32
      %dma_wait3A_37 = arith.constant 0 : i32
      %dma_wait3A_38 = arith.constant 0 : i32
      %dma_wait3A_39 = arith.constant 0 : i32
      %dma_wait3A_40 = arith.constant 0 : i32
      %dma_wait3A_41 = tpu.memref_slice %arg10[%dma_wait3A_38, %dma_wait3A_39, %dma_wait3A_40] : memref<2x128x64xf32, #tpu.memory_space<vmem>> -> memref<1x128x64xf32, #tpu.memory_space<vmem>>
      %dma_wait3A_42 = tpu.memref_squeeze %dma_wait3A_41 : memref<1x128x64xf32, #tpu.memory_space<vmem>> -> memref<128x64xf32, #tpu.memory_space<vmem>>
      %dma_wait3A_43 = arith.constant 0 : i32
      %dma_wait3A_44 = tpu.memref_slice %arg8[%dma_wait3A_37, %dma_wait3A_43] : memref<158x128xi32, #tpu.memory_space<vmem>> -> memref<1x128xi32, #tpu.memory_space<vmem>>
      %dma_wait3A_45 = tpu.memref_squeeze %dma_wait3A_44 : memref<1x128xi32, #tpu.memory_space<vmem>> -> memref<128xi32, #tpu.memory_space<vmem>>
      %dma_wait3A_46 = arith.constant 0 : i32
      %dma_wait3A_47 = arith.constant 0 : i32
      %dma_wait3A_48 = tpu.memref_slice %arg2[%dma_wait3A_46, %dma_wait3A_47] : memref<20000x64xf32, #tpu.memory_space<hbm>> -> memref<20000x64xf32, #tpu.memory_space<hbm>>
      tpu.wait_indirect_dma semaphore(%arg11 : memref<!tpu.dma_semaphore, #tpu.memory_space<semaphore_mem>>) src(%dma_wait3A_48 : memref<20000x64xf32, #tpu.memory_space<hbm>>) dst(%dma_wait3A_42 : memref<128x64xf32, #tpu.memory_space<vmem>>)
      %gt3A = arith.constant 0 : i32
      %gt3A_49 = arith.cmpi sgt, %scan3A_33, %gt3A : i32
      %convert_element_type3A = arith.extui %gt3A_49 : i1 to i32
      %cond3A = arith.constant 0 : i32
      %cond3A_50 = arith.cmpi ne, %convert_element_type3A, %cond3A : i32
      scf.if %cond3A_50 {
        %sub3A = arith.constant 2 : i32
        %sub3A_113 = arith.subi %add3A_36, %sub3A : i32
        %dma_wait3A_114 = arith.constant 1 : i32
        %dma_wait3A_115 = arith.constant 0 : i32
        %dma_wait3A_116 = arith.constant 0 : i32
        %dma_wait3A_117 = tpu.memref_slice %arg10[%dma_wait3A_114, %dma_wait3A_115, %dma_wait3A_116] : memref<2x128x64xf32, #tpu.memory_space<vmem>> -> memref<1x128x64xf32, #tpu.memory_space<vmem>>
        %dma_wait3A_118 = tpu.memref_squeeze %dma_wait3A_117 : memref<1x128x64xf32, #tpu.memory_space<vmem>> -> memref<128x64xf32, #tpu.memory_space<vmem>>
        %dma_wait3A_119 = arith.constant 0 : i32
        %dma_wait3A_120 = tpu.memref_slice %arg9[%sub3A_113, %dma_wait3A_119] : memref<158x128xi32, #tpu.memory_space<vmem>> -> memref<1x128xi32, #tpu.memory_space<vmem>>
        %dma_wait3A_121 = tpu.memref_squeeze %dma_wait3A_120 : memref<1x128xi32, #tpu.memory_space<vmem>> -> memref<128xi32, #tpu.memory_space<vmem>>
        %dma_wait3A_122 = arith.constant 0 : i32
        %dma_wait3A_123 = arith.constant 0 : i32
        %dma_wait3A_124 = tpu.memref_slice %arg7[%dma_wait3A_122, %dma_wait3A_123] : memref<10240x64xf32, #tpu.memory_space<vmem_shared>> -> memref<10240x64xf32, #tpu.memory_space<vmem_shared>>
        tpu.wait_indirect_dma semaphore(%arg12 : memref<!tpu.dma_semaphore, #tpu.memory_space<semaphore_mem>>) src(%dma_wait3A_118 : memref<128x64xf32, #tpu.memory_space<vmem>>) dst(%dma_wait3A_124 : memref<10240x64xf32, #tpu.memory_space<vmem_shared>>)
      } else {
      }
      %dma_start3A_51 = arith.constant 1 : i32
      %dma_start3A_52 = arith.constant 0 : i32
      %dma_start3A_53 = arith.constant 0 : i32
      %dma_start3A_54 = tpu.memref_slice %arg10[%dma_start3A_51, %dma_start3A_52, %dma_start3A_53] : memref<2x128x64xf32, #tpu.memory_space<vmem>> -> memref<1x128x64xf32, #tpu.memory_space<vmem>>
      %dma_start3A_55 = tpu.memref_squeeze %dma_start3A_54 : memref<1x128x64xf32, #tpu.memory_space<vmem>> -> memref<128x64xf32, #tpu.memory_space<vmem>>
      %dma_start3A_56 = arith.constant 0 : i32
      %dma_start3A_57 = tpu.memref_slice %arg8[%add3A_36, %dma_start3A_56] : memref<158x128xi32, #tpu.memory_space<vmem>> -> memref<1x128xi32, #tpu.memory_space<vmem>>
      %dma_start3A_58 = tpu.memref_squeeze %dma_start3A_57 : memref<1x128xi32, #tpu.memory_space<vmem>> -> memref<128xi32, #tpu.memory_space<vmem>>
      %dma_start3A_59 = arith.constant 0 : i32
      %dma_start3A_60 = arith.constant 0 : i32
      %dma_start3A_61 = tpu.memref_slice %arg2[%dma_start3A_59, %dma_start3A_60] : memref<20000x64xf32, #tpu.memory_space<hbm>> -> memref<20000x64xf32, #tpu.memory_space<hbm>>
      tpu.enqueue_indirect_dma source(%dma_start3A_61 : memref<20000x64xf32, #tpu.memory_space<hbm>>) target(%dma_start3A_55 : memref<128x64xf32, #tpu.memory_space<vmem>>) offsets(%dma_start3A_58 : memref<128xi32, #tpu.memory_space<vmem>>) semaphore(%arg11 : memref<!tpu.dma_semaphore, #tpu.memory_space<semaphore_mem>>)
      %dma_start3A_62 = arith.constant 0 : i32
      %dma_start3A_63 = arith.constant 0 : i32
      %dma_start3A_64 = arith.constant 0 : i32
      %dma_start3A_65 = tpu.memref_slice %arg10[%dma_start3A_62, %dma_start3A_63, %dma_start3A_64] : memref<2x128x64xf32, #tpu.memory_space<vmem>> -> memref<1x128x64xf32, #tpu.memory_space<vmem>>
      %dma_start3A_66 = tpu.memref_squeeze %dma_start3A_65 : memref<1x128x64xf32, #tpu.memory_space<vmem>> -> memref<128x64xf32, #tpu.memory_space<vmem>>
      %dma_start3A_67 = arith.constant 0 : i32
      %dma_start3A_68 = tpu.memref_slice %arg9[%mul3A_35, %dma_start3A_67] : memref<158x128xi32, #tpu.memory_space<vmem>> -> memref<1x128xi32, #tpu.memory_space<vmem>>
      %dma_start3A_69 = tpu.memref_squeeze %dma_start3A_68 : memref<1x128xi32, #tpu.memory_space<vmem>> -> memref<128xi32, #tpu.memory_space<vmem>>
      %dma_start3A_70 = arith.constant 0 : i32
      %dma_start3A_71 = arith.constant 0 : i32
      %dma_start3A_72 = tpu.memref_slice %arg7[%dma_start3A_70, %dma_start3A_71] : memref<10240x64xf32, #tpu.memory_space<vmem_shared>> -> memref<10240x64xf32, #tpu.memory_space<vmem_shared>>
      tpu.enqueue_indirect_dma source(%dma_start3A_66 : memref<128x64xf32, #tpu.memory_space<vmem>>) target(%dma_start3A_72 : memref<10240x64xf32, #tpu.memory_space<vmem_shared>>) offsets(%dma_start3A_69 : memref<128xi32, #tpu.memory_space<vmem>>) semaphore(%arg12 : memref<!tpu.dma_semaphore, #tpu.memory_space<semaphore_mem>>) {add = true}
      %dma_wait3A_73 = arith.constant 0 : i32
      %dma_wait3A_74 = arith.constant 1 : i32
      %dma_wait3A_75 = arith.constant 0 : i32
      %dma_wait3A_76 = arith.constant 0 : i32
      %dma_wait3A_77 = tpu.memref_slice %arg10[%dma_wait3A_74, %dma_wait3A_75, %dma_wait3A_76] : memref<2x128x64xf32, #tpu.memory_space<vmem>> -> memref<1x128x64xf32, #tpu.memory_space<vmem>>
      %dma_wait3A_78 = tpu.memref_squeeze %dma_wait3A_77 : memref<1x128x64xf32, #tpu.memory_space<vmem>> -> memref<128x64xf32, #tpu.memory_space<vmem>>
      %dma_wait3A_79 = arith.constant 0 : i32
      %dma_wait3A_80 = tpu.memref_slice %arg8[%dma_wait3A_73, %dma_wait3A_79] : memref<158x128xi32, #tpu.memory_space<vmem>> -> memref<1x128xi32, #tpu.memory_space<vmem>>
      %dma_wait3A_81 = tpu.memref_squeeze %dma_wait3A_80 : memref<1x128xi32, #tpu.memory_space<vmem>> -> memref<128xi32, #tpu.memory_space<vmem>>
      %dma_wait3A_82 = arith.constant 0 : i32
      %dma_wait3A_83 = arith.constant 0 : i32
      %dma_wait3A_84 = tpu.memref_slice %arg2[%dma_wait3A_82, %dma_wait3A_83] : memref<20000x64xf32, #tpu.memory_space<hbm>> -> memref<20000x64xf32, #tpu.memory_space<hbm>>
      tpu.wait_indirect_dma semaphore(%arg11 : memref<!tpu.dma_semaphore, #tpu.memory_space<semaphore_mem>>) src(%dma_wait3A_84 : memref<20000x64xf32, #tpu.memory_space<hbm>>) dst(%dma_wait3A_78 : memref<128x64xf32, #tpu.memory_space<vmem>>)
      %dma_wait3A_85 = arith.constant 0 : i32
      %dma_wait3A_86 = arith.constant 0 : i32
      %dma_wait3A_87 = arith.constant 0 : i32
      %dma_wait3A_88 = tpu.memref_slice %arg10[%dma_wait3A_85, %dma_wait3A_86, %dma_wait3A_87] : memref<2x128x64xf32, #tpu.memory_space<vmem>> -> memref<1x128x64xf32, #tpu.memory_space<vmem>>
      %dma_wait3A_89 = tpu.memref_squeeze %dma_wait3A_88 : memref<1x128x64xf32, #tpu.memory_space<vmem>> -> memref<128x64xf32, #tpu.memory_space<vmem>>
      %dma_wait3A_90 = arith.constant 0 : i32
      %dma_wait3A_91 = tpu.memref_slice %arg9[%mul3A_35, %dma_wait3A_90] : memref<158x128xi32, #tpu.memory_space<vmem>> -> memref<1x128xi32, #tpu.memory_space<vmem>>
      %dma_wait3A_92 = tpu.memref_squeeze %dma_wait3A_91 : memref<1x128xi32, #tpu.memory_space<vmem>> -> memref<128xi32, #tpu.memory_space<vmem>>
      %dma_wait3A_93 = arith.constant 0 : i32
      %dma_wait3A_94 = arith.constant 0 : i32
      %dma_wait3A_95 = tpu.memref_slice %arg7[%dma_wait3A_93, %dma_wait3A_94] : memref<10240x64xf32, #tpu.memory_space<vmem_shared>> -> memref<10240x64xf32, #tpu.memory_space<vmem_shared>>
      tpu.wait_indirect_dma semaphore(%arg12 : memref<!tpu.dma_semaphore, #tpu.memory_space<semaphore_mem>>) src(%dma_wait3A_89 : memref<128x64xf32, #tpu.memory_space<vmem>>) dst(%dma_wait3A_95 : memref<10240x64xf32, #tpu.memory_space<vmem_shared>>)
      %add3A_96 = arith.constant 1 : i32
      %add3A_97 = arith.addi %scan3A_33, %add3A_96 : i32
      %lt3A = arith.constant 79 : i32
      %lt3A_98 = arith.cmpi slt, %add3A_97, %lt3A : i32
      %convert_element_type3A_99 = arith.extui %lt3A_98 : i1 to i32
      %cond3A_100 = arith.constant 0 : i32
      %cond3A_101 = arith.cmpi ne, %convert_element_type3A_99, %cond3A_100 : i32
      scf.if %cond3A_101 {
        %add3A_113 = arith.constant 2 : i32
        %add3A_114 = arith.addi %mul3A_35, %add3A_113 : i32
        %dma_start3A_115 = arith.constant 0 : i32
        %dma_start3A_116 = arith.constant 0 : i32
        %dma_start3A_117 = arith.constant 0 : i32
        %dma_start3A_118 = tpu.memref_slice %arg10[%dma_start3A_115, %dma_start3A_116, %dma_start3A_117] : memref<2x128x64xf32, #tpu.memory_space<vmem>> -> memref<1x128x64xf32, #tpu.memory_space<vmem>>
        %dma_start3A_119 = tpu.memref_squeeze %dma_start3A_118 : memref<1x128x64xf32, #tpu.memory_space<vmem>> -> memref<128x64xf32, #tpu.memory_space<vmem>>
        %dma_start3A_120 = arith.constant 0 : i32
        %dma_start3A_121 = tpu.memref_slice %arg8[%add3A_114, %dma_start3A_120] : memref<158x128xi32, #tpu.memory_space<vmem>> -> memref<1x128xi32, #tpu.memory_space<vmem>>
        %dma_start3A_122 = tpu.memref_squeeze %dma_start3A_121 : memref<1x128xi32, #tpu.memory_space<vmem>> -> memref<128xi32, #tpu.memory_space<vmem>>
        %dma_start3A_123 = arith.constant 0 : i32
        %dma_start3A_124 = arith.constant 0 : i32
        %dma_start3A_125 = tpu.memref_slice %arg2[%dma_start3A_123, %dma_start3A_124] : memref<20000x64xf32, #tpu.memory_space<hbm>> -> memref<20000x64xf32, #tpu.memory_space<hbm>>
        tpu.enqueue_indirect_dma source(%dma_start3A_125 : memref<20000x64xf32, #tpu.memory_space<hbm>>) target(%dma_start3A_119 : memref<128x64xf32, #tpu.memory_space<vmem>>) offsets(%dma_start3A_122 : memref<128xi32, #tpu.memory_space<vmem>>) semaphore(%arg11 : memref<!tpu.dma_semaphore, #tpu.memory_space<semaphore_mem>>)
      } else {
      }
      %dma_start3A_102 = arith.constant 1 : i32
      %dma_start3A_103 = arith.constant 0 : i32
      %dma_start3A_104 = arith.constant 0 : i32
      %dma_start3A_105 = tpu.memref_slice %arg10[%dma_start3A_102, %dma_start3A_103, %dma_start3A_104] : memref<2x128x64xf32, #tpu.memory_space<vmem>> -> memref<1x128x64xf32, #tpu.memory_space<vmem>>
      %dma_start3A_106 = tpu.memref_squeeze %dma_start3A_105 : memref<1x128x64xf32, #tpu.memory_space<vmem>> -> memref<128x64xf32, #tpu.memory_space<vmem>>
      %dma_start3A_107 = arith.constant 0 : i32
      %dma_start3A_108 = tpu.memref_slice %arg9[%add3A_36, %dma_start3A_107] : memref<158x128xi32, #tpu.memory_space<vmem>> -> memref<1x128xi32, #tpu.memory_space<vmem>>
      %dma_start3A_109 = tpu.memref_squeeze %dma_start3A_108 : memref<1x128xi32, #tpu.memory_space<vmem>> -> memref<128xi32, #tpu.memory_space<vmem>>
      %dma_start3A_110 = arith.constant 0 : i32
      %dma_start3A_111 = arith.constant 0 : i32
      %dma_start3A_112 = tpu.memref_slice %arg7[%dma_start3A_110, %dma_start3A_111] : memref<10240x64xf32, #tpu.memory_space<vmem_shared>> -> memref<10240x64xf32, #tpu.memory_space<vmem_shared>>
      tpu.enqueue_indirect_dma source(%dma_start3A_106 : memref<128x64xf32, #tpu.memory_space<vmem>>) target(%dma_start3A_112 : memref<10240x64xf32, #tpu.memory_space<vmem_shared>>) offsets(%dma_start3A_109 : memref<128xi32, #tpu.memory_space<vmem>>) semaphore(%arg12 : memref<!tpu.dma_semaphore, #tpu.memory_space<semaphore_mem>>) {add = true}
    }
    %scan3A_20 = arith.constant 79 : i32
    %dma_wait3A = arith.constant 1 : i32
    %dma_wait3A_21 = arith.constant 157 : i32
    %dma_wait3A_22 = arith.constant 0 : i32
    %dma_wait3A_23 = arith.constant 0 : i32
    %dma_wait3A_24 = tpu.memref_slice %arg10[%dma_wait3A, %dma_wait3A_22, %dma_wait3A_23] : memref<2x128x64xf32, #tpu.memory_space<vmem>> -> memref<1x128x64xf32, #tpu.memory_space<vmem>>
    %dma_wait3A_25 = tpu.memref_squeeze %dma_wait3A_24 : memref<1x128x64xf32, #tpu.memory_space<vmem>> -> memref<128x64xf32, #tpu.memory_space<vmem>>
    %dma_wait3A_26 = arith.constant 0 : i32
    %dma_wait3A_27 = tpu.memref_slice %arg9[%dma_wait3A_21, %dma_wait3A_26] : memref<158x128xi32, #tpu.memory_space<vmem>> -> memref<1x128xi32, #tpu.memory_space<vmem>>
    %dma_wait3A_28 = tpu.memref_squeeze %dma_wait3A_27 : memref<1x128xi32, #tpu.memory_space<vmem>> -> memref<128xi32, #tpu.memory_space<vmem>>
    %dma_wait3A_29 = arith.constant 0 : i32
    %dma_wait3A_30 = arith.constant 0 : i32
    %dma_wait3A_31 = tpu.memref_slice %arg7[%dma_wait3A_29, %dma_wait3A_30] : memref<10240x64xf32, #tpu.memory_space<vmem_shared>> -> memref<10240x64xf32, #tpu.memory_space<vmem_shared>>
    tpu.wait_indirect_dma semaphore(%arg12 : memref<!tpu.dma_semaphore, #tpu.memory_space<semaphore_mem>>) src(%dma_wait3A_25 : memref<128x64xf32, #tpu.memory_space<vmem>>) dst(%dma_wait3A_31 : memref<10240x64xf32, #tpu.memory_space<vmem_shared>>)
    %barrier3A_32 = arith.constant 0 : index
    tpu.barrier barrier_id(%barrier3A_32)
    "tpu.region"() ({
      %run_scoped3A = tpu.sem_alloc : memref<!tpu.dma_semaphore, #tpu.memory_space<semaphore_mem>>
      %dma_start3A_33 = arith.constant 0 : i32
      %dma_start3A_34 = tpu.memref_slice %arg6[%arg0, %mul3A_0, %dma_start3A_33] : memref<2x10240x64xf32, #tpu.memory_space<hbm>> -> memref<1x640x64xf32, #tpu.memory_space<hbm>>
      %dma_start3A_35 = tpu.memref_squeeze %dma_start3A_34 : memref<1x640x64xf32, #tpu.memory_space<hbm>> -> memref<640x64xf32, #tpu.memory_space<hbm>>
      %dma_start3A_36 = arith.constant 0 : i32
      %dma_start3A_37 = tpu.memref_slice %arg7[%mul3A_0, %dma_start3A_36] : memref<10240x64xf32, #tpu.memory_space<vmem_shared>> -> memref<640x64xf32, #tpu.memory_space<vmem_shared>>
      tpu.enqueue_dma source(%dma_start3A_37 : memref<640x64xf32, #tpu.memory_space<vmem_shared>>) target(%dma_start3A_35 : memref<640x64xf32, #tpu.memory_space<hbm>>) target_semaphore(%run_scoped3A : memref<!tpu.dma_semaphore, #tpu.memory_space<semaphore_mem>>)
      %dma_wait3A_38 = arith.constant 0 : i32
      %dma_wait3A_39 = tpu.memref_slice %arg6[%arg0, %mul3A_0, %dma_wait3A_38] : memref<2x10240x64xf32, #tpu.memory_space<hbm>> -> memref<1x640x64xf32, #tpu.memory_space<hbm>>
      %dma_wait3A_40 = tpu.memref_squeeze %dma_wait3A_39 : memref<1x640x64xf32, #tpu.memory_space<hbm>> -> memref<640x64xf32, #tpu.memory_space<hbm>>
      %dma_wait3A_41 = arith.constant 0 : i32
      %dma_wait3A_42 = tpu.memref_slice %arg7[%mul3A_0, %dma_wait3A_41] : memref<10240x64xf32, #tpu.memory_space<vmem_shared>> -> memref<640x64xf32, #tpu.memory_space<vmem_shared>>
      tpu.wait_dma2 semaphore(%run_scoped3A : memref<!tpu.dma_semaphore, #tpu.memory_space<semaphore_mem>>) src(%dma_wait3A_42 : memref<640x64xf32, #tpu.memory_space<vmem_shared>>) dst(%dma_wait3A_40 : memref<640x64xf32, #tpu.memory_space<hbm>>)
      tpu.yield
    }) : () -> ()
    return
  }
}

#map = affine_map<(d0, d1) -> (0, 0)>
#map1 = affine_map<(d0, d1) -> (0, 0, 0)>
module attributes {stable_mosaic.version = 14 : i64} {
  func.func @_sc_scatter_body(%arg0: i32, %arg1: i32, %arg2: memref<20000x64xf32, #tpu.memory_space<hbm>>, %arg3: memref<2x2528x128xi32, #tpu.memory_space<hbm>>, %arg4: memref<2x2528x128xi32, #tpu.memory_space<hbm>>, %arg5: memref<10240x64xf32, #tpu.memory_space<hbm>>, %arg6: memref<2x10240x64xf32, #tpu.memory_space<hbm>>, %arg7: memref<10240x64xf32, #tpu.memory_space<vmem_shared>>, %arg8: memref<158x128xi32, #tpu.memory_space<vmem>>, %arg9: memref<158x128xi32, #tpu.memory_space<vmem>>, %arg10: memref<2x128x64xf32, #tpu.memory_space<vmem>>, %arg11: memref<!tpu.dma_semaphore, #tpu.memory_space<semaphore_mem>>, %arg12: memref<!tpu.dma_semaphore, #tpu.memory_space<semaphore_mem>>) attributes {dimension_semantics = [#tpu.dimension_semantics<core_parallel>, #tpu.dimension_semantics<subcore_parallel>], iteration_bounds = array<i64: 2, 16>, scalar_prefetch = 0 : i64, scratch_operands = 6 : i64, tpu.core_type = #tpu.core_type<sc_vector_subcore>, window_params = [{transform_indices = #map}, {transform_indices = #map1}, {transform_indices = #map1}, {transform_indices = #map}, {transform_indices = #map1}]} {
    %mul3A = arith.constant 640 : i32
    %mul3A_0 = arith.muli %arg1, %mul3A : i32
    "tpu.region"() ({
      %run_scoped3A = tpu.sem_alloc : memref<!tpu.dma_semaphore, #tpu.memory_space<semaphore_mem>>
      %dma_start3A_33 = arith.constant 0 : i32
      %dma_start3A_34 = tpu.memref_slice %arg7[%mul3A_0, %dma_start3A_33] : memref<10240x64xf32, #tpu.memory_space<vmem_shared>> -> memref<640x64xf32, #tpu.memory_space<vmem_shared>>
      %dma_start3A_35 = arith.constant 0 : i32
      %dma_start3A_36 = tpu.memref_slice %arg5[%mul3A_0, %dma_start3A_35] : memref<10240x64xf32, #tpu.memory_space<hbm>> -> memref<640x64xf32, #tpu.memory_space<hbm>>
      tpu.enqueue_dma source(%dma_start3A_36 : memref<640x64xf32, #tpu.memory_space<hbm>>) target(%dma_start3A_34 : memref<640x64xf32, #tpu.memory_space<vmem_shared>>) target_semaphore(%run_scoped3A : memref<!tpu.dma_semaphore, #tpu.memory_space<semaphore_mem>>)
      %dma_wait3A_37 = arith.constant 0 : i32
      %dma_wait3A_38 = tpu.memref_slice %arg7[%mul3A_0, %dma_wait3A_37] : memref<10240x64xf32, #tpu.memory_space<vmem_shared>> -> memref<640x64xf32, #tpu.memory_space<vmem_shared>>
      %dma_wait3A_39 = arith.constant 0 : i32
      %dma_wait3A_40 = tpu.memref_slice %arg5[%mul3A_0, %dma_wait3A_39] : memref<10240x64xf32, #tpu.memory_space<hbm>> -> memref<640x64xf32, #tpu.memory_space<hbm>>
      tpu.wait_dma2 semaphore(%run_scoped3A : memref<!tpu.dma_semaphore, #tpu.memory_space<semaphore_mem>>) src(%dma_wait3A_40 : memref<640x64xf32, #tpu.memory_space<hbm>>) dst(%dma_wait3A_38 : memref<640x64xf32, #tpu.memory_space<vmem_shared>>)
      tpu.yield
    }) : () -> ()
    %mul3A_1 = arith.constant 158 : i32
    %mul3A_2 = arith.muli %arg1, %mul3A_1 : i32
    "tpu.region"() ({
      %run_scoped3A = tpu.sem_alloc : memref<!tpu.dma_semaphore, #tpu.memory_space<semaphore_mem>>
      %dma_start3A_33 = arith.constant 0 : i32
      %dma_start3A_34 = tpu.memref_slice %arg3[%arg0, %mul3A_2, %dma_start3A_33] : memref<2x2528x128xi32, #tpu.memory_space<hbm>> -> memref<1x158x128xi32, #tpu.memory_space<hbm>>
      %dma_start3A_35 = tpu.memref_squeeze %dma_start3A_34 : memref<1x158x128xi32, #tpu.memory_space<hbm>> -> memref<158x128xi32, #tpu.memory_space<hbm>>
      %dma_start3A_36 = arith.constant 0 : i32
      %dma_start3A_37 = tpu.memref_slice %arg3[%arg0, %mul3A_2, %dma_start3A_36] : memref<2x2528x128xi32, #tpu.memory_space<hbm>> -> memref<1x158x128xi32, #tpu.memory_space<hbm>>
      %dma_start3A_38 = tpu.memref_squeeze %dma_start3A_37 : memref<1x158x128xi32, #tpu.memory_space<hbm>> -> memref<158x128xi32, #tpu.memory_space<hbm>>
      tpu.enqueue_dma source(%dma_start3A_38 : memref<158x128xi32, #tpu.memory_space<hbm>>) target(%arg8 : memref<158x128xi32, #tpu.memory_space<vmem>>) target_semaphore(%run_scoped3A : memref<!tpu.dma_semaphore, #tpu.memory_space<semaphore_mem>>)
      %dma_wait3A_39 = arith.constant 0 : i32
      %dma_wait3A_40 = tpu.memref_slice %arg3[%arg0, %mul3A_2, %dma_wait3A_39] : memref<2x2528x128xi32, #tpu.memory_space<hbm>> -> memref<1x158x128xi32, #tpu.memory_space<hbm>>
      %dma_wait3A_41 = tpu.memref_squeeze %dma_wait3A_40 : memref<1x158x128xi32, #tpu.memory_space<hbm>> -> memref<158x128xi32, #tpu.memory_space<hbm>>
      %dma_wait3A_42 = arith.constant 0 : i32
      %dma_wait3A_43 = tpu.memref_slice %arg3[%arg0, %mul3A_2, %dma_wait3A_42] : memref<2x2528x128xi32, #tpu.memory_space<hbm>> -> memref<1x158x128xi32, #tpu.memory_space<hbm>>
      %dma_wait3A_44 = tpu.memref_squeeze %dma_wait3A_43 : memref<1x158x128xi32, #tpu.memory_space<hbm>> -> memref<158x128xi32, #tpu.memory_space<hbm>>
      tpu.wait_dma2 semaphore(%run_scoped3A : memref<!tpu.dma_semaphore, #tpu.memory_space<semaphore_mem>>) src(%dma_wait3A_44 : memref<158x128xi32, #tpu.memory_space<hbm>>) dst(%arg8 : memref<158x128xi32, #tpu.memory_space<vmem>>)
      tpu.yield
    }) : () -> ()
    %mul3A_3 = arith.constant 158 : i32
    %mul3A_4 = arith.muli %arg1, %mul3A_3 : i32
    "tpu.region"() ({
      %run_scoped3A = tpu.sem_alloc : memref<!tpu.dma_semaphore, #tpu.memory_space<semaphore_mem>>
      %dma_start3A_33 = arith.constant 0 : i32
      %dma_start3A_34 = tpu.memref_slice %arg4[%arg0, %mul3A_4, %dma_start3A_33] : memref<2x2528x128xi32, #tpu.memory_space<hbm>> -> memref<1x158x128xi32, #tpu.memory_space<hbm>>
      %dma_start3A_35 = tpu.memref_squeeze %dma_start3A_34 : memref<1x158x128xi32, #tpu.memory_space<hbm>> -> memref<158x128xi32, #tpu.memory_space<hbm>>
      %dma_start3A_36 = arith.constant 0 : i32
      %dma_start3A_37 = tpu.memref_slice %arg4[%arg0, %mul3A_4, %dma_start3A_36] : memref<2x2528x128xi32, #tpu.memory_space<hbm>> -> memref<1x158x128xi32, #tpu.memory_space<hbm>>
      %dma_start3A_38 = tpu.memref_squeeze %dma_start3A_37 : memref<1x158x128xi32, #tpu.memory_space<hbm>> -> memref<158x128xi32, #tpu.memory_space<hbm>>
      tpu.enqueue_dma source(%dma_start3A_38 : memref<158x128xi32, #tpu.memory_space<hbm>>) target(%arg9 : memref<158x128xi32, #tpu.memory_space<vmem>>) target_semaphore(%run_scoped3A : memref<!tpu.dma_semaphore, #tpu.memory_space<semaphore_mem>>)
      %dma_wait3A_39 = arith.constant 0 : i32
      %dma_wait3A_40 = tpu.memref_slice %arg4[%arg0, %mul3A_4, %dma_wait3A_39] : memref<2x2528x128xi32, #tpu.memory_space<hbm>> -> memref<1x158x128xi32, #tpu.memory_space<hbm>>
      %dma_wait3A_41 = tpu.memref_squeeze %dma_wait3A_40 : memref<1x158x128xi32, #tpu.memory_space<hbm>> -> memref<158x128xi32, #tpu.memory_space<hbm>>
      %dma_wait3A_42 = arith.constant 0 : i32
      %dma_wait3A_43 = tpu.memref_slice %arg4[%arg0, %mul3A_4, %dma_wait3A_42] : memref<2x2528x128xi32, #tpu.memory_space<hbm>> -> memref<1x158x128xi32, #tpu.memory_space<hbm>>
      %dma_wait3A_44 = tpu.memref_squeeze %dma_wait3A_43 : memref<1x158x128xi32, #tpu.memory_space<hbm>> -> memref<158x128xi32, #tpu.memory_space<hbm>>
      tpu.wait_dma2 semaphore(%run_scoped3A : memref<!tpu.dma_semaphore, #tpu.memory_space<semaphore_mem>>) src(%dma_wait3A_44 : memref<158x128xi32, #tpu.memory_space<hbm>>) dst(%arg9 : memref<158x128xi32, #tpu.memory_space<vmem>>)
      tpu.yield
    }) : () -> ()
    %barrier3A = arith.constant 0 : index
    tpu.barrier barrier_id(%barrier3A)
    %dma_start3A = arith.constant 0 : i32
    %dma_start3A_5 = arith.constant 0 : i32
    %dma_start3A_6 = arith.constant 0 : i32
    %dma_start3A_7 = arith.constant 0 : i32
    %dma_start3A_8 = tpu.memref_slice %arg10[%dma_start3A_5, %dma_start3A_6, %dma_start3A_7] : memref<2x128x64xf32, #tpu.memory_space<vmem>> -> memref<1x128x64xf32, #tpu.memory_space<vmem>>
    %dma_start3A_9 = tpu.memref_squeeze %dma_start3A_8 : memref<1x128x64xf32, #tpu.memory_space<vmem>> -> memref<128x64xf32, #tpu.memory_space<vmem>>
    %dma_start3A_10 = arith.constant 0 : i32
    %dma_start3A_11 = tpu.memref_slice %arg8[%dma_start3A, %dma_start3A_10] : memref<158x128xi32, #tpu.memory_space<vmem>> -> memref<1x128xi32, #tpu.memory_space<vmem>>
    %dma_start3A_12 = tpu.memref_squeeze %dma_start3A_11 : memref<1x128xi32, #tpu.memory_space<vmem>> -> memref<128xi32, #tpu.memory_space<vmem>>
    %dma_start3A_13 = arith.constant 0 : i32
    %dma_start3A_14 = arith.constant 0 : i32
    %dma_start3A_15 = tpu.memref_slice %arg2[%dma_start3A_13, %dma_start3A_14] : memref<20000x64xf32, #tpu.memory_space<hbm>> -> memref<20000x64xf32, #tpu.memory_space<hbm>>
    tpu.enqueue_indirect_dma source(%dma_start3A_15 : memref<20000x64xf32, #tpu.memory_space<hbm>>) target(%dma_start3A_9 : memref<128x64xf32, #tpu.memory_space<vmem>>) offsets(%dma_start3A_12 : memref<128xi32, #tpu.memory_space<vmem>>) semaphore(%arg11 : memref<!tpu.dma_semaphore, #tpu.memory_space<semaphore_mem>>)
    %scan3A = arith.constant 0 : i32
    %scan3A_16 = arith.constant 0 : i32
    %scan3A_17 = arith.constant 79 : i32
    %scan3A_18 = arith.addi %scan3A_16, %scan3A_17 : i32
    %scan3A_19 = arith.constant 1 : i32
    scf.for %scan3A_33 = %scan3A_16 to %scan3A_18 step %scan3A_19  : i32 {
      %mul3A_34 = arith.constant 2 : i32
      %mul3A_35 = arith.muli %mul3A_34, %scan3A_33 : i32
      %add3A = arith.constant 1 : i32
      %add3A_36 = arith.addi %mul3A_35, %add3A : i32
      %dma_wait3A_37 = arith.constant 0 : i32
      %dma_wait3A_38 = arith.constant 0 : i32
      %dma_wait3A_39 = arith.constant 0 : i32
      %dma_wait3A_40 = arith.constant 0 : i32
      %dma_wait3A_41 = tpu.memref_slice %arg10[%dma_wait3A_38, %dma_wait3A_39, %dma_wait3A_40] : memref<2x128x64xf32, #tpu.memory_space<vmem>> -> memref<1x128x64xf32, #tpu.memory_space<vmem>>
      %dma_wait3A_42 = tpu.memref_squeeze %dma_wait3A_41 : memref<1x128x64xf32, #tpu.memory_space<vmem>> -> memref<128x64xf32, #tpu.memory_space<vmem>>
      %dma_wait3A_43 = arith.constant 0 : i32
      %dma_wait3A_44 = tpu.memref_slice %arg8[%dma_wait3A_37, %dma_wait3A_43] : memref<158x128xi32, #tpu.memory_space<vmem>> -> memref<1x128xi32, #tpu.memory_space<vmem>>
      %dma_wait3A_45 = tpu.memref_squeeze %dma_wait3A_44 : memref<1x128xi32, #tpu.memory_space<vmem>> -> memref<128xi32, #tpu.memory_space<vmem>>
      %dma_wait3A_46 = arith.constant 0 : i32
      %dma_wait3A_47 = arith.constant 0 : i32
      %dma_wait3A_48 = tpu.memref_slice %arg2[%dma_wait3A_46, %dma_wait3A_47] : memref<20000x64xf32, #tpu.memory_space<hbm>> -> memref<20000x64xf32, #tpu.memory_space<hbm>>
      tpu.wait_indirect_dma semaphore(%arg11 : memref<!tpu.dma_semaphore, #tpu.memory_space<semaphore_mem>>) src(%dma_wait3A_48 : memref<20000x64xf32, #tpu.memory_space<hbm>>) dst(%dma_wait3A_42 : memref<128x64xf32, #tpu.memory_space<vmem>>)
      %gt3A = arith.constant 0 : i32
      %gt3A_49 = arith.cmpi sgt, %scan3A_33, %gt3A : i32
      %convert_element_type3A = arith.extui %gt3A_49 : i1 to i32
      %cond3A = arith.constant 0 : i32
      %cond3A_50 = arith.cmpi ne, %convert_element_type3A, %cond3A : i32
      scf.if %cond3A_50 {
        %sub3A = arith.constant 2 : i32
        %sub3A_113 = arith.subi %add3A_36, %sub3A : i32
        %dma_wait3A_114 = arith.constant 1 : i32
        %dma_wait3A_115 = arith.constant 0 : i32
        %dma_wait3A_116 = arith.constant 0 : i32
        %dma_wait3A_117 = tpu.memref_slice %arg10[%dma_wait3A_114, %dma_wait3A_115, %dma_wait3A_116] : memref<2x128x64xf32, #tpu.memory_space<vmem>> -> memref<1x128x64xf32, #tpu.memory_space<vmem>>
        %dma_wait3A_118 = tpu.memref_squeeze %dma_wait3A_117 : memref<1x128x64xf32, #tpu.memory_space<vmem>> -> memref<128x64xf32, #tpu.memory_space<vmem>>
        %dma_wait3A_119 = arith.constant 0 : i32
        %dma_wait3A_120 = tpu.memref_slice %arg9[%sub3A_113, %dma_wait3A_119] : memref<158x128xi32, #tpu.memory_space<vmem>> -> memref<1x128xi32, #tpu.memory_space<vmem>>
        %dma_wait3A_121 = tpu.memref_squeeze %dma_wait3A_120 : memref<1x128xi32, #tpu.memory_space<vmem>> -> memref<128xi32, #tpu.memory_space<vmem>>
        %dma_wait3A_122 = arith.constant 0 : i32
        %dma_wait3A_123 = arith.constant 0 : i32
        %dma_wait3A_124 = tpu.memref_slice %arg7[%dma_wait3A_122, %dma_wait3A_123] : memref<10240x64xf32, #tpu.memory_space<vmem_shared>> -> memref<10240x64xf32, #tpu.memory_space<vmem_shared>>
        tpu.wait_indirect_dma semaphore(%arg12 : memref<!tpu.dma_semaphore, #tpu.memory_space<semaphore_mem>>) src(%dma_wait3A_118 : memref<128x64xf32, #tpu.memory_space<vmem>>) dst(%dma_wait3A_124 : memref<10240x64xf32, #tpu.memory_space<vmem_shared>>)
      } else {
      }
      %dma_start3A_51 = arith.constant 1 : i32
      %dma_start3A_52 = arith.constant 0 : i32
      %dma_start3A_53 = arith.constant 0 : i32
      %dma_start3A_54 = tpu.memref_slice %arg10[%dma_start3A_51, %dma_start3A_52, %dma_start3A_53] : memref<2x128x64xf32, #tpu.memory_space<vmem>> -> memref<1x128x64xf32, #tpu.memory_space<vmem>>
      %dma_start3A_55 = tpu.memref_squeeze %dma_start3A_54 : memref<1x128x64xf32, #tpu.memory_space<vmem>> -> memref<128x64xf32, #tpu.memory_space<vmem>>
      %dma_start3A_56 = arith.constant 0 : i32
      %dma_start3A_57 = tpu.memref_slice %arg8[%add3A_36, %dma_start3A_56] : memref<158x128xi32, #tpu.memory_space<vmem>> -> memref<1x128xi32, #tpu.memory_space<vmem>>
      %dma_start3A_58 = tpu.memref_squeeze %dma_start3A_57 : memref<1x128xi32, #tpu.memory_space<vmem>> -> memref<128xi32, #tpu.memory_space<vmem>>
      %dma_start3A_59 = arith.constant 0 : i32
      %dma_start3A_60 = arith.constant 0 : i32
      %dma_start3A_61 = tpu.memref_slice %arg2[%dma_start3A_59, %dma_start3A_60] : memref<20000x64xf32, #tpu.memory_space<hbm>> -> memref<20000x64xf32, #tpu.memory_space<hbm>>
      tpu.enqueue_indirect_dma source(%dma_start3A_61 : memref<20000x64xf32, #tpu.memory_space<hbm>>) target(%dma_start3A_55 : memref<128x64xf32, #tpu.memory_space<vmem>>) offsets(%dma_start3A_58 : memref<128xi32, #tpu.memory_space<vmem>>) semaphore(%arg11 : memref<!tpu.dma_semaphore, #tpu.memory_space<semaphore_mem>>)
      %dma_start3A_62 = arith.constant 0 : i32
      %dma_start3A_63 = arith.constant 0 : i32
      %dma_start3A_64 = arith.constant 0 : i32
      %dma_start3A_65 = tpu.memref_slice %arg10[%dma_start3A_62, %dma_start3A_63, %dma_start3A_64] : memref<2x128x64xf32, #tpu.memory_space<vmem>> -> memref<1x128x64xf32, #tpu.memory_space<vmem>>
      %dma_start3A_66 = tpu.memref_squeeze %dma_start3A_65 : memref<1x128x64xf32, #tpu.memory_space<vmem>> -> memref<128x64xf32, #tpu.memory_space<vmem>>
      %dma_start3A_67 = arith.constant 0 : i32
      %dma_start3A_68 = tpu.memref_slice %arg9[%mul3A_35, %dma_start3A_67] : memref<158x128xi32, #tpu.memory_space<vmem>> -> memref<1x128xi32, #tpu.memory_space<vmem>>
      %dma_start3A_69 = tpu.memref_squeeze %dma_start3A_68 : memref<1x128xi32, #tpu.memory_space<vmem>> -> memref<128xi32, #tpu.memory_space<vmem>>
      %dma_start3A_70 = arith.constant 0 : i32
      %dma_start3A_71 = arith.constant 0 : i32
      %dma_start3A_72 = tpu.memref_slice %arg7[%dma_start3A_70, %dma_start3A_71] : memref<10240x64xf32, #tpu.memory_space<vmem_shared>> -> memref<10240x64xf32, #tpu.memory_space<vmem_shared>>
      tpu.enqueue_indirect_dma source(%dma_start3A_66 : memref<128x64xf32, #tpu.memory_space<vmem>>) target(%dma_start3A_72 : memref<10240x64xf32, #tpu.memory_space<vmem_shared>>) offsets(%dma_start3A_69 : memref<128xi32, #tpu.memory_space<vmem>>) semaphore(%arg12 : memref<!tpu.dma_semaphore, #tpu.memory_space<semaphore_mem>>) {add = true}
      %dma_wait3A_73 = arith.constant 0 : i32
      %dma_wait3A_74 = arith.constant 1 : i32
      %dma_wait3A_75 = arith.constant 0 : i32
      %dma_wait3A_76 = arith.constant 0 : i32
      %dma_wait3A_77 = tpu.memref_slice %arg10[%dma_wait3A_74, %dma_wait3A_75, %dma_wait3A_76] : memref<2x128x64xf32, #tpu.memory_space<vmem>> -> memref<1x128x64xf32, #tpu.memory_space<vmem>>
      %dma_wait3A_78 = tpu.memref_squeeze %dma_wait3A_77 : memref<1x128x64xf32, #tpu.memory_space<vmem>> -> memref<128x64xf32, #tpu.memory_space<vmem>>
      %dma_wait3A_79 = arith.constant 0 : i32
      %dma_wait3A_80 = tpu.memref_slice %arg8[%dma_wait3A_73, %dma_wait3A_79] : memref<158x128xi32, #tpu.memory_space<vmem>> -> memref<1x128xi32, #tpu.memory_space<vmem>>
      %dma_wait3A_81 = tpu.memref_squeeze %dma_wait3A_80 : memref<1x128xi32, #tpu.memory_space<vmem>> -> memref<128xi32, #tpu.memory_space<vmem>>
      %dma_wait3A_82 = arith.constant 0 : i32
      %dma_wait3A_83 = arith.constant 0 : i32
      %dma_wait3A_84 = tpu.memref_slice %arg2[%dma_wait3A_82, %dma_wait3A_83] : memref<20000x64xf32, #tpu.memory_space<hbm>> -> memref<20000x64xf32, #tpu.memory_space<hbm>>
      tpu.wait_indirect_dma semaphore(%arg11 : memref<!tpu.dma_semaphore, #tpu.memory_space<semaphore_mem>>) src(%dma_wait3A_84 : memref<20000x64xf32, #tpu.memory_space<hbm>>) dst(%dma_wait3A_78 : memref<128x64xf32, #tpu.memory_space<vmem>>)
      %dma_wait3A_85 = arith.constant 0 : i32
      %dma_wait3A_86 = arith.constant 0 : i32
      %dma_wait3A_87 = arith.constant 0 : i32
      %dma_wait3A_88 = tpu.memref_slice %arg10[%dma_wait3A_85, %dma_wait3A_86, %dma_wait3A_87] : memref<2x128x64xf32, #tpu.memory_space<vmem>> -> memref<1x128x64xf32, #tpu.memory_space<vmem>>
      %dma_wait3A_89 = tpu.memref_squeeze %dma_wait3A_88 : memref<1x128x64xf32, #tpu.memory_space<vmem>> -> memref<128x64xf32, #tpu.memory_space<vmem>>
      %dma_wait3A_90 = arith.constant 0 : i32
      %dma_wait3A_91 = tpu.memref_slice %arg9[%mul3A_35, %dma_wait3A_90] : memref<158x128xi32, #tpu.memory_space<vmem>> -> memref<1x128xi32, #tpu.memory_space<vmem>>
      %dma_wait3A_92 = tpu.memref_squeeze %dma_wait3A_91 : memref<1x128xi32, #tpu.memory_space<vmem>> -> memref<128xi32, #tpu.memory_space<vmem>>
      %dma_wait3A_93 = arith.constant 0 : i32
      %dma_wait3A_94 = arith.constant 0 : i32
      %dma_wait3A_95 = tpu.memref_slice %arg7[%dma_wait3A_93, %dma_wait3A_94] : memref<10240x64xf32, #tpu.memory_space<vmem_shared>> -> memref<10240x64xf32, #tpu.memory_space<vmem_shared>>
      tpu.wait_indirect_dma semaphore(%arg12 : memref<!tpu.dma_semaphore, #tpu.memory_space<semaphore_mem>>) src(%dma_wait3A_89 : memref<128x64xf32, #tpu.memory_space<vmem>>) dst(%dma_wait3A_95 : memref<10240x64xf32, #tpu.memory_space<vmem_shared>>)
      %add3A_96 = arith.constant 1 : i32
      %add3A_97 = arith.addi %scan3A_33, %add3A_96 : i32
      %lt3A = arith.constant 79 : i32
      %lt3A_98 = arith.cmpi slt, %add3A_97, %lt3A : i32
      %convert_element_type3A_99 = arith.extui %lt3A_98 : i1 to i32
      %cond3A_100 = arith.constant 0 : i32
      %cond3A_101 = arith.cmpi ne, %convert_element_type3A_99, %cond3A_100 : i32
      scf.if %cond3A_101 {
        %add3A_113 = arith.constant 2 : i32
        %add3A_114 = arith.addi %mul3A_35, %add3A_113 : i32
        %dma_start3A_115 = arith.constant 0 : i32
        %dma_start3A_116 = arith.constant 0 : i32
        %dma_start3A_117 = arith.constant 0 : i32
        %dma_start3A_118 = tpu.memref_slice %arg10[%dma_start3A_115, %dma_start3A_116, %dma_start3A_117] : memref<2x128x64xf32, #tpu.memory_space<vmem>> -> memref<1x128x64xf32, #tpu.memory_space<vmem>>
        %dma_start3A_119 = tpu.memref_squeeze %dma_start3A_118 : memref<1x128x64xf32, #tpu.memory_space<vmem>> -> memref<128x64xf32, #tpu.memory_space<vmem>>
        %dma_start3A_120 = arith.constant 0 : i32
        %dma_start3A_121 = tpu.memref_slice %arg8[%add3A_114, %dma_start3A_120] : memref<158x128xi32, #tpu.memory_space<vmem>> -> memref<1x128xi32, #tpu.memory_space<vmem>>
        %dma_start3A_122 = tpu.memref_squeeze %dma_start3A_121 : memref<1x128xi32, #tpu.memory_space<vmem>> -> memref<128xi32, #tpu.memory_space<vmem>>
        %dma_start3A_123 = arith.constant 0 : i32
        %dma_start3A_124 = arith.constant 0 : i32
        %dma_start3A_125 = tpu.memref_slice %arg2[%dma_start3A_123, %dma_start3A_124] : memref<20000x64xf32, #tpu.memory_space<hbm>> -> memref<20000x64xf32, #tpu.memory_space<hbm>>
        tpu.enqueue_indirect_dma source(%dma_start3A_125 : memref<20000x64xf32, #tpu.memory_space<hbm>>) target(%dma_start3A_119 : memref<128x64xf32, #tpu.memory_space<vmem>>) offsets(%dma_start3A_122 : memref<128xi32, #tpu.memory_space<vmem>>) semaphore(%arg11 : memref<!tpu.dma_semaphore, #tpu.memory_space<semaphore_mem>>)
      } else {
      }
      %dma_start3A_102 = arith.constant 1 : i32
      %dma_start3A_103 = arith.constant 0 : i32
      %dma_start3A_104 = arith.constant 0 : i32
      %dma_start3A_105 = tpu.memref_slice %arg10[%dma_start3A_102, %dma_start3A_103, %dma_start3A_104] : memref<2x128x64xf32, #tpu.memory_space<vmem>> -> memref<1x128x64xf32, #tpu.memory_space<vmem>>
      %dma_start3A_106 = tpu.memref_squeeze %dma_start3A_105 : memref<1x128x64xf32, #tpu.memory_space<vmem>> -> memref<128x64xf32, #tpu.memory_space<vmem>>
      %dma_start3A_107 = arith.constant 0 : i32
      %dma_start3A_108 = tpu.memref_slice %arg9[%add3A_36, %dma_start3A_107] : memref<158x128xi32, #tpu.memory_space<vmem>> -> memref<1x128xi32, #tpu.memory_space<vmem>>
      %dma_start3A_109 = tpu.memref_squeeze %dma_start3A_108 : memref<1x128xi32, #tpu.memory_space<vmem>> -> memref<128xi32, #tpu.memory_space<vmem>>
      %dma_start3A_110 = arith.constant 0 : i32
      %dma_start3A_111 = arith.constant 0 : i32
      %dma_start3A_112 = tpu.memref_slice %arg7[%dma_start3A_110, %dma_start3A_111] : memref<10240x64xf32, #tpu.memory_space<vmem_shared>> -> memref<10240x64xf32, #tpu.memory_space<vmem_shared>>
      tpu.enqueue_indirect_dma source(%dma_start3A_106 : memref<128x64xf32, #tpu.memory_space<vmem>>) target(%dma_start3A_112 : memref<10240x64xf32, #tpu.memory_space<vmem_shared>>) offsets(%dma_start3A_109 : memref<128xi32, #tpu.memory_space<vmem>>) semaphore(%arg12 : memref<!tpu.dma_semaphore, #tpu.memory_space<semaphore_mem>>) {add = true}
    }
    %scan3A_20 = arith.constant 79 : i32
    %dma_wait3A = arith.constant 1 : i32
    %dma_wait3A_21 = arith.constant 157 : i32
    %dma_wait3A_22 = arith.constant 0 : i32
    %dma_wait3A_23 = arith.constant 0 : i32
    %dma_wait3A_24 = tpu.memref_slice %arg10[%dma_wait3A, %dma_wait3A_22, %dma_wait3A_23] : memref<2x128x64xf32, #tpu.memory_space<vmem>> -> memref<1x128x64xf32, #tpu.memory_space<vmem>>
    %dma_wait3A_25 = tpu.memref_squeeze %dma_wait3A_24 : memref<1x128x64xf32, #tpu.memory_space<vmem>> -> memref<128x64xf32, #tpu.memory_space<vmem>>
    %dma_wait3A_26 = arith.constant 0 : i32
    %dma_wait3A_27 = tpu.memref_slice %arg9[%dma_wait3A_21, %dma_wait3A_26] : memref<158x128xi32, #tpu.memory_space<vmem>> -> memref<1x128xi32, #tpu.memory_space<vmem>>
    %dma_wait3A_28 = tpu.memref_squeeze %dma_wait3A_27 : memref<1x128xi32, #tpu.memory_space<vmem>> -> memref<128xi32, #tpu.memory_space<vmem>>
    %dma_wait3A_29 = arith.constant 0 : i32
    %dma_wait3A_30 = arith.constant 0 : i32
    %dma_wait3A_31 = tpu.memref_slice %arg7[%dma_wait3A_29, %dma_wait3A_30] : memref<10240x64xf32, #tpu.memory_space<vmem_shared>> -> memref<10240x64xf32, #tpu.memory_space<vmem_shared>>
    tpu.wait_indirect_dma semaphore(%arg12 : memref<!tpu.dma_semaphore, #tpu.memory_space<semaphore_mem>>) src(%dma_wait3A_25 : memref<128x64xf32, #tpu.memory_space<vmem>>) dst(%dma_wait3A_31 : memref<10240x64xf32, #tpu.memory_space<vmem_shared>>)
    %barrier3A_32 = arith.constant 0 : index
    tpu.barrier barrier_id(%barrier3A_32)
    "tpu.region"() ({
      %run_scoped3A = tpu.sem_alloc : memref<!tpu.dma_semaphore, #tpu.memory_space<semaphore_mem>>
      %dma_start3A_33 = arith.constant 0 : i32
      %dma_start3A_34 = tpu.memref_slice %arg6[%arg0, %mul3A_0, %dma_start3A_33] : memref<2x10240x64xf32, #tpu.memory_space<hbm>> -> memref<1x640x64xf32, #tpu.memory_space<hbm>>
      %dma_start3A_35 = tpu.memref_squeeze %dma_start3A_34 : memref<1x640x64xf32, #tpu.memory_space<hbm>> -> memref<640x64xf32, #tpu.memory_space<hbm>>
      %dma_start3A_36 = arith.constant 0 : i32
      %dma_start3A_37 = tpu.memref_slice %arg7[%mul3A_0, %dma_start3A_36] : memref<10240x64xf32, #tpu.memory_space<vmem_shared>> -> memref<640x64xf32, #tpu.memory_space<vmem_shared>>
      tpu.enqueue_dma source(%dma_start3A_37 : memref<640x64xf32, #tpu.memory_space<vmem_shared>>) target(%dma_start3A_35 : memref<640x64xf32, #tpu.memory_space<hbm>>) target_semaphore(%run_scoped3A : memref<!tpu.dma_semaphore, #tpu.memory_space<semaphore_mem>>)
      %dma_wait3A_38 = arith.constant 0 : i32
      %dma_wait3A_39 = tpu.memref_slice %arg6[%arg0, %mul3A_0, %dma_wait3A_38] : memref<2x10240x64xf32, #tpu.memory_space<hbm>> -> memref<1x640x64xf32, #tpu.memory_space<hbm>>
      %dma_wait3A_40 = tpu.memref_squeeze %dma_wait3A_39 : memref<1x640x64xf32, #tpu.memory_space<hbm>> -> memref<640x64xf32, #tpu.memory_space<hbm>>
      %dma_wait3A_41 = arith.constant 0 : i32
      %dma_wait3A_42 = tpu.memref_slice %arg7[%mul3A_0, %dma_wait3A_41] : memref<10240x64xf32, #tpu.memory_space<vmem_shared>> -> memref<640x64xf32, #tpu.memory_space<vmem_shared>>
      tpu.wait_dma2 semaphore(%run_scoped3A : memref<!tpu.dma_semaphore, #tpu.memory_space<semaphore_mem>>) src(%dma_wait3A_42 : memref<640x64xf32, #tpu.memory_space<vmem_shared>>) dst(%dma_wait3A_40 : memref<640x64xf32, #tpu.memory_space<hbm>>)
      tpu.yield
    }) : () -> ()
    return
  }
}

#map = affine_map<(d0, d1) -> (0, 0)>
#map1 = affine_map<(d0, d1) -> (0, 0, 0)>
module attributes {stable_mosaic.version = 14 : i64} {
  func.func @_sc_scatter_body(%arg0: i32, %arg1: i32, %arg2: memref<20000x64xf32, #tpu.memory_space<hbm>>, %arg3: memref<2x2528x128xi32, #tpu.memory_space<hbm>>, %arg4: memref<2x2528x128xi32, #tpu.memory_space<hbm>>, %arg5: memref<10240x64xf32, #tpu.memory_space<hbm>>, %arg6: memref<2x10240x64xf32, #tpu.memory_space<hbm>>, %arg7: memref<10240x64xf32, #tpu.memory_space<vmem_shared>>, %arg8: memref<158x128xi32, #tpu.memory_space<vmem>>, %arg9: memref<158x128xi32, #tpu.memory_space<vmem>>, %arg10: memref<2x128x64xf32, #tpu.memory_space<vmem>>, %arg11: memref<!tpu.dma_semaphore, #tpu.memory_space<semaphore_mem>>, %arg12: memref<!tpu.dma_semaphore, #tpu.memory_space<semaphore_mem>>) attributes {dimension_semantics = [#tpu.dimension_semantics<core_parallel>, #tpu.dimension_semantics<subcore_parallel>], iteration_bounds = array<i64: 2, 16>, scalar_prefetch = 0 : i64, scratch_operands = 6 : i64, tpu.core_type = #tpu.core_type<sc_vector_subcore>, window_params = [{transform_indices = #map}, {transform_indices = #map1}, {transform_indices = #map1}, {transform_indices = #map}, {transform_indices = #map1}]} {
    %mul3A = arith.constant 640 : i32
    %mul3A_0 = arith.muli %arg1, %mul3A : i32
    "tpu.region"() ({
      %run_scoped3A = tpu.sem_alloc : memref<!tpu.dma_semaphore, #tpu.memory_space<semaphore_mem>>
      %dma_start3A_33 = arith.constant 0 : i32
      %dma_start3A_34 = tpu.memref_slice %arg7[%mul3A_0, %dma_start3A_33] : memref<10240x64xf32, #tpu.memory_space<vmem_shared>> -> memref<640x64xf32, #tpu.memory_space<vmem_shared>>
      %dma_start3A_35 = arith.constant 0 : i32
      %dma_start3A_36 = tpu.memref_slice %arg5[%mul3A_0, %dma_start3A_35] : memref<10240x64xf32, #tpu.memory_space<hbm>> -> memref<640x64xf32, #tpu.memory_space<hbm>>
      tpu.enqueue_dma source(%dma_start3A_36 : memref<640x64xf32, #tpu.memory_space<hbm>>) target(%dma_start3A_34 : memref<640x64xf32, #tpu.memory_space<vmem_shared>>) target_semaphore(%run_scoped3A : memref<!tpu.dma_semaphore, #tpu.memory_space<semaphore_mem>>)
      %dma_wait3A_37 = arith.constant 0 : i32
      %dma_wait3A_38 = tpu.memref_slice %arg7[%mul3A_0, %dma_wait3A_37] : memref<10240x64xf32, #tpu.memory_space<vmem_shared>> -> memref<640x64xf32, #tpu.memory_space<vmem_shared>>
      %dma_wait3A_39 = arith.constant 0 : i32
      %dma_wait3A_40 = tpu.memref_slice %arg5[%mul3A_0, %dma_wait3A_39] : memref<10240x64xf32, #tpu.memory_space<hbm>> -> memref<640x64xf32, #tpu.memory_space<hbm>>
      tpu.wait_dma2 semaphore(%run_scoped3A : memref<!tpu.dma_semaphore, #tpu.memory_space<semaphore_mem>>) src(%dma_wait3A_40 : memref<640x64xf32, #tpu.memory_space<hbm>>) dst(%dma_wait3A_38 : memref<640x64xf32, #tpu.memory_space<vmem_shared>>)
      tpu.yield
    }) : () -> ()
    %mul3A_1 = arith.constant 158 : i32
    %mul3A_2 = arith.muli %arg1, %mul3A_1 : i32
    "tpu.region"() ({
      %run_scoped3A = tpu.sem_alloc : memref<!tpu.dma_semaphore, #tpu.memory_space<semaphore_mem>>
      %dma_start3A_33 = arith.constant 0 : i32
      %dma_start3A_34 = tpu.memref_slice %arg3[%arg0, %mul3A_2, %dma_start3A_33] : memref<2x2528x128xi32, #tpu.memory_space<hbm>> -> memref<1x158x128xi32, #tpu.memory_space<hbm>>
      %dma_start3A_35 = tpu.memref_squeeze %dma_start3A_34 : memref<1x158x128xi32, #tpu.memory_space<hbm>> -> memref<158x128xi32, #tpu.memory_space<hbm>>
      %dma_start3A_36 = arith.constant 0 : i32
      %dma_start3A_37 = tpu.memref_slice %arg3[%arg0, %mul3A_2, %dma_start3A_36] : memref<2x2528x128xi32, #tpu.memory_space<hbm>> -> memref<1x158x128xi32, #tpu.memory_space<hbm>>
      %dma_start3A_38 = tpu.memref_squeeze %dma_start3A_37 : memref<1x158x128xi32, #tpu.memory_space<hbm>> -> memref<158x128xi32, #tpu.memory_space<hbm>>
      tpu.enqueue_dma source(%dma_start3A_38 : memref<158x128xi32, #tpu.memory_space<hbm>>) target(%arg8 : memref<158x128xi32, #tpu.memory_space<vmem>>) target_semaphore(%run_scoped3A : memref<!tpu.dma_semaphore, #tpu.memory_space<semaphore_mem>>)
      %dma_wait3A_39 = arith.constant 0 : i32
      %dma_wait3A_40 = tpu.memref_slice %arg3[%arg0, %mul3A_2, %dma_wait3A_39] : memref<2x2528x128xi32, #tpu.memory_space<hbm>> -> memref<1x158x128xi32, #tpu.memory_space<hbm>>
      %dma_wait3A_41 = tpu.memref_squeeze %dma_wait3A_40 : memref<1x158x128xi32, #tpu.memory_space<hbm>> -> memref<158x128xi32, #tpu.memory_space<hbm>>
      %dma_wait3A_42 = arith.constant 0 : i32
      %dma_wait3A_43 = tpu.memref_slice %arg3[%arg0, %mul3A_2, %dma_wait3A_42] : memref<2x2528x128xi32, #tpu.memory_space<hbm>> -> memref<1x158x128xi32, #tpu.memory_space<hbm>>
      %dma_wait3A_44 = tpu.memref_squeeze %dma_wait3A_43 : memref<1x158x128xi32, #tpu.memory_space<hbm>> -> memref<158x128xi32, #tpu.memory_space<hbm>>
      tpu.wait_dma2 semaphore(%run_scoped3A : memref<!tpu.dma_semaphore, #tpu.memory_space<semaphore_mem>>) src(%dma_wait3A_44 : memref<158x128xi32, #tpu.memory_space<hbm>>) dst(%arg8 : memref<158x128xi32, #tpu.memory_space<vmem>>)
      tpu.yield
    }) : () -> ()
    %mul3A_3 = arith.constant 158 : i32
    %mul3A_4 = arith.muli %arg1, %mul3A_3 : i32
    "tpu.region"() ({
      %run_scoped3A = tpu.sem_alloc : memref<!tpu.dma_semaphore, #tpu.memory_space<semaphore_mem>>
      %dma_start3A_33 = arith.constant 0 : i32
      %dma_start3A_34 = tpu.memref_slice %arg4[%arg0, %mul3A_4, %dma_start3A_33] : memref<2x2528x128xi32, #tpu.memory_space<hbm>> -> memref<1x158x128xi32, #tpu.memory_space<hbm>>
      %dma_start3A_35 = tpu.memref_squeeze %dma_start3A_34 : memref<1x158x128xi32, #tpu.memory_space<hbm>> -> memref<158x128xi32, #tpu.memory_space<hbm>>
      %dma_start3A_36 = arith.constant 0 : i32
      %dma_start3A_37 = tpu.memref_slice %arg4[%arg0, %mul3A_4, %dma_start3A_36] : memref<2x2528x128xi32, #tpu.memory_space<hbm>> -> memref<1x158x128xi32, #tpu.memory_space<hbm>>
      %dma_start3A_38 = tpu.memref_squeeze %dma_start3A_37 : memref<1x158x128xi32, #tpu.memory_space<hbm>> -> memref<158x128xi32, #tpu.memory_space<hbm>>
      tpu.enqueue_dma source(%dma_start3A_38 : memref<158x128xi32, #tpu.memory_space<hbm>>) target(%arg9 : memref<158x128xi32, #tpu.memory_space<vmem>>) target_semaphore(%run_scoped3A : memref<!tpu.dma_semaphore, #tpu.memory_space<semaphore_mem>>)
      %dma_wait3A_39 = arith.constant 0 : i32
      %dma_wait3A_40 = tpu.memref_slice %arg4[%arg0, %mul3A_4, %dma_wait3A_39] : memref<2x2528x128xi32, #tpu.memory_space<hbm>> -> memref<1x158x128xi32, #tpu.memory_space<hbm>>
      %dma_wait3A_41 = tpu.memref_squeeze %dma_wait3A_40 : memref<1x158x128xi32, #tpu.memory_space<hbm>> -> memref<158x128xi32, #tpu.memory_space<hbm>>
      %dma_wait3A_42 = arith.constant 0 : i32
      %dma_wait3A_43 = tpu.memref_slice %arg4[%arg0, %mul3A_4, %dma_wait3A_42] : memref<2x2528x128xi32, #tpu.memory_space<hbm>> -> memref<1x158x128xi32, #tpu.memory_space<hbm>>
      %dma_wait3A_44 = tpu.memref_squeeze %dma_wait3A_43 : memref<1x158x128xi32, #tpu.memory_space<hbm>> -> memref<158x128xi32, #tpu.memory_space<hbm>>
      tpu.wait_dma2 semaphore(%run_scoped3A : memref<!tpu.dma_semaphore, #tpu.memory_space<semaphore_mem>>) src(%dma_wait3A_44 : memref<158x128xi32, #tpu.memory_space<hbm>>) dst(%arg9 : memref<158x128xi32, #tpu.memory_space<vmem>>)
      tpu.yield
    }) : () -> ()
    %barrier3A = arith.constant 0 : index
    tpu.barrier barrier_id(%barrier3A)
    %dma_start3A = arith.constant 0 : i32
    %dma_start3A_5 = arith.constant 0 : i32
    %dma_start3A_6 = arith.constant 0 : i32
    %dma_start3A_7 = arith.constant 0 : i32
    %dma_start3A_8 = tpu.memref_slice %arg10[%dma_start3A_5, %dma_start3A_6, %dma_start3A_7] : memref<2x128x64xf32, #tpu.memory_space<vmem>> -> memref<1x128x64xf32, #tpu.memory_space<vmem>>
    %dma_start3A_9 = tpu.memref_squeeze %dma_start3A_8 : memref<1x128x64xf32, #tpu.memory_space<vmem>> -> memref<128x64xf32, #tpu.memory_space<vmem>>
    %dma_start3A_10 = arith.constant 0 : i32
    %dma_start3A_11 = tpu.memref_slice %arg8[%dma_start3A, %dma_start3A_10] : memref<158x128xi32, #tpu.memory_space<vmem>> -> memref<1x128xi32, #tpu.memory_space<vmem>>
    %dma_start3A_12 = tpu.memref_squeeze %dma_start3A_11 : memref<1x128xi32, #tpu.memory_space<vmem>> -> memref<128xi32, #tpu.memory_space<vmem>>
    %dma_start3A_13 = arith.constant 0 : i32
    %dma_start3A_14 = arith.constant 0 : i32
    %dma_start3A_15 = tpu.memref_slice %arg2[%dma_start3A_13, %dma_start3A_14] : memref<20000x64xf32, #tpu.memory_space<hbm>> -> memref<20000x64xf32, #tpu.memory_space<hbm>>
    tpu.enqueue_indirect_dma source(%dma_start3A_15 : memref<20000x64xf32, #tpu.memory_space<hbm>>) target(%dma_start3A_9 : memref<128x64xf32, #tpu.memory_space<vmem>>) offsets(%dma_start3A_12 : memref<128xi32, #tpu.memory_space<vmem>>) semaphore(%arg11 : memref<!tpu.dma_semaphore, #tpu.memory_space<semaphore_mem>>)
    %scan3A = arith.constant 0 : i32
    %scan3A_16 = arith.constant 0 : i32
    %scan3A_17 = arith.constant 79 : i32
    %scan3A_18 = arith.addi %scan3A_16, %scan3A_17 : i32
    %scan3A_19 = arith.constant 1 : i32
    scf.for %scan3A_33 = %scan3A_16 to %scan3A_18 step %scan3A_19  : i32 {
      %mul3A_34 = arith.constant 2 : i32
      %mul3A_35 = arith.muli %mul3A_34, %scan3A_33 : i32
      %add3A = arith.constant 1 : i32
      %add3A_36 = arith.addi %mul3A_35, %add3A : i32
      %dma_wait3A_37 = arith.constant 0 : i32
      %dma_wait3A_38 = arith.constant 0 : i32
      %dma_wait3A_39 = arith.constant 0 : i32
      %dma_wait3A_40 = arith.constant 0 : i32
      %dma_wait3A_41 = tpu.memref_slice %arg10[%dma_wait3A_38, %dma_wait3A_39, %dma_wait3A_40] : memref<2x128x64xf32, #tpu.memory_space<vmem>> -> memref<1x128x64xf32, #tpu.memory_space<vmem>>
      %dma_wait3A_42 = tpu.memref_squeeze %dma_wait3A_41 : memref<1x128x64xf32, #tpu.memory_space<vmem>> -> memref<128x64xf32, #tpu.memory_space<vmem>>
      %dma_wait3A_43 = arith.constant 0 : i32
      %dma_wait3A_44 = tpu.memref_slice %arg8[%dma_wait3A_37, %dma_wait3A_43] : memref<158x128xi32, #tpu.memory_space<vmem>> -> memref<1x128xi32, #tpu.memory_space<vmem>>
      %dma_wait3A_45 = tpu.memref_squeeze %dma_wait3A_44 : memref<1x128xi32, #tpu.memory_space<vmem>> -> memref<128xi32, #tpu.memory_space<vmem>>
      %dma_wait3A_46 = arith.constant 0 : i32
      %dma_wait3A_47 = arith.constant 0 : i32
      %dma_wait3A_48 = tpu.memref_slice %arg2[%dma_wait3A_46, %dma_wait3A_47] : memref<20000x64xf32, #tpu.memory_space<hbm>> -> memref<20000x64xf32, #tpu.memory_space<hbm>>
      tpu.wait_indirect_dma semaphore(%arg11 : memref<!tpu.dma_semaphore, #tpu.memory_space<semaphore_mem>>) src(%dma_wait3A_48 : memref<20000x64xf32, #tpu.memory_space<hbm>>) dst(%dma_wait3A_42 : memref<128x64xf32, #tpu.memory_space<vmem>>)
      %gt3A = arith.constant 0 : i32
      %gt3A_49 = arith.cmpi sgt, %scan3A_33, %gt3A : i32
      %convert_element_type3A = arith.extui %gt3A_49 : i1 to i32
      %cond3A = arith.constant 0 : i32
      %cond3A_50 = arith.cmpi ne, %convert_element_type3A, %cond3A : i32
      scf.if %cond3A_50 {
        %sub3A = arith.constant 2 : i32
        %sub3A_113 = arith.subi %add3A_36, %sub3A : i32
        %dma_wait3A_114 = arith.constant 1 : i32
        %dma_wait3A_115 = arith.constant 0 : i32
        %dma_wait3A_116 = arith.constant 0 : i32
        %dma_wait3A_117 = tpu.memref_slice %arg10[%dma_wait3A_114, %dma_wait3A_115, %dma_wait3A_116] : memref<2x128x64xf32, #tpu.memory_space<vmem>> -> memref<1x128x64xf32, #tpu.memory_space<vmem>>
        %dma_wait3A_118 = tpu.memref_squeeze %dma_wait3A_117 : memref<1x128x64xf32, #tpu.memory_space<vmem>> -> memref<128x64xf32, #tpu.memory_space<vmem>>
        %dma_wait3A_119 = arith.constant 0 : i32
        %dma_wait3A_120 = tpu.memref_slice %arg9[%sub3A_113, %dma_wait3A_119] : memref<158x128xi32, #tpu.memory_space<vmem>> -> memref<1x128xi32, #tpu.memory_space<vmem>>
        %dma_wait3A_121 = tpu.memref_squeeze %dma_wait3A_120 : memref<1x128xi32, #tpu.memory_space<vmem>> -> memref<128xi32, #tpu.memory_space<vmem>>
        %dma_wait3A_122 = arith.constant 0 : i32
        %dma_wait3A_123 = arith.constant 0 : i32
        %dma_wait3A_124 = tpu.memref_slice %arg7[%dma_wait3A_122, %dma_wait3A_123] : memref<10240x64xf32, #tpu.memory_space<vmem_shared>> -> memref<10240x64xf32, #tpu.memory_space<vmem_shared>>
        tpu.wait_indirect_dma semaphore(%arg12 : memref<!tpu.dma_semaphore, #tpu.memory_space<semaphore_mem>>) src(%dma_wait3A_118 : memref<128x64xf32, #tpu.memory_space<vmem>>) dst(%dma_wait3A_124 : memref<10240x64xf32, #tpu.memory_space<vmem_shared>>)
      } else {
      }
      %dma_start3A_51 = arith.constant 1 : i32
      %dma_start3A_52 = arith.constant 0 : i32
      %dma_start3A_53 = arith.constant 0 : i32
      %dma_start3A_54 = tpu.memref_slice %arg10[%dma_start3A_51, %dma_start3A_52, %dma_start3A_53] : memref<2x128x64xf32, #tpu.memory_space<vmem>> -> memref<1x128x64xf32, #tpu.memory_space<vmem>>
      %dma_start3A_55 = tpu.memref_squeeze %dma_start3A_54 : memref<1x128x64xf32, #tpu.memory_space<vmem>> -> memref<128x64xf32, #tpu.memory_space<vmem>>
      %dma_start3A_56 = arith.constant 0 : i32
      %dma_start3A_57 = tpu.memref_slice %arg8[%add3A_36, %dma_start3A_56] : memref<158x128xi32, #tpu.memory_space<vmem>> -> memref<1x128xi32, #tpu.memory_space<vmem>>
      %dma_start3A_58 = tpu.memref_squeeze %dma_start3A_57 : memref<1x128xi32, #tpu.memory_space<vmem>> -> memref<128xi32, #tpu.memory_space<vmem>>
      %dma_start3A_59 = arith.constant 0 : i32
      %dma_start3A_60 = arith.constant 0 : i32
      %dma_start3A_61 = tpu.memref_slice %arg2[%dma_start3A_59, %dma_start3A_60] : memref<20000x64xf32, #tpu.memory_space<hbm>> -> memref<20000x64xf32, #tpu.memory_space<hbm>>
      tpu.enqueue_indirect_dma source(%dma_start3A_61 : memref<20000x64xf32, #tpu.memory_space<hbm>>) target(%dma_start3A_55 : memref<128x64xf32, #tpu.memory_space<vmem>>) offsets(%dma_start3A_58 : memref<128xi32, #tpu.memory_space<vmem>>) semaphore(%arg11 : memref<!tpu.dma_semaphore, #tpu.memory_space<semaphore_mem>>)
      %dma_start3A_62 = arith.constant 0 : i32
      %dma_start3A_63 = arith.constant 0 : i32
      %dma_start3A_64 = arith.constant 0 : i32
      %dma_start3A_65 = tpu.memref_slice %arg10[%dma_start3A_62, %dma_start3A_63, %dma_start3A_64] : memref<2x128x64xf32, #tpu.memory_space<vmem>> -> memref<1x128x64xf32, #tpu.memory_space<vmem>>
      %dma_start3A_66 = tpu.memref_squeeze %dma_start3A_65 : memref<1x128x64xf32, #tpu.memory_space<vmem>> -> memref<128x64xf32, #tpu.memory_space<vmem>>
      %dma_start3A_67 = arith.constant 0 : i32
      %dma_start3A_68 = tpu.memref_slice %arg9[%mul3A_35, %dma_start3A_67] : memref<158x128xi32, #tpu.memory_space<vmem>> -> memref<1x128xi32, #tpu.memory_space<vmem>>
      %dma_start3A_69 = tpu.memref_squeeze %dma_start3A_68 : memref<1x128xi32, #tpu.memory_space<vmem>> -> memref<128xi32, #tpu.memory_space<vmem>>
      %dma_start3A_70 = arith.constant 0 : i32
      %dma_start3A_71 = arith.constant 0 : i32
      %dma_start3A_72 = tpu.memref_slice %arg7[%dma_start3A_70, %dma_start3A_71] : memref<10240x64xf32, #tpu.memory_space<vmem_shared>> -> memref<10240x64xf32, #tpu.memory_space<vmem_shared>>
      tpu.enqueue_indirect_dma source(%dma_start3A_66 : memref<128x64xf32, #tpu.memory_space<vmem>>) target(%dma_start3A_72 : memref<10240x64xf32, #tpu.memory_space<vmem_shared>>) offsets(%dma_start3A_69 : memref<128xi32, #tpu.memory_space<vmem>>) semaphore(%arg12 : memref<!tpu.dma_semaphore, #tpu.memory_space<semaphore_mem>>) {add = true}
      %dma_wait3A_73 = arith.constant 0 : i32
      %dma_wait3A_74 = arith.constant 1 : i32
      %dma_wait3A_75 = arith.constant 0 : i32
      %dma_wait3A_76 = arith.constant 0 : i32
      %dma_wait3A_77 = tpu.memref_slice %arg10[%dma_wait3A_74, %dma_wait3A_75, %dma_wait3A_76] : memref<2x128x64xf32, #tpu.memory_space<vmem>> -> memref<1x128x64xf32, #tpu.memory_space<vmem>>
      %dma_wait3A_78 = tpu.memref_squeeze %dma_wait3A_77 : memref<1x128x64xf32, #tpu.memory_space<vmem>> -> memref<128x64xf32, #tpu.memory_space<vmem>>
      %dma_wait3A_79 = arith.constant 0 : i32
      %dma_wait3A_80 = tpu.memref_slice %arg8[%dma_wait3A_73, %dma_wait3A_79] : memref<158x128xi32, #tpu.memory_space<vmem>> -> memref<1x128xi32, #tpu.memory_space<vmem>>
      %dma_wait3A_81 = tpu.memref_squeeze %dma_wait3A_80 : memref<1x128xi32, #tpu.memory_space<vmem>> -> memref<128xi32, #tpu.memory_space<vmem>>
      %dma_wait3A_82 = arith.constant 0 : i32
      %dma_wait3A_83 = arith.constant 0 : i32
      %dma_wait3A_84 = tpu.memref_slice %arg2[%dma_wait3A_82, %dma_wait3A_83] : memref<20000x64xf32, #tpu.memory_space<hbm>> -> memref<20000x64xf32, #tpu.memory_space<hbm>>
      tpu.wait_indirect_dma semaphore(%arg11 : memref<!tpu.dma_semaphore, #tpu.memory_space<semaphore_mem>>) src(%dma_wait3A_84 : memref<20000x64xf32, #tpu.memory_space<hbm>>) dst(%dma_wait3A_78 : memref<128x64xf32, #tpu.memory_space<vmem>>)
      %dma_wait3A_85 = arith.constant 0 : i32
      %dma_wait3A_86 = arith.constant 0 : i32
      %dma_wait3A_87 = arith.constant 0 : i32
      %dma_wait3A_88 = tpu.memref_slice %arg10[%dma_wait3A_85, %dma_wait3A_86, %dma_wait3A_87] : memref<2x128x64xf32, #tpu.memory_space<vmem>> -> memref<1x128x64xf32, #tpu.memory_space<vmem>>
      %dma_wait3A_89 = tpu.memref_squeeze %dma_wait3A_88 : memref<1x128x64xf32, #tpu.memory_space<vmem>> -> memref<128x64xf32, #tpu.memory_space<vmem>>
      %dma_wait3A_90 = arith.constant 0 : i32
      %dma_wait3A_91 = tpu.memref_slice %arg9[%mul3A_35, %dma_wait3A_90] : memref<158x128xi32, #tpu.memory_space<vmem>> -> memref<1x128xi32, #tpu.memory_space<vmem>>
      %dma_wait3A_92 = tpu.memref_squeeze %dma_wait3A_91 : memref<1x128xi32, #tpu.memory_space<vmem>> -> memref<128xi32, #tpu.memory_space<vmem>>
      %dma_wait3A_93 = arith.constant 0 : i32
      %dma_wait3A_94 = arith.constant 0 : i32
      %dma_wait3A_95 = tpu.memref_slice %arg7[%dma_wait3A_93, %dma_wait3A_94] : memref<10240x64xf32, #tpu.memory_space<vmem_shared>> -> memref<10240x64xf32, #tpu.memory_space<vmem_shared>>
      tpu.wait_indirect_dma semaphore(%arg12 : memref<!tpu.dma_semaphore, #tpu.memory_space<semaphore_mem>>) src(%dma_wait3A_89 : memref<128x64xf32, #tpu.memory_space<vmem>>) dst(%dma_wait3A_95 : memref<10240x64xf32, #tpu.memory_space<vmem_shared>>)
      %add3A_96 = arith.constant 1 : i32
      %add3A_97 = arith.addi %scan3A_33, %add3A_96 : i32
      %lt3A = arith.constant 79 : i32
      %lt3A_98 = arith.cmpi slt, %add3A_97, %lt3A : i32
      %convert_element_type3A_99 = arith.extui %lt3A_98 : i1 to i32
      %cond3A_100 = arith.constant 0 : i32
      %cond3A_101 = arith.cmpi ne, %convert_element_type3A_99, %cond3A_100 : i32
      scf.if %cond3A_101 {
        %add3A_113 = arith.constant 2 : i32
        %add3A_114 = arith.addi %mul3A_35, %add3A_113 : i32
        %dma_start3A_115 = arith.constant 0 : i32
        %dma_start3A_116 = arith.constant 0 : i32
        %dma_start3A_117 = arith.constant 0 : i32
        %dma_start3A_118 = tpu.memref_slice %arg10[%dma_start3A_115, %dma_start3A_116, %dma_start3A_117] : memref<2x128x64xf32, #tpu.memory_space<vmem>> -> memref<1x128x64xf32, #tpu.memory_space<vmem>>
        %dma_start3A_119 = tpu.memref_squeeze %dma_start3A_118 : memref<1x128x64xf32, #tpu.memory_space<vmem>> -> memref<128x64xf32, #tpu.memory_space<vmem>>
        %dma_start3A_120 = arith.constant 0 : i32
        %dma_start3A_121 = tpu.memref_slice %arg8[%add3A_114, %dma_start3A_120] : memref<158x128xi32, #tpu.memory_space<vmem>> -> memref<1x128xi32, #tpu.memory_space<vmem>>
        %dma_start3A_122 = tpu.memref_squeeze %dma_start3A_121 : memref<1x128xi32, #tpu.memory_space<vmem>> -> memref<128xi32, #tpu.memory_space<vmem>>
        %dma_start3A_123 = arith.constant 0 : i32
        %dma_start3A_124 = arith.constant 0 : i32
        %dma_start3A_125 = tpu.memref_slice %arg2[%dma_start3A_123, %dma_start3A_124] : memref<20000x64xf32, #tpu.memory_space<hbm>> -> memref<20000x64xf32, #tpu.memory_space<hbm>>
        tpu.enqueue_indirect_dma source(%dma_start3A_125 : memref<20000x64xf32, #tpu.memory_space<hbm>>) target(%dma_start3A_119 : memref<128x64xf32, #tpu.memory_space<vmem>>) offsets(%dma_start3A_122 : memref<128xi32, #tpu.memory_space<vmem>>) semaphore(%arg11 : memref<!tpu.dma_semaphore, #tpu.memory_space<semaphore_mem>>)
      } else {
      }
      %dma_start3A_102 = arith.constant 1 : i32
      %dma_start3A_103 = arith.constant 0 : i32
      %dma_start3A_104 = arith.constant 0 : i32
      %dma_start3A_105 = tpu.memref_slice %arg10[%dma_start3A_102, %dma_start3A_103, %dma_start3A_104] : memref<2x128x64xf32, #tpu.memory_space<vmem>> -> memref<1x128x64xf32, #tpu.memory_space<vmem>>
      %dma_start3A_106 = tpu.memref_squeeze %dma_start3A_105 : memref<1x128x64xf32, #tpu.memory_space<vmem>> -> memref<128x64xf32, #tpu.memory_space<vmem>>
      %dma_start3A_107 = arith.constant 0 : i32
      %dma_start3A_108 = tpu.memref_slice %arg9[%add3A_36, %dma_start3A_107] : memref<158x128xi32, #tpu.memory_space<vmem>> -> memref<1x128xi32, #tpu.memory_space<vmem>>
      %dma_start3A_109 = tpu.memref_squeeze %dma_start3A_108 : memref<1x128xi32, #tpu.memory_space<vmem>> -> memref<128xi32, #tpu.memory_space<vmem>>
      %dma_start3A_110 = arith.constant 0 : i32
      %dma_start3A_111 = arith.constant 0 : i32
      %dma_start3A_112 = tpu.memref_slice %arg7[%dma_start3A_110, %dma_start3A_111] : memref<10240x64xf32, #tpu.memory_space<vmem_shared>> -> memref<10240x64xf32, #tpu.memory_space<vmem_shared>>
      tpu.enqueue_indirect_dma source(%dma_start3A_106 : memref<128x64xf32, #tpu.memory_space<vmem>>) target(%dma_start3A_112 : memref<10240x64xf32, #tpu.memory_space<vmem_shared>>) offsets(%dma_start3A_109 : memref<128xi32, #tpu.memory_space<vmem>>) semaphore(%arg12 : memref<!tpu.dma_semaphore, #tpu.memory_space<semaphore_mem>>) {add = true}
    }
    %scan3A_20 = arith.constant 79 : i32
    %dma_wait3A = arith.constant 1 : i32
    %dma_wait3A_21 = arith.constant 157 : i32
    %dma_wait3A_22 = arith.constant 0 : i32
    %dma_wait3A_23 = arith.constant 0 : i32
    %dma_wait3A_24 = tpu.memref_slice %arg10[%dma_wait3A, %dma_wait3A_22, %dma_wait3A_23] : memref<2x128x64xf32, #tpu.memory_space<vmem>> -> memref<1x128x64xf32, #tpu.memory_space<vmem>>
    %dma_wait3A_25 = tpu.memref_squeeze %dma_wait3A_24 : memref<1x128x64xf32, #tpu.memory_space<vmem>> -> memref<128x64xf32, #tpu.memory_space<vmem>>
    %dma_wait3A_26 = arith.constant 0 : i32
    %dma_wait3A_27 = tpu.memref_slice %arg9[%dma_wait3A_21, %dma_wait3A_26] : memref<158x128xi32, #tpu.memory_space<vmem>> -> memref<1x128xi32, #tpu.memory_space<vmem>>
    %dma_wait3A_28 = tpu.memref_squeeze %dma_wait3A_27 : memref<1x128xi32, #tpu.memory_space<vmem>> -> memref<128xi32, #tpu.memory_space<vmem>>
    %dma_wait3A_29 = arith.constant 0 : i32
    %dma_wait3A_30 = arith.constant 0 : i32
    %dma_wait3A_31 = tpu.memref_slice %arg7[%dma_wait3A_29, %dma_wait3A_30] : memref<10240x64xf32, #tpu.memory_space<vmem_shared>> -> memref<10240x64xf32, #tpu.memory_space<vmem_shared>>
    tpu.wait_indirect_dma semaphore(%arg12 : memref<!tpu.dma_semaphore, #tpu.memory_space<semaphore_mem>>) src(%dma_wait3A_25 : memref<128x64xf32, #tpu.memory_space<vmem>>) dst(%dma_wait3A_31 : memref<10240x64xf32, #tpu.memory_space<vmem_shared>>)
    %barrier3A_32 = arith.constant 0 : index
    tpu.barrier barrier_id(%barrier3A_32)
    "tpu.region"() ({
      %run_scoped3A = tpu.sem_alloc : memref<!tpu.dma_semaphore, #tpu.memory_space<semaphore_mem>>
      %dma_start3A_33 = arith.constant 0 : i32
      %dma_start3A_34 = tpu.memref_slice %arg6[%arg0, %mul3A_0, %dma_start3A_33] : memref<2x10240x64xf32, #tpu.memory_space<hbm>> -> memref<1x640x64xf32, #tpu.memory_space<hbm>>
      %dma_start3A_35 = tpu.memref_squeeze %dma_start3A_34 : memref<1x640x64xf32, #tpu.memory_space<hbm>> -> memref<640x64xf32, #tpu.memory_space<hbm>>
      %dma_start3A_36 = arith.constant 0 : i32
      %dma_start3A_37 = tpu.memref_slice %arg7[%mul3A_0, %dma_start3A_36] : memref<10240x64xf32, #tpu.memory_space<vmem_shared>> -> memref<640x64xf32, #tpu.memory_space<vmem_shared>>
      tpu.enqueue_dma source(%dma_start3A_37 : memref<640x64xf32, #tpu.memory_space<vmem_shared>>) target(%dma_start3A_35 : memref<640x64xf32, #tpu.memory_space<hbm>>) target_semaphore(%run_scoped3A : memref<!tpu.dma_semaphore, #tpu.memory_space<semaphore_mem>>)
      %dma_wait3A_38 = arith.constant 0 : i32
      %dma_wait3A_39 = tpu.memref_slice %arg6[%arg0, %mul3A_0, %dma_wait3A_38] : memref<2x10240x64xf32, #tpu.memory_space<hbm>> -> memref<1x640x64xf32, #tpu.memory_space<hbm>>
      %dma_wait3A_40 = tpu.memref_squeeze %dma_wait3A_39 : memref<1x640x64xf32, #tpu.memory_space<hbm>> -> memref<640x64xf32, #tpu.memory_space<hbm>>
      %dma_wait3A_41 = arith.constant 0 : i32
      %dma_wait3A_42 = tpu.memref_slice %arg7[%mul3A_0, %dma_wait3A_41] : memref<10240x64xf32, #tpu.memory_space<vmem_shared>> -> memref<640x64xf32, #tpu.memory_space<vmem_shared>>
      tpu.wait_dma2 semaphore(%run_scoped3A : memref<!tpu.dma_semaphore, #tpu.memory_space<semaphore_mem>>) src(%dma_wait3A_42 : memref<640x64xf32, #tpu.memory_space<vmem_shared>>) dst(%dma_wait3A_40 : memref<640x64xf32, #tpu.memory_space<hbm>>)
      tpu.yield
    }) : () -> ()
    return
  }
}

#map = affine_map<(d0, d1) -> (0, 0)>
#map1 = affine_map<(d0, d1) -> (0, 0, 0)>
module attributes {stable_mosaic.version = 14 : i64} {
  func.func @_sc_scatter_body(%arg0: i32, %arg1: i32, %arg2: memref<20000x64xf32, #tpu.memory_space<hbm>>, %arg3: memref<2x2528x128xi32, #tpu.memory_space<hbm>>, %arg4: memref<2x2528x128xi32, #tpu.memory_space<hbm>>, %arg5: memref<10240x64xf32, #tpu.memory_space<hbm>>, %arg6: memref<2x10240x64xf32, #tpu.memory_space<hbm>>, %arg7: memref<10240x64xf32, #tpu.memory_space<vmem_shared>>, %arg8: memref<158x128xi32, #tpu.memory_space<vmem>>, %arg9: memref<158x128xi32, #tpu.memory_space<vmem>>, %arg10: memref<2x128x64xf32, #tpu.memory_space<vmem>>, %arg11: memref<!tpu.dma_semaphore, #tpu.memory_space<semaphore_mem>>, %arg12: memref<!tpu.dma_semaphore, #tpu.memory_space<semaphore_mem>>) attributes {dimension_semantics = [#tpu.dimension_semantics<core_parallel>, #tpu.dimension_semantics<subcore_parallel>], iteration_bounds = array<i64: 2, 16>, scalar_prefetch = 0 : i64, scratch_operands = 6 : i64, tpu.core_type = #tpu.core_type<sc_vector_subcore>, window_params = [{transform_indices = #map}, {transform_indices = #map1}, {transform_indices = #map1}, {transform_indices = #map}, {transform_indices = #map1}]} {
    %mul3A = arith.constant 640 : i32
    %mul3A_0 = arith.muli %arg1, %mul3A : i32
    "tpu.region"() ({
      %run_scoped3A = tpu.sem_alloc : memref<!tpu.dma_semaphore, #tpu.memory_space<semaphore_mem>>
      %dma_start3A_33 = arith.constant 0 : i32
      %dma_start3A_34 = tpu.memref_slice %arg7[%mul3A_0, %dma_start3A_33] : memref<10240x64xf32, #tpu.memory_space<vmem_shared>> -> memref<640x64xf32, #tpu.memory_space<vmem_shared>>
      %dma_start3A_35 = arith.constant 0 : i32
      %dma_start3A_36 = tpu.memref_slice %arg5[%mul3A_0, %dma_start3A_35] : memref<10240x64xf32, #tpu.memory_space<hbm>> -> memref<640x64xf32, #tpu.memory_space<hbm>>
      tpu.enqueue_dma source(%dma_start3A_36 : memref<640x64xf32, #tpu.memory_space<hbm>>) target(%dma_start3A_34 : memref<640x64xf32, #tpu.memory_space<vmem_shared>>) target_semaphore(%run_scoped3A : memref<!tpu.dma_semaphore, #tpu.memory_space<semaphore_mem>>)
      %dma_wait3A_37 = arith.constant 0 : i32
      %dma_wait3A_38 = tpu.memref_slice %arg7[%mul3A_0, %dma_wait3A_37] : memref<10240x64xf32, #tpu.memory_space<vmem_shared>> -> memref<640x64xf32, #tpu.memory_space<vmem_shared>>
      %dma_wait3A_39 = arith.constant 0 : i32
      %dma_wait3A_40 = tpu.memref_slice %arg5[%mul3A_0, %dma_wait3A_39] : memref<10240x64xf32, #tpu.memory_space<hbm>> -> memref<640x64xf32, #tpu.memory_space<hbm>>
      tpu.wait_dma2 semaphore(%run_scoped3A : memref<!tpu.dma_semaphore, #tpu.memory_space<semaphore_mem>>) src(%dma_wait3A_40 : memref<640x64xf32, #tpu.memory_space<hbm>>) dst(%dma_wait3A_38 : memref<640x64xf32, #tpu.memory_space<vmem_shared>>)
      tpu.yield
    }) : () -> ()
    %mul3A_1 = arith.constant 158 : i32
    %mul3A_2 = arith.muli %arg1, %mul3A_1 : i32
    "tpu.region"() ({
      %run_scoped3A = tpu.sem_alloc : memref<!tpu.dma_semaphore, #tpu.memory_space<semaphore_mem>>
      %dma_start3A_33 = arith.constant 0 : i32
      %dma_start3A_34 = tpu.memref_slice %arg3[%arg0, %mul3A_2, %dma_start3A_33] : memref<2x2528x128xi32, #tpu.memory_space<hbm>> -> memref<1x158x128xi32, #tpu.memory_space<hbm>>
      %dma_start3A_35 = tpu.memref_squeeze %dma_start3A_34 : memref<1x158x128xi32, #tpu.memory_space<hbm>> -> memref<158x128xi32, #tpu.memory_space<hbm>>
      %dma_start3A_36 = arith.constant 0 : i32
      %dma_start3A_37 = tpu.memref_slice %arg3[%arg0, %mul3A_2, %dma_start3A_36] : memref<2x2528x128xi32, #tpu.memory_space<hbm>> -> memref<1x158x128xi32, #tpu.memory_space<hbm>>
      %dma_start3A_38 = tpu.memref_squeeze %dma_start3A_37 : memref<1x158x128xi32, #tpu.memory_space<hbm>> -> memref<158x128xi32, #tpu.memory_space<hbm>>
      tpu.enqueue_dma source(%dma_start3A_38 : memref<158x128xi32, #tpu.memory_space<hbm>>) target(%arg8 : memref<158x128xi32, #tpu.memory_space<vmem>>) target_semaphore(%run_scoped3A : memref<!tpu.dma_semaphore, #tpu.memory_space<semaphore_mem>>)
      %dma_wait3A_39 = arith.constant 0 : i32
      %dma_wait3A_40 = tpu.memref_slice %arg3[%arg0, %mul3A_2, %dma_wait3A_39] : memref<2x2528x128xi32, #tpu.memory_space<hbm>> -> memref<1x158x128xi32, #tpu.memory_space<hbm>>
      %dma_wait3A_41 = tpu.memref_squeeze %dma_wait3A_40 : memref<1x158x128xi32, #tpu.memory_space<hbm>> -> memref<158x128xi32, #tpu.memory_space<hbm>>
      %dma_wait3A_42 = arith.constant 0 : i32
      %dma_wait3A_43 = tpu.memref_slice %arg3[%arg0, %mul3A_2, %dma_wait3A_42] : memref<2x2528x128xi32, #tpu.memory_space<hbm>> -> memref<1x158x128xi32, #tpu.memory_space<hbm>>
      %dma_wait3A_44 = tpu.memref_squeeze %dma_wait3A_43 : memref<1x158x128xi32, #tpu.memory_space<hbm>> -> memref<158x128xi32, #tpu.memory_space<hbm>>
      tpu.wait_dma2 semaphore(%run_scoped3A : memref<!tpu.dma_semaphore, #tpu.memory_space<semaphore_mem>>) src(%dma_wait3A_44 : memref<158x128xi32, #tpu.memory_space<hbm>>) dst(%arg8 : memref<158x128xi32, #tpu.memory_space<vmem>>)
      tpu.yield
    }) : () -> ()
    %mul3A_3 = arith.constant 158 : i32
    %mul3A_4 = arith.muli %arg1, %mul3A_3 : i32
    "tpu.region"() ({
      %run_scoped3A = tpu.sem_alloc : memref<!tpu.dma_semaphore, #tpu.memory_space<semaphore_mem>>
      %dma_start3A_33 = arith.constant 0 : i32
      %dma_start3A_34 = tpu.memref_slice %arg4[%arg0, %mul3A_4, %dma_start3A_33] : memref<2x2528x128xi32, #tpu.memory_space<hbm>> -> memref<1x158x128xi32, #tpu.memory_space<hbm>>
      %dma_start3A_35 = tpu.memref_squeeze %dma_start3A_34 : memref<1x158x128xi32, #tpu.memory_space<hbm>> -> memref<158x128xi32, #tpu.memory_space<hbm>>
      %dma_start3A_36 = arith.constant 0 : i32
      %dma_start3A_37 = tpu.memref_slice %arg4[%arg0, %mul3A_4, %dma_start3A_36] : memref<2x2528x128xi32, #tpu.memory_space<hbm>> -> memref<1x158x128xi32, #tpu.memory_space<hbm>>
      %dma_start3A_38 = tpu.memref_squeeze %dma_start3A_37 : memref<1x158x128xi32, #tpu.memory_space<hbm>> -> memref<158x128xi32, #tpu.memory_space<hbm>>
      tpu.enqueue_dma source(%dma_start3A_38 : memref<158x128xi32, #tpu.memory_space<hbm>>) target(%arg9 : memref<158x128xi32, #tpu.memory_space<vmem>>) target_semaphore(%run_scoped3A : memref<!tpu.dma_semaphore, #tpu.memory_space<semaphore_mem>>)
      %dma_wait3A_39 = arith.constant 0 : i32
      %dma_wait3A_40 = tpu.memref_slice %arg4[%arg0, %mul3A_4, %dma_wait3A_39] : memref<2x2528x128xi32, #tpu.memory_space<hbm>> -> memref<1x158x128xi32, #tpu.memory_space<hbm>>
      %dma_wait3A_41 = tpu.memref_squeeze %dma_wait3A_40 : memref<1x158x128xi32, #tpu.memory_space<hbm>> -> memref<158x128xi32, #tpu.memory_space<hbm>>
      %dma_wait3A_42 = arith.constant 0 : i32
      %dma_wait3A_43 = tpu.memref_slice %arg4[%arg0, %mul3A_4, %dma_wait3A_42] : memref<2x2528x128xi32, #tpu.memory_space<hbm>> -> memref<1x158x128xi32, #tpu.memory_space<hbm>>
      %dma_wait3A_44 = tpu.memref_squeeze %dma_wait3A_43 : memref<1x158x128xi32, #tpu.memory_space<hbm>> -> memref<158x128xi32, #tpu.memory_space<hbm>>
      tpu.wait_dma2 semaphore(%run_scoped3A : memref<!tpu.dma_semaphore, #tpu.memory_space<semaphore_mem>>) src(%dma_wait3A_44 : memref<158x128xi32, #tpu.memory_space<hbm>>) dst(%arg9 : memref<158x128xi32, #tpu.memory_space<vmem>>)
      tpu.yield
    }) : () -> ()
    %barrier3A = arith.constant 0 : index
    tpu.barrier barrier_id(%barrier3A)
    %dma_start3A = arith.constant 0 : i32
    %dma_start3A_5 = arith.constant 0 : i32
    %dma_start3A_6 = arith.constant 0 : i32
    %dma_start3A_7 = arith.constant 0 : i32
    %dma_start3A_8 = tpu.memref_slice %arg10[%dma_start3A_5, %dma_start3A_6, %dma_start3A_7] : memref<2x128x64xf32, #tpu.memory_space<vmem>> -> memref<1x128x64xf32, #tpu.memory_space<vmem>>
    %dma_start3A_9 = tpu.memref_squeeze %dma_start3A_8 : memref<1x128x64xf32, #tpu.memory_space<vmem>> -> memref<128x64xf32, #tpu.memory_space<vmem>>
    %dma_start3A_10 = arith.constant 0 : i32
    %dma_start3A_11 = tpu.memref_slice %arg8[%dma_start3A, %dma_start3A_10] : memref<158x128xi32, #tpu.memory_space<vmem>> -> memref<1x128xi32, #tpu.memory_space<vmem>>
    %dma_start3A_12 = tpu.memref_squeeze %dma_start3A_11 : memref<1x128xi32, #tpu.memory_space<vmem>> -> memref<128xi32, #tpu.memory_space<vmem>>
    %dma_start3A_13 = arith.constant 0 : i32
    %dma_start3A_14 = arith.constant 0 : i32
    %dma_start3A_15 = tpu.memref_slice %arg2[%dma_start3A_13, %dma_start3A_14] : memref<20000x64xf32, #tpu.memory_space<hbm>> -> memref<20000x64xf32, #tpu.memory_space<hbm>>
    tpu.enqueue_indirect_dma source(%dma_start3A_15 : memref<20000x64xf32, #tpu.memory_space<hbm>>) target(%dma_start3A_9 : memref<128x64xf32, #tpu.memory_space<vmem>>) offsets(%dma_start3A_12 : memref<128xi32, #tpu.memory_space<vmem>>) semaphore(%arg11 : memref<!tpu.dma_semaphore, #tpu.memory_space<semaphore_mem>>)
    %scan3A = arith.constant 0 : i32
    %scan3A_16 = arith.constant 0 : i32
    %scan3A_17 = arith.constant 79 : i32
    %scan3A_18 = arith.addi %scan3A_16, %scan3A_17 : i32
    %scan3A_19 = arith.constant 1 : i32
    scf.for %scan3A_33 = %scan3A_16 to %scan3A_18 step %scan3A_19  : i32 {
      %mul3A_34 = arith.constant 2 : i32
      %mul3A_35 = arith.muli %mul3A_34, %scan3A_33 : i32
      %add3A = arith.constant 1 : i32
      %add3A_36 = arith.addi %mul3A_35, %add3A : i32
      %dma_wait3A_37 = arith.constant 0 : i32
      %dma_wait3A_38 = arith.constant 0 : i32
      %dma_wait3A_39 = arith.constant 0 : i32
      %dma_wait3A_40 = arith.constant 0 : i32
      %dma_wait3A_41 = tpu.memref_slice %arg10[%dma_wait3A_38, %dma_wait3A_39, %dma_wait3A_40] : memref<2x128x64xf32, #tpu.memory_space<vmem>> -> memref<1x128x64xf32, #tpu.memory_space<vmem>>
      %dma_wait3A_42 = tpu.memref_squeeze %dma_wait3A_41 : memref<1x128x64xf32, #tpu.memory_space<vmem>> -> memref<128x64xf32, #tpu.memory_space<vmem>>
      %dma_wait3A_43 = arith.constant 0 : i32
      %dma_wait3A_44 = tpu.memref_slice %arg8[%dma_wait3A_37, %dma_wait3A_43] : memref<158x128xi32, #tpu.memory_space<vmem>> -> memref<1x128xi32, #tpu.memory_space<vmem>>
      %dma_wait3A_45 = tpu.memref_squeeze %dma_wait3A_44 : memref<1x128xi32, #tpu.memory_space<vmem>> -> memref<128xi32, #tpu.memory_space<vmem>>
      %dma_wait3A_46 = arith.constant 0 : i32
      %dma_wait3A_47 = arith.constant 0 : i32
      %dma_wait3A_48 = tpu.memref_slice %arg2[%dma_wait3A_46, %dma_wait3A_47] : memref<20000x64xf32, #tpu.memory_space<hbm>> -> memref<20000x64xf32, #tpu.memory_space<hbm>>
      tpu.wait_indirect_dma semaphore(%arg11 : memref<!tpu.dma_semaphore, #tpu.memory_space<semaphore_mem>>) src(%dma_wait3A_48 : memref<20000x64xf32, #tpu.memory_space<hbm>>) dst(%dma_wait3A_42 : memref<128x64xf32, #tpu.memory_space<vmem>>)
      %gt3A = arith.constant 0 : i32
      %gt3A_49 = arith.cmpi sgt, %scan3A_33, %gt3A : i32
      %convert_element_type3A = arith.extui %gt3A_49 : i1 to i32
      %cond3A = arith.constant 0 : i32
      %cond3A_50 = arith.cmpi ne, %convert_element_type3A, %cond3A : i32
      scf.if %cond3A_50 {
        %sub3A = arith.constant 2 : i32
        %sub3A_113 = arith.subi %add3A_36, %sub3A : i32
        %dma_wait3A_114 = arith.constant 1 : i32
        %dma_wait3A_115 = arith.constant 0 : i32
        %dma_wait3A_116 = arith.constant 0 : i32
        %dma_wait3A_117 = tpu.memref_slice %arg10[%dma_wait3A_114, %dma_wait3A_115, %dma_wait3A_116] : memref<2x128x64xf32, #tpu.memory_space<vmem>> -> memref<1x128x64xf32, #tpu.memory_space<vmem>>
        %dma_wait3A_118 = tpu.memref_squeeze %dma_wait3A_117 : memref<1x128x64xf32, #tpu.memory_space<vmem>> -> memref<128x64xf32, #tpu.memory_space<vmem>>
        %dma_wait3A_119 = arith.constant 0 : i32
        %dma_wait3A_120 = tpu.memref_slice %arg9[%sub3A_113, %dma_wait3A_119] : memref<158x128xi32, #tpu.memory_space<vmem>> -> memref<1x128xi32, #tpu.memory_space<vmem>>
        %dma_wait3A_121 = tpu.memref_squeeze %dma_wait3A_120 : memref<1x128xi32, #tpu.memory_space<vmem>> -> memref<128xi32, #tpu.memory_space<vmem>>
        %dma_wait3A_122 = arith.constant 0 : i32
        %dma_wait3A_123 = arith.constant 0 : i32
        %dma_wait3A_124 = tpu.memref_slice %arg7[%dma_wait3A_122, %dma_wait3A_123] : memref<10240x64xf32, #tpu.memory_space<vmem_shared>> -> memref<10240x64xf32, #tpu.memory_space<vmem_shared>>
        tpu.wait_indirect_dma semaphore(%arg12 : memref<!tpu.dma_semaphore, #tpu.memory_space<semaphore_mem>>) src(%dma_wait3A_118 : memref<128x64xf32, #tpu.memory_space<vmem>>) dst(%dma_wait3A_124 : memref<10240x64xf32, #tpu.memory_space<vmem_shared>>)
      } else {
      }
      %dma_start3A_51 = arith.constant 1 : i32
      %dma_start3A_52 = arith.constant 0 : i32
      %dma_start3A_53 = arith.constant 0 : i32
      %dma_start3A_54 = tpu.memref_slice %arg10[%dma_start3A_51, %dma_start3A_52, %dma_start3A_53] : memref<2x128x64xf32, #tpu.memory_space<vmem>> -> memref<1x128x64xf32, #tpu.memory_space<vmem>>
      %dma_start3A_55 = tpu.memref_squeeze %dma_start3A_54 : memref<1x128x64xf32, #tpu.memory_space<vmem>> -> memref<128x64xf32, #tpu.memory_space<vmem>>
      %dma_start3A_56 = arith.constant 0 : i32
      %dma_start3A_57 = tpu.memref_slice %arg8[%add3A_36, %dma_start3A_56] : memref<158x128xi32, #tpu.memory_space<vmem>> -> memref<1x128xi32, #tpu.memory_space<vmem>>
      %dma_start3A_58 = tpu.memref_squeeze %dma_start3A_57 : memref<1x128xi32, #tpu.memory_space<vmem>> -> memref<128xi32, #tpu.memory_space<vmem>>
      %dma_start3A_59 = arith.constant 0 : i32
      %dma_start3A_60 = arith.constant 0 : i32
      %dma_start3A_61 = tpu.memref_slice %arg2[%dma_start3A_59, %dma_start3A_60] : memref<20000x64xf32, #tpu.memory_space<hbm>> -> memref<20000x64xf32, #tpu.memory_space<hbm>>
      tpu.enqueue_indirect_dma source(%dma_start3A_61 : memref<20000x64xf32, #tpu.memory_space<hbm>>) target(%dma_start3A_55 : memref<128x64xf32, #tpu.memory_space<vmem>>) offsets(%dma_start3A_58 : memref<128xi32, #tpu.memory_space<vmem>>) semaphore(%arg11 : memref<!tpu.dma_semaphore, #tpu.memory_space<semaphore_mem>>)
      %dma_start3A_62 = arith.constant 0 : i32
      %dma_start3A_63 = arith.constant 0 : i32
      %dma_start3A_64 = arith.constant 0 : i32
      %dma_start3A_65 = tpu.memref_slice %arg10[%dma_start3A_62, %dma_start3A_63, %dma_start3A_64] : memref<2x128x64xf32, #tpu.memory_space<vmem>> -> memref<1x128x64xf32, #tpu.memory_space<vmem>>
      %dma_start3A_66 = tpu.memref_squeeze %dma_start3A_65 : memref<1x128x64xf32, #tpu.memory_space<vmem>> -> memref<128x64xf32, #tpu.memory_space<vmem>>
      %dma_start3A_67 = arith.constant 0 : i32
      %dma_start3A_68 = tpu.memref_slice %arg9[%mul3A_35, %dma_start3A_67] : memref<158x128xi32, #tpu.memory_space<vmem>> -> memref<1x128xi32, #tpu.memory_space<vmem>>
      %dma_start3A_69 = tpu.memref_squeeze %dma_start3A_68 : memref<1x128xi32, #tpu.memory_space<vmem>> -> memref<128xi32, #tpu.memory_space<vmem>>
      %dma_start3A_70 = arith.constant 0 : i32
      %dma_start3A_71 = arith.constant 0 : i32
      %dma_start3A_72 = tpu.memref_slice %arg7[%dma_start3A_70, %dma_start3A_71] : memref<10240x64xf32, #tpu.memory_space<vmem_shared>> -> memref<10240x64xf32, #tpu.memory_space<vmem_shared>>
      tpu.enqueue_indirect_dma source(%dma_start3A_66 : memref<128x64xf32, #tpu.memory_space<vmem>>) target(%dma_start3A_72 : memref<10240x64xf32, #tpu.memory_space<vmem_shared>>) offsets(%dma_start3A_69 : memref<128xi32, #tpu.memory_space<vmem>>) semaphore(%arg12 : memref<!tpu.dma_semaphore, #tpu.memory_space<semaphore_mem>>) {add = true}
      %dma_wait3A_73 = arith.constant 0 : i32
      %dma_wait3A_74 = arith.constant 1 : i32
      %dma_wait3A_75 = arith.constant 0 : i32
      %dma_wait3A_76 = arith.constant 0 : i32
      %dma_wait3A_77 = tpu.memref_slice %arg10[%dma_wait3A_74, %dma_wait3A_75, %dma_wait3A_76] : memref<2x128x64xf32, #tpu.memory_space<vmem>> -> memref<1x128x64xf32, #tpu.memory_space<vmem>>
      %dma_wait3A_78 = tpu.memref_squeeze %dma_wait3A_77 : memref<1x128x64xf32, #tpu.memory_space<vmem>> -> memref<128x64xf32, #tpu.memory_space<vmem>>
      %dma_wait3A_79 = arith.constant 0 : i32
      %dma_wait3A_80 = tpu.memref_slice %arg8[%dma_wait3A_73, %dma_wait3A_79] : memref<158x128xi32, #tpu.memory_space<vmem>> -> memref<1x128xi32, #tpu.memory_space<vmem>>
      %dma_wait3A_81 = tpu.memref_squeeze %dma_wait3A_80 : memref<1x128xi32, #tpu.memory_space<vmem>> -> memref<128xi32, #tpu.memory_space<vmem>>
      %dma_wait3A_82 = arith.constant 0 : i32
      %dma_wait3A_83 = arith.constant 0 : i32
      %dma_wait3A_84 = tpu.memref_slice %arg2[%dma_wait3A_82, %dma_wait3A_83] : memref<20000x64xf32, #tpu.memory_space<hbm>> -> memref<20000x64xf32, #tpu.memory_space<hbm>>
      tpu.wait_indirect_dma semaphore(%arg11 : memref<!tpu.dma_semaphore, #tpu.memory_space<semaphore_mem>>) src(%dma_wait3A_84 : memref<20000x64xf32, #tpu.memory_space<hbm>>) dst(%dma_wait3A_78 : memref<128x64xf32, #tpu.memory_space<vmem>>)
      %dma_wait3A_85 = arith.constant 0 : i32
      %dma_wait3A_86 = arith.constant 0 : i32
      %dma_wait3A_87 = arith.constant 0 : i32
      %dma_wait3A_88 = tpu.memref_slice %arg10[%dma_wait3A_85, %dma_wait3A_86, %dma_wait3A_87] : memref<2x128x64xf32, #tpu.memory_space<vmem>> -> memref<1x128x64xf32, #tpu.memory_space<vmem>>
      %dma_wait3A_89 = tpu.memref_squeeze %dma_wait3A_88 : memref<1x128x64xf32, #tpu.memory_space<vmem>> -> memref<128x64xf32, #tpu.memory_space<vmem>>
      %dma_wait3A_90 = arith.constant 0 : i32
      %dma_wait3A_91 = tpu.memref_slice %arg9[%mul3A_35, %dma_wait3A_90] : memref<158x128xi32, #tpu.memory_space<vmem>> -> memref<1x128xi32, #tpu.memory_space<vmem>>
      %dma_wait3A_92 = tpu.memref_squeeze %dma_wait3A_91 : memref<1x128xi32, #tpu.memory_space<vmem>> -> memref<128xi32, #tpu.memory_space<vmem>>
      %dma_wait3A_93 = arith.constant 0 : i32
      %dma_wait3A_94 = arith.constant 0 : i32
      %dma_wait3A_95 = tpu.memref_slice %arg7[%dma_wait3A_93, %dma_wait3A_94] : memref<10240x64xf32, #tpu.memory_space<vmem_shared>> -> memref<10240x64xf32, #tpu.memory_space<vmem_shared>>
      tpu.wait_indirect_dma semaphore(%arg12 : memref<!tpu.dma_semaphore, #tpu.memory_space<semaphore_mem>>) src(%dma_wait3A_89 : memref<128x64xf32, #tpu.memory_space<vmem>>) dst(%dma_wait3A_95 : memref<10240x64xf32, #tpu.memory_space<vmem_shared>>)
      %add3A_96 = arith.constant 1 : i32
      %add3A_97 = arith.addi %scan3A_33, %add3A_96 : i32
      %lt3A = arith.constant 79 : i32
      %lt3A_98 = arith.cmpi slt, %add3A_97, %lt3A : i32
      %convert_element_type3A_99 = arith.extui %lt3A_98 : i1 to i32
      %cond3A_100 = arith.constant 0 : i32
      %cond3A_101 = arith.cmpi ne, %convert_element_type3A_99, %cond3A_100 : i32
      scf.if %cond3A_101 {
        %add3A_113 = arith.constant 2 : i32
        %add3A_114 = arith.addi %mul3A_35, %add3A_113 : i32
        %dma_start3A_115 = arith.constant 0 : i32
        %dma_start3A_116 = arith.constant 0 : i32
        %dma_start3A_117 = arith.constant 0 : i32
        %dma_start3A_118 = tpu.memref_slice %arg10[%dma_start3A_115, %dma_start3A_116, %dma_start3A_117] : memref<2x128x64xf32, #tpu.memory_space<vmem>> -> memref<1x128x64xf32, #tpu.memory_space<vmem>>
        %dma_start3A_119 = tpu.memref_squeeze %dma_start3A_118 : memref<1x128x64xf32, #tpu.memory_space<vmem>> -> memref<128x64xf32, #tpu.memory_space<vmem>>
        %dma_start3A_120 = arith.constant 0 : i32
        %dma_start3A_121 = tpu.memref_slice %arg8[%add3A_114, %dma_start3A_120] : memref<158x128xi32, #tpu.memory_space<vmem>> -> memref<1x128xi32, #tpu.memory_space<vmem>>
        %dma_start3A_122 = tpu.memref_squeeze %dma_start3A_121 : memref<1x128xi32, #tpu.memory_space<vmem>> -> memref<128xi32, #tpu.memory_space<vmem>>
        %dma_start3A_123 = arith.constant 0 : i32
        %dma_start3A_124 = arith.constant 0 : i32
        %dma_start3A_125 = tpu.memref_slice %arg2[%dma_start3A_123, %dma_start3A_124] : memref<20000x64xf32, #tpu.memory_space<hbm>> -> memref<20000x64xf32, #tpu.memory_space<hbm>>
        tpu.enqueue_indirect_dma source(%dma_start3A_125 : memref<20000x64xf32, #tpu.memory_space<hbm>>) target(%dma_start3A_119 : memref<128x64xf32, #tpu.memory_space<vmem>>) offsets(%dma_start3A_122 : memref<128xi32, #tpu.memory_space<vmem>>) semaphore(%arg11 : memref<!tpu.dma_semaphore, #tpu.memory_space<semaphore_mem>>)
      } else {
      }
      %dma_start3A_102 = arith.constant 1 : i32
      %dma_start3A_103 = arith.constant 0 : i32
      %dma_start3A_104 = arith.constant 0 : i32
      %dma_start3A_105 = tpu.memref_slice %arg10[%dma_start3A_102, %dma_start3A_103, %dma_start3A_104] : memref<2x128x64xf32, #tpu.memory_space<vmem>> -> memref<1x128x64xf32, #tpu.memory_space<vmem>>
      %dma_start3A_106 = tpu.memref_squeeze %dma_start3A_105 : memref<1x128x64xf32, #tpu.memory_space<vmem>> -> memref<128x64xf32, #tpu.memory_space<vmem>>
      %dma_start3A_107 = arith.constant 0 : i32
      %dma_start3A_108 = tpu.memref_slice %arg9[%add3A_36, %dma_start3A_107] : memref<158x128xi32, #tpu.memory_space<vmem>> -> memref<1x128xi32, #tpu.memory_space<vmem>>
      %dma_start3A_109 = tpu.memref_squeeze %dma_start3A_108 : memref<1x128xi32, #tpu.memory_space<vmem>> -> memref<128xi32, #tpu.memory_space<vmem>>
      %dma_start3A_110 = arith.constant 0 : i32
      %dma_start3A_111 = arith.constant 0 : i32
      %dma_start3A_112 = tpu.memref_slice %arg7[%dma_start3A_110, %dma_start3A_111] : memref<10240x64xf32, #tpu.memory_space<vmem_shared>> -> memref<10240x64xf32, #tpu.memory_space<vmem_shared>>
      tpu.enqueue_indirect_dma source(%dma_start3A_106 : memref<128x64xf32, #tpu.memory_space<vmem>>) target(%dma_start3A_112 : memref<10240x64xf32, #tpu.memory_space<vmem_shared>>) offsets(%dma_start3A_109 : memref<128xi32, #tpu.memory_space<vmem>>) semaphore(%arg12 : memref<!tpu.dma_semaphore, #tpu.memory_space<semaphore_mem>>) {add = true}
    }
    %scan3A_20 = arith.constant 79 : i32
    %dma_wait3A = arith.constant 1 : i32
    %dma_wait3A_21 = arith.constant 157 : i32
    %dma_wait3A_22 = arith.constant 0 : i32
    %dma_wait3A_23 = arith.constant 0 : i32
    %dma_wait3A_24 = tpu.memref_slice %arg10[%dma_wait3A, %dma_wait3A_22, %dma_wait3A_23] : memref<2x128x64xf32, #tpu.memory_space<vmem>> -> memref<1x128x64xf32, #tpu.memory_space<vmem>>
    %dma_wait3A_25 = tpu.memref_squeeze %dma_wait3A_24 : memref<1x128x64xf32, #tpu.memory_space<vmem>> -> memref<128x64xf32, #tpu.memory_space<vmem>>
    %dma_wait3A_26 = arith.constant 0 : i32
    %dma_wait3A_27 = tpu.memref_slice %arg9[%dma_wait3A_21, %dma_wait3A_26] : memref<158x128xi32, #tpu.memory_space<vmem>> -> memref<1x128xi32, #tpu.memory_space<vmem>>
    %dma_wait3A_28 = tpu.memref_squeeze %dma_wait3A_27 : memref<1x128xi32, #tpu.memory_space<vmem>> -> memref<128xi32, #tpu.memory_space<vmem>>
    %dma_wait3A_29 = arith.constant 0 : i32
    %dma_wait3A_30 = arith.constant 0 : i32
    %dma_wait3A_31 = tpu.memref_slice %arg7[%dma_wait3A_29, %dma_wait3A_30] : memref<10240x64xf32, #tpu.memory_space<vmem_shared>> -> memref<10240x64xf32, #tpu.memory_space<vmem_shared>>
    tpu.wait_indirect_dma semaphore(%arg12 : memref<!tpu.dma_semaphore, #tpu.memory_space<semaphore_mem>>) src(%dma_wait3A_25 : memref<128x64xf32, #tpu.memory_space<vmem>>) dst(%dma_wait3A_31 : memref<10240x64xf32, #tpu.memory_space<vmem_shared>>)
    %barrier3A_32 = arith.constant 0 : index
    tpu.barrier barrier_id(%barrier3A_32)
    "tpu.region"() ({
      %run_scoped3A = tpu.sem_alloc : memref<!tpu.dma_semaphore, #tpu.memory_space<semaphore_mem>>
      %dma_start3A_33 = arith.constant 0 : i32
      %dma_start3A_34 = tpu.memref_slice %arg6[%arg0, %mul3A_0, %dma_start3A_33] : memref<2x10240x64xf32, #tpu.memory_space<hbm>> -> memref<1x640x64xf32, #tpu.memory_space<hbm>>
      %dma_start3A_35 = tpu.memref_squeeze %dma_start3A_34 : memref<1x640x64xf32, #tpu.memory_space<hbm>> -> memref<640x64xf32, #tpu.memory_space<hbm>>
      %dma_start3A_36 = arith.constant 0 : i32
      %dma_start3A_37 = tpu.memref_slice %arg7[%mul3A_0, %dma_start3A_36] : memref<10240x64xf32, #tpu.memory_space<vmem_shared>> -> memref<640x64xf32, #tpu.memory_space<vmem_shared>>
      tpu.enqueue_dma source(%dma_start3A_37 : memref<640x64xf32, #tpu.memory_space<vmem_shared>>) target(%dma_start3A_35 : memref<640x64xf32, #tpu.memory_space<hbm>>) target_semaphore(%run_scoped3A : memref<!tpu.dma_semaphore, #tpu.memory_space<semaphore_mem>>)
      %dma_wait3A_38 = arith.constant 0 : i32
      %dma_wait3A_39 = tpu.memref_slice %arg6[%arg0, %mul3A_0, %dma_wait3A_38] : memref<2x10240x64xf32, #tpu.memory_space<hbm>> -> memref<1x640x64xf32, #tpu.memory_space<hbm>>
      %dma_wait3A_40 = tpu.memref_squeeze %dma_wait3A_39 : memref<1x640x64xf32, #tpu.memory_space<hbm>> -> memref<640x64xf32, #tpu.memory_space<hbm>>
      %dma_wait3A_41 = arith.constant 0 : i32
      %dma_wait3A_42 = tpu.memref_slice %arg7[%mul3A_0, %dma_wait3A_41] : memref<10240x64xf32, #tpu.memory_space<vmem_shared>> -> memref<640x64xf32, #tpu.memory_space<vmem_shared>>
      tpu.wait_dma2 semaphore(%run_scoped3A : memref<!tpu.dma_semaphore, #tpu.memory_space<semaphore_mem>>) src(%dma_wait3A_42 : memref<640x64xf32, #tpu.memory_space<vmem_shared>>) dst(%dma_wait3A_40 : memref<640x64xf32, #tpu.memory_space<hbm>>)
      tpu.yield
    }) : () -> ()
    return
  }
}

#map = affine_map<(d0, d1) -> (0, 0)>
#map1 = affine_map<(d0, d1) -> (0, 0, 0)>
module attributes {stable_mosaic.version = 14 : i64} {
  func.func @_sc_scatter_body(%arg0: i32, %arg1: i32, %arg2: memref<20000x64xf32, #tpu.memory_space<hbm>>, %arg3: memref<2x2528x128xi32, #tpu.memory_space<hbm>>, %arg4: memref<2x2528x128xi32, #tpu.memory_space<hbm>>, %arg5: memref<10240x64xf32, #tpu.memory_space<hbm>>, %arg6: memref<2x10240x64xf32, #tpu.memory_space<hbm>>, %arg7: memref<10240x64xf32, #tpu.memory_space<vmem_shared>>, %arg8: memref<158x128xi32, #tpu.memory_space<vmem>>, %arg9: memref<158x128xi32, #tpu.memory_space<vmem>>, %arg10: memref<2x128x64xf32, #tpu.memory_space<vmem>>, %arg11: memref<!tpu.dma_semaphore, #tpu.memory_space<semaphore_mem>>, %arg12: memref<!tpu.dma_semaphore, #tpu.memory_space<semaphore_mem>>) attributes {dimension_semantics = [#tpu.dimension_semantics<core_parallel>, #tpu.dimension_semantics<subcore_parallel>], iteration_bounds = array<i64: 2, 16>, scalar_prefetch = 0 : i64, scratch_operands = 6 : i64, tpu.core_type = #tpu.core_type<sc_vector_subcore>, window_params = [{transform_indices = #map}, {transform_indices = #map1}, {transform_indices = #map1}, {transform_indices = #map}, {transform_indices = #map1}]} {
    %mul3A = arith.constant 640 : i32
    %mul3A_0 = arith.muli %arg1, %mul3A : i32
    "tpu.region"() ({
      %run_scoped3A = tpu.sem_alloc : memref<!tpu.dma_semaphore, #tpu.memory_space<semaphore_mem>>
      %dma_start3A_33 = arith.constant 0 : i32
      %dma_start3A_34 = tpu.memref_slice %arg7[%mul3A_0, %dma_start3A_33] : memref<10240x64xf32, #tpu.memory_space<vmem_shared>> -> memref<640x64xf32, #tpu.memory_space<vmem_shared>>
      %dma_start3A_35 = arith.constant 0 : i32
      %dma_start3A_36 = tpu.memref_slice %arg5[%mul3A_0, %dma_start3A_35] : memref<10240x64xf32, #tpu.memory_space<hbm>> -> memref<640x64xf32, #tpu.memory_space<hbm>>
      tpu.enqueue_dma source(%dma_start3A_36 : memref<640x64xf32, #tpu.memory_space<hbm>>) target(%dma_start3A_34 : memref<640x64xf32, #tpu.memory_space<vmem_shared>>) target_semaphore(%run_scoped3A : memref<!tpu.dma_semaphore, #tpu.memory_space<semaphore_mem>>)
      %dma_wait3A_37 = arith.constant 0 : i32
      %dma_wait3A_38 = tpu.memref_slice %arg7[%mul3A_0, %dma_wait3A_37] : memref<10240x64xf32, #tpu.memory_space<vmem_shared>> -> memref<640x64xf32, #tpu.memory_space<vmem_shared>>
      %dma_wait3A_39 = arith.constant 0 : i32
      %dma_wait3A_40 = tpu.memref_slice %arg5[%mul3A_0, %dma_wait3A_39] : memref<10240x64xf32, #tpu.memory_space<hbm>> -> memref<640x64xf32, #tpu.memory_space<hbm>>
      tpu.wait_dma2 semaphore(%run_scoped3A : memref<!tpu.dma_semaphore, #tpu.memory_space<semaphore_mem>>) src(%dma_wait3A_40 : memref<640x64xf32, #tpu.memory_space<hbm>>) dst(%dma_wait3A_38 : memref<640x64xf32, #tpu.memory_space<vmem_shared>>)
      tpu.yield
    }) : () -> ()
    %mul3A_1 = arith.constant 158 : i32
    %mul3A_2 = arith.muli %arg1, %mul3A_1 : i32
    "tpu.region"() ({
      %run_scoped3A = tpu.sem_alloc : memref<!tpu.dma_semaphore, #tpu.memory_space<semaphore_mem>>
      %dma_start3A_33 = arith.constant 0 : i32
      %dma_start3A_34 = tpu.memref_slice %arg3[%arg0, %mul3A_2, %dma_start3A_33] : memref<2x2528x128xi32, #tpu.memory_space<hbm>> -> memref<1x158x128xi32, #tpu.memory_space<hbm>>
      %dma_start3A_35 = tpu.memref_squeeze %dma_start3A_34 : memref<1x158x128xi32, #tpu.memory_space<hbm>> -> memref<158x128xi32, #tpu.memory_space<hbm>>
      %dma_start3A_36 = arith.constant 0 : i32
      %dma_start3A_37 = tpu.memref_slice %arg3[%arg0, %mul3A_2, %dma_start3A_36] : memref<2x2528x128xi32, #tpu.memory_space<hbm>> -> memref<1x158x128xi32, #tpu.memory_space<hbm>>
      %dma_start3A_38 = tpu.memref_squeeze %dma_start3A_37 : memref<1x158x128xi32, #tpu.memory_space<hbm>> -> memref<158x128xi32, #tpu.memory_space<hbm>>
      tpu.enqueue_dma source(%dma_start3A_38 : memref<158x128xi32, #tpu.memory_space<hbm>>) target(%arg8 : memref<158x128xi32, #tpu.memory_space<vmem>>) target_semaphore(%run_scoped3A : memref<!tpu.dma_semaphore, #tpu.memory_space<semaphore_mem>>)
      %dma_wait3A_39 = arith.constant 0 : i32
      %dma_wait3A_40 = tpu.memref_slice %arg3[%arg0, %mul3A_2, %dma_wait3A_39] : memref<2x2528x128xi32, #tpu.memory_space<hbm>> -> memref<1x158x128xi32, #tpu.memory_space<hbm>>
      %dma_wait3A_41 = tpu.memref_squeeze %dma_wait3A_40 : memref<1x158x128xi32, #tpu.memory_space<hbm>> -> memref<158x128xi32, #tpu.memory_space<hbm>>
      %dma_wait3A_42 = arith.constant 0 : i32
      %dma_wait3A_43 = tpu.memref_slice %arg3[%arg0, %mul3A_2, %dma_wait3A_42] : memref<2x2528x128xi32, #tpu.memory_space<hbm>> -> memref<1x158x128xi32, #tpu.memory_space<hbm>>
      %dma_wait3A_44 = tpu.memref_squeeze %dma_wait3A_43 : memref<1x158x128xi32, #tpu.memory_space<hbm>> -> memref<158x128xi32, #tpu.memory_space<hbm>>
      tpu.wait_dma2 semaphore(%run_scoped3A : memref<!tpu.dma_semaphore, #tpu.memory_space<semaphore_mem>>) src(%dma_wait3A_44 : memref<158x128xi32, #tpu.memory_space<hbm>>) dst(%arg8 : memref<158x128xi32, #tpu.memory_space<vmem>>)
      tpu.yield
    }) : () -> ()
    %mul3A_3 = arith.constant 158 : i32
    %mul3A_4 = arith.muli %arg1, %mul3A_3 : i32
    "tpu.region"() ({
      %run_scoped3A = tpu.sem_alloc : memref<!tpu.dma_semaphore, #tpu.memory_space<semaphore_mem>>
      %dma_start3A_33 = arith.constant 0 : i32
      %dma_start3A_34 = tpu.memref_slice %arg4[%arg0, %mul3A_4, %dma_start3A_33] : memref<2x2528x128xi32, #tpu.memory_space<hbm>> -> memref<1x158x128xi32, #tpu.memory_space<hbm>>
      %dma_start3A_35 = tpu.memref_squeeze %dma_start3A_34 : memref<1x158x128xi32, #tpu.memory_space<hbm>> -> memref<158x128xi32, #tpu.memory_space<hbm>>
      %dma_start3A_36 = arith.constant 0 : i32
      %dma_start3A_37 = tpu.memref_slice %arg4[%arg0, %mul3A_4, %dma_start3A_36] : memref<2x2528x128xi32, #tpu.memory_space<hbm>> -> memref<1x158x128xi32, #tpu.memory_space<hbm>>
      %dma_start3A_38 = tpu.memref_squeeze %dma_start3A_37 : memref<1x158x128xi32, #tpu.memory_space<hbm>> -> memref<158x128xi32, #tpu.memory_space<hbm>>
      tpu.enqueue_dma source(%dma_start3A_38 : memref<158x128xi32, #tpu.memory_space<hbm>>) target(%arg9 : memref<158x128xi32, #tpu.memory_space<vmem>>) target_semaphore(%run_scoped3A : memref<!tpu.dma_semaphore, #tpu.memory_space<semaphore_mem>>)
      %dma_wait3A_39 = arith.constant 0 : i32
      %dma_wait3A_40 = tpu.memref_slice %arg4[%arg0, %mul3A_4, %dma_wait3A_39] : memref<2x2528x128xi32, #tpu.memory_space<hbm>> -> memref<1x158x128xi32, #tpu.memory_space<hbm>>
      %dma_wait3A_41 = tpu.memref_squeeze %dma_wait3A_40 : memref<1x158x128xi32, #tpu.memory_space<hbm>> -> memref<158x128xi32, #tpu.memory_space<hbm>>
      %dma_wait3A_42 = arith.constant 0 : i32
      %dma_wait3A_43 = tpu.memref_slice %arg4[%arg0, %mul3A_4, %dma_wait3A_42] : memref<2x2528x128xi32, #tpu.memory_space<hbm>> -> memref<1x158x128xi32, #tpu.memory_space<hbm>>
      %dma_wait3A_44 = tpu.memref_squeeze %dma_wait3A_43 : memref<1x158x128xi32, #tpu.memory_space<hbm>> -> memref<158x128xi32, #tpu.memory_space<hbm>>
      tpu.wait_dma2 semaphore(%run_scoped3A : memref<!tpu.dma_semaphore, #tpu.memory_space<semaphore_mem>>) src(%dma_wait3A_44 : memref<158x128xi32, #tpu.memory_space<hbm>>) dst(%arg9 : memref<158x128xi32, #tpu.memory_space<vmem>>)
      tpu.yield
    }) : () -> ()
    %barrier3A = arith.constant 0 : index
    tpu.barrier barrier_id(%barrier3A)
    %dma_start3A = arith.constant 0 : i32
    %dma_start3A_5 = arith.constant 0 : i32
    %dma_start3A_6 = arith.constant 0 : i32
    %dma_start3A_7 = arith.constant 0 : i32
    %dma_start3A_8 = tpu.memref_slice %arg10[%dma_start3A_5, %dma_start3A_6, %dma_start3A_7] : memref<2x128x64xf32, #tpu.memory_space<vmem>> -> memref<1x128x64xf32, #tpu.memory_space<vmem>>
    %dma_start3A_9 = tpu.memref_squeeze %dma_start3A_8 : memref<1x128x64xf32, #tpu.memory_space<vmem>> -> memref<128x64xf32, #tpu.memory_space<vmem>>
    %dma_start3A_10 = arith.constant 0 : i32
    %dma_start3A_11 = tpu.memref_slice %arg8[%dma_start3A, %dma_start3A_10] : memref<158x128xi32, #tpu.memory_space<vmem>> -> memref<1x128xi32, #tpu.memory_space<vmem>>
    %dma_start3A_12 = tpu.memref_squeeze %dma_start3A_11 : memref<1x128xi32, #tpu.memory_space<vmem>> -> memref<128xi32, #tpu.memory_space<vmem>>
    %dma_start3A_13 = arith.constant 0 : i32
    %dma_start3A_14 = arith.constant 0 : i32
    %dma_start3A_15 = tpu.memref_slice %arg2[%dma_start3A_13, %dma_start3A_14] : memref<20000x64xf32, #tpu.memory_space<hbm>> -> memref<20000x64xf32, #tpu.memory_space<hbm>>
    tpu.enqueue_indirect_dma source(%dma_start3A_15 : memref<20000x64xf32, #tpu.memory_space<hbm>>) target(%dma_start3A_9 : memref<128x64xf32, #tpu.memory_space<vmem>>) offsets(%dma_start3A_12 : memref<128xi32, #tpu.memory_space<vmem>>) semaphore(%arg11 : memref<!tpu.dma_semaphore, #tpu.memory_space<semaphore_mem>>)
    %scan3A = arith.constant 0 : i32
    %scan3A_16 = arith.constant 0 : i32
    %scan3A_17 = arith.constant 79 : i32
    %scan3A_18 = arith.addi %scan3A_16, %scan3A_17 : i32
    %scan3A_19 = arith.constant 1 : i32
    scf.for %scan3A_33 = %scan3A_16 to %scan3A_18 step %scan3A_19  : i32 {
      %mul3A_34 = arith.constant 2 : i32
      %mul3A_35 = arith.muli %mul3A_34, %scan3A_33 : i32
      %add3A = arith.constant 1 : i32
      %add3A_36 = arith.addi %mul3A_35, %add3A : i32
      %dma_wait3A_37 = arith.constant 0 : i32
      %dma_wait3A_38 = arith.constant 0 : i32
      %dma_wait3A_39 = arith.constant 0 : i32
      %dma_wait3A_40 = arith.constant 0 : i32
      %dma_wait3A_41 = tpu.memref_slice %arg10[%dma_wait3A_38, %dma_wait3A_39, %dma_wait3A_40] : memref<2x128x64xf32, #tpu.memory_space<vmem>> -> memref<1x128x64xf32, #tpu.memory_space<vmem>>
      %dma_wait3A_42 = tpu.memref_squeeze %dma_wait3A_41 : memref<1x128x64xf32, #tpu.memory_space<vmem>> -> memref<128x64xf32, #tpu.memory_space<vmem>>
      %dma_wait3A_43 = arith.constant 0 : i32
      %dma_wait3A_44 = tpu.memref_slice %arg8[%dma_wait3A_37, %dma_wait3A_43] : memref<158x128xi32, #tpu.memory_space<vmem>> -> memref<1x128xi32, #tpu.memory_space<vmem>>
      %dma_wait3A_45 = tpu.memref_squeeze %dma_wait3A_44 : memref<1x128xi32, #tpu.memory_space<vmem>> -> memref<128xi32, #tpu.memory_space<vmem>>
      %dma_wait3A_46 = arith.constant 0 : i32
      %dma_wait3A_47 = arith.constant 0 : i32
      %dma_wait3A_48 = tpu.memref_slice %arg2[%dma_wait3A_46, %dma_wait3A_47] : memref<20000x64xf32, #tpu.memory_space<hbm>> -> memref<20000x64xf32, #tpu.memory_space<hbm>>
      tpu.wait_indirect_dma semaphore(%arg11 : memref<!tpu.dma_semaphore, #tpu.memory_space<semaphore_mem>>) src(%dma_wait3A_48 : memref<20000x64xf32, #tpu.memory_space<hbm>>) dst(%dma_wait3A_42 : memref<128x64xf32, #tpu.memory_space<vmem>>)
      %gt3A = arith.constant 0 : i32
      %gt3A_49 = arith.cmpi sgt, %scan3A_33, %gt3A : i32
      %convert_element_type3A = arith.extui %gt3A_49 : i1 to i32
      %cond3A = arith.constant 0 : i32
      %cond3A_50 = arith.cmpi ne, %convert_element_type3A, %cond3A : i32
      scf.if %cond3A_50 {
        %sub3A = arith.constant 2 : i32
        %sub3A_113 = arith.subi %add3A_36, %sub3A : i32
        %dma_wait3A_114 = arith.constant 1 : i32
        %dma_wait3A_115 = arith.constant 0 : i32
        %dma_wait3A_116 = arith.constant 0 : i32
        %dma_wait3A_117 = tpu.memref_slice %arg10[%dma_wait3A_114, %dma_wait3A_115, %dma_wait3A_116] : memref<2x128x64xf32, #tpu.memory_space<vmem>> -> memref<1x128x64xf32, #tpu.memory_space<vmem>>
        %dma_wait3A_118 = tpu.memref_squeeze %dma_wait3A_117 : memref<1x128x64xf32, #tpu.memory_space<vmem>> -> memref<128x64xf32, #tpu.memory_space<vmem>>
        %dma_wait3A_119 = arith.constant 0 : i32
        %dma_wait3A_120 = tpu.memref_slice %arg9[%sub3A_113, %dma_wait3A_119] : memref<158x128xi32, #tpu.memory_space<vmem>> -> memref<1x128xi32, #tpu.memory_space<vmem>>
        %dma_wait3A_121 = tpu.memref_squeeze %dma_wait3A_120 : memref<1x128xi32, #tpu.memory_space<vmem>> -> memref<128xi32, #tpu.memory_space<vmem>>
        %dma_wait3A_122 = arith.constant 0 : i32
        %dma_wait3A_123 = arith.constant 0 : i32
        %dma_wait3A_124 = tpu.memref_slice %arg7[%dma_wait3A_122, %dma_wait3A_123] : memref<10240x64xf32, #tpu.memory_space<vmem_shared>> -> memref<10240x64xf32, #tpu.memory_space<vmem_shared>>
        tpu.wait_indirect_dma semaphore(%arg12 : memref<!tpu.dma_semaphore, #tpu.memory_space<semaphore_mem>>) src(%dma_wait3A_118 : memref<128x64xf32, #tpu.memory_space<vmem>>) dst(%dma_wait3A_124 : memref<10240x64xf32, #tpu.memory_space<vmem_shared>>)
      } else {
      }
      %dma_start3A_51 = arith.constant 1 : i32
      %dma_start3A_52 = arith.constant 0 : i32
      %dma_start3A_53 = arith.constant 0 : i32
      %dma_start3A_54 = tpu.memref_slice %arg10[%dma_start3A_51, %dma_start3A_52, %dma_start3A_53] : memref<2x128x64xf32, #tpu.memory_space<vmem>> -> memref<1x128x64xf32, #tpu.memory_space<vmem>>
      %dma_start3A_55 = tpu.memref_squeeze %dma_start3A_54 : memref<1x128x64xf32, #tpu.memory_space<vmem>> -> memref<128x64xf32, #tpu.memory_space<vmem>>
      %dma_start3A_56 = arith.constant 0 : i32
      %dma_start3A_57 = tpu.memref_slice %arg8[%add3A_36, %dma_start3A_56] : memref<158x128xi32, #tpu.memory_space<vmem>> -> memref<1x128xi32, #tpu.memory_space<vmem>>
      %dma_start3A_58 = tpu.memref_squeeze %dma_start3A_57 : memref<1x128xi32, #tpu.memory_space<vmem>> -> memref<128xi32, #tpu.memory_space<vmem>>
      %dma_start3A_59 = arith.constant 0 : i32
      %dma_start3A_60 = arith.constant 0 : i32
      %dma_start3A_61 = tpu.memref_slice %arg2[%dma_start3A_59, %dma_start3A_60] : memref<20000x64xf32, #tpu.memory_space<hbm>> -> memref<20000x64xf32, #tpu.memory_space<hbm>>
      tpu.enqueue_indirect_dma source(%dma_start3A_61 : memref<20000x64xf32, #tpu.memory_space<hbm>>) target(%dma_start3A_55 : memref<128x64xf32, #tpu.memory_space<vmem>>) offsets(%dma_start3A_58 : memref<128xi32, #tpu.memory_space<vmem>>) semaphore(%arg11 : memref<!tpu.dma_semaphore, #tpu.memory_space<semaphore_mem>>)
      %dma_start3A_62 = arith.constant 0 : i32
      %dma_start3A_63 = arith.constant 0 : i32
      %dma_start3A_64 = arith.constant 0 : i32
      %dma_start3A_65 = tpu.memref_slice %arg10[%dma_start3A_62, %dma_start3A_63, %dma_start3A_64] : memref<2x128x64xf32, #tpu.memory_space<vmem>> -> memref<1x128x64xf32, #tpu.memory_space<vmem>>
      %dma_start3A_66 = tpu.memref_squeeze %dma_start3A_65 : memref<1x128x64xf32, #tpu.memory_space<vmem>> -> memref<128x64xf32, #tpu.memory_space<vmem>>
      %dma_start3A_67 = arith.constant 0 : i32
      %dma_start3A_68 = tpu.memref_slice %arg9[%mul3A_35, %dma_start3A_67] : memref<158x128xi32, #tpu.memory_space<vmem>> -> memref<1x128xi32, #tpu.memory_space<vmem>>
      %dma_start3A_69 = tpu.memref_squeeze %dma_start3A_68 : memref<1x128xi32, #tpu.memory_space<vmem>> -> memref<128xi32, #tpu.memory_space<vmem>>
      %dma_start3A_70 = arith.constant 0 : i32
      %dma_start3A_71 = arith.constant 0 : i32
      %dma_start3A_72 = tpu.memref_slice %arg7[%dma_start3A_70, %dma_start3A_71] : memref<10240x64xf32, #tpu.memory_space<vmem_shared>> -> memref<10240x64xf32, #tpu.memory_space<vmem_shared>>
      tpu.enqueue_indirect_dma source(%dma_start3A_66 : memref<128x64xf32, #tpu.memory_space<vmem>>) target(%dma_start3A_72 : memref<10240x64xf32, #tpu.memory_space<vmem_shared>>) offsets(%dma_start3A_69 : memref<128xi32, #tpu.memory_space<vmem>>) semaphore(%arg12 : memref<!tpu.dma_semaphore, #tpu.memory_space<semaphore_mem>>) {add = true}
      %dma_wait3A_73 = arith.constant 0 : i32
      %dma_wait3A_74 = arith.constant 1 : i32
      %dma_wait3A_75 = arith.constant 0 : i32
      %dma_wait3A_76 = arith.constant 0 : i32
      %dma_wait3A_77 = tpu.memref_slice %arg10[%dma_wait3A_74, %dma_wait3A_75, %dma_wait3A_76] : memref<2x128x64xf32, #tpu.memory_space<vmem>> -> memref<1x128x64xf32, #tpu.memory_space<vmem>>
      %dma_wait3A_78 = tpu.memref_squeeze %dma_wait3A_77 : memref<1x128x64xf32, #tpu.memory_space<vmem>> -> memref<128x64xf32, #tpu.memory_space<vmem>>
      %dma_wait3A_79 = arith.constant 0 : i32
      %dma_wait3A_80 = tpu.memref_slice %arg8[%dma_wait3A_73, %dma_wait3A_79] : memref<158x128xi32, #tpu.memory_space<vmem>> -> memref<1x128xi32, #tpu.memory_space<vmem>>
      %dma_wait3A_81 = tpu.memref_squeeze %dma_wait3A_80 : memref<1x128xi32, #tpu.memory_space<vmem>> -> memref<128xi32, #tpu.memory_space<vmem>>
      %dma_wait3A_82 = arith.constant 0 : i32
      %dma_wait3A_83 = arith.constant 0 : i32
      %dma_wait3A_84 = tpu.memref_slice %arg2[%dma_wait3A_82, %dma_wait3A_83] : memref<20000x64xf32, #tpu.memory_space<hbm>> -> memref<20000x64xf32, #tpu.memory_space<hbm>>
      tpu.wait_indirect_dma semaphore(%arg11 : memref<!tpu.dma_semaphore, #tpu.memory_space<semaphore_mem>>) src(%dma_wait3A_84 : memref<20000x64xf32, #tpu.memory_space<hbm>>) dst(%dma_wait3A_78 : memref<128x64xf32, #tpu.memory_space<vmem>>)
      %dma_wait3A_85 = arith.constant 0 : i32
      %dma_wait3A_86 = arith.constant 0 : i32
      %dma_wait3A_87 = arith.constant 0 : i32
      %dma_wait3A_88 = tpu.memref_slice %arg10[%dma_wait3A_85, %dma_wait3A_86, %dma_wait3A_87] : memref<2x128x64xf32, #tpu.memory_space<vmem>> -> memref<1x128x64xf32, #tpu.memory_space<vmem>>
      %dma_wait3A_89 = tpu.memref_squeeze %dma_wait3A_88 : memref<1x128x64xf32, #tpu.memory_space<vmem>> -> memref<128x64xf32, #tpu.memory_space<vmem>>
      %dma_wait3A_90 = arith.constant 0 : i32
      %dma_wait3A_91 = tpu.memref_slice %arg9[%mul3A_35, %dma_wait3A_90] : memref<158x128xi32, #tpu.memory_space<vmem>> -> memref<1x128xi32, #tpu.memory_space<vmem>>
      %dma_wait3A_92 = tpu.memref_squeeze %dma_wait3A_91 : memref<1x128xi32, #tpu.memory_space<vmem>> -> memref<128xi32, #tpu.memory_space<vmem>>
      %dma_wait3A_93 = arith.constant 0 : i32
      %dma_wait3A_94 = arith.constant 0 : i32
      %dma_wait3A_95 = tpu.memref_slice %arg7[%dma_wait3A_93, %dma_wait3A_94] : memref<10240x64xf32, #tpu.memory_space<vmem_shared>> -> memref<10240x64xf32, #tpu.memory_space<vmem_shared>>
      tpu.wait_indirect_dma semaphore(%arg12 : memref<!tpu.dma_semaphore, #tpu.memory_space<semaphore_mem>>) src(%dma_wait3A_89 : memref<128x64xf32, #tpu.memory_space<vmem>>) dst(%dma_wait3A_95 : memref<10240x64xf32, #tpu.memory_space<vmem_shared>>)
      %add3A_96 = arith.constant 1 : i32
      %add3A_97 = arith.addi %scan3A_33, %add3A_96 : i32
      %lt3A = arith.constant 79 : i32
      %lt3A_98 = arith.cmpi slt, %add3A_97, %lt3A : i32
      %convert_element_type3A_99 = arith.extui %lt3A_98 : i1 to i32
      %cond3A_100 = arith.constant 0 : i32
      %cond3A_101 = arith.cmpi ne, %convert_element_type3A_99, %cond3A_100 : i32
      scf.if %cond3A_101 {
        %add3A_113 = arith.constant 2 : i32
        %add3A_114 = arith.addi %mul3A_35, %add3A_113 : i32
        %dma_start3A_115 = arith.constant 0 : i32
        %dma_start3A_116 = arith.constant 0 : i32
        %dma_start3A_117 = arith.constant 0 : i32
        %dma_start3A_118 = tpu.memref_slice %arg10[%dma_start3A_115, %dma_start3A_116, %dma_start3A_117] : memref<2x128x64xf32, #tpu.memory_space<vmem>> -> memref<1x128x64xf32, #tpu.memory_space<vmem>>
        %dma_start3A_119 = tpu.memref_squeeze %dma_start3A_118 : memref<1x128x64xf32, #tpu.memory_space<vmem>> -> memref<128x64xf32, #tpu.memory_space<vmem>>
        %dma_start3A_120 = arith.constant 0 : i32
        %dma_start3A_121 = tpu.memref_slice %arg8[%add3A_114, %dma_start3A_120] : memref<158x128xi32, #tpu.memory_space<vmem>> -> memref<1x128xi32, #tpu.memory_space<vmem>>
        %dma_start3A_122 = tpu.memref_squeeze %dma_start3A_121 : memref<1x128xi32, #tpu.memory_space<vmem>> -> memref<128xi32, #tpu.memory_space<vmem>>
        %dma_start3A_123 = arith.constant 0 : i32
        %dma_start3A_124 = arith.constant 0 : i32
        %dma_start3A_125 = tpu.memref_slice %arg2[%dma_start3A_123, %dma_start3A_124] : memref<20000x64xf32, #tpu.memory_space<hbm>> -> memref<20000x64xf32, #tpu.memory_space<hbm>>
        tpu.enqueue_indirect_dma source(%dma_start3A_125 : memref<20000x64xf32, #tpu.memory_space<hbm>>) target(%dma_start3A_119 : memref<128x64xf32, #tpu.memory_space<vmem>>) offsets(%dma_start3A_122 : memref<128xi32, #tpu.memory_space<vmem>>) semaphore(%arg11 : memref<!tpu.dma_semaphore, #tpu.memory_space<semaphore_mem>>)
      } else {
      }
      %dma_start3A_102 = arith.constant 1 : i32
      %dma_start3A_103 = arith.constant 0 : i32
      %dma_start3A_104 = arith.constant 0 : i32
      %dma_start3A_105 = tpu.memref_slice %arg10[%dma_start3A_102, %dma_start3A_103, %dma_start3A_104] : memref<2x128x64xf32, #tpu.memory_space<vmem>> -> memref<1x128x64xf32, #tpu.memory_space<vmem>>
      %dma_start3A_106 = tpu.memref_squeeze %dma_start3A_105 : memref<1x128x64xf32, #tpu.memory_space<vmem>> -> memref<128x64xf32, #tpu.memory_space<vmem>>
      %dma_start3A_107 = arith.constant 0 : i32
      %dma_start3A_108 = tpu.memref_slice %arg9[%add3A_36, %dma_start3A_107] : memref<158x128xi32, #tpu.memory_space<vmem>> -> memref<1x128xi32, #tpu.memory_space<vmem>>
      %dma_start3A_109 = tpu.memref_squeeze %dma_start3A_108 : memref<1x128xi32, #tpu.memory_space<vmem>> -> memref<128xi32, #tpu.memory_space<vmem>>
      %dma_start3A_110 = arith.constant 0 : i32
      %dma_start3A_111 = arith.constant 0 : i32
      %dma_start3A_112 = tpu.memref_slice %arg7[%dma_start3A_110, %dma_start3A_111] : memref<10240x64xf32, #tpu.memory_space<vmem_shared>> -> memref<10240x64xf32, #tpu.memory_space<vmem_shared>>
      tpu.enqueue_indirect_dma source(%dma_start3A_106 : memref<128x64xf32, #tpu.memory_space<vmem>>) target(%dma_start3A_112 : memref<10240x64xf32, #tpu.memory_space<vmem_shared>>) offsets(%dma_start3A_109 : memref<128xi32, #tpu.memory_space<vmem>>) semaphore(%arg12 : memref<!tpu.dma_semaphore, #tpu.memory_space<semaphore_mem>>) {add = true}
    }
    %scan3A_20 = arith.constant 79 : i32
    %dma_wait3A = arith.constant 1 : i32
    %dma_wait3A_21 = arith.constant 157 : i32
    %dma_wait3A_22 = arith.constant 0 : i32
    %dma_wait3A_23 = arith.constant 0 : i32
    %dma_wait3A_24 = tpu.memref_slice %arg10[%dma_wait3A, %dma_wait3A_22, %dma_wait3A_23] : memref<2x128x64xf32, #tpu.memory_space<vmem>> -> memref<1x128x64xf32, #tpu.memory_space<vmem>>
    %dma_wait3A_25 = tpu.memref_squeeze %dma_wait3A_24 : memref<1x128x64xf32, #tpu.memory_space<vmem>> -> memref<128x64xf32, #tpu.memory_space<vmem>>
    %dma_wait3A_26 = arith.constant 0 : i32
    %dma_wait3A_27 = tpu.memref_slice %arg9[%dma_wait3A_21, %dma_wait3A_26] : memref<158x128xi32, #tpu.memory_space<vmem>> -> memref<1x128xi32, #tpu.memory_space<vmem>>
    %dma_wait3A_28 = tpu.memref_squeeze %dma_wait3A_27 : memref<1x128xi32, #tpu.memory_space<vmem>> -> memref<128xi32, #tpu.memory_space<vmem>>
    %dma_wait3A_29 = arith.constant 0 : i32
    %dma_wait3A_30 = arith.constant 0 : i32
    %dma_wait3A_31 = tpu.memref_slice %arg7[%dma_wait3A_29, %dma_wait3A_30] : memref<10240x64xf32, #tpu.memory_space<vmem_shared>> -> memref<10240x64xf32, #tpu.memory_space<vmem_shared>>
    tpu.wait_indirect_dma semaphore(%arg12 : memref<!tpu.dma_semaphore, #tpu.memory_space<semaphore_mem>>) src(%dma_wait3A_25 : memref<128x64xf32, #tpu.memory_space<vmem>>) dst(%dma_wait3A_31 : memref<10240x64xf32, #tpu.memory_space<vmem_shared>>)
    %barrier3A_32 = arith.constant 0 : index
    tpu.barrier barrier_id(%barrier3A_32)
    "tpu.region"() ({
      %run_scoped3A = tpu.sem_alloc : memref<!tpu.dma_semaphore, #tpu.memory_space<semaphore_mem>>
      %dma_start3A_33 = arith.constant 0 : i32
      %dma_start3A_34 = tpu.memref_slice %arg6[%arg0, %mul3A_0, %dma_start3A_33] : memref<2x10240x64xf32, #tpu.memory_space<hbm>> -> memref<1x640x64xf32, #tpu.memory_space<hbm>>
      %dma_start3A_35 = tpu.memref_squeeze %dma_start3A_34 : memref<1x640x64xf32, #tpu.memory_space<hbm>> -> memref<640x64xf32, #tpu.memory_space<hbm>>
      %dma_start3A_36 = arith.constant 0 : i32
      %dma_start3A_37 = tpu.memref_slice %arg7[%mul3A_0, %dma_start3A_36] : memref<10240x64xf32, #tpu.memory_space<vmem_shared>> -> memref<640x64xf32, #tpu.memory_space<vmem_shared>>
      tpu.enqueue_dma source(%dma_start3A_37 : memref<640x64xf32, #tpu.memory_space<vmem_shared>>) target(%dma_start3A_35 : memref<640x64xf32, #tpu.memory_space<hbm>>) target_semaphore(%run_scoped3A : memref<!tpu.dma_semaphore, #tpu.memory_space<semaphore_mem>>)
      %dma_wait3A_38 = arith.constant 0 : i32
      %dma_wait3A_39 = tpu.memref_slice %arg6[%arg0, %mul3A_0, %dma_wait3A_38] : memref<2x10240x64xf32, #tpu.memory_space<hbm>> -> memref<1x640x64xf32, #tpu.memory_space<hbm>>
      %dma_wait3A_40 = tpu.memref_squeeze %dma_wait3A_39 : memref<1x640x64xf32, #tpu.memory_space<hbm>> -> memref<640x64xf32, #tpu.memory_space<hbm>>
      %dma_wait3A_41 = arith.constant 0 : i32
      %dma_wait3A_42 = tpu.memref_slice %arg7[%mul3A_0, %dma_wait3A_41] : memref<10240x64xf32, #tpu.memory_space<vmem_shared>> -> memref<640x64xf32, #tpu.memory_space<vmem_shared>>
      tpu.wait_dma2 semaphore(%run_scoped3A : memref<!tpu.dma_semaphore, #tpu.memory_space<semaphore_mem>>) src(%dma_wait3A_42 : memref<640x64xf32, #tpu.memory_space<vmem_shared>>) dst(%dma_wait3A_40 : memref<640x64xf32, #tpu.memory_space<hbm>>)
      tpu.yield
    }) : () -> ()
    return
  }
}

#map = affine_map<(d0, d1) -> (0, 0)>
#map1 = affine_map<(d0, d1) -> (0, 0, 0)>
module attributes {stable_mosaic.version = 14 : i64} {
  func.func @_sc_scatter_body(%arg0: i32, %arg1: i32, %arg2: memref<20000x64xf32, #tpu.memory_space<hbm>>, %arg3: memref<2x2528x128xi32, #tpu.memory_space<hbm>>, %arg4: memref<2x2528x128xi32, #tpu.memory_space<hbm>>, %arg5: memref<10240x64xf32, #tpu.memory_space<hbm>>, %arg6: memref<2x10240x64xf32, #tpu.memory_space<hbm>>, %arg7: memref<10240x64xf32, #tpu.memory_space<vmem_shared>>, %arg8: memref<158x128xi32, #tpu.memory_space<vmem>>, %arg9: memref<158x128xi32, #tpu.memory_space<vmem>>, %arg10: memref<2x128x64xf32, #tpu.memory_space<vmem>>, %arg11: memref<!tpu.dma_semaphore, #tpu.memory_space<semaphore_mem>>, %arg12: memref<!tpu.dma_semaphore, #tpu.memory_space<semaphore_mem>>) attributes {dimension_semantics = [#tpu.dimension_semantics<core_parallel>, #tpu.dimension_semantics<subcore_parallel>], iteration_bounds = array<i64: 2, 16>, scalar_prefetch = 0 : i64, scratch_operands = 6 : i64, tpu.core_type = #tpu.core_type<sc_vector_subcore>, window_params = [{transform_indices = #map}, {transform_indices = #map1}, {transform_indices = #map1}, {transform_indices = #map}, {transform_indices = #map1}]} {
    %mul3A = arith.constant 640 : i32
    %mul3A_0 = arith.muli %arg1, %mul3A : i32
    "tpu.region"() ({
      %run_scoped3A = tpu.sem_alloc : memref<!tpu.dma_semaphore, #tpu.memory_space<semaphore_mem>>
      %dma_start3A_33 = arith.constant 0 : i32
      %dma_start3A_34 = tpu.memref_slice %arg7[%mul3A_0, %dma_start3A_33] : memref<10240x64xf32, #tpu.memory_space<vmem_shared>> -> memref<640x64xf32, #tpu.memory_space<vmem_shared>>
      %dma_start3A_35 = arith.constant 0 : i32
      %dma_start3A_36 = tpu.memref_slice %arg5[%mul3A_0, %dma_start3A_35] : memref<10240x64xf32, #tpu.memory_space<hbm>> -> memref<640x64xf32, #tpu.memory_space<hbm>>
      tpu.enqueue_dma source(%dma_start3A_36 : memref<640x64xf32, #tpu.memory_space<hbm>>) target(%dma_start3A_34 : memref<640x64xf32, #tpu.memory_space<vmem_shared>>) target_semaphore(%run_scoped3A : memref<!tpu.dma_semaphore, #tpu.memory_space<semaphore_mem>>)
      %dma_wait3A_37 = arith.constant 0 : i32
      %dma_wait3A_38 = tpu.memref_slice %arg7[%mul3A_0, %dma_wait3A_37] : memref<10240x64xf32, #tpu.memory_space<vmem_shared>> -> memref<640x64xf32, #tpu.memory_space<vmem_shared>>
      %dma_wait3A_39 = arith.constant 0 : i32
      %dma_wait3A_40 = tpu.memref_slice %arg5[%mul3A_0, %dma_wait3A_39] : memref<10240x64xf32, #tpu.memory_space<hbm>> -> memref<640x64xf32, #tpu.memory_space<hbm>>
      tpu.wait_dma2 semaphore(%run_scoped3A : memref<!tpu.dma_semaphore, #tpu.memory_space<semaphore_mem>>) src(%dma_wait3A_40 : memref<640x64xf32, #tpu.memory_space<hbm>>) dst(%dma_wait3A_38 : memref<640x64xf32, #tpu.memory_space<vmem_shared>>)
      tpu.yield
    }) : () -> ()
    %mul3A_1 = arith.constant 158 : i32
    %mul3A_2 = arith.muli %arg1, %mul3A_1 : i32
    "tpu.region"() ({
      %run_scoped3A = tpu.sem_alloc : memref<!tpu.dma_semaphore, #tpu.memory_space<semaphore_mem>>
      %dma_start3A_33 = arith.constant 0 : i32
      %dma_start3A_34 = tpu.memref_slice %arg3[%arg0, %mul3A_2, %dma_start3A_33] : memref<2x2528x128xi32, #tpu.memory_space<hbm>> -> memref<1x158x128xi32, #tpu.memory_space<hbm>>
      %dma_start3A_35 = tpu.memref_squeeze %dma_start3A_34 : memref<1x158x128xi32, #tpu.memory_space<hbm>> -> memref<158x128xi32, #tpu.memory_space<hbm>>
      %dma_start3A_36 = arith.constant 0 : i32
      %dma_start3A_37 = tpu.memref_slice %arg3[%arg0, %mul3A_2, %dma_start3A_36] : memref<2x2528x128xi32, #tpu.memory_space<hbm>> -> memref<1x158x128xi32, #tpu.memory_space<hbm>>
      %dma_start3A_38 = tpu.memref_squeeze %dma_start3A_37 : memref<1x158x128xi32, #tpu.memory_space<hbm>> -> memref<158x128xi32, #tpu.memory_space<hbm>>
      tpu.enqueue_dma source(%dma_start3A_38 : memref<158x128xi32, #tpu.memory_space<hbm>>) target(%arg8 : memref<158x128xi32, #tpu.memory_space<vmem>>) target_semaphore(%run_scoped3A : memref<!tpu.dma_semaphore, #tpu.memory_space<semaphore_mem>>)
      %dma_wait3A_39 = arith.constant 0 : i32
      %dma_wait3A_40 = tpu.memref_slice %arg3[%arg0, %mul3A_2, %dma_wait3A_39] : memref<2x2528x128xi32, #tpu.memory_space<hbm>> -> memref<1x158x128xi32, #tpu.memory_space<hbm>>
      %dma_wait3A_41 = tpu.memref_squeeze %dma_wait3A_40 : memref<1x158x128xi32, #tpu.memory_space<hbm>> -> memref<158x128xi32, #tpu.memory_space<hbm>>
      %dma_wait3A_42 = arith.constant 0 : i32
      %dma_wait3A_43 = tpu.memref_slice %arg3[%arg0, %mul3A_2, %dma_wait3A_42] : memref<2x2528x128xi32, #tpu.memory_space<hbm>> -> memref<1x158x128xi32, #tpu.memory_space<hbm>>
      %dma_wait3A_44 = tpu.memref_squeeze %dma_wait3A_43 : memref<1x158x128xi32, #tpu.memory_space<hbm>> -> memref<158x128xi32, #tpu.memory_space<hbm>>
      tpu.wait_dma2 semaphore(%run_scoped3A : memref<!tpu.dma_semaphore, #tpu.memory_space<semaphore_mem>>) src(%dma_wait3A_44 : memref<158x128xi32, #tpu.memory_space<hbm>>) dst(%arg8 : memref<158x128xi32, #tpu.memory_space<vmem>>)
      tpu.yield
    }) : () -> ()
    %mul3A_3 = arith.constant 158 : i32
    %mul3A_4 = arith.muli %arg1, %mul3A_3 : i32
    "tpu.region"() ({
      %run_scoped3A = tpu.sem_alloc : memref<!tpu.dma_semaphore, #tpu.memory_space<semaphore_mem>>
      %dma_start3A_33 = arith.constant 0 : i32
      %dma_start3A_34 = tpu.memref_slice %arg4[%arg0, %mul3A_4, %dma_start3A_33] : memref<2x2528x128xi32, #tpu.memory_space<hbm>> -> memref<1x158x128xi32, #tpu.memory_space<hbm>>
      %dma_start3A_35 = tpu.memref_squeeze %dma_start3A_34 : memref<1x158x128xi32, #tpu.memory_space<hbm>> -> memref<158x128xi32, #tpu.memory_space<hbm>>
      %dma_start3A_36 = arith.constant 0 : i32
      %dma_start3A_37 = tpu.memref_slice %arg4[%arg0, %mul3A_4, %dma_start3A_36] : memref<2x2528x128xi32, #tpu.memory_space<hbm>> -> memref<1x158x128xi32, #tpu.memory_space<hbm>>
      %dma_start3A_38 = tpu.memref_squeeze %dma_start3A_37 : memref<1x158x128xi32, #tpu.memory_space<hbm>> -> memref<158x128xi32, #tpu.memory_space<hbm>>
      tpu.enqueue_dma source(%dma_start3A_38 : memref<158x128xi32, #tpu.memory_space<hbm>>) target(%arg9 : memref<158x128xi32, #tpu.memory_space<vmem>>) target_semaphore(%run_scoped3A : memref<!tpu.dma_semaphore, #tpu.memory_space<semaphore_mem>>)
      %dma_wait3A_39 = arith.constant 0 : i32
      %dma_wait3A_40 = tpu.memref_slice %arg4[%arg0, %mul3A_4, %dma_wait3A_39] : memref<2x2528x128xi32, #tpu.memory_space<hbm>> -> memref<1x158x128xi32, #tpu.memory_space<hbm>>
      %dma_wait3A_41 = tpu.memref_squeeze %dma_wait3A_40 : memref<1x158x128xi32, #tpu.memory_space<hbm>> -> memref<158x128xi32, #tpu.memory_space<hbm>>
      %dma_wait3A_42 = arith.constant 0 : i32
      %dma_wait3A_43 = tpu.memref_slice %arg4[%arg0, %mul3A_4, %dma_wait3A_42] : memref<2x2528x128xi32, #tpu.memory_space<hbm>> -> memref<1x158x128xi32, #tpu.memory_space<hbm>>
      %dma_wait3A_44 = tpu.memref_squeeze %dma_wait3A_43 : memref<1x158x128xi32, #tpu.memory_space<hbm>> -> memref<158x128xi32, #tpu.memory_space<hbm>>
      tpu.wait_dma2 semaphore(%run_scoped3A : memref<!tpu.dma_semaphore, #tpu.memory_space<semaphore_mem>>) src(%dma_wait3A_44 : memref<158x128xi32, #tpu.memory_space<hbm>>) dst(%arg9 : memref<158x128xi32, #tpu.memory_space<vmem>>)
      tpu.yield
    }) : () -> ()
    %barrier3A = arith.constant 0 : index
    tpu.barrier barrier_id(%barrier3A)
    %dma_start3A = arith.constant 0 : i32
    %dma_start3A_5 = arith.constant 0 : i32
    %dma_start3A_6 = arith.constant 0 : i32
    %dma_start3A_7 = arith.constant 0 : i32
    %dma_start3A_8 = tpu.memref_slice %arg10[%dma_start3A_5, %dma_start3A_6, %dma_start3A_7] : memref<2x128x64xf32, #tpu.memory_space<vmem>> -> memref<1x128x64xf32, #tpu.memory_space<vmem>>
    %dma_start3A_9 = tpu.memref_squeeze %dma_start3A_8 : memref<1x128x64xf32, #tpu.memory_space<vmem>> -> memref<128x64xf32, #tpu.memory_space<vmem>>
    %dma_start3A_10 = arith.constant 0 : i32
    %dma_start3A_11 = tpu.memref_slice %arg8[%dma_start3A, %dma_start3A_10] : memref<158x128xi32, #tpu.memory_space<vmem>> -> memref<1x128xi32, #tpu.memory_space<vmem>>
    %dma_start3A_12 = tpu.memref_squeeze %dma_start3A_11 : memref<1x128xi32, #tpu.memory_space<vmem>> -> memref<128xi32, #tpu.memory_space<vmem>>
    %dma_start3A_13 = arith.constant 0 : i32
    %dma_start3A_14 = arith.constant 0 : i32
    %dma_start3A_15 = tpu.memref_slice %arg2[%dma_start3A_13, %dma_start3A_14] : memref<20000x64xf32, #tpu.memory_space<hbm>> -> memref<20000x64xf32, #tpu.memory_space<hbm>>
    tpu.enqueue_indirect_dma source(%dma_start3A_15 : memref<20000x64xf32, #tpu.memory_space<hbm>>) target(%dma_start3A_9 : memref<128x64xf32, #tpu.memory_space<vmem>>) offsets(%dma_start3A_12 : memref<128xi32, #tpu.memory_space<vmem>>) semaphore(%arg11 : memref<!tpu.dma_semaphore, #tpu.memory_space<semaphore_mem>>)
    %scan3A = arith.constant 0 : i32
    %scan3A_16 = arith.constant 0 : i32
    %scan3A_17 = arith.constant 79 : i32
    %scan3A_18 = arith.addi %scan3A_16, %scan3A_17 : i32
    %scan3A_19 = arith.constant 1 : i32
    scf.for %scan3A_33 = %scan3A_16 to %scan3A_18 step %scan3A_19  : i32 {
      %mul3A_34 = arith.constant 2 : i32
      %mul3A_35 = arith.muli %mul3A_34, %scan3A_33 : i32
      %add3A = arith.constant 1 : i32
      %add3A_36 = arith.addi %mul3A_35, %add3A : i32
      %dma_wait3A_37 = arith.constant 0 : i32
      %dma_wait3A_38 = arith.constant 0 : i32
      %dma_wait3A_39 = arith.constant 0 : i32
      %dma_wait3A_40 = arith.constant 0 : i32
      %dma_wait3A_41 = tpu.memref_slice %arg10[%dma_wait3A_38, %dma_wait3A_39, %dma_wait3A_40] : memref<2x128x64xf32, #tpu.memory_space<vmem>> -> memref<1x128x64xf32, #tpu.memory_space<vmem>>
      %dma_wait3A_42 = tpu.memref_squeeze %dma_wait3A_41 : memref<1x128x64xf32, #tpu.memory_space<vmem>> -> memref<128x64xf32, #tpu.memory_space<vmem>>
      %dma_wait3A_43 = arith.constant 0 : i32
      %dma_wait3A_44 = tpu.memref_slice %arg8[%dma_wait3A_37, %dma_wait3A_43] : memref<158x128xi32, #tpu.memory_space<vmem>> -> memref<1x128xi32, #tpu.memory_space<vmem>>
      %dma_wait3A_45 = tpu.memref_squeeze %dma_wait3A_44 : memref<1x128xi32, #tpu.memory_space<vmem>> -> memref<128xi32, #tpu.memory_space<vmem>>
      %dma_wait3A_46 = arith.constant 0 : i32
      %dma_wait3A_47 = arith.constant 0 : i32
      %dma_wait3A_48 = tpu.memref_slice %arg2[%dma_wait3A_46, %dma_wait3A_47] : memref<20000x64xf32, #tpu.memory_space<hbm>> -> memref<20000x64xf32, #tpu.memory_space<hbm>>
      tpu.wait_indirect_dma semaphore(%arg11 : memref<!tpu.dma_semaphore, #tpu.memory_space<semaphore_mem>>) src(%dma_wait3A_48 : memref<20000x64xf32, #tpu.memory_space<hbm>>) dst(%dma_wait3A_42 : memref<128x64xf32, #tpu.memory_space<vmem>>)
      %gt3A = arith.constant 0 : i32
      %gt3A_49 = arith.cmpi sgt, %scan3A_33, %gt3A : i32
      %convert_element_type3A = arith.extui %gt3A_49 : i1 to i32
      %cond3A = arith.constant 0 : i32
      %cond3A_50 = arith.cmpi ne, %convert_element_type3A, %cond3A : i32
      scf.if %cond3A_50 {
        %sub3A = arith.constant 2 : i32
        %sub3A_113 = arith.subi %add3A_36, %sub3A : i32
        %dma_wait3A_114 = arith.constant 1 : i32
        %dma_wait3A_115 = arith.constant 0 : i32
        %dma_wait3A_116 = arith.constant 0 : i32
        %dma_wait3A_117 = tpu.memref_slice %arg10[%dma_wait3A_114, %dma_wait3A_115, %dma_wait3A_116] : memref<2x128x64xf32, #tpu.memory_space<vmem>> -> memref<1x128x64xf32, #tpu.memory_space<vmem>>
        %dma_wait3A_118 = tpu.memref_squeeze %dma_wait3A_117 : memref<1x128x64xf32, #tpu.memory_space<vmem>> -> memref<128x64xf32, #tpu.memory_space<vmem>>
        %dma_wait3A_119 = arith.constant 0 : i32
        %dma_wait3A_120 = tpu.memref_slice %arg9[%sub3A_113, %dma_wait3A_119] : memref<158x128xi32, #tpu.memory_space<vmem>> -> memref<1x128xi32, #tpu.memory_space<vmem>>
        %dma_wait3A_121 = tpu.memref_squeeze %dma_wait3A_120 : memref<1x128xi32, #tpu.memory_space<vmem>> -> memref<128xi32, #tpu.memory_space<vmem>>
        %dma_wait3A_122 = arith.constant 0 : i32
        %dma_wait3A_123 = arith.constant 0 : i32
        %dma_wait3A_124 = tpu.memref_slice %arg7[%dma_wait3A_122, %dma_wait3A_123] : memref<10240x64xf32, #tpu.memory_space<vmem_shared>> -> memref<10240x64xf32, #tpu.memory_space<vmem_shared>>
        tpu.wait_indirect_dma semaphore(%arg12 : memref<!tpu.dma_semaphore, #tpu.memory_space<semaphore_mem>>) src(%dma_wait3A_118 : memref<128x64xf32, #tpu.memory_space<vmem>>) dst(%dma_wait3A_124 : memref<10240x64xf32, #tpu.memory_space<vmem_shared>>)
      } else {
      }
      %dma_start3A_51 = arith.constant 1 : i32
      %dma_start3A_52 = arith.constant 0 : i32
      %dma_start3A_53 = arith.constant 0 : i32
      %dma_start3A_54 = tpu.memref_slice %arg10[%dma_start3A_51, %dma_start3A_52, %dma_start3A_53] : memref<2x128x64xf32, #tpu.memory_space<vmem>> -> memref<1x128x64xf32, #tpu.memory_space<vmem>>
      %dma_start3A_55 = tpu.memref_squeeze %dma_start3A_54 : memref<1x128x64xf32, #tpu.memory_space<vmem>> -> memref<128x64xf32, #tpu.memory_space<vmem>>
      %dma_start3A_56 = arith.constant 0 : i32
      %dma_start3A_57 = tpu.memref_slice %arg8[%add3A_36, %dma_start3A_56] : memref<158x128xi32, #tpu.memory_space<vmem>> -> memref<1x128xi32, #tpu.memory_space<vmem>>
      %dma_start3A_58 = tpu.memref_squeeze %dma_start3A_57 : memref<1x128xi32, #tpu.memory_space<vmem>> -> memref<128xi32, #tpu.memory_space<vmem>>
      %dma_start3A_59 = arith.constant 0 : i32
      %dma_start3A_60 = arith.constant 0 : i32
      %dma_start3A_61 = tpu.memref_slice %arg2[%dma_start3A_59, %dma_start3A_60] : memref<20000x64xf32, #tpu.memory_space<hbm>> -> memref<20000x64xf32, #tpu.memory_space<hbm>>
      tpu.enqueue_indirect_dma source(%dma_start3A_61 : memref<20000x64xf32, #tpu.memory_space<hbm>>) target(%dma_start3A_55 : memref<128x64xf32, #tpu.memory_space<vmem>>) offsets(%dma_start3A_58 : memref<128xi32, #tpu.memory_space<vmem>>) semaphore(%arg11 : memref<!tpu.dma_semaphore, #tpu.memory_space<semaphore_mem>>)
      %dma_start3A_62 = arith.constant 0 : i32
      %dma_start3A_63 = arith.constant 0 : i32
      %dma_start3A_64 = arith.constant 0 : i32
      %dma_start3A_65 = tpu.memref_slice %arg10[%dma_start3A_62, %dma_start3A_63, %dma_start3A_64] : memref<2x128x64xf32, #tpu.memory_space<vmem>> -> memref<1x128x64xf32, #tpu.memory_space<vmem>>
      %dma_start3A_66 = tpu.memref_squeeze %dma_start3A_65 : memref<1x128x64xf32, #tpu.memory_space<vmem>> -> memref<128x64xf32, #tpu.memory_space<vmem>>
      %dma_start3A_67 = arith.constant 0 : i32
      %dma_start3A_68 = tpu.memref_slice %arg9[%mul3A_35, %dma_start3A_67] : memref<158x128xi32, #tpu.memory_space<vmem>> -> memref<1x128xi32, #tpu.memory_space<vmem>>
      %dma_start3A_69 = tpu.memref_squeeze %dma_start3A_68 : memref<1x128xi32, #tpu.memory_space<vmem>> -> memref<128xi32, #tpu.memory_space<vmem>>
      %dma_start3A_70 = arith.constant 0 : i32
      %dma_start3A_71 = arith.constant 0 : i32
      %dma_start3A_72 = tpu.memref_slice %arg7[%dma_start3A_70, %dma_start3A_71] : memref<10240x64xf32, #tpu.memory_space<vmem_shared>> -> memref<10240x64xf32, #tpu.memory_space<vmem_shared>>
      tpu.enqueue_indirect_dma source(%dma_start3A_66 : memref<128x64xf32, #tpu.memory_space<vmem>>) target(%dma_start3A_72 : memref<10240x64xf32, #tpu.memory_space<vmem_shared>>) offsets(%dma_start3A_69 : memref<128xi32, #tpu.memory_space<vmem>>) semaphore(%arg12 : memref<!tpu.dma_semaphore, #tpu.memory_space<semaphore_mem>>) {add = true}
      %dma_wait3A_73 = arith.constant 0 : i32
      %dma_wait3A_74 = arith.constant 1 : i32
      %dma_wait3A_75 = arith.constant 0 : i32
      %dma_wait3A_76 = arith.constant 0 : i32
      %dma_wait3A_77 = tpu.memref_slice %arg10[%dma_wait3A_74, %dma_wait3A_75, %dma_wait3A_76] : memref<2x128x64xf32, #tpu.memory_space<vmem>> -> memref<1x128x64xf32, #tpu.memory_space<vmem>>
      %dma_wait3A_78 = tpu.memref_squeeze %dma_wait3A_77 : memref<1x128x64xf32, #tpu.memory_space<vmem>> -> memref<128x64xf32, #tpu.memory_space<vmem>>
      %dma_wait3A_79 = arith.constant 0 : i32
      %dma_wait3A_80 = tpu.memref_slice %arg8[%dma_wait3A_73, %dma_wait3A_79] : memref<158x128xi32, #tpu.memory_space<vmem>> -> memref<1x128xi32, #tpu.memory_space<vmem>>
      %dma_wait3A_81 = tpu.memref_squeeze %dma_wait3A_80 : memref<1x128xi32, #tpu.memory_space<vmem>> -> memref<128xi32, #tpu.memory_space<vmem>>
      %dma_wait3A_82 = arith.constant 0 : i32
      %dma_wait3A_83 = arith.constant 0 : i32
      %dma_wait3A_84 = tpu.memref_slice %arg2[%dma_wait3A_82, %dma_wait3A_83] : memref<20000x64xf32, #tpu.memory_space<hbm>> -> memref<20000x64xf32, #tpu.memory_space<hbm>>
      tpu.wait_indirect_dma semaphore(%arg11 : memref<!tpu.dma_semaphore, #tpu.memory_space<semaphore_mem>>) src(%dma_wait3A_84 : memref<20000x64xf32, #tpu.memory_space<hbm>>) dst(%dma_wait3A_78 : memref<128x64xf32, #tpu.memory_space<vmem>>)
      %dma_wait3A_85 = arith.constant 0 : i32
      %dma_wait3A_86 = arith.constant 0 : i32
      %dma_wait3A_87 = arith.constant 0 : i32
      %dma_wait3A_88 = tpu.memref_slice %arg10[%dma_wait3A_85, %dma_wait3A_86, %dma_wait3A_87] : memref<2x128x64xf32, #tpu.memory_space<vmem>> -> memref<1x128x64xf32, #tpu.memory_space<vmem>>
      %dma_wait3A_89 = tpu.memref_squeeze %dma_wait3A_88 : memref<1x128x64xf32, #tpu.memory_space<vmem>> -> memref<128x64xf32, #tpu.memory_space<vmem>>
      %dma_wait3A_90 = arith.constant 0 : i32
      %dma_wait3A_91 = tpu.memref_slice %arg9[%mul3A_35, %dma_wait3A_90] : memref<158x128xi32, #tpu.memory_space<vmem>> -> memref<1x128xi32, #tpu.memory_space<vmem>>
      %dma_wait3A_92 = tpu.memref_squeeze %dma_wait3A_91 : memref<1x128xi32, #tpu.memory_space<vmem>> -> memref<128xi32, #tpu.memory_space<vmem>>
      %dma_wait3A_93 = arith.constant 0 : i32
      %dma_wait3A_94 = arith.constant 0 : i32
      %dma_wait3A_95 = tpu.memref_slice %arg7[%dma_wait3A_93, %dma_wait3A_94] : memref<10240x64xf32, #tpu.memory_space<vmem_shared>> -> memref<10240x64xf32, #tpu.memory_space<vmem_shared>>
      tpu.wait_indirect_dma semaphore(%arg12 : memref<!tpu.dma_semaphore, #tpu.memory_space<semaphore_mem>>) src(%dma_wait3A_89 : memref<128x64xf32, #tpu.memory_space<vmem>>) dst(%dma_wait3A_95 : memref<10240x64xf32, #tpu.memory_space<vmem_shared>>)
      %add3A_96 = arith.constant 1 : i32
      %add3A_97 = arith.addi %scan3A_33, %add3A_96 : i32
      %lt3A = arith.constant 79 : i32
      %lt3A_98 = arith.cmpi slt, %add3A_97, %lt3A : i32
      %convert_element_type3A_99 = arith.extui %lt3A_98 : i1 to i32
      %cond3A_100 = arith.constant 0 : i32
      %cond3A_101 = arith.cmpi ne, %convert_element_type3A_99, %cond3A_100 : i32
      scf.if %cond3A_101 {
        %add3A_113 = arith.constant 2 : i32
        %add3A_114 = arith.addi %mul3A_35, %add3A_113 : i32
        %dma_start3A_115 = arith.constant 0 : i32
        %dma_start3A_116 = arith.constant 0 : i32
        %dma_start3A_117 = arith.constant 0 : i32
        %dma_start3A_118 = tpu.memref_slice %arg10[%dma_start3A_115, %dma_start3A_116, %dma_start3A_117] : memref<2x128x64xf32, #tpu.memory_space<vmem>> -> memref<1x128x64xf32, #tpu.memory_space<vmem>>
        %dma_start3A_119 = tpu.memref_squeeze %dma_start3A_118 : memref<1x128x64xf32, #tpu.memory_space<vmem>> -> memref<128x64xf32, #tpu.memory_space<vmem>>
        %dma_start3A_120 = arith.constant 0 : i32
        %dma_start3A_121 = tpu.memref_slice %arg8[%add3A_114, %dma_start3A_120] : memref<158x128xi32, #tpu.memory_space<vmem>> -> memref<1x128xi32, #tpu.memory_space<vmem>>
        %dma_start3A_122 = tpu.memref_squeeze %dma_start3A_121 : memref<1x128xi32, #tpu.memory_space<vmem>> -> memref<128xi32, #tpu.memory_space<vmem>>
        %dma_start3A_123 = arith.constant 0 : i32
        %dma_start3A_124 = arith.constant 0 : i32
        %dma_start3A_125 = tpu.memref_slice %arg2[%dma_start3A_123, %dma_start3A_124] : memref<20000x64xf32, #tpu.memory_space<hbm>> -> memref<20000x64xf32, #tpu.memory_space<hbm>>
        tpu.enqueue_indirect_dma source(%dma_start3A_125 : memref<20000x64xf32, #tpu.memory_space<hbm>>) target(%dma_start3A_119 : memref<128x64xf32, #tpu.memory_space<vmem>>) offsets(%dma_start3A_122 : memref<128xi32, #tpu.memory_space<vmem>>) semaphore(%arg11 : memref<!tpu.dma_semaphore, #tpu.memory_space<semaphore_mem>>)
      } else {
      }
      %dma_start3A_102 = arith.constant 1 : i32
      %dma_start3A_103 = arith.constant 0 : i32
      %dma_start3A_104 = arith.constant 0 : i32
      %dma_start3A_105 = tpu.memref_slice %arg10[%dma_start3A_102, %dma_start3A_103, %dma_start3A_104] : memref<2x128x64xf32, #tpu.memory_space<vmem>> -> memref<1x128x64xf32, #tpu.memory_space<vmem>>
      %dma_start3A_106 = tpu.memref_squeeze %dma_start3A_105 : memref<1x128x64xf32, #tpu.memory_space<vmem>> -> memref<128x64xf32, #tpu.memory_space<vmem>>
      %dma_start3A_107 = arith.constant 0 : i32
      %dma_start3A_108 = tpu.memref_slice %arg9[%add3A_36, %dma_start3A_107] : memref<158x128xi32, #tpu.memory_space<vmem>> -> memref<1x128xi32, #tpu.memory_space<vmem>>
      %dma_start3A_109 = tpu.memref_squeeze %dma_start3A_108 : memref<1x128xi32, #tpu.memory_space<vmem>> -> memref<128xi32, #tpu.memory_space<vmem>>
      %dma_start3A_110 = arith.constant 0 : i32
      %dma_start3A_111 = arith.constant 0 : i32
      %dma_start3A_112 = tpu.memref_slice %arg7[%dma_start3A_110, %dma_start3A_111] : memref<10240x64xf32, #tpu.memory_space<vmem_shared>> -> memref<10240x64xf32, #tpu.memory_space<vmem_shared>>
      tpu.enqueue_indirect_dma source(%dma_start3A_106 : memref<128x64xf32, #tpu.memory_space<vmem>>) target(%dma_start3A_112 : memref<10240x64xf32, #tpu.memory_space<vmem_shared>>) offsets(%dma_start3A_109 : memref<128xi32, #tpu.memory_space<vmem>>) semaphore(%arg12 : memref<!tpu.dma_semaphore, #tpu.memory_space<semaphore_mem>>) {add = true}
    }
    %scan3A_20 = arith.constant 79 : i32
    %dma_wait3A = arith.constant 1 : i32
    %dma_wait3A_21 = arith.constant 157 : i32
    %dma_wait3A_22 = arith.constant 0 : i32
    %dma_wait3A_23 = arith.constant 0 : i32
    %dma_wait3A_24 = tpu.memref_slice %arg10[%dma_wait3A, %dma_wait3A_22, %dma_wait3A_23] : memref<2x128x64xf32, #tpu.memory_space<vmem>> -> memref<1x128x64xf32, #tpu.memory_space<vmem>>
    %dma_wait3A_25 = tpu.memref_squeeze %dma_wait3A_24 : memref<1x128x64xf32, #tpu.memory_space<vmem>> -> memref<128x64xf32, #tpu.memory_space<vmem>>
    %dma_wait3A_26 = arith.constant 0 : i32
    %dma_wait3A_27 = tpu.memref_slice %arg9[%dma_wait3A_21, %dma_wait3A_26] : memref<158x128xi32, #tpu.memory_space<vmem>> -> memref<1x128xi32, #tpu.memory_space<vmem>>
    %dma_wait3A_28 = tpu.memref_squeeze %dma_wait3A_27 : memref<1x128xi32, #tpu.memory_space<vmem>> -> memref<128xi32, #tpu.memory_space<vmem>>
    %dma_wait3A_29 = arith.constant 0 : i32
    %dma_wait3A_30 = arith.constant 0 : i32
    %dma_wait3A_31 = tpu.memref_slice %arg7[%dma_wait3A_29, %dma_wait3A_30] : memref<10240x64xf32, #tpu.memory_space<vmem_shared>> -> memref<10240x64xf32, #tpu.memory_space<vmem_shared>>
    tpu.wait_indirect_dma semaphore(%arg12 : memref<!tpu.dma_semaphore, #tpu.memory_space<semaphore_mem>>) src(%dma_wait3A_25 : memref<128x64xf32, #tpu.memory_space<vmem>>) dst(%dma_wait3A_31 : memref<10240x64xf32, #tpu.memory_space<vmem_shared>>)
    %barrier3A_32 = arith.constant 0 : index
    tpu.barrier barrier_id(%barrier3A_32)
    "tpu.region"() ({
      %run_scoped3A = tpu.sem_alloc : memref<!tpu.dma_semaphore, #tpu.memory_space<semaphore_mem>>
      %dma_start3A_33 = arith.constant 0 : i32
      %dma_start3A_34 = tpu.memref_slice %arg6[%arg0, %mul3A_0, %dma_start3A_33] : memref<2x10240x64xf32, #tpu.memory_space<hbm>> -> memref<1x640x64xf32, #tpu.memory_space<hbm>>
      %dma_start3A_35 = tpu.memref_squeeze %dma_start3A_34 : memref<1x640x64xf32, #tpu.memory_space<hbm>> -> memref<640x64xf32, #tpu.memory_space<hbm>>
      %dma_start3A_36 = arith.constant 0 : i32
      %dma_start3A_37 = tpu.memref_slice %arg7[%mul3A_0, %dma_start3A_36] : memref<10240x64xf32, #tpu.memory_space<vmem_shared>> -> memref<640x64xf32, #tpu.memory_space<vmem_shared>>
      tpu.enqueue_dma source(%dma_start3A_37 : memref<640x64xf32, #tpu.memory_space<vmem_shared>>) target(%dma_start3A_35 : memref<640x64xf32, #tpu.memory_space<hbm>>) target_semaphore(%run_scoped3A : memref<!tpu.dma_semaphore, #tpu.memory_space<semaphore_mem>>)
      %dma_wait3A_38 = arith.constant 0 : i32
      %dma_wait3A_39 = tpu.memref_slice %arg6[%arg0, %mul3A_0, %dma_wait3A_38] : memref<2x10240x64xf32, #tpu.memory_space<hbm>> -> memref<1x640x64xf32, #tpu.memory_space<hbm>>
      %dma_wait3A_40 = tpu.memref_squeeze %dma_wait3A_39 : memref<1x640x64xf32, #tpu.memory_space<hbm>> -> memref<640x64xf32, #tpu.memory_space<hbm>>
      %dma_wait3A_41 = arith.constant 0 : i32
      %dma_wait3A_42 = tpu.memref_slice %arg7[%mul3A_0, %dma_wait3A_41] : memref<10240x64xf32, #tpu.memory_space<vmem_shared>> -> memref<640x64xf32, #tpu.memory_space<vmem_shared>>
      tpu.wait_dma2 semaphore(%run_scoped3A : memref<!tpu.dma_semaphore, #tpu.memory_space<semaphore_mem>>) src(%dma_wait3A_42 : memref<640x64xf32, #tpu.memory_space<vmem_shared>>) dst(%dma_wait3A_40 : memref<640x64xf32, #tpu.memory_space<hbm>>)
      tpu.yield
    }) : () -> ()
    return
  }
}

module attributes {stable_mosaic.version = 14 : i64} {
  func.func @_tc_first_body(%arg0: i32, %arg1: memref<2000x128xf32, #tpu.memory_space<vmem>>, %arg2: memref<128x64xf32, #tpu.memory_space<vmem>>, %arg3: memref<1x64xf32, #tpu.memory_space<vmem>>, %arg4: memref<128x64xf32, #tpu.memory_space<vmem>>, %arg5: memref<1x64xf32, #tpu.memory_space<vmem>>, %arg6: memref<128x64xf32, #tpu.memory_space<vmem>>, %arg7: memref<1x64xf32, #tpu.memory_space<vmem>>, %arg8: memref<2000x1xf32, #tpu.memory_space<vmem>>, %arg9: memref<2000x64xf32, #tpu.memory_space<vmem>>, %arg10: memref<2000x64xf32, #tpu.memory_space<vmem>>) attributes {dimension_semantics = [#tpu.dimension_semantics<arbitrary>], iteration_bounds = array<i64: 10>, scalar_prefetch = 0 : i64, scratch_operands = 0 : i64, tpu.core_type = #tpu.core_type<tc>, window_params = [{transform_indices = @transform_0, window_bounds = array<i64: 2000, 128>}, {pipeline_mode = #tpu.pipeline_mode<synchronous>, transform_indices = @transform_1, window_bounds = array<i64: 128, 64>}, {pipeline_mode = #tpu.pipeline_mode<synchronous>, transform_indices = @transform_2, window_bounds = array<i64: 1, 64>}, {pipeline_mode = #tpu.pipeline_mode<synchronous>, transform_indices = @transform_3, window_bounds = array<i64: 128, 64>}, {pipeline_mode = #tpu.pipeline_mode<synchronous>, transform_indices = @transform_4, window_bounds = array<i64: 1, 64>}, {pipeline_mode = #tpu.pipeline_mode<synchronous>, transform_indices = @transform_5, window_bounds = array<i64: 128, 64>}, {pipeline_mode = #tpu.pipeline_mode<synchronous>, transform_indices = @transform_6, window_bounds = array<i64: 1, 64>}, {transform_indices = @transform_7, window_bounds = array<i64: 2000, 1>}, {transform_indices = @transform_8, window_bounds = array<i64: 2000, 64>}, {transform_indices = @transform_9, window_bounds = array<i64: 2000, 64>}]} {
    %get3A = arith.constant 0 : index
    %get3A_0 = arith.constant 0 : index
    %get3A_1 = vector.load %arg1[%get3A, %get3A_0] : memref<2000x128xf32, #tpu.memory_space<vmem>>, vector<2000x128xf32>
    %get3A_2 = arith.constant 0 : index
    %get3A_3 = arith.constant 0 : index
    %get3A_4 = vector.load %arg8[%get3A_2, %get3A_3] : memref<2000x1xf32, #tpu.memory_space<vmem>>, vector<2000x1xf32>
    %get3A_5 = arith.constant 0 : index
    %get3A_6 = arith.constant 0 : index
    %get3A_7 = vector.load %arg2[%get3A_5, %get3A_6] : memref<128x64xf32, #tpu.memory_space<vmem>>, vector<128x64xf32>
    %dot_general3A = arith.constant dense<0.000000e+00> : vector<2000x64xf32>
    %dot_general3A_8 = tpu.matmul %get3A_1, %get3A_7, %dot_general3A {dimension_numbers = #tpu.dot_dimension_numbers<[1], [0], [0], [1], [0, 0, 1, 1], [], []>, transpose_lhs_hint = false} : vector<2000x128xf32>, vector<128x64xf32>, vector<2000x64xf32> -> vector<2000x64xf32>
    %get3A_9 = arith.constant 0 : index
    %get3A_10 = arith.constant 0 : index
    %get3A_11 = vector.load %arg3[%get3A_9, %get3A_10] : memref<1x64xf32, #tpu.memory_space<vmem>>, vector<1x64xf32>
    %add3A = vector.broadcast %get3A_11 : vector<1x64xf32> to vector<2000x64xf32>
    %add3A_12 = arith.addf %dot_general3A_8, %add3A : vector<2000x64xf32>
    %get3A_13 = arith.constant 0 : index
    %get3A_14 = arith.constant 0 : index
    %get3A_15 = vector.load %arg4[%get3A_13, %get3A_14] : memref<128x64xf32, #tpu.memory_space<vmem>>, vector<128x64xf32>
    %dot_general3A_16 = arith.constant dense<0.000000e+00> : vector<2000x64xf32>
    %dot_general3A_17 = tpu.matmul %get3A_1, %get3A_15, %dot_general3A_16 {dimension_numbers = #tpu.dot_dimension_numbers<[1], [0], [0], [1], [0, 0, 1, 1], [], []>, transpose_lhs_hint = false} : vector<2000x128xf32>, vector<128x64xf32>, vector<2000x64xf32> -> vector<2000x64xf32>
    %get3A_18 = arith.constant 0 : index
    %get3A_19 = arith.constant 0 : index
    %get3A_20 = vector.load %arg5[%get3A_18, %get3A_19] : memref<1x64xf32, #tpu.memory_space<vmem>>, vector<1x64xf32>
    %add3A_21 = vector.broadcast %get3A_20 : vector<1x64xf32> to vector<2000x64xf32>
    %add3A_22 = arith.addf %dot_general3A_17, %add3A_21 : vector<2000x64xf32>
    %get3A_23 = arith.constant 0 : index
    %get3A_24 = arith.constant 0 : index
    %get3A_25 = vector.load %arg6[%get3A_23, %get3A_24] : memref<128x64xf32, #tpu.memory_space<vmem>>, vector<128x64xf32>
    %dot_general3A_26 = arith.constant dense<0.000000e+00> : vector<2000x64xf32>
    %dot_general3A_27 = tpu.matmul %get3A_1, %get3A_25, %dot_general3A_26 {dimension_numbers = #tpu.dot_dimension_numbers<[1], [0], [0], [1], [0, 0, 1, 1], [], []>, transpose_lhs_hint = false} : vector<2000x128xf32>, vector<128x64xf32>, vector<2000x64xf32> -> vector<2000x64xf32>
    %get3A_28 = arith.constant 0 : index
    %get3A_29 = arith.constant 0 : index
    %get3A_30 = vector.load %arg7[%get3A_28, %get3A_29] : memref<1x64xf32, #tpu.memory_space<vmem>>, vector<1x64xf32>
    %add3A_31 = vector.broadcast %get3A_30 : vector<1x64xf32> to vector<2000x64xf32>
    %add3A_32 = arith.addf %dot_general3A_27, %add3A_31 : vector<2000x64xf32>
    %mul3A = vector.broadcast %get3A_4 : vector<2000x1xf32> to vector<2000x64xf32>
    %mul3A_33 = arith.mulf %mul3A, %add3A_22 : vector<2000x64xf32>
    %sub3A = arith.subf %add3A_32, %mul3A_33 : vector<2000x64xf32>
    %swap3A = arith.constant 0 : index
    %swap3A_34 = arith.constant 0 : index
    %swap3A_35 = vector.load %arg9[%swap3A, %swap3A_34] : memref<2000x64xf32, #tpu.memory_space<vmem>>, vector<2000x64xf32>
    tpu.vector_store %arg9[%swap3A, %swap3A_34], %add3A_12 {strides = array<i32>} : memref<2000x64xf32, #tpu.memory_space<vmem>>, vector<2000x64xf32>,
    %swap3A_36 = arith.constant 0 : index
    %swap3A_37 = arith.constant 0 : index
    %swap3A_38 = vector.load %arg10[%swap3A_36, %swap3A_37] : memref<2000x64xf32, #tpu.memory_space<vmem>>, vector<2000x64xf32>
    tpu.vector_store %arg10[%swap3A_36, %swap3A_37], %sub3A {strides = array<i32>} : memref<2000x64xf32, #tpu.memory_space<vmem>>, vector<2000x64xf32>,
    return
  }
  func.func @transform_0(%arg0: i32) -> (i32, i32) {
    %c0_i32 = arith.constant 0 : i32
    %c0_i32_0 = arith.constant 0 : i32
    return %arg0, %c0_i32 : i32, i32
  }
  func.func @transform_1(%arg0: i32) -> (i32, i32) {
    %c0_i32 = arith.constant 0 : i32
    %c0_i32_0 = arith.constant 0 : i32
    %c0_i32_1 = arith.constant 0 : i32
    return %c0_i32, %c0_i32_0 : i32, i32
  }
  func.func @transform_2(%arg0: i32) -> (i32, i32) {
    %c0_i32 = arith.constant 0 : i32
    %c0_i32_0 = arith.constant 0 : i32
    %c0_i32_1 = arith.constant 0 : i32
    return %c0_i32, %c0_i32_0 : i32, i32
  }
  func.func @transform_3(%arg0: i32) -> (i32, i32) {
    %c0_i32 = arith.constant 0 : i32
    %c0_i32_0 = arith.constant 0 : i32
    %c0_i32_1 = arith.constant 0 : i32
    return %c0_i32, %c0_i32_0 : i32, i32
  }
  func.func @transform_4(%arg0: i32) -> (i32, i32) {
    %c0_i32 = arith.constant 0 : i32
    %c0_i32_0 = arith.constant 0 : i32
    %c0_i32_1 = arith.constant 0 : i32
    return %c0_i32, %c0_i32_0 : i32, i32
  }
  func.func @transform_5(%arg0: i32) -> (i32, i32) {
    %c0_i32 = arith.constant 0 : i32
    %c0_i32_0 = arith.constant 0 : i32
    %c0_i32_1 = arith.constant 0 : i32
    return %c0_i32, %c0_i32_0 : i32, i32
  }
  func.func @transform_6(%arg0: i32) -> (i32, i32) {
    %c0_i32 = arith.constant 0 : i32
    %c0_i32_0 = arith.constant 0 : i32
    %c0_i32_1 = arith.constant 0 : i32
    return %c0_i32, %c0_i32_0 : i32, i32
  }
  func.func @transform_7(%arg0: i32) -> (i32, i32) {
    %c0_i32 = arith.constant 0 : i32
    %c0_i32_0 = arith.constant 0 : i32
    return %arg0, %c0_i32 : i32, i32
  }
  func.func @transform_8(%arg0: i32) -> (i32, i32) {
    %c0_i32 = arith.constant 0 : i32
    %c0_i32_0 = arith.constant 0 : i32
    return %arg0, %c0_i32 : i32, i32
  }
  func.func @transform_9(%arg0: i32) -> (i32, i32) {
    %c0_i32 = arith.constant 0 : i32
    %c0_i32_0 = arith.constant 0 : i32
    return %arg0, %c0_i32 : i32, i32
  }
}

module attributes {stable_mosaic.version = 14 : i64} {
  func.func @_tc_mid_body(%arg0: i32, %arg1: i32, %arg2: memref<2000x64xf32, #tpu.memory_space<vmem>>, %arg3: memref<2000x64xf32, #tpu.memory_space<vmem>>, %arg4: memref<1x64xf32, #tpu.memory_space<vmem>>, %arg5: memref<1x64xf32, #tpu.memory_space<vmem>>, %arg6: memref<64x64xf32, #tpu.memory_space<vmem>>, %arg7: memref<1x64xf32, #tpu.memory_space<vmem>>, %arg8: memref<64x64xf32, #tpu.memory_space<vmem>>, %arg9: memref<1x64xf32, #tpu.memory_space<vmem>>, %arg10: memref<64x64xf32, #tpu.memory_space<vmem>>, %arg11: memref<1x64xf32, #tpu.memory_space<vmem>>, %arg12: memref<2000x1xf32, #tpu.memory_space<vmem>>, %arg13: memref<2000x64xf32, #tpu.memory_space<vmem>>, %arg14: memref<2000x64xf32, #tpu.memory_space<vmem>>, %arg15: memref<2x64xf32, #tpu.memory_space<vmem>>, %arg16: memref<2x64xf32, #tpu.memory_space<vmem>>) attributes {dimension_semantics = [#tpu.dimension_semantics<arbitrary>, #tpu.dimension_semantics<arbitrary>], iteration_bounds = array<i64: 3, 10>, scalar_prefetch = 0 : i64, scratch_operands = 2 : i64, tpu.core_type = #tpu.core_type<tc>, window_params = [{transform_indices = @transform_0, window_bounds = array<i64: 2000, 64>}, {transform_indices = @transform_1, window_bounds = array<i64: 2000, 64>}, {pipeline_mode = #tpu.pipeline_mode<synchronous>, transform_indices = @transform_2, window_bounds = array<i64: 1, 64>}, {pipeline_mode = #tpu.pipeline_mode<synchronous>, transform_indices = @transform_3, window_bounds = array<i64: 1, 64>}, {pipeline_mode = #tpu.pipeline_mode<synchronous>, transform_indices = @transform_4, window_bounds = array<i64: 64, 64>}, {pipeline_mode = #tpu.pipeline_mode<synchronous>, transform_indices = @transform_5, window_bounds = array<i64: 1, 64>}, {pipeline_mode = #tpu.pipeline_mode<synchronous>, transform_indices = @transform_6, window_bounds = array<i64: 64, 64>}, {pipeline_mode = #tpu.pipeline_mode<synchronous>, transform_indices = @transform_7, window_bounds = array<i64: 1, 64>}, {pipeline_mode = #tpu.pipeline_mode<synchronous>, transform_indices = @transform_8, window_bounds = array<i64: 64, 64>}, {pipeline_mode = #tpu.pipeline_mode<synchronous>, transform_indices = @transform_9, window_bounds = array<i64: 1, 64>}, {transform_indices = @transform_10, window_bounds = array<i64: 2000, 1>}, {transform_indices = @transform_11, window_bounds = array<i64: 2000, 64>}, {transform_indices = @transform_12, window_bounds = array<i64: 2000, 64>}]} {
    %jit3A = arith.constant 5 : i32
    %div3A = arith.divsi %arg1, %jit3A : i32
    %sign3A = arith.constant 0 : i32
    %sign3A_0 = arith.cmpi sgt, %arg1, %sign3A : i32
    %sign3A_1 = arith.extui %sign3A_0 : i1 to i32
    %sign3A_2 = arith.constant 0 : i32
    %sign3A_3 = arith.cmpi slt, %arg1, %sign3A_2 : i32
    %sign3A_4 = arith.extui %sign3A_3 : i1 to i32
    %sign3A_5 = arith.subi %sign3A_1, %sign3A_4 : i32
    %sign3A_6 = arith.constant 0 : i32
    %sign3A_7 = arith.cmpi sgt, %jit3A, %sign3A_6 : i32
    %sign3A_8 = arith.extui %sign3A_7 : i1 to i32
    %sign3A_9 = arith.constant 0 : i32
    %sign3A_10 = arith.cmpi slt, %jit3A, %sign3A_9 : i32
    %sign3A_11 = arith.extui %sign3A_10 : i1 to i32
    %sign3A_12 = arith.subi %sign3A_8, %sign3A_11 : i32
    %ne3A = arith.cmpi ne, %sign3A_5, %sign3A_12 : i32
    %rem3A = arith.remsi %arg1, %jit3A : i32
    %ne3A_13 = arith.constant 0 : i32
    %ne3A_14 = arith.cmpi ne, %rem3A, %ne3A_13 : i32
    %and3A = arith.andi %ne3A, %ne3A_14 : i1
    %sub3A = arith.constant 1 : i32
    %sub3A_15 = arith.subi %div3A, %sub3A : i32
    %select_n3A = arith.select %and3A, %sub3A_15, %div3A : i32
    %get3A = arith.constant 0 : index
    %get3A_16 = arith.constant 0 : index
    %get3A_17 = vector.load %arg2[%get3A, %get3A_16] : memref<2000x64xf32, #tpu.memory_space<vmem>>, vector<2000x64xf32>
    %get3A_18 = arith.constant 0 : index
    %get3A_19 = arith.constant 0 : index
    %get3A_20 = vector.load %arg3[%get3A_18, %get3A_19] : memref<2000x64xf32, #tpu.memory_space<vmem>>, vector<2000x64xf32>
    %add3A = arith.addf %get3A_17, %get3A_20 : vector<2000x64xf32>
    %eq3A = arith.constant 0 : i32
    %eq3A_21 = arith.cmpi eq, %arg0, %eq3A : i32
    %convert_element_type3A = arith.extui %eq3A_21 : i1 to i32
    %cond3A = arith.constant 0 : i32
    %cond3A_22 = arith.cmpi ne, %convert_element_type3A, %cond3A : i32
    scf.if %cond3A_22 {
      %eq3A_33 = arith.constant 0 : i32
      %eq3A_34 = arith.cmpi eq, %arg1, %eq3A_33 : i32
      %convert_element_type3A_35 = arith.extui %eq3A_34 : i1 to i32
      %cond3A_36 = arith.constant 0 : i32
      %cond3A_37 = arith.cmpi ne, %convert_element_type3A_35, %cond3A_36 : i32
      scf.if %cond3A_37 {
        %broadcast_in_dim3A_45 = arith.constant 0.000000e+00 : f32
        %broadcast_in_dim3A_46 = vector.broadcast %broadcast_in_dim3A_45 : f32 to vector<2x64xf32>
        %swap3A_47 = arith.constant 0 : index
        %swap3A_48 = arith.constant 0 : index
        %swap3A_49 = vector.load %arg15[%swap3A_47, %swap3A_48] : memref<2x64xf32, #tpu.memory_space<vmem>>, vector<2x64xf32>
        tpu.vector_store %arg15[%swap3A_47, %swap3A_48], %broadcast_in_dim3A_46 {strides = array<i32>} : memref<2x64xf32, #tpu.memory_space<vmem>>, vector<2x64xf32>,
      } else {
      }
      %get3A_38 = arith.index_cast %select_n3A : i32 to index
      %get3A_39 = arith.constant 0 : index
      %get3A_40 = vector.load %arg15[%get3A_38, %get3A_39] : memref<2x64xf32, #tpu.memory_space<vmem>>, vector<1x64xf32>
      %reduce_sum3A = arith.constant dense<0.000000e+00> : vector<64xf32>
      %reduce_sum3A_41 = vector.multi_reduction <add>, %add3A, %reduce_sum3A [0] : vector<2000x64xf32> to vector<64xf32>
      %broadcast_in_dim3A = vector.shape_cast %reduce_sum3A_41 : vector<64xf32> to vector<1x64xf32>
      %add3A_42 = arith.addf %get3A_40, %broadcast_in_dim3A : vector<1x64xf32>
      %swap3A = arith.index_cast %select_n3A : i32 to index
      %swap3A_43 = arith.constant 0 : index
      %swap3A_44 = vector.load %arg15[%swap3A, %swap3A_43] : memref<2x64xf32, #tpu.memory_space<vmem>>, vector<1x64xf32>
      tpu.vector_store %arg15[%swap3A, %swap3A_43], %add3A_42 {strides = array<i32>} : memref<2x64xf32, #tpu.memory_space<vmem>>, vector<1x64xf32>,
    } else {
    }
    %eq3A_23 = arith.constant 1 : i32
    %eq3A_24 = arith.cmpi eq, %arg0, %eq3A_23 : i32
    %convert_element_type3A_25 = arith.extui %eq3A_24 : i1 to i32
    %cond3A_26 = arith.constant 0 : i32
    %cond3A_27 = arith.cmpi ne, %convert_element_type3A_25, %cond3A_26 : i32
    scf.if %cond3A_27 {
      %eq3A_33 = arith.constant 0 : i32
      %eq3A_34 = arith.cmpi eq, %arg1, %eq3A_33 : i32
      %convert_element_type3A_35 = arith.extui %eq3A_34 : i1 to i32
      %cond3A_36 = arith.constant 0 : i32
      %cond3A_37 = arith.cmpi ne, %convert_element_type3A_35, %cond3A_36 : i32
      scf.if %cond3A_37 {
        %broadcast_in_dim3A_53 = arith.constant 0.000000e+00 : f32
        %broadcast_in_dim3A_54 = vector.broadcast %broadcast_in_dim3A_53 : f32 to vector<2x64xf32>
        %swap3A_55 = arith.constant 0 : index
        %swap3A_56 = arith.constant 0 : index
        %swap3A_57 = vector.load %arg16[%swap3A_55, %swap3A_56] : memref<2x64xf32, #tpu.memory_space<vmem>>, vector<2x64xf32>
        tpu.vector_store %arg16[%swap3A_55, %swap3A_56], %broadcast_in_dim3A_54 {strides = array<i32>} : memref<2x64xf32, #tpu.memory_space<vmem>>, vector<2x64xf32>,
      } else {
      }
      %get3A_38 = arith.index_cast %select_n3A : i32 to index
      %get3A_39 = arith.constant 0 : index
      %get3A_40 = vector.load %arg15[%get3A_38, %get3A_39] : memref<2x64xf32, #tpu.memory_space<vmem>>, vector<1x64xf32>
      %div3A_41 = arith.constant 1.000000e+04 : f32
      %div3A_42 = vector.broadcast %div3A_41 : f32 to vector<1x64xf32>
      %div3A_43 = arith.divf %get3A_40, %div3A_42 : vector<1x64xf32>
      %sub3A_44 = vector.broadcast %div3A_43 : vector<1x64xf32> to vector<2000x64xf32>
      %sub3A_45 = arith.subf %add3A, %sub3A_44 : vector<2000x64xf32>
      %get3A_46 = arith.index_cast %select_n3A : i32 to index
      %get3A_47 = arith.constant 0 : index
      %get3A_48 = vector.load %arg16[%get3A_46, %get3A_47] : memref<2x64xf32, #tpu.memory_space<vmem>>, vector<1x64xf32>
      %mul3A = arith.mulf %sub3A_45, %sub3A_45 : vector<2000x64xf32>
      %reduce_sum3A = arith.constant dense<0.000000e+00> : vector<64xf32>
      %reduce_sum3A_49 = vector.multi_reduction <add>, %mul3A, %reduce_sum3A [0] : vector<2000x64xf32> to vector<64xf32>
      %broadcast_in_dim3A = vector.shape_cast %reduce_sum3A_49 : vector<64xf32> to vector<1x64xf32>
      %add3A_50 = arith.addf %get3A_48, %broadcast_in_dim3A : vector<1x64xf32>
      %swap3A = arith.index_cast %select_n3A : i32 to index
      %swap3A_51 = arith.constant 0 : index
      %swap3A_52 = vector.load %arg16[%swap3A, %swap3A_51] : memref<2x64xf32, #tpu.memory_space<vmem>>, vector<1x64xf32>
      tpu.vector_store %arg16[%swap3A, %swap3A_51], %add3A_50 {strides = array<i32>} : memref<2x64xf32, #tpu.memory_space<vmem>>, vector<1x64xf32>,
    } else {
    }
    %eq3A_28 = arith.constant 2 : i32
    %eq3A_29 = arith.cmpi eq, %arg0, %eq3A_28 : i32
    %convert_element_type3A_30 = arith.extui %eq3A_29 : i1 to i32
    %cond3A_31 = arith.constant 0 : i32
    %cond3A_32 = arith.cmpi ne, %convert_element_type3A_30, %cond3A_31 : i32
    scf.if %cond3A_32 {
      %get3A_33 = arith.index_cast %select_n3A : i32 to index
      %get3A_34 = arith.constant 0 : index
      %get3A_35 = vector.load %arg15[%get3A_33, %get3A_34] : memref<2x64xf32, #tpu.memory_space<vmem>>, vector<1x64xf32>
      %div3A_36 = arith.constant 1.000000e+04 : f32
      %div3A_37 = vector.broadcast %div3A_36 : f32 to vector<1x64xf32>
      %div3A_38 = arith.divf %get3A_35, %div3A_37 : vector<1x64xf32>
      %get3A_39 = arith.index_cast %select_n3A : i32 to index
      %get3A_40 = arith.constant 0 : index
      %get3A_41 = vector.load %arg16[%get3A_39, %get3A_40] : memref<2x64xf32, #tpu.memory_space<vmem>>, vector<1x64xf32>
      %div3A_42 = arith.constant 1.000000e+04 : f32
      %div3A_43 = vector.broadcast %div3A_42 : f32 to vector<1x64xf32>
      %div3A_44 = arith.divf %get3A_41, %div3A_43 : vector<1x64xf32>
      %sub3A_45 = vector.broadcast %div3A_38 : vector<1x64xf32> to vector<2000x64xf32>
      %sub3A_46 = arith.subf %add3A, %sub3A_45 : vector<2000x64xf32>
      %add3A_47 = arith.constant 9.99999974E-6 : f32
      %add3A_48 = vector.broadcast %add3A_47 : f32 to vector<1x64xf32>
      %add3A_49 = arith.addf %div3A_44, %add3A_48 : vector<1x64xf32>
      %sqrt3A = math.sqrt %add3A_49 : vector<1x64xf32>
      %div3A_50 = vector.broadcast %sqrt3A : vector<1x64xf32> to vector<2000x64xf32>
      %div3A_51 = arith.divf %sub3A_46, %div3A_50 : vector<2000x64xf32>
      %get3A_52 = arith.constant 0 : index
      %get3A_53 = arith.constant 0 : index
      %get3A_54 = vector.load %arg4[%get3A_52, %get3A_53] : memref<1x64xf32, #tpu.memory_space<vmem>>, vector<1x64xf32>
      %mul3A = vector.broadcast %get3A_54 : vector<1x64xf32> to vector<2000x64xf32>
      %mul3A_55 = arith.mulf %div3A_51, %mul3A : vector<2000x64xf32>
      %get3A_56 = arith.constant 0 : index
      %get3A_57 = arith.constant 0 : index
      %get3A_58 = vector.load %arg5[%get3A_56, %get3A_57] : memref<1x64xf32, #tpu.memory_space<vmem>>, vector<1x64xf32>
      %add3A_59 = vector.broadcast %get3A_58 : vector<1x64xf32> to vector<2000x64xf32>
      %add3A_60 = arith.addf %mul3A_55, %add3A_59 : vector<2000x64xf32>
      %max3A = arith.constant 0.000000e+00 : f32
      %max3A_61 = vector.broadcast %max3A : f32 to vector<2000x64xf32>
      %max3A_62 = arith.maximumf %add3A_60, %max3A_61 : vector<2000x64xf32>
      %get3A_63 = arith.constant 0 : index
      %get3A_64 = arith.constant 0 : index
      %get3A_65 = vector.load %arg12[%get3A_63, %get3A_64] : memref<2000x1xf32, #tpu.memory_space<vmem>>, vector<2000x1xf32>
      %get3A_66 = arith.constant 0 : index
      %get3A_67 = arith.constant 0 : index
      %get3A_68 = vector.load %arg6[%get3A_66, %get3A_67] : memref<64x64xf32, #tpu.memory_space<vmem>>, vector<64x64xf32>
      %dot_general3A = arith.constant dense<0.000000e+00> : vector<2000x64xf32>
      %dot_general3A_69 = tpu.matmul %max3A_62, %get3A_68, %dot_general3A {dimension_numbers = #tpu.dot_dimension_numbers<[1], [0], [0], [1], [0, 0, 1, 1], [], []>, transpose_lhs_hint = false} : vector<2000x64xf32>, vector<64x64xf32>, vector<2000x64xf32> -> vector<2000x64xf32>
      %get3A_70 = arith.constant 0 : index
      %get3A_71 = arith.constant 0 : index
      %get3A_72 = vector.load %arg7[%get3A_70, %get3A_71] : memref<1x64xf32, #tpu.memory_space<vmem>>, vector<1x64xf32>
      %add3A_73 = vector.broadcast %get3A_72 : vector<1x64xf32> to vector<2000x64xf32>
      %add3A_74 = arith.addf %dot_general3A_69, %add3A_73 : vector<2000x64xf32>
      %get3A_75 = arith.constant 0 : index
      %get3A_76 = arith.constant 0 : index
      %get3A_77 = vector.load %arg8[%get3A_75, %get3A_76] : memref<64x64xf32, #tpu.memory_space<vmem>>, vector<64x64xf32>
      %dot_general3A_78 = arith.constant dense<0.000000e+00> : vector<2000x64xf32>
      %dot_general3A_79 = tpu.matmul %max3A_62, %get3A_77, %dot_general3A_78 {dimension_numbers = #tpu.dot_dimension_numbers<[1], [0], [0], [1], [0, 0, 1, 1], [], []>, transpose_lhs_hint = false} : vector<2000x64xf32>, vector<64x64xf32>, vector<2000x64xf32> -> vector<2000x64xf32>
      %get3A_80 = arith.constant 0 : index
      %get3A_81 = arith.constant 0 : index
      %get3A_82 = vector.load %arg9[%get3A_80, %get3A_81] : memref<1x64xf32, #tpu.memory_space<vmem>>, vector<1x64xf32>
      %add3A_83 = vector.broadcast %get3A_82 : vector<1x64xf32> to vector<2000x64xf32>
      %add3A_84 = arith.addf %dot_general3A_79, %add3A_83 : vector<2000x64xf32>
      %get3A_85 = arith.constant 0 : index
      %get3A_86 = arith.constant 0 : index
      %get3A_87 = vector.load %arg10[%get3A_85, %get3A_86] : memref<64x64xf32, #tpu.memory_space<vmem>>, vector<64x64xf32>
      %dot_general3A_88 = arith.constant dense<0.000000e+00> : vector<2000x64xf32>
      %dot_general3A_89 = tpu.matmul %max3A_62, %get3A_87, %dot_general3A_88 {dimension_numbers = #tpu.dot_dimension_numbers<[1], [0], [0], [1], [0, 0, 1, 1], [], []>, transpose_lhs_hint = false} : vector<2000x64xf32>, vector<64x64xf32>, vector<2000x64xf32> -> vector<2000x64xf32>
      %get3A_90 = arith.constant 0 : index
      %get3A_91 = arith.constant 0 : index
      %get3A_92 = vector.load %arg11[%get3A_90, %get3A_91] : memref<1x64xf32, #tpu.memory_space<vmem>>, vector<1x64xf32>
      %add3A_93 = vector.broadcast %get3A_92 : vector<1x64xf32> to vector<2000x64xf32>
      %add3A_94 = arith.addf %dot_general3A_89, %add3A_93 : vector<2000x64xf32>
      %mul3A_95 = vector.broadcast %get3A_65 : vector<2000x1xf32> to vector<2000x64xf32>
      %mul3A_96 = arith.mulf %mul3A_95, %add3A_84 : vector<2000x64xf32>
      %sub3A_97 = arith.subf %add3A_94, %mul3A_96 : vector<2000x64xf32>
      %swap3A = arith.constant 0 : index
      %swap3A_98 = arith.constant 0 : index
      %swap3A_99 = vector.load %arg13[%swap3A, %swap3A_98] : memref<2000x64xf32, #tpu.memory_space<vmem>>, vector<2000x64xf32>
      tpu.vector_store %arg13[%swap3A, %swap3A_98], %add3A_74 {strides = array<i32>} : memref<2000x64xf32, #tpu.memory_space<vmem>>, vector<2000x64xf32>,
      %swap3A_100 = arith.constant 0 : index
      %swap3A_101 = arith.constant 0 : index
      %swap3A_102 = vector.load %arg14[%swap3A_100, %swap3A_101] : memref<2000x64xf32, #tpu.memory_space<vmem>>, vector<2000x64xf32>
      tpu.vector_store %arg14[%swap3A_100, %swap3A_101], %sub3A_97 {strides = array<i32>} : memref<2000x64xf32, #tpu.memory_space<vmem>>, vector<2000x64xf32>,
    } else {
    }
    return
  }
  func.func @transform_0(%arg0: i32, %arg1: i32) -> (i32, i32) {
    %c0_i32 = arith.constant 0 : i32
    %c0_i32_0 = arith.constant 0 : i32
    return %arg1, %c0_i32 : i32, i32
  }
  func.func @transform_1(%arg0: i32, %arg1: i32) -> (i32, i32) {
    %c0_i32 = arith.constant 0 : i32
    %c0_i32_0 = arith.constant 0 : i32
    return %arg1, %c0_i32 : i32, i32
  }
  func.func @transform_2(%arg0: i32, %arg1: i32) -> (i32, i32) {
    %c0_i32 = arith.constant 0 : i32
    %c0_i32_0 = arith.constant 0 : i32
    %c0_i32_1 = arith.constant 0 : i32
    return %c0_i32, %c0_i32_0 : i32, i32
  }
  func.func @transform_3(%arg0: i32, %arg1: i32) -> (i32, i32) {
    %c0_i32 = arith.constant 0 : i32
    %c0_i32_0 = arith.constant 0 : i32
    %c0_i32_1 = arith.constant 0 : i32
    return %c0_i32, %c0_i32_0 : i32, i32
  }
  func.func @transform_4(%arg0: i32, %arg1: i32) -> (i32, i32) {
    %c0_i32 = arith.constant 0 : i32
    %c0_i32_0 = arith.constant 0 : i32
    %c0_i32_1 = arith.constant 0 : i32
    return %c0_i32, %c0_i32_0 : i32, i32
  }
  func.func @transform_5(%arg0: i32, %arg1: i32) -> (i32, i32) {
    %c0_i32 = arith.constant 0 : i32
    %c0_i32_0 = arith.constant 0 : i32
    %c0_i32_1 = arith.constant 0 : i32
    return %c0_i32, %c0_i32_0 : i32, i32
  }
  func.func @transform_6(%arg0: i32, %arg1: i32) -> (i32, i32) {
    %c0_i32 = arith.constant 0 : i32
    %c0_i32_0 = arith.constant 0 : i32
    %c0_i32_1 = arith.constant 0 : i32
    return %c0_i32, %c0_i32_0 : i32, i32
  }
  func.func @transform_7(%arg0: i32, %arg1: i32) -> (i32, i32) {
    %c0_i32 = arith.constant 0 : i32
    %c0_i32_0 = arith.constant 0 : i32
    %c0_i32_1 = arith.constant 0 : i32
    return %c0_i32, %c0_i32_0 : i32, i32
  }
  func.func @transform_8(%arg0: i32, %arg1: i32) -> (i32, i32) {
    %c0_i32 = arith.constant 0 : i32
    %c0_i32_0 = arith.constant 0 : i32
    %c0_i32_1 = arith.constant 0 : i32
    return %c0_i32, %c0_i32_0 : i32, i32
  }
  func.func @transform_9(%arg0: i32, %arg1: i32) -> (i32, i32) {
    %c0_i32 = arith.constant 0 : i32
    %c0_i32_0 = arith.constant 0 : i32
    %c0_i32_1 = arith.constant 0 : i32
    return %c0_i32, %c0_i32_0 : i32, i32
  }
  func.func @transform_10(%arg0: i32, %arg1: i32) -> (i32, i32) {
    %c0_i32 = arith.constant 0 : i32
    %c0_i32_0 = arith.constant 0 : i32
    return %arg1, %c0_i32 : i32, i32
  }
  func.func @transform_11(%arg0: i32, %arg1: i32) -> (i32, i32) {
    %c0_i32 = arith.constant 0 : i32
    %c0_i32_0 = arith.constant 0 : i32
    return %arg1, %c0_i32 : i32, i32
  }
  func.func @transform_12(%arg0: i32, %arg1: i32) -> (i32, i32) {
    %c0_i32 = arith.constant 0 : i32
    %c0_i32_0 = arith.constant 0 : i32
    return %arg1, %c0_i32 : i32, i32
  }
}

module attributes {stable_mosaic.version = 14 : i64} {
  func.func @_tc_final_body(%arg0: i32, %arg1: i32, %arg2: memref<2000x64xf32, #tpu.memory_space<vmem>>, %arg3: memref<2000x64xf32, #tpu.memory_space<vmem>>, %arg4: memref<1x64xf32, #tpu.memory_space<vmem>>, %arg5: memref<1x64xf32, #tpu.memory_space<vmem>>, %arg6: memref<64x32xf32, #tpu.memory_space<vmem>>, %arg7: memref<1x32xf32, #tpu.memory_space<vmem>>, %arg8: memref<32x1xf32, #tpu.memory_space<vmem>>, %arg9: memref<1x1xf32, #tpu.memory_space<vmem>>, %arg10: memref<2000x1xi32, #tpu.memory_space<vmem>>, %arg11: memref<1x8x2000xi32, #tpu.memory_space<vmem>>, %arg12: memref<64x64xf32, #tpu.memory_space<vmem>>, %arg13: memref<1x64xf32, #tpu.memory_space<vmem>>, %arg14: memref<64x64xf32, #tpu.memory_space<vmem>>, %arg15: memref<1x64xf32, #tpu.memory_space<vmem>>, %arg16: memref<64x64xf32, #tpu.memory_space<vmem>>, %arg17: memref<1x64xf32, #tpu.memory_space<vmem>>, %arg18: memref<64x1xf32, #tpu.memory_space<vmem>>, %arg19: memref<1x1xf32, #tpu.memory_space<vmem>>, %arg20: memref<64x1xf32, #tpu.memory_space<vmem>>, %arg21: memref<2x64xf32, #tpu.memory_space<vmem>>, %arg22: memref<2x64xf32, #tpu.memory_space<vmem>>, %arg23: memref<1x128xf32, #tpu.memory_space<vmem>>, %arg24: memref<128x1xf32, #tpu.memory_space<vmem>>, %arg25: memref<128x64xf32, #tpu.memory_space<vmem>>) attributes {dimension_semantics = [#tpu.dimension_semantics<arbitrary>, #tpu.dimension_semantics<arbitrary>], iteration_bounds = array<i64: 6, 10>, scalar_prefetch = 0 : i64, scratch_operands = 5 : i64, tpu.core_type = #tpu.core_type<tc>, window_params = [{transform_indices = @transform_0, window_bounds = array<i64: 2000, 64>}, {transform_indices = @transform_1, window_bounds = array<i64: 2000, 64>}, {pipeline_mode = #tpu.pipeline_mode<synchronous>, transform_indices = @transform_2, window_bounds = array<i64: 1, 64>}, {pipeline_mode = #tpu.pipeline_mode<synchronous>, transform_indices = @transform_3, window_bounds = array<i64: 1, 64>}, {pipeline_mode = #tpu.pipeline_mode<synchronous>, transform_indices = @transform_4, window_bounds = array<i64: 64, 32>}, {pipeline_mode = #tpu.pipeline_mode<synchronous>, transform_indices = @transform_5, window_bounds = array<i64: 1, 32>}, {pipeline_mode = #tpu.pipeline_mode<synchronous>, transform_indices = @transform_6, window_bounds = array<i64: 32, 1>}, {pipeline_mode = #tpu.pipeline_mode<synchronous>, transform_indices = @transform_7, window_bounds = array<i64: 1, 1>}, {transform_indices = @transform_8, window_bounds = array<i64: 2000, 1>}, {transform_indices = @transform_9, window_bounds = array<i64: 1, 8, 2000>}, {pipeline_mode = #tpu.pipeline_mode<synchronous>, transform_indices = @transform_10, window_bounds = array<i64: 64, 64>}, {pipeline_mode = #tpu.pipeline_mode<synchronous>, transform_indices = @transform_11, window_bounds = array<i64: 1, 64>}, {pipeline_mode = #tpu.pipeline_mode<synchronous>, transform_indices = @transform_12, window_bounds = array<i64: 64, 64>}, {pipeline_mode = #tpu.pipeline_mode<synchronous>, transform_indices = @transform_13, window_bounds = array<i64: 1, 64>}, {pipeline_mode = #tpu.pipeline_mode<synchronous>, transform_indices = @transform_14, window_bounds = array<i64: 64, 64>}, {pipeline_mode = #tpu.pipeline_mode<synchronous>, transform_indices = @transform_15, window_bounds = array<i64: 1, 64>}, {pipeline_mode = #tpu.pipeline_mode<synchronous>, transform_indices = @transform_16, window_bounds = array<i64: 64, 1>}, {pipeline_mode = #tpu.pipeline_mode<synchronous>, transform_indices = @transform_17, window_bounds = array<i64: 1, 1>}, {pipeline_mode = #tpu.pipeline_mode<synchronous>, transform_indices = @transform_18, window_bounds = array<i64: 64, 1>}]} {
    %jit3A = arith.constant 5 : i32
    %div3A = arith.divsi %arg1, %jit3A : i32
    %sign3A = arith.constant 0 : i32
    %sign3A_0 = arith.cmpi sgt, %arg1, %sign3A : i32
    %sign3A_1 = arith.extui %sign3A_0 : i1 to i32
    %sign3A_2 = arith.constant 0 : i32
    %sign3A_3 = arith.cmpi slt, %arg1, %sign3A_2 : i32
    %sign3A_4 = arith.extui %sign3A_3 : i1 to i32
    %sign3A_5 = arith.subi %sign3A_1, %sign3A_4 : i32
    %sign3A_6 = arith.constant 0 : i32
    %sign3A_7 = arith.cmpi sgt, %jit3A, %sign3A_6 : i32
    %sign3A_8 = arith.extui %sign3A_7 : i1 to i32
    %sign3A_9 = arith.constant 0 : i32
    %sign3A_10 = arith.cmpi slt, %jit3A, %sign3A_9 : i32
    %sign3A_11 = arith.extui %sign3A_10 : i1 to i32
    %sign3A_12 = arith.subi %sign3A_8, %sign3A_11 : i32
    %ne3A = arith.cmpi ne, %sign3A_5, %sign3A_12 : i32
    %rem3A = arith.remsi %arg1, %jit3A : i32
    %ne3A_13 = arith.constant 0 : i32
    %ne3A_14 = arith.cmpi ne, %rem3A, %ne3A_13 : i32
    %and3A = arith.andi %ne3A, %ne3A_14 : i1
    %sub3A = arith.constant 1 : i32
    %sub3A_15 = arith.subi %div3A, %sub3A : i32
    %select_n3A = arith.select %and3A, %sub3A_15, %div3A : i32
    %get3A = arith.constant 0 : index
    %get3A_16 = arith.constant 0 : index
    %get3A_17 = vector.load %arg2[%get3A, %get3A_16] : memref<2000x64xf32, #tpu.memory_space<vmem>>, vector<2000x64xf32>
    %get3A_18 = arith.constant 0 : index
    %get3A_19 = arith.constant 0 : index
    %get3A_20 = vector.load %arg3[%get3A_18, %get3A_19] : memref<2000x64xf32, #tpu.memory_space<vmem>>, vector<2000x64xf32>
    %add3A = arith.addf %get3A_17, %get3A_20 : vector<2000x64xf32>
    %eq3A = arith.constant 0 : i32
    %eq3A_21 = arith.cmpi eq, %arg0, %eq3A : i32
    %convert_element_type3A = arith.extui %eq3A_21 : i1 to i32
    %cond3A = arith.constant 0 : i32
    %cond3A_22 = arith.cmpi ne, %convert_element_type3A, %cond3A : i32
    scf.if %cond3A_22 {
      %eq3A_51 = arith.constant 0 : i32
      %eq3A_52 = arith.cmpi eq, %arg1, %eq3A_51 : i32
      %convert_element_type3A_53 = arith.extui %eq3A_52 : i1 to i32
      %cond3A_54 = arith.constant 0 : i32
      %cond3A_55 = arith.cmpi ne, %convert_element_type3A_53, %cond3A_54 : i32
      scf.if %cond3A_55 {
        %broadcast_in_dim3A_68 = arith.constant 0.000000e+00 : f32
        %broadcast_in_dim3A_69 = vector.broadcast %broadcast_in_dim3A_68 : f32 to vector<2x64xf32>
        %swap3A_70 = arith.constant 0 : index
        %swap3A_71 = arith.constant 0 : index
        %swap3A_72 = vector.load %arg21[%swap3A_70, %swap3A_71] : memref<2x64xf32, #tpu.memory_space<vmem>>, vector<2x64xf32>
        tpu.vector_store %arg21[%swap3A_70, %swap3A_71], %broadcast_in_dim3A_69 {strides = array<i32>} : memref<2x64xf32, #tpu.memory_space<vmem>>, vector<2x64xf32>,
      } else {
      }
      %get3A_56 = arith.index_cast %select_n3A : i32 to index
      %get3A_57 = arith.constant 0 : index
      %get3A_58 = vector.load %arg21[%get3A_56, %get3A_57] : memref<2x64xf32, #tpu.memory_space<vmem>>, vector<1x64xf32>
      %reduce_sum3A = arith.constant dense<0.000000e+00> : vector<64xf32>
      %reduce_sum3A_59 = vector.multi_reduction <add>, %add3A, %reduce_sum3A [0] : vector<2000x64xf32> to vector<64xf32>
      %broadcast_in_dim3A = vector.shape_cast %reduce_sum3A_59 : vector<64xf32> to vector<1x64xf32>
      %add3A_60 = arith.addf %get3A_58, %broadcast_in_dim3A : vector<1x64xf32>
      %swap3A = arith.index_cast %select_n3A : i32 to index
      %swap3A_61 = arith.constant 0 : index
      %swap3A_62 = vector.load %arg21[%swap3A, %swap3A_61] : memref<2x64xf32, #tpu.memory_space<vmem>>, vector<1x64xf32>
      tpu.vector_store %arg21[%swap3A, %swap3A_61], %add3A_60 {strides = array<i32>} : memref<2x64xf32, #tpu.memory_space<vmem>>, vector<1x64xf32>,
      %eq3A_63 = arith.constant 0 : i32
      %eq3A_64 = arith.cmpi eq, %arg1, %eq3A_63 : i32
      %convert_element_type3A_65 = arith.extui %eq3A_64 : i1 to i32
      %cond3A_66 = arith.constant 0 : i32
      %cond3A_67 = arith.cmpi ne, %convert_element_type3A_65, %cond3A_66 : i32
      scf.if %cond3A_67 {
        %broadcast_in_dim3A_68 = arith.constant -3.000000e+38 : f32
        %broadcast_in_dim3A_69 = vector.broadcast %broadcast_in_dim3A_68 : f32 to vector<1x128xf32>
        %swap3A_70 = arith.constant 0 : index
        %swap3A_71 = arith.constant 0 : index
        %swap3A_72 = vector.load %arg23[%swap3A_70, %swap3A_71] : memref<1x128xf32, #tpu.memory_space<vmem>>, vector<1x128xf32>
        tpu.vector_store %arg23[%swap3A_70, %swap3A_71], %broadcast_in_dim3A_69 {strides = array<i32>} : memref<1x128xf32, #tpu.memory_space<vmem>>, vector<1x128xf32>,
        %broadcast_in_dim3A_73 = arith.constant 0.000000e+00 : f32
        %broadcast_in_dim3A_74 = vector.broadcast %broadcast_in_dim3A_73 : f32 to vector<128x1xf32>
        %swap3A_75 = arith.constant 0 : index
        %swap3A_76 = arith.constant 0 : index
        %swap3A_77 = vector.load %arg24[%swap3A_75, %swap3A_76] : memref<128x1xf32, #tpu.memory_space<vmem>>, vector<128x1xf32>
        tpu.vector_store %arg24[%swap3A_75, %swap3A_76], %broadcast_in_dim3A_74 {strides = array<i32>} : memref<128x1xf32, #tpu.memory_space<vmem>>, vector<128x1xf32>,
        %broadcast_in_dim3A_78 = arith.constant 0.000000e+00 : f32
        %broadcast_in_dim3A_79 = vector.broadcast %broadcast_in_dim3A_78 : f32 to vector<128x64xf32>
        %swap3A_80 = arith.constant 0 : index
        %swap3A_81 = arith.constant 0 : index
        %swap3A_82 = vector.load %arg25[%swap3A_80, %swap3A_81] : memref<128x64xf32, #tpu.memory_space<vmem>>, vector<128x64xf32>
        tpu.vector_store %arg25[%swap3A_80, %swap3A_81], %broadcast_in_dim3A_79 {strides = array<i32>} : memref<128x64xf32, #tpu.memory_space<vmem>>, vector<128x64xf32>,
      } else {
      }
    } else {
    }
    %eq3A_23 = arith.constant 1 : i32
    %eq3A_24 = arith.cmpi eq, %arg0, %eq3A_23 : i32
    %convert_element_type3A_25 = arith.extui %eq3A_24 : i1 to i32
    %cond3A_26 = arith.constant 0 : i32
    %cond3A_27 = arith.cmpi ne, %convert_element_type3A_25, %cond3A_26 : i32
    scf.if %cond3A_27 {
      %eq3A_51 = arith.constant 0 : i32
      %eq3A_52 = arith.cmpi eq, %arg1, %eq3A_51 : i32
      %convert_element_type3A_53 = arith.extui %eq3A_52 : i1 to i32
      %cond3A_54 = arith.constant 0 : i32
      %cond3A_55 = arith.cmpi ne, %convert_element_type3A_53, %cond3A_54 : i32
      scf.if %cond3A_55 {
        %broadcast_in_dim3A_71 = arith.constant 0.000000e+00 : f32
        %broadcast_in_dim3A_72 = vector.broadcast %broadcast_in_dim3A_71 : f32 to vector<2x64xf32>
        %swap3A_73 = arith.constant 0 : index
        %swap3A_74 = arith.constant 0 : index
        %swap3A_75 = vector.load %arg22[%swap3A_73, %swap3A_74] : memref<2x64xf32, #tpu.memory_space<vmem>>, vector<2x64xf32>
        tpu.vector_store %arg22[%swap3A_73, %swap3A_74], %broadcast_in_dim3A_72 {strides = array<i32>} : memref<2x64xf32, #tpu.memory_space<vmem>>, vector<2x64xf32>,
      } else {
      }
      %get3A_56 = arith.index_cast %select_n3A : i32 to index
      %get3A_57 = arith.constant 0 : index
      %get3A_58 = vector.load %arg21[%get3A_56, %get3A_57] : memref<2x64xf32, #tpu.memory_space<vmem>>, vector<1x64xf32>
      %div3A_59 = arith.constant 1.000000e+04 : f32
      %div3A_60 = vector.broadcast %div3A_59 : f32 to vector<1x64xf32>
      %div3A_61 = arith.divf %get3A_58, %div3A_60 : vector<1x64xf32>
      %sub3A_62 = vector.broadcast %div3A_61 : vector<1x64xf32> to vector<2000x64xf32>
      %sub3A_63 = arith.subf %add3A, %sub3A_62 : vector<2000x64xf32>
      %get3A_64 = arith.index_cast %select_n3A : i32 to index
      %get3A_65 = arith.constant 0 : index
      %get3A_66 = vector.load %arg22[%get3A_64, %get3A_65] : memref<2x64xf32, #tpu.memory_space<vmem>>, vector<1x64xf32>
      %mul3A = arith.mulf %sub3A_63, %sub3A_63 : vector<2000x64xf32>
      %reduce_sum3A = arith.constant dense<0.000000e+00> : vector<64xf32>
      %reduce_sum3A_67 = vector.multi_reduction <add>, %mul3A, %reduce_sum3A [0] : vector<2000x64xf32> to vector<64xf32>
      %broadcast_in_dim3A = vector.shape_cast %reduce_sum3A_67 : vector<64xf32> to vector<1x64xf32>
      %add3A_68 = arith.addf %get3A_66, %broadcast_in_dim3A : vector<1x64xf32>
      %swap3A = arith.index_cast %select_n3A : i32 to index
      %swap3A_69 = arith.constant 0 : index
      %swap3A_70 = vector.load %arg22[%swap3A, %swap3A_69] : memref<2x64xf32, #tpu.memory_space<vmem>>, vector<1x64xf32>
      tpu.vector_store %arg22[%swap3A, %swap3A_69], %add3A_68 {strides = array<i32>} : memref<2x64xf32, #tpu.memory_space<vmem>>, vector<1x64xf32>,
    } else {
    }
    %eq3A_28 = arith.constant 2 : i32
    %eq3A_29 = arith.cmpi eq, %arg0, %eq3A_28 : i32
    %convert_element_type3A_30 = arith.extui %eq3A_29 : i1 to i32
    %cond3A_31 = arith.constant 0 : i32
    %cond3A_32 = arith.cmpi ne, %convert_element_type3A_30, %cond3A_31 : i32
    scf.if %cond3A_32 {
      %get3A_51 = arith.index_cast %select_n3A : i32 to index
      %get3A_52 = arith.constant 0 : index
      %get3A_53 = vector.load %arg21[%get3A_51, %get3A_52] : memref<2x64xf32, #tpu.memory_space<vmem>>, vector<1x64xf32>
      %div3A_54 = arith.constant 1.000000e+04 : f32
      %div3A_55 = vector.broadcast %div3A_54 : f32 to vector<1x64xf32>
      %div3A_56 = arith.divf %get3A_53, %div3A_55 : vector<1x64xf32>
      %get3A_57 = arith.index_cast %select_n3A : i32 to index
      %get3A_58 = arith.constant 0 : index
      %get3A_59 = vector.load %arg22[%get3A_57, %get3A_58] : memref<2x64xf32, #tpu.memory_space<vmem>>, vector<1x64xf32>
      %div3A_60 = arith.constant 1.000000e+04 : f32
      %div3A_61 = vector.broadcast %div3A_60 : f32 to vector<1x64xf32>
      %div3A_62 = arith.divf %get3A_59, %div3A_61 : vector<1x64xf32>
      %sub3A_63 = vector.broadcast %div3A_56 : vector<1x64xf32> to vector<2000x64xf32>
      %sub3A_64 = arith.subf %add3A, %sub3A_63 : vector<2000x64xf32>
      %add3A_65 = arith.constant 9.99999974E-6 : f32
      %add3A_66 = vector.broadcast %add3A_65 : f32 to vector<1x64xf32>
      %add3A_67 = arith.addf %div3A_62, %add3A_66 : vector<1x64xf32>
      %sqrt3A = math.sqrt %add3A_67 : vector<1x64xf32>
      %div3A_68 = vector.broadcast %sqrt3A : vector<1x64xf32> to vector<2000x64xf32>
      %div3A_69 = arith.divf %sub3A_64, %div3A_68 : vector<2000x64xf32>
      %get3A_70 = arith.constant 0 : index
      %get3A_71 = arith.constant 0 : index
      %get3A_72 = vector.load %arg4[%get3A_70, %get3A_71] : memref<1x64xf32, #tpu.memory_space<vmem>>, vector<1x64xf32>
      %mul3A = vector.broadcast %get3A_72 : vector<1x64xf32> to vector<2000x64xf32>
      %mul3A_73 = arith.mulf %div3A_69, %mul3A : vector<2000x64xf32>
      %get3A_74 = arith.constant 0 : index
      %get3A_75 = arith.constant 0 : index
      %get3A_76 = vector.load %arg5[%get3A_74, %get3A_75] : memref<1x64xf32, #tpu.memory_space<vmem>>, vector<1x64xf32>
      %add3A_77 = vector.broadcast %get3A_76 : vector<1x64xf32> to vector<2000x64xf32>
      %add3A_78 = arith.addf %mul3A_73, %add3A_77 : vector<2000x64xf32>
      %max3A = arith.constant 0.000000e+00 : f32
      %max3A_79 = vector.broadcast %max3A : f32 to vector<2000x64xf32>
      %max3A_80 = arith.maximumf %add3A_78, %max3A_79 : vector<2000x64xf32>
      %get3A_81 = arith.constant 0 : index
      %get3A_82 = arith.constant 0 : index
      %get3A_83 = vector.load %arg6[%get3A_81, %get3A_82] : memref<64x32xf32, #tpu.memory_space<vmem>>, vector<64x32xf32>
      %dot_general3A = arith.constant dense<0.000000e+00> : vector<2000x32xf32>
      %dot_general3A_84 = tpu.matmul %max3A_80, %get3A_83, %dot_general3A {dimension_numbers = #tpu.dot_dimension_numbers<[1], [0], [0], [1], [0, 0, 1, 1], [], []>, transpose_lhs_hint = false} : vector<2000x64xf32>, vector<64x32xf32>, vector<2000x32xf32> -> vector<2000x32xf32>
      %get3A_85 = arith.constant 0 : index
      %get3A_86 = arith.constant 0 : index
      %get3A_87 = vector.load %arg7[%get3A_85, %get3A_86] : memref<1x32xf32, #tpu.memory_space<vmem>>, vector<1x32xf32>
      %add3A_88 = vector.broadcast %get3A_87 : vector<1x32xf32> to vector<2000x32xf32>
      %add3A_89 = arith.addf %dot_general3A_84, %add3A_88 : vector<2000x32xf32>
      %max3A_90 = arith.constant 0.000000e+00 : f32
      %max3A_91 = vector.broadcast %max3A_90 : f32 to vector<2000x32xf32>
      %max3A_92 = arith.maximumf %add3A_89, %max3A_91 : vector<2000x32xf32>
      %get3A_93 = arith.constant 0 : index
      %get3A_94 = arith.constant 0 : index
      %get3A_95 = vector.load %arg8[%get3A_93, %get3A_94] : memref<32x1xf32, #tpu.memory_space<vmem>>, vector<32x1xf32>
      %dot_general3A_96 = arith.constant dense<0.000000e+00> : vector<2000x1xf32>
      %dot_general3A_97 = tpu.matmul %max3A_92, %get3A_95, %dot_general3A_96 {dimension_numbers = #tpu.dot_dimension_numbers<[1], [0], [0], [1], [0, 0, 1, 1], [], []>, transpose_lhs_hint = false} : vector<2000x32xf32>, vector<32x1xf32>, vector<2000x1xf32> -> vector<2000x1xf32>
      %get3A_98 = arith.constant 0 : index
      %get3A_99 = arith.constant 0 : index
      %get3A_100 = vector.load %arg9[%get3A_98, %get3A_99] : memref<1x1xf32, #tpu.memory_space<vmem>>, vector<1x1xf32>
      %add3A_101 = vector.broadcast %get3A_100 : vector<1x1xf32> to vector<2000x1xf32>
      %add3A_102 = arith.addf %dot_general3A_97, %add3A_101 : vector<2000x1xf32>
      %max3A_103 = arith.constant 0.000000e+00 : f32
      %max3A_104 = vector.broadcast %max3A_103 : f32 to vector<2000x1xf32>
      %max3A_105 = arith.maximumf %add3A_102, %max3A_104 : vector<2000x1xf32>
      %get3A_106 = arith.constant 0 : index
      %get3A_107 = arith.constant 0 : index
      %get3A_108 = vector.load %arg10[%get3A_106, %get3A_107] : memref<2000x1xi32, #tpu.memory_space<vmem>>, vector<2000x1xi32>
      %iota3A = tpu.iota {dimensions = array<i32: 1>} : vector<2000x128xi32>
      %eq3A_109 = vector.broadcast %get3A_108 : vector<2000x1xi32> to vector<2000x128xi32>
      %eq3A_110 = arith.cmpi eq, %eq3A_109, %iota3A : vector<2000x128xi32>
      %jit3A_111 = arith.constant -3.000000e+38 : f32
      %broadcast_in_dim3A = vector.shape_cast %max3A_105 : vector<2000x1xf32> to vector<2000x1xf32>
      %broadcast_in_dim3A_112 = vector.broadcast %broadcast_in_dim3A : vector<2000x1xf32> to vector<2000x128xf32>
      %broadcast_in_dim3A_113 = vector.broadcast %jit3A_111 : f32 to vector<2000x128xf32>
      %select_n3A_114 = arith.select %eq3A_110, %broadcast_in_dim3A_112, %broadcast_in_dim3A_113 : vector<2000x128xi1>, vector<2000x128xf32>
      %reduce_max3A = arith.constant dense<0xFF800000> : vector<128xf32>
      %reduce_max3A_115 = vector.multi_reduction <maximumf>, %select_n3A_114, %reduce_max3A [0] : vector<2000x128xf32> to vector<128xf32>
      %broadcast_in_dim3A_116 = vector.shape_cast %reduce_max3A_115 : vector<128xf32> to vector<1x128xf32>
      %get3A_117 = arith.constant 0 : index
      %get3A_118 = arith.constant 0 : index
      %get3A_119 = vector.load %arg23[%get3A_117, %get3A_118] : memref<1x128xf32, #tpu.memory_space<vmem>>, vector<1x128xf32>
      %max3A_120 = arith.maximumf %get3A_119, %broadcast_in_dim3A_116 : vector<1x128xf32>
      %swap3A = arith.constant 0 : index
      %swap3A_121 = arith.constant 0 : index
      %swap3A_122 = vector.load %arg23[%swap3A, %swap3A_121] : memref<1x128xf32, #tpu.memory_space<vmem>>, vector<1x128xf32>
      tpu.vector_store %arg23[%swap3A, %swap3A_121], %max3A_120 {strides = array<i32>} : memref<1x128xf32, #tpu.memory_space<vmem>>, vector<1x128xf32>,
    } else {
    }
    %eq3A_33 = arith.constant 3 : i32
    %eq3A_34 = arith.cmpi eq, %arg0, %eq3A_33 : i32
    %convert_element_type3A_35 = arith.extui %eq3A_34 : i1 to i32
    %cond3A_36 = arith.constant 0 : i32
    %cond3A_37 = arith.cmpi ne, %convert_element_type3A_35, %cond3A_36 : i32
    scf.if %cond3A_37 {
      %get3A_51 = arith.index_cast %select_n3A : i32 to index
      %get3A_52 = arith.constant 0 : index
      %get3A_53 = vector.load %arg21[%get3A_51, %get3A_52] : memref<2x64xf32, #tpu.memory_space<vmem>>, vector<1x64xf32>
      %div3A_54 = arith.constant 1.000000e+04 : f32
      %div3A_55 = vector.broadcast %div3A_54 : f32 to vector<1x64xf32>
      %div3A_56 = arith.divf %get3A_53, %div3A_55 : vector<1x64xf32>
      %get3A_57 = arith.index_cast %select_n3A : i32 to index
      %get3A_58 = arith.constant 0 : index
      %get3A_59 = vector.load %arg22[%get3A_57, %get3A_58] : memref<2x64xf32, #tpu.memory_space<vmem>>, vector<1x64xf32>
      %div3A_60 = arith.constant 1.000000e+04 : f32
      %div3A_61 = vector.broadcast %div3A_60 : f32 to vector<1x64xf32>
      %div3A_62 = arith.divf %get3A_59, %div3A_61 : vector<1x64xf32>
      %sub3A_63 = vector.broadcast %div3A_56 : vector<1x64xf32> to vector<2000x64xf32>
      %sub3A_64 = arith.subf %add3A, %sub3A_63 : vector<2000x64xf32>
      %add3A_65 = arith.constant 9.99999974E-6 : f32
      %add3A_66 = vector.broadcast %add3A_65 : f32 to vector<1x64xf32>
      %add3A_67 = arith.addf %div3A_62, %add3A_66 : vector<1x64xf32>
      %sqrt3A = math.sqrt %add3A_67 : vector<1x64xf32>
      %div3A_68 = vector.broadcast %sqrt3A : vector<1x64xf32> to vector<2000x64xf32>
      %div3A_69 = arith.divf %sub3A_64, %div3A_68 : vector<2000x64xf32>
      %get3A_70 = arith.constant 0 : index
      %get3A_71 = arith.constant 0 : index
      %get3A_72 = vector.load %arg4[%get3A_70, %get3A_71] : memref<1x64xf32, #tpu.memory_space<vmem>>, vector<1x64xf32>
      %mul3A = vector.broadcast %get3A_72 : vector<1x64xf32> to vector<2000x64xf32>
      %mul3A_73 = arith.mulf %div3A_69, %mul3A : vector<2000x64xf32>
      %get3A_74 = arith.constant 0 : index
      %get3A_75 = arith.constant 0 : index
      %get3A_76 = vector.load %arg5[%get3A_74, %get3A_75] : memref<1x64xf32, #tpu.memory_space<vmem>>, vector<1x64xf32>
      %add3A_77 = vector.broadcast %get3A_76 : vector<1x64xf32> to vector<2000x64xf32>
      %add3A_78 = arith.addf %mul3A_73, %add3A_77 : vector<2000x64xf32>
      %max3A = arith.constant 0.000000e+00 : f32
      %max3A_79 = vector.broadcast %max3A : f32 to vector<2000x64xf32>
      %max3A_80 = arith.maximumf %add3A_78, %max3A_79 : vector<2000x64xf32>
      %get3A_81 = arith.constant 0 : index
      %get3A_82 = arith.constant 0 : index
      %get3A_83 = vector.load %arg6[%get3A_81, %get3A_82] : memref<64x32xf32, #tpu.memory_space<vmem>>, vector<64x32xf32>
      %dot_general3A = arith.constant dense<0.000000e+00> : vector<2000x32xf32>
      %dot_general3A_84 = tpu.matmul %max3A_80, %get3A_83, %dot_general3A {dimension_numbers = #tpu.dot_dimension_numbers<[1], [0], [0], [1], [0, 0, 1, 1], [], []>, transpose_lhs_hint = false} : vector<2000x64xf32>, vector<64x32xf32>, vector<2000x32xf32> -> vector<2000x32xf32>
      %get3A_85 = arith.constant 0 : index
      %get3A_86 = arith.constant 0 : index
      %get3A_87 = vector.load %arg7[%get3A_85, %get3A_86] : memref<1x32xf32, #tpu.memory_space<vmem>>, vector<1x32xf32>
      %add3A_88 = vector.broadcast %get3A_87 : vector<1x32xf32> to vector<2000x32xf32>
      %add3A_89 = arith.addf %dot_general3A_84, %add3A_88 : vector<2000x32xf32>
      %max3A_90 = arith.constant 0.000000e+00 : f32
      %max3A_91 = vector.broadcast %max3A_90 : f32 to vector<2000x32xf32>
      %max3A_92 = arith.maximumf %add3A_89, %max3A_91 : vector<2000x32xf32>
      %get3A_93 = arith.constant 0 : index
      %get3A_94 = arith.constant 0 : index
      %get3A_95 = vector.load %arg8[%get3A_93, %get3A_94] : memref<32x1xf32, #tpu.memory_space<vmem>>, vector<32x1xf32>
      %dot_general3A_96 = arith.constant dense<0.000000e+00> : vector<2000x1xf32>
      %dot_general3A_97 = tpu.matmul %max3A_92, %get3A_95, %dot_general3A_96 {dimension_numbers = #tpu.dot_dimension_numbers<[1], [0], [0], [1], [0, 0, 1, 1], [], []>, transpose_lhs_hint = false} : vector<2000x32xf32>, vector<32x1xf32>, vector<2000x1xf32> -> vector<2000x1xf32>
      %get3A_98 = arith.constant 0 : index
      %get3A_99 = arith.constant 0 : index
      %get3A_100 = vector.load %arg9[%get3A_98, %get3A_99] : memref<1x1xf32, #tpu.memory_space<vmem>>, vector<1x1xf32>
      %add3A_101 = vector.broadcast %get3A_100 : vector<1x1xf32> to vector<2000x1xf32>
      %add3A_102 = arith.addf %dot_general3A_97, %add3A_101 : vector<2000x1xf32>
      %max3A_103 = arith.constant 0.000000e+00 : f32
      %max3A_104 = vector.broadcast %max3A_103 : f32 to vector<2000x1xf32>
      %max3A_105 = arith.maximumf %add3A_102, %max3A_104 : vector<2000x1xf32>
      %get3A_106 = arith.constant 0 : index
      %get3A_107 = arith.constant 0 : index
      %get3A_108 = vector.load %arg10[%get3A_106, %get3A_107] : memref<2000x1xi32, #tpu.memory_space<vmem>>, vector<2000x1xi32>
      %iota3A = tpu.iota {dimensions = array<i32: 1>} : vector<2000x128xi32>
      %eq3A_109 = vector.broadcast %get3A_108 : vector<2000x1xi32> to vector<2000x128xi32>
      %eq3A_110 = arith.cmpi eq, %eq3A_109, %iota3A : vector<2000x128xi32>
      %convert_element_type3A_111 = arith.extui %eq3A_110 : vector<2000x128xi1> to vector<2000x128xi32>
      %convert_element_type3A_112 = arith.sitofp %convert_element_type3A_111 : vector<2000x128xi32> to vector<2000x128xf32>
      %get3A_113 = arith.constant 0 : index
      %get3A_114 = arith.constant 0 : index
      %get3A_115 = vector.load %arg23[%get3A_113, %get3A_114] : memref<1x128xf32, #tpu.memory_space<vmem>>, vector<1x128xf32>
      %mul3A_116 = vector.broadcast %get3A_115 : vector<1x128xf32> to vector<2000x128xf32>
      %mul3A_117 = arith.mulf %convert_element_type3A_112, %mul3A_116 : vector<2000x128xf32>
      %reduce_sum3A = arith.constant dense<0.000000e+00> : vector<2000xf32>
      %reduce_sum3A_118 = vector.multi_reduction <add>, %mul3A_117, %reduce_sum3A [1] : vector<2000x128xf32> to vector<2000xf32>
      %broadcast_in_dim3A = vector.shape_cast %reduce_sum3A_118 : vector<2000xf32> to vector<2000x1xf32>
      %sub3A_119 = arith.subf %max3A_105, %broadcast_in_dim3A : vector<2000x1xf32>
      %exp3A = math.exp %sub3A_119 : vector<2000x1xf32>
      %get3A_120 = arith.constant 0 : index
      %get3A_121 = arith.constant 0 : index
      %get3A_122 = arith.constant 0 : index
      %get3A_123 = vector.load %arg11[%get3A_120, %get3A_121, %get3A_122] : memref<1x8x2000xi32, #tpu.memory_space<vmem>>, vector<1x1x2000xi32>
      %get3A_124 = vector.shape_cast %get3A_123 : vector<1x1x2000xi32> to vector<1x2000xi32>
      %iota3A_125 = tpu.iota {dimensions = array<i32: 0>} : vector<128x2000xi32>
      %eq3A_126 = vector.broadcast %get3A_124 : vector<1x2000xi32> to vector<128x2000xi32>
      %eq3A_127 = arith.cmpi eq, %eq3A_126, %iota3A_125 : vector<128x2000xi32>
      %convert_element_type3A_128 = arith.extui %eq3A_127 : vector<128x2000xi1> to vector<128x2000xi32>
      %convert_element_type3A_129 = arith.sitofp %convert_element_type3A_128 : vector<128x2000xi32> to vector<128x2000xf32>
      %get3A_130 = arith.constant 0 : index
      %get3A_131 = arith.constant 0 : index
      %get3A_132 = vector.load %arg24[%get3A_130, %get3A_131] : memref<128x1xf32, #tpu.memory_space<vmem>>, vector<128x1xf32>
      %dot_general3A_133 = arith.constant dense<0.000000e+00> : vector<128x1xf32>
      %dot_general3A_134 = tpu.matmul %convert_element_type3A_129, %exp3A, %dot_general3A_133 {dimension_numbers = #tpu.dot_dimension_numbers<[1], [0], [0], [1], [0, 0, 1, 1], [], []>, precision = #tpu.contract_precision<fp32>, transpose_lhs_hint = false} : vector<128x2000xf32>, vector<2000x1xf32>, vector<128x1xf32> -> vector<128x1xf32>
      %add3A_135 = arith.addf %get3A_132, %dot_general3A_134 : vector<128x1xf32>
      %swap3A = arith.constant 0 : index
      %swap3A_136 = arith.constant 0 : index
      %swap3A_137 = vector.load %arg24[%swap3A, %swap3A_136] : memref<128x1xf32, #tpu.memory_space<vmem>>, vector<128x1xf32>
      tpu.vector_store %arg24[%swap3A, %swap3A_136], %add3A_135 {strides = array<i32>} : memref<128x1xf32, #tpu.memory_space<vmem>>, vector<128x1xf32>,
    } else {
    }
    %eq3A_38 = arith.constant 4 : i32
    %eq3A_39 = arith.cmpi eq, %arg0, %eq3A_38 : i32
    %convert_element_type3A_40 = arith.extui %eq3A_39 : i1 to i32
    %cond3A_41 = arith.constant 0 : i32
    %cond3A_42 = arith.cmpi ne, %convert_element_type3A_40, %cond3A_41 : i32
    scf.if %cond3A_42 {
      %get3A_51 = arith.index_cast %select_n3A : i32 to index
      %get3A_52 = arith.constant 0 : index
      %get3A_53 = vector.load %arg21[%get3A_51, %get3A_52] : memref<2x64xf32, #tpu.memory_space<vmem>>, vector<1x64xf32>
      %div3A_54 = arith.constant 1.000000e+04 : f32
      %div3A_55 = vector.broadcast %div3A_54 : f32 to vector<1x64xf32>
      %div3A_56 = arith.divf %get3A_53, %div3A_55 : vector<1x64xf32>
      %get3A_57 = arith.index_cast %select_n3A : i32 to index
      %get3A_58 = arith.constant 0 : index
      %get3A_59 = vector.load %arg22[%get3A_57, %get3A_58] : memref<2x64xf32, #tpu.memory_space<vmem>>, vector<1x64xf32>
      %div3A_60 = arith.constant 1.000000e+04 : f32
      %div3A_61 = vector.broadcast %div3A_60 : f32 to vector<1x64xf32>
      %div3A_62 = arith.divf %get3A_59, %div3A_61 : vector<1x64xf32>
      %sub3A_63 = vector.broadcast %div3A_56 : vector<1x64xf32> to vector<2000x64xf32>
      %sub3A_64 = arith.subf %add3A, %sub3A_63 : vector<2000x64xf32>
      %add3A_65 = arith.constant 9.99999974E-6 : f32
      %add3A_66 = vector.broadcast %add3A_65 : f32 to vector<1x64xf32>
      %add3A_67 = arith.addf %div3A_62, %add3A_66 : vector<1x64xf32>
      %sqrt3A = math.sqrt %add3A_67 : vector<1x64xf32>
      %div3A_68 = vector.broadcast %sqrt3A : vector<1x64xf32> to vector<2000x64xf32>
      %div3A_69 = arith.divf %sub3A_64, %div3A_68 : vector<2000x64xf32>
      %get3A_70 = arith.constant 0 : index
      %get3A_71 = arith.constant 0 : index
      %get3A_72 = vector.load %arg4[%get3A_70, %get3A_71] : memref<1x64xf32, #tpu.memory_space<vmem>>, vector<1x64xf32>
      %mul3A = vector.broadcast %get3A_72 : vector<1x64xf32> to vector<2000x64xf32>
      %mul3A_73 = arith.mulf %div3A_69, %mul3A : vector<2000x64xf32>
      %get3A_74 = arith.constant 0 : index
      %get3A_75 = arith.constant 0 : index
      %get3A_76 = vector.load %arg5[%get3A_74, %get3A_75] : memref<1x64xf32, #tpu.memory_space<vmem>>, vector<1x64xf32>
      %add3A_77 = vector.broadcast %get3A_76 : vector<1x64xf32> to vector<2000x64xf32>
      %add3A_78 = arith.addf %mul3A_73, %add3A_77 : vector<2000x64xf32>
      %max3A = arith.constant 0.000000e+00 : f32
      %max3A_79 = vector.broadcast %max3A : f32 to vector<2000x64xf32>
      %max3A_80 = arith.maximumf %add3A_78, %max3A_79 : vector<2000x64xf32>
      %get3A_81 = arith.constant 0 : index
      %get3A_82 = arith.constant 0 : index
      %get3A_83 = vector.load %arg6[%get3A_81, %get3A_82] : memref<64x32xf32, #tpu.memory_space<vmem>>, vector<64x32xf32>
      %dot_general3A = arith.constant dense<0.000000e+00> : vector<2000x32xf32>
      %dot_general3A_84 = tpu.matmul %max3A_80, %get3A_83, %dot_general3A {dimension_numbers = #tpu.dot_dimension_numbers<[1], [0], [0], [1], [0, 0, 1, 1], [], []>, transpose_lhs_hint = false} : vector<2000x64xf32>, vector<64x32xf32>, vector<2000x32xf32> -> vector<2000x32xf32>
      %get3A_85 = arith.constant 0 : index
      %get3A_86 = arith.constant 0 : index
      %get3A_87 = vector.load %arg7[%get3A_85, %get3A_86] : memref<1x32xf32, #tpu.memory_space<vmem>>, vector<1x32xf32>
      %add3A_88 = vector.broadcast %get3A_87 : vector<1x32xf32> to vector<2000x32xf32>
      %add3A_89 = arith.addf %dot_general3A_84, %add3A_88 : vector<2000x32xf32>
      %max3A_90 = arith.constant 0.000000e+00 : f32
      %max3A_91 = vector.broadcast %max3A_90 : f32 to vector<2000x32xf32>
      %max3A_92 = arith.maximumf %add3A_89, %max3A_91 : vector<2000x32xf32>
      %get3A_93 = arith.constant 0 : index
      %get3A_94 = arith.constant 0 : index
      %get3A_95 = vector.load %arg8[%get3A_93, %get3A_94] : memref<32x1xf32, #tpu.memory_space<vmem>>, vector<32x1xf32>
      %dot_general3A_96 = arith.constant dense<0.000000e+00> : vector<2000x1xf32>
      %dot_general3A_97 = tpu.matmul %max3A_92, %get3A_95, %dot_general3A_96 {dimension_numbers = #tpu.dot_dimension_numbers<[1], [0], [0], [1], [0, 0, 1, 1], [], []>, transpose_lhs_hint = false} : vector<2000x32xf32>, vector<32x1xf32>, vector<2000x1xf32> -> vector<2000x1xf32>
      %get3A_98 = arith.constant 0 : index
      %get3A_99 = arith.constant 0 : index
      %get3A_100 = vector.load %arg9[%get3A_98, %get3A_99] : memref<1x1xf32, #tpu.memory_space<vmem>>, vector<1x1xf32>
      %add3A_101 = vector.broadcast %get3A_100 : vector<1x1xf32> to vector<2000x1xf32>
      %add3A_102 = arith.addf %dot_general3A_97, %add3A_101 : vector<2000x1xf32>
      %max3A_103 = arith.constant 0.000000e+00 : f32
      %max3A_104 = vector.broadcast %max3A_103 : f32 to vector<2000x1xf32>
      %max3A_105 = arith.maximumf %add3A_102, %max3A_104 : vector<2000x1xf32>
      %get3A_106 = arith.constant 0 : index
      %get3A_107 = arith.constant 0 : index
      %get3A_108 = vector.load %arg10[%get3A_106, %get3A_107] : memref<2000x1xi32, #tpu.memory_space<vmem>>, vector<2000x1xi32>
      %iota3A = tpu.iota {dimensions = array<i32: 1>} : vector<2000x128xi32>
      %eq3A_109 = vector.broadcast %get3A_108 : vector<2000x1xi32> to vector<2000x128xi32>
      %eq3A_110 = arith.cmpi eq, %eq3A_109, %iota3A : vector<2000x128xi32>
      %convert_element_type3A_111 = arith.extui %eq3A_110 : vector<2000x128xi1> to vector<2000x128xi32>
      %convert_element_type3A_112 = arith.sitofp %convert_element_type3A_111 : vector<2000x128xi32> to vector<2000x128xf32>
      %get3A_113 = arith.constant 0 : index
      %get3A_114 = arith.constant 0 : index
      %get3A_115 = vector.load %arg23[%get3A_113, %get3A_114] : memref<1x128xf32, #tpu.memory_space<vmem>>, vector<1x128xf32>
      %mul3A_116 = vector.broadcast %get3A_115 : vector<1x128xf32> to vector<2000x128xf32>
      %mul3A_117 = arith.mulf %convert_element_type3A_112, %mul3A_116 : vector<2000x128xf32>
      %reduce_sum3A = arith.constant dense<0.000000e+00> : vector<2000xf32>
      %reduce_sum3A_118 = vector.multi_reduction <add>, %mul3A_117, %reduce_sum3A [1] : vector<2000x128xf32> to vector<2000xf32>
      %broadcast_in_dim3A = vector.shape_cast %reduce_sum3A_118 : vector<2000xf32> to vector<2000x1xf32>
      %sub3A_119 = arith.subf %max3A_105, %broadcast_in_dim3A : vector<2000x1xf32>
      %exp3A = math.exp %sub3A_119 : vector<2000x1xf32>
      %get3A_120 = arith.constant 0 : index
      %get3A_121 = arith.constant 0 : index
      %get3A_122 = arith.constant 0 : index
      %get3A_123 = vector.load %arg11[%get3A_120, %get3A_121, %get3A_122] : memref<1x8x2000xi32, #tpu.memory_space<vmem>>, vector<1x1x2000xi32>
      %get3A_124 = vector.shape_cast %get3A_123 : vector<1x1x2000xi32> to vector<1x2000xi32>
      %iota3A_125 = tpu.iota {dimensions = array<i32: 0>} : vector<128x2000xi32>
      %eq3A_126 = vector.broadcast %get3A_124 : vector<1x2000xi32> to vector<128x2000xi32>
      %eq3A_127 = arith.cmpi eq, %eq3A_126, %iota3A_125 : vector<128x2000xi32>
      %convert_element_type3A_128 = arith.extui %eq3A_127 : vector<128x2000xi1> to vector<128x2000xi32>
      %convert_element_type3A_129 = arith.sitofp %convert_element_type3A_128 : vector<128x2000xi32> to vector<128x2000xf32>
      %get3A_130 = arith.constant 0 : index
      %get3A_131 = arith.constant 0 : index
      %get3A_132 = vector.load %arg24[%get3A_130, %get3A_131] : memref<128x1xf32, #tpu.memory_space<vmem>>, vector<128x1xf32>
      %reshape3A = vector.shape_cast %get3A_132 : vector<128x1xf32> to vector<1x128xf32>
      %mul3A_133 = vector.broadcast %reshape3A : vector<1x128xf32> to vector<2000x128xf32>
      %mul3A_134 = arith.mulf %convert_element_type3A_112, %mul3A_133 : vector<2000x128xf32>
      %reduce_sum3A_135 = arith.constant dense<0.000000e+00> : vector<2000xf32>
      %reduce_sum3A_136 = vector.multi_reduction <add>, %mul3A_134, %reduce_sum3A_135 [1] : vector<2000x128xf32> to vector<2000xf32>
      %broadcast_in_dim3A_137 = vector.shape_cast %reduce_sum3A_136 : vector<2000xf32> to vector<2000x1xf32>
      %add3A_138 = arith.constant 1.000000e-16 : f32
      %add3A_139 = vector.broadcast %add3A_138 : f32 to vector<2000x1xf32>
      %add3A_140 = arith.addf %broadcast_in_dim3A_137, %add3A_139 : vector<2000x1xf32>
      %div3A_141 = arith.divf %exp3A, %add3A_140 : vector<2000x1xf32>
      %get3A_142 = arith.constant 0 : index
      %get3A_143 = arith.constant 0 : index
      %get3A_144 = vector.load %arg25[%get3A_142, %get3A_143] : memref<128x64xf32, #tpu.memory_space<vmem>>, vector<128x64xf32>
      %mul3A_145 = vector.broadcast %div3A_141 : vector<2000x1xf32> to vector<2000x64xf32>
      %mul3A_146 = arith.mulf %mul3A_145, %max3A_80 : vector<2000x64xf32>
      %dot_general3A_147 = arith.constant dense<0.000000e+00> : vector<128x64xf32>
      %dot_general3A_148 = tpu.matmul %convert_element_type3A_129, %mul3A_146, %dot_general3A_147 {dimension_numbers = #tpu.dot_dimension_numbers<[1], [0], [0], [1], [0, 0, 1, 1], [], []>, precision = #tpu.contract_precision<fp32>, transpose_lhs_hint = false} : vector<128x2000xf32>, vector<2000x64xf32>, vector<128x64xf32> -> vector<128x64xf32>
      %add3A_149 = arith.addf %get3A_144, %dot_general3A_148 : vector<128x64xf32>
      %swap3A = arith.constant 0 : index
      %swap3A_150 = arith.constant 0 : index
      %swap3A_151 = vector.load %arg25[%swap3A, %swap3A_150] : memref<128x64xf32, #tpu.memory_space<vmem>>, vector<128x64xf32>
      tpu.vector_store %arg25[%swap3A, %swap3A_150], %add3A_149 {strides = array<i32>} : memref<128x64xf32, #tpu.memory_space<vmem>>, vector<128x64xf32>,
    } else {
    }
    %eq3A_43 = arith.constant 5 : i32
    %eq3A_44 = arith.cmpi eq, %arg0, %eq3A_43 : i32
    %eq3A_45 = arith.constant 0 : i32
    %eq3A_46 = arith.cmpi eq, %arg1, %eq3A_45 : i32
    %and3A_47 = arith.andi %eq3A_44, %eq3A_46 : i1
    %convert_element_type3A_48 = arith.extui %and3A_47 : i1 to i32
    %cond3A_49 = arith.constant 0 : i32
    %cond3A_50 = arith.cmpi ne, %convert_element_type3A_48, %cond3A_49 : i32
    scf.if %cond3A_50 {
      %get3A_51 = arith.constant 0 : index
      %get3A_52 = arith.constant 0 : index
      %get3A_53 = vector.load %arg25[%get3A_51, %get3A_52] : memref<128x64xf32, #tpu.memory_space<vmem>>, vector<128x64xf32>
      %slice3A = vector.extract_strided_slice %get3A_53 {offsets = [0, 0], sizes = [64, 64], strides = [1, 1]} : vector<128x64xf32> to vector<64x64xf32>
      %slice3A_54 = vector.extract_strided_slice %get3A_53 {offsets = [64, 0], sizes = [64, 64], strides = [1, 1]} : vector<128x64xf32> to vector<64x64xf32>
      %sub3A_55 = arith.subf %slice3A, %slice3A_54 : vector<64x64xf32>
      %abs3A = math.absf %sub3A_55 : vector<64x64xf32>
      %get3A_56 = arith.constant 0 : index
      %get3A_57 = arith.constant 0 : index
      %get3A_58 = vector.load %arg12[%get3A_56, %get3A_57] : memref<64x64xf32, #tpu.memory_space<vmem>>, vector<64x64xf32>
      %dot_general3A = arith.constant dense<0.000000e+00> : vector<64x64xf32>
      %dot_general3A_59 = tpu.matmul %abs3A, %get3A_58, %dot_general3A {dimension_numbers = #tpu.dot_dimension_numbers<[1], [0], [0], [1], [0, 0, 1, 1], [], []>, transpose_lhs_hint = false} : vector<64x64xf32>, vector<64x64xf32>, vector<64x64xf32> -> vector<64x64xf32>
      %get3A_60 = arith.constant 0 : index
      %get3A_61 = arith.constant 0 : index
      %get3A_62 = vector.load %arg13[%get3A_60, %get3A_61] : memref<1x64xf32, #tpu.memory_space<vmem>>, vector<1x64xf32>
      %add3A_63 = vector.broadcast %get3A_62 : vector<1x64xf32> to vector<64x64xf32>
      %add3A_64 = arith.addf %dot_general3A_59, %add3A_63 : vector<64x64xf32>
      %max3A = arith.constant 0.000000e+00 : f32
      %max3A_65 = vector.broadcast %max3A : f32 to vector<64x64xf32>
      %max3A_66 = arith.maximumf %add3A_64, %max3A_65 : vector<64x64xf32>
      %get3A_67 = arith.constant 0 : index
      %get3A_68 = arith.constant 0 : index
      %get3A_69 = vector.load %arg14[%get3A_67, %get3A_68] : memref<64x64xf32, #tpu.memory_space<vmem>>, vector<64x64xf32>
      %dot_general3A_70 = arith.constant dense<0.000000e+00> : vector<64x64xf32>
      %dot_general3A_71 = tpu.matmul %max3A_66, %get3A_69, %dot_general3A_70 {dimension_numbers = #tpu.dot_dimension_numbers<[1], [0], [0], [1], [0, 0, 1, 1], [], []>, transpose_lhs_hint = false} : vector<64x64xf32>, vector<64x64xf32>, vector<64x64xf32> -> vector<64x64xf32>
      %get3A_72 = arith.constant 0 : index
      %get3A_73 = arith.constant 0 : index
      %get3A_74 = vector.load %arg15[%get3A_72, %get3A_73] : memref<1x64xf32, #tpu.memory_space<vmem>>, vector<1x64xf32>
      %add3A_75 = vector.broadcast %get3A_74 : vector<1x64xf32> to vector<64x64xf32>
      %add3A_76 = arith.addf %dot_general3A_71, %add3A_75 : vector<64x64xf32>
      %max3A_77 = arith.constant 0.000000e+00 : f32
      %max3A_78 = vector.broadcast %max3A_77 : f32 to vector<64x64xf32>
      %max3A_79 = arith.maximumf %add3A_76, %max3A_78 : vector<64x64xf32>
      %get3A_80 = arith.constant 0 : index
      %get3A_81 = arith.constant 0 : index
      %get3A_82 = vector.load %arg16[%get3A_80, %get3A_81] : memref<64x64xf32, #tpu.memory_space<vmem>>, vector<64x64xf32>
      %dot_general3A_83 = arith.constant dense<0.000000e+00> : vector<64x64xf32>
      %dot_general3A_84 = tpu.matmul %max3A_79, %get3A_82, %dot_general3A_83 {dimension_numbers = #tpu.dot_dimension_numbers<[1], [0], [0], [1], [0, 0, 1, 1], [], []>, transpose_lhs_hint = false} : vector<64x64xf32>, vector<64x64xf32>, vector<64x64xf32> -> vector<64x64xf32>
      %get3A_85 = arith.constant 0 : index
      %get3A_86 = arith.constant 0 : index
      %get3A_87 = vector.load %arg17[%get3A_85, %get3A_86] : memref<1x64xf32, #tpu.memory_space<vmem>>, vector<1x64xf32>
      %add3A_88 = vector.broadcast %get3A_87 : vector<1x64xf32> to vector<64x64xf32>
      %add3A_89 = arith.addf %dot_general3A_84, %add3A_88 : vector<64x64xf32>
      %max3A_90 = arith.constant 0.000000e+00 : f32
      %max3A_91 = vector.broadcast %max3A_90 : f32 to vector<64x64xf32>
      %max3A_92 = arith.maximumf %add3A_89, %max3A_91 : vector<64x64xf32>
      %get3A_93 = arith.constant 0 : index
      %get3A_94 = arith.constant 0 : index
      %get3A_95 = vector.load %arg18[%get3A_93, %get3A_94] : memref<64x1xf32, #tpu.memory_space<vmem>>, vector<64x1xf32>
      %dot_general3A_96 = arith.constant dense<0.000000e+00> : vector<64x1xf32>
      %dot_general3A_97 = tpu.matmul %max3A_92, %get3A_95, %dot_general3A_96 {dimension_numbers = #tpu.dot_dimension_numbers<[1], [0], [0], [1], [0, 0, 1, 1], [], []>, transpose_lhs_hint = false} : vector<64x64xf32>, vector<64x1xf32>, vector<64x1xf32> -> vector<64x1xf32>
      %get3A_98 = arith.constant 0 : index
      %get3A_99 = arith.constant 0 : index
      %get3A_100 = vector.load %arg19[%get3A_98, %get3A_99] : memref<1x1xf32, #tpu.memory_space<vmem>>, vector<1x1xf32>
      %add3A_101 = vector.broadcast %get3A_100 : vector<1x1xf32> to vector<64x1xf32>
      %add3A_102 = arith.addf %dot_general3A_97, %add3A_101 : vector<64x1xf32>
      %swap3A = arith.constant 0 : index
      %swap3A_103 = arith.constant 0 : index
      %swap3A_104 = vector.load %arg20[%swap3A, %swap3A_103] : memref<64x1xf32, #tpu.memory_space<vmem>>, vector<64x1xf32>
      tpu.vector_store %arg20[%swap3A, %swap3A_103], %add3A_102 {strides = array<i32>} : memref<64x1xf32, #tpu.memory_space<vmem>>, vector<64x1xf32>,
    } else {
    }
    return
  }
  func.func @transform_0(%arg0: i32, %arg1: i32) -> (i32, i32) {
    %c0_i32 = arith.constant 0 : i32
    %c0_i32_0 = arith.constant 0 : i32
    return %arg1, %c0_i32 : i32, i32
  }
  func.func @transform_1(%arg0: i32, %arg1: i32) -> (i32, i32) {
    %c0_i32 = arith.constant 0 : i32
    %c0_i32_0 = arith.constant 0 : i32
    return %arg1, %c0_i32 : i32, i32
  }
  func.func @transform_2(%arg0: i32, %arg1: i32) -> (i32, i32) {
    %c0_i32 = arith.constant 0 : i32
    %c0_i32_0 = arith.constant 0 : i32
    %c0_i32_1 = arith.constant 0 : i32
    return %c0_i32, %c0_i32_0 : i32, i32
  }
  func.func @transform_3(%arg0: i32, %arg1: i32) -> (i32, i32) {
    %c0_i32 = arith.constant 0 : i32
    %c0_i32_0 = arith.constant 0 : i32
    %c0_i32_1 = arith.constant 0 : i32
    return %c0_i32, %c0_i32_0 : i32, i32
  }
  func.func @transform_4(%arg0: i32, %arg1: i32) -> (i32, i32) {
    %c0_i32 = arith.constant 0 : i32
    %c0_i32_0 = arith.constant 0 : i32
    %c0_i32_1 = arith.constant 0 : i32
    return %c0_i32, %c0_i32_0 : i32, i32
  }
  func.func @transform_5(%arg0: i32, %arg1: i32) -> (i32, i32) {
    %c0_i32 = arith.constant 0 : i32
    %c0_i32_0 = arith.constant 0 : i32
    %c0_i32_1 = arith.constant 0 : i32
    return %c0_i32, %c0_i32_0 : i32, i32
  }
  func.func @transform_6(%arg0: i32, %arg1: i32) -> (i32, i32) {
    %c0_i32 = arith.constant 0 : i32
    %c0_i32_0 = arith.constant 0 : i32
    %c0_i32_1 = arith.constant 0 : i32
    return %c0_i32, %c0_i32_0 : i32, i32
  }
  func.func @transform_7(%arg0: i32, %arg1: i32) -> (i32, i32) {
    %c0_i32 = arith.constant 0 : i32
    %c0_i32_0 = arith.constant 0 : i32
    %c0_i32_1 = arith.constant 0 : i32
    return %c0_i32, %c0_i32_0 : i32, i32
  }
  func.func @transform_8(%arg0: i32, %arg1: i32) -> (i32, i32) {
    %c0_i32 = arith.constant 0 : i32
    %c0_i32_0 = arith.constant 0 : i32
    return %arg1, %c0_i32 : i32, i32
  }
  func.func @transform_9(%arg0: i32, %arg1: i32) -> (i32, i32, i32) {
    %c0_i32 = arith.constant 0 : i32
    %c0_i32_0 = arith.constant 0 : i32
    %c0_i32_1 = arith.constant 0 : i32
    return %arg1, %c0_i32, %c0_i32_0 : i32, i32, i32
  }
  func.func @transform_10(%arg0: i32, %arg1: i32) -> (i32, i32) {
    %c0_i32 = arith.constant 0 : i32
    %c0_i32_0 = arith.constant 0 : i32
    %c0_i32_1 = arith.constant 0 : i32
    return %c0_i32, %c0_i32_0 : i32, i32
  }
  func.func @transform_11(%arg0: i32, %arg1: i32) -> (i32, i32) {
    %c0_i32 = arith.constant 0 : i32
    %c0_i32_0 = arith.constant 0 : i32
    %c0_i32_1 = arith.constant 0 : i32
    return %c0_i32, %c0_i32_0 : i32, i32
  }
  func.func @transform_12(%arg0: i32, %arg1: i32) -> (i32, i32) {
    %c0_i32 = arith.constant 0 : i32
    %c0_i32_0 = arith.constant 0 : i32
    %c0_i32_1 = arith.constant 0 : i32
    return %c0_i32, %c0_i32_0 : i32, i32
  }
  func.func @transform_13(%arg0: i32, %arg1: i32) -> (i32, i32) {
    %c0_i32 = arith.constant 0 : i32
    %c0_i32_0 = arith.constant 0 : i32
    %c0_i32_1 = arith.constant 0 : i32
    return %c0_i32, %c0_i32_0 : i32, i32
  }
  func.func @transform_14(%arg0: i32, %arg1: i32) -> (i32, i32) {
    %c0_i32 = arith.constant 0 : i32
    %c0_i32_0 = arith.constant 0 : i32
    %c0_i32_1 = arith.constant 0 : i32
    return %c0_i32, %c0_i32_0 : i32, i32
  }
  func.func @transform_15(%arg0: i32, %arg1: i32) -> (i32, i32) {
    %c0_i32 = arith.constant 0 : i32
    %c0_i32_0 = arith.constant 0 : i32
    %c0_i32_1 = arith.constant 0 : i32
    return %c0_i32, %c0_i32_0 : i32, i32
  }
  func.func @transform_16(%arg0: i32, %arg1: i32) -> (i32, i32) {
    %c0_i32 = arith.constant 0 : i32
    %c0_i32_0 = arith.constant 0 : i32
    %c0_i32_1 = arith.constant 0 : i32
    return %c0_i32, %c0_i32_0 : i32, i32
  }
  func.func @transform_17(%arg0: i32, %arg1: i32) -> (i32, i32) {
    %c0_i32 = arith.constant 0 : i32
    %c0_i32_0 = arith.constant 0 : i32
    %c0_i32_1 = arith.constant 0 : i32
    return %c0_i32, %c0_i32_0 : i32, i32
  }
  func.func @transform_18(%arg0: i32, %arg1: i32) -> (i32, i32) {
    %c0_i32 = arith.constant 0 : i32
    %c0_i32_0 = arith.constant 0 : i32
    %c0_i32_1 = arith.constant 0 : i32
    return %c0_i32, %c0_i32_0 : i32, i32
  }
}

</mosaic_0001>

<sc_bundles>
// kernel: kernel.16.cloned.1.call-start
scs
__scs_entry_jumppad:
0x0: {  	(pc) =	sbr.rel $0x88, $3  }
0x1: {  	(tag) =	ssettag $0x0;
	lr =	simm.s32 $0x1  }
0x2: {  	[smem:$0x3F5F] =	sst lr;
	_ =	strace $0xD0000000  }
0x3: {  	_ = 	snop  }
0x4: {  	_ = 	snop  }
0x5: {  	_ = 	snop  }
0x6: {  	_ = 	snop  }
0x7: {  	_ = 	snop  }
__scs_overlays_trampoline_lowered:
0x8: {  	[smem:$0x3F6E] =	sst s0  }
0x9: {  	[smem:$0x3F6F] =	sst s1  }
0xa: {  	[smem:$0x3F70] =	sst s2  }
0xb: {  	[smem:$0x3F71] =	sst s3  }
0xc: {  	[smem:$0x3F72] =	sst s4  }
0xd: {  	[smem:$0x3F73] =	sst s5  }
0xe: {  	[smem:$0x3F74] =	sst s6  }
0xf: {  	[smem:$0x3F75] =	sst s7  }
0x10: {  	[smem:$0x3F76] =	sst s8  }
0x11: {  	[smem:$0x3F77] =	sst s9;
	s0 =	simm.s32 @!p0 $0x0  }
0x12: {  	s1 =	sld [smem:$0x3F5D];
	s0 =	simm.s32 @p0 $0x1  }
0x13: {  	[smem:$0x3F78] =	sst s0;
	s0 =	simm.s32 @!p1 $0x0  }
0x14: {  	s2 =	sld [smem:$0x3F5C];
	s0 =	simm.s32 @p1 $0x1  }
0x15: {  	[smem:$0x3F79] =	sst s0;
	s0 =	simm.s32 @!p2 $0x0  }
0x16: {  	s3 =	sld [smem:$0x3FDB];
	s0 =	simm.s32 @p2 $0x1  }
0x17: {  	s4 =	simm.s32 $0x1BF5;
	[smem:$0x3F7B] =	sst s0  }
0x18: {  	s0 =	sld [smem:$0x3F5E];
	_ =	swait.ge [sflag:s4], $0x0  }
0x19: {  	s7 =	sld [smem:$0x3F5F]  }
0x1a: {  	s8 =	sadd.s32 $0xFFFFE003, lr  }
0x1b: {  	s9 =	sadd.s32 $0xFFFFFEF7, lr;
	s5 =	simm.s32 $0xFFFFFFFF;
	p2 =	slt.u32 s8, $0xFFFFF086  }
0x1c: {  	p1 =	slt.u32 s9, $0xF7A;
	s5 =	simm.s32 @!p2 $0x0  }
0x1d: {  	s5 =	simm.s32 @p1 $0x1;
	p0 =	seq.s32 s7, s2  }
0x1e: {  	s7 =	smul.u32 @!p0 $0xF7A, s2;
	p2 =	seq.s32 @!p0 s5, $0x0  }
0x1f: {  	s9 =	smul.u32 $0xF7A, s1;
	s8 =	simm.s32 @!p0 $0x1BF5;
	p2 =	por !p2, p0  }
0x20: {  	[sflag:s8] =	ssyncset.s32 @!p0 $0xFFFFF086;
	s6 =	sadd.s32 @!p0 s3, s7;
	s7 =	simm.s32 @!p0 $0x108  }
0x21: {  	s3 =	sadd.s32 s3, s9;
	s6 =	sadd.s32 @!p0 $0x88, s6;
	s7 =	simm.s32 @p2 $0x1082  }
0x22: {  	[simem:s7], [sflag:s8] =	dma.local @!p0 [hbm:s6], $0xF7A  }
0x23: {  	s9 =	sor.u32 $0xD0000000, s2;
	s6 =	simm.s32 $0x108;
	_ =	swait.ge @!p0 [sflag:s8], $0x0  }
0x24: {  	s3 =	sadd.s32 $0x88, s3;
	s6 =	simm.s32 @!p1 $0x1082;
	[sflag:s4] =	ssyncset.s32 $0xFFFFF086  }
0x25: {  	[simem:s6], [sflag:s4] =	dma.local [hbm:s3], $0xF7A  }
0x26: {  	[smem:$0x3F5F] =	sst s1;
	(tag) =	ssettag s2;
	_ =	strace s9  }
0x27: {  	s1 =	sld [smem:$0x3F6F]  }
0x28: {  	s2 =	sld [smem:$0x3F70]  }
0x29: {  	s4 =	sld [smem:$0x3F72]  }
0x2a: {  	p0 =	seq.s32 s5, $0x0;
	s5 =	sld [smem:$0x3F73]  }
0x2b: {  	s6 =	sld [smem:$0x3F74]  }
0x2c: {  	s7 =	sld [smem:$0x3F75]  }
0x2d: {  	s3 =	simm.s32 $0x108;
	s8 =	sld [smem:$0x3F76]  }
0x2e: {  	s3 =	simm.s32 @!p0 $0x1082;
	s9 =	sld [smem:$0x3F77]  }
0x2f: {  	lr =	sadd.s32 s0, s3;
	s0 =	sld [smem:$0x3F6E]  }
0x30: {  	s3 =	sld [smem:$0x3F71]  }
0x31: {  	[smem:$0x3F7A] =	sst s10  }
0x32: {  	s10 =	sld [smem:$0x3F78];
	_ =	sdelay $0x3  }
0x33: {  	p0 =	seq.s32 s10, $0x1;
	s10 =	sld [smem:$0x3F7A];
	_ =	sdelay $0x3  }
0x34: {  	[smem:$0x3F7A] =	sst s10  }
0x35: {  	s10 =	sld [smem:$0x3F79];
	_ =	sdelay $0x3  }
0x36: {  	p1 =	seq.s32 s10, $0x1;
	s10 =	sld [smem:$0x3F7A];
	_ =	sdelay $0x3  }
0x37: {  	[smem:$0x3F7A] =	sst s10  }
0x38: {  	s10 =	sld [smem:$0x3F7B]  }
0x39: {  	_ = 	snop;
	(pc) =	sbr.ind lr, $3  }
0x3a: {  	_ = 	snop  }
0x3b: {  	_ = 	snop  }
0x3c: {  	p2 =	seq.s32 s10, $0x1;
	s10 =	sld [smem:$0x3F7A]  }
0x3d: {  	_ =	shalt  }
0x3e: {  	_ =	shalt  }
0x3f: {  	_ =	shalt  }
0x40: {  	_ =	shalt  }
0x41: {  	_ =	shalt  }
0x42: {  	_ =	shalt  }
0x43: {  	_ =	shalt  }
0x44: {  	_ =	shalt  }
0x45: {  	_ =	shalt  }
0x46: {  	_ =	shalt  }
0x47: {  	_ =	shalt  }
0x48: {  	_ =	shalt  }
0x49: {  	_ =	shalt  }
0x4a: {  	_ =	shalt  }
0x4b: {  	_ =	shalt  }
0x4c: {  	_ =	shalt  }
0x4d: {  	_ =	shalt  }
0x4e: {  	_ =	shalt  }
0x4f: {  	_ =	shalt  }
0x50: {  	_ =	shalt  }
0x51: {  	_ =	shalt  }
0x52: {  	_ =	shalt  }
0x53: {  	_ =	shalt  }
0x54: {  	_ =	shalt  }
0x55: {  	_ =	shalt  }
0x56: {  	_ =	shalt  }
0x57: {  	_ =	shalt  }
0x58: {  	_ =	shalt  }
0x59: {  	_ =	shalt  }
0x5a: {  	_ =	shalt  }
0x5b: {  	_ =	shalt  }
0x5c: {  	_ =	shalt  }
0x5d: {  	_ =	shalt  }
0x5e: {  	_ =	shalt  }
0x5f: {  	_ =	shalt  }
0x60: {  	_ =	shalt  }
0x61: {  	_ =	shalt  }
0x62: {  	_ =	shalt  }
0x63: {  	_ =	shalt  }
0x64: {  	_ =	shalt  }
0x65: {  	_ =	shalt  }
0x66: {  	_ =	shalt  }
0x67: {  	_ =	shalt  }
0x68: {  	_ =	shalt  }
0x69: {  	_ =	shalt  }
0x6a: {  	_ =	shalt  }
0x6b: {  	_ =	shalt  }
0x6c: {  	_ =	shalt  }
0x6d: {  	_ =	shalt  }
0x6e: {  	_ =	shalt  }
0x6f: {  	_ =	shalt  }
0x70: {  	_ =	shalt  }
0x71: {  	_ =	shalt  }
0x72: {  	_ =	shalt  }
0x73: {  	_ =	shalt  }
0x74: {  	_ =	shalt  }
0x75: {  	_ =	shalt  }
0x76: {  	_ =	shalt  }
0x77: {  	_ =	shalt  }
0x78: {  	_ =	shalt  }
0x79: {  	_ =	shalt  }
0x7a: {  	_ =	shalt  }
0x7b: {  	_ =	shalt  }
0x7c: {  	_ =	shalt  }
0x7d: {  	_ =	shalt  }
0x7e: {  	_ =	shalt  }
0x7f: {  	_ =	shalt  }
0x80: {  	_ =	shalt  }
0x81: {  	_ =	shalt  }
0x82: {  	_ =	shalt  }
0x83: {  	_ =	shalt  }
0x84: {  	_ =	shalt  }
0x85: {  	_ =	shalt  }
0x86: {  	_ =	shalt  }
0x87: {  	_ =	shalt  }
.Lfunc_end0:
.L_simem_size_0:
called_computation_lowered:
.L_overlay_start_0:
0x88: {  	s2 =	sld [smem:$0x3FD9]  }
0x89: {  	s3 =	sld [smem:$0x3FFE];
	_ =	sdelay $0x1  }
0x8a: {  	s1 =	srdreg.scid  }
0x8b: {  	s0 =	sand.u32 $0x1, s1  }
0x8c: {  	s16 =	sshll.u32 s0, $0xA;
	s2 =	sadd.s32 s3, s2  }
0x8d: {  	s2 =	sadd.s32 s2, s16  }
0x8e: {  	[smem:$0x3F86] =	sst s2  }
0x8f: {  	_ = 	snop  }
0x90: {  	(tm) =	ssettm $0x1  }
0x91: {  	s17 =	sld [smem:$0x3FFB];
	_ =	sdelay $0x3  }
0x92: {  	_ =	strace s17  }
0x93: {  	s2 =	sld [smem:$0x3FFC];
	_ =	sdelay $0x3  }
0x94: {  	_ =	strace s2  }
0x95: {  	s2 =	sld [smem:$0x3FFD];
	_ =	sdelay $0x3  }
0x96: {  	_ =	strace s2  }
0x97: {  	_ =	strace $0x8FFFFFFF  }
0x98: {  	s18 =	sld [smem:$0x3FDB];
	_ =	sdelay $0x1  }
0x99: {  	s19 =	simm.s32 $_scs_section_size  }
0x9a: {  	s4 =	simm.s32 $_size__tile_overlayer_lowered;
	s5 =	simm.s32 $_tile_overlayer_lowered  }
0x9b: {  	s22 =	simm.s32 $0x1BFF;
	s21 =	sshll.u32 s5, $0x1;
	s2 =	sadd.s32 s19, s18  }
0x9c: {  	s6 =	simm.s32 $0x0;
	s20 =	sshll.u32 s4, $0x1;
	s4 =	sadd.s32 s21, s2  }
0x9d: {  	[timem:s6], [sflag:s22] =	dma.local [hbm:s4], s20  }
0x9e: {  	_ =	swait.ge [sflag:s22], s20  }
0x9f: {  	s3 =	ssub.s32 $0x0, s20;
	[sflag:s22] =	ssyncset.done $0x0  }
0xa0: {  	[sflag:s22] =	ssyncadd.s32 s3;
	_ =	sdelay $0x1  }
0xa1: {  	s23 =	simm.s32 $0x1B8B  }
0xa2: {  	_ =	swait.ge [sflag:s23], $0x1  }
0xa3: {  	[sflag:s23] =	ssyncset.done $0x0  }
0xa4: {  	s25 =	simm.s32 $0x1B8E;
	s24 =	sld [smem:$0x3FFE];
	[sflag:s23] =	ssyncadd.s32 $0xFFFFFFFF  }
0xa5: {  	s26 =	simm.s32 $execute0_lowered;
	[smem:$0x3FD2] =	sst s25  }
0xa6: {  	s4 =	sshll.u32 s26, $0x1;
	_ =	strace $0x80000046;
	[dreg:$0x1] =	wrdreg $0xFFFFFFFF  }
0xa7: {  	s28 =	simm.s32 $_size_execute0_lowered;
	s2 =	sadd.s32 s2, s4;
	[dreg:$0x0] =	wrdreg $0x0  }
0xa8: {  	s4 =	sshll.u32 s28, $0x1;
	[dreg:$0x2] =	wrdreg s2  }
0xa9: {  	[dreg:$0x3] =	wrdreg s4  }
0xaa: {  	[dreg:$0x4] =	wrdreg $0xC0  }
0xab: {  	_ =	task [dreg:s6], $0x5FFFF  }
0xac: {  	[dreg:$0x1] =	wrdreg $0xFFFFFFFF  }
0xad: {  	[dreg:$0x0] =	wrdreg $0x60  }
0xae: {  	[dreg:$0x2] =	wrdreg s24  }
0xaf: {  	[dreg:$0x3] =	wrdreg $0x0  }
0xb0: {  	[dreg:$0x4] =	wrdreg $0x9  }
0xb1: {  	_ =	task.clear_ibuf [dreg:s6], $0x5FFFF;
	_ =	strace $0x90000046  }
0xb2: {  	s29 =	simm.s32 $0x9;
	_ =	strace $0x80000048  }
0xb3: {  	_ =	swait.ge [sflag:s29], $0x1  }
0xb4: {  	[sflag:s29] =	ssyncadd.s32 $0xFFFFFFFF  }
0xb5: {  	_ =	strace $0x90000048  }
0xb6: {  	_ =	sfence  }
0xb7: {  	s30 =	sld [smem:$0x0];
	_ =	sdelay $0x2  }
0xb8: {  	s31 =	sshll.u32 s1, $0xD;
	s1 =	sshrl.u32 s1, $0x2  }
0xb9: {  	s3 =	sand.u32 $0x4000, s31;
	s1 =	sadd.s32 s1, s30  }
0xba: {  	s0 =	sor.u32 s3, s0;
	s1 =	sshll.u32 s1, $0x11  }
0xbb: {  	s0 =	sor.u32 s1, s0  }
0xbc: {  	s0 =	sadd.s32 $0x8F2B, s0  }
0xbd: {  	[sflag:s0] =	ssyncadd.remote.s32 $0x1  }
0xbe: {  	_ =	sfence.sel $0xFFFF  }
0xbf: {  	[dreg:$0x0] =	wrdreg $0xFFFFFFFF;
	(pc) =	sbr.abs _section_cstart, $3  }
0xc0: {  	[dreg:$0x1] =	wrdreg $0xFFFFFFFF  }
0xc1: {  	_ =	task.clear_ibuf [dreg:s6], $0x2FFFF;
	_ =	strace $0x9FFFFFFF  }
0xc2: {  	(tm) =	ssettm $0x7FFFFFFF  }
0xc3: {  	_ =	shalt  }
tec
execute0_lowered:
.L_overlay_start_1:
0x0: {  	(tag) =	ssettag $0x1  }
0x1: {  	s5 =	rddreg [dreg:$0x0]  }
0x2: {  	s0 =	srdreg.scid;
	s2 =	rddreg [dreg:$0x1]  }
0x3: {  	s1 =	rddreg [dreg:$0x2];
	s3 =	simm.s32 $0x0;
	s4 =	sand.u32 $0x1, s0  }
0x4: {  	s13 =	simm.s32 $0x2800;
	s0 =	stileid.u32;
	s6 =	smul.u32 $0x4F000, s4  }
0x5: {  	s14 =	simm.s32 $0x80;
	s15 =	simm.s32 $0x1;
	s7 =	smul.u32 $0x4F00, s0  }
0x6: {  	s16 =	simm.s32 $0x0;
	[smem:$0x7FF] =	sst s3;
	s8 =	smul.u32 $0x2800, s0  }
0x7: {  	s28 =	smul.u32 $0x28000, s4;
	_ =	strace $0x80000047;
	s10 =	ssub.s32 $0x2, s4  }
0x8: {  	s4 =	sadd.s32 $0x23800, s5;
	s31 =	sshll.u32 s0, $0x6;
	s30 =	sshrl.u32 s10, $0x1  }
0x9: {  	s6 =	sadd.s32 s7, s6;
	s29 =	sshrl.u32 s8, $0x3;
	s7 =	sadd.s32 s8, s28  }
0xa: {  	s10 =	ssub.s32 s10, s30;
	s12 =	sadd.s32 s8, s2;
	s6 =	sshrl.u32 s6, $0x3  }
0xb: {  	s7 =	sshrl.u32 s7, $0x3;
	s9 =	sadd.s32 s6, s5;
	s6 =	sadd.s32 s29, s5  }
0xc: {  	s11 =	sadd.s32 s7, s5;
	s5 =	sadd.s32 $0x1E800, s6;
	s6 =	sor.u32 $0x1C02, s31  }
0xd: {  	s7 =	sadd.s32 $0xAC00, s9;
	s8 =	sadd.s32 $0x23A00, s11;
	s9 =	smax.u32 s10, $0x1  }
0xe: {  	s10 =	sshrl.u32 s12, $0x3;
	s11 =	simm.s32 $0x2;
	s12 =	simm.s32 $0x7700  }
.LBB2_1:
0xf: {  	[spmem:s10], [sflag:s6] =	dma.local [hbm:s5], $0x500  }
0x10: {  	_ =	swait.ge [sflag:s11], $0x500  }
0x11: {  	[sflag:s11] =	ssyncset.done $0x0  }
0x12: {  	[sflag:s11] =	ssyncadd.s32 $0xFFFFFB00  }
0x13: {  	[tilespmem:s12], [sflag:$0x2] =	stream.linear.gather [hbm4b:s4+s3], $0x800, $0x38;
	[tilespmem:$0x7F00] =	vst v63  }
0x14: {  	_ =	swait.ge [sflag:s11], $0x800  }
0x15: {  	[sflag:s11] =	ssyncset.done $0x0  }
0x16: {  	[sflag:s11] =	ssyncadd.s32 $0xFFFFF800  }
0x17: {  	[tilespmem:s13], [sflag:$0x2] =	stream.linear.gather [hbm4b:s7+s3], $0x4F00, $0x38;
	[tilespmem:$0x7F00] =	vst v63  }
0x18: {  	_ =	swait.ge [sflag:s11], $0x4F00  }
0x19: {  	[sflag:s11] =	ssyncset.done $0x0  }
0x1a: {  	[sflag:s11] =	ssyncadd.s32 $0xFFFFB100  }
0x1b: {  	[bflag:$0x0] =	sbarrier.arrive $0xFFFF  }
0x1c: {  	[spmem:s2] =	stream.indirect.scatter.add.f32 [tilespmem:s12], [sflag:$0x1], $0x10, s13, s14, $0xb8;
	[tilespmem:$0x7F00] =	vst v63  }
0x1d: {  	s17 =	simm.s32 $0x2880  }
0x1e: {  	[spmem:s2] =	stream.indirect.scatter.add.f32 [tilespmem:s12], [sflag:$0x1], $0x10, s17, s14, $0xb8;
	[tilespmem:$0x7F00] =	vst v63  }
0x1f: {  	s17 =	simm.s32 $0x400;
	_ =	swait.ge [sflag:s15], $0x800  }
.LBB2_2:
0x20: {  	s18 =	sshra.s32 s17, $0x2;
	[sflag:s15] =	ssyncset.done $0x0;
	p0 =	sne.s32 s17, $0x13A00  }
.Ltmp0:
0x21: {  	s18 =	sadd.s32 $0x2800, s18;
	[sflag:s15] =	ssyncadd.s32 $0xFFFFF800;
	(pc) =	sbr.rel @p0 .LBB2_2-.Ltmp0, $3  }
0x22: {  	[spmem:s2] =	stream.indirect.scatter.add.f32 [tilespmem:s12], [sflag:$0x1], $0x10, s18, s14, $0xb8;
	[tilespmem:$0x7F00] =	vst v63  }
0x23: {  	s17 =	sadd.s32 $0x200, s17;
	_ =	sdelay $0x1  }
0x24: {  	_ =	swait.ge [sflag:s15], $0x800  }
0x25: {  	[sflag:s15] =	ssyncset.done $0x0  }
0x26: {  	[sflag:s15] =	ssyncadd.s32 $0xFFFFF800  }
0x27: {  	_ =	swait.ge [sflag:s15], $0x800  }
0x28: {  	s16 =	sadd.s32 $0x1, s16;
	[sflag:s15] =	ssyncset.done $0x0  }
0x29: {  	p0 =	sne.s32 s16, s9;
	[sflag:s15] =	ssyncadd.s32 $0xFFFFF800  }
.Ltmp1:
0x2a: {  	[bflag:$0x0] =	sbarrier.arrive $0xFFFF;
	(pc) =	sbr.rel @p0 .LBB2_1-.Ltmp1, $4  }
0x2b: {  	[hbm:s8], [sflag:s6] =	dma.local [spmem:s10], $0x500  }
0x2c: {  	_ =	swait.ge [sflag:s11], $0x500  }
0x2d: {  	[sflag:s11] =	ssyncset.done $0x0  }
0x2e: {  	[sflag:s11] =	ssyncadd.s32 $0xFFFFFB00  }
0x2f: {  	_ =	sfence.sel $0x180000  }
0x30: {  	[bflag:$0x0] =	sbarrier.arrive $0xFFFF  }
0x31: {  	p0 =	sne.s32 s0, $0x0;
	_ =	strace $0x90000047  }
0x32: {  	s0 =	sadd.s32 @!p0 $0x100000, s1;
	[bflag:$0x2] =	sbarrier.arrive $0xFFFF  }
0x33: {  	[sflag:s0] =	ssyncadd.tile.s32 @!p0 $0x1;
	_ =	shalt  }
.Lfunc_end2:
_tile_overlayer_lowered:
.L_overlay_start_2:
0x34: {  	(tag) =	ssettag $0x2  }
0x35: {  	s0 =	rddreg [dreg:$0x0];
	s2 =	stileid.u32  }
0x36: {  	s1 =	rddreg [dreg:$0x1];
	p0 =	sne.s32 s2, $0x0  }
0x37: {  	s3 =	rddreg [dreg:$0x2];
	[bflag:$0x3] =	sbarrier.arrive $0xFFFF;
	s2 =	simm.s32 @!p0 $0x1C02  }
0x38: {  	[timem:s3], [sflag:s2] =	dma.local @!p0 [hbm:s0], s1  }
0x39: {  	s0 =	simm.s32 @!p0 $0x2  }
0x3a: {  	_ =	swait.ge @!p0 [sflag:s0], s1  }
0x3b: {  	s1 =	ssub.s32 @!p0 $0x0, s1;
	[sflag:s0] =	ssyncset.done @!p0 $0x0  }
0x3c: {  	[sflag:s0] =	ssyncadd.s32 @!p0 s1  }
0x3d: {  	[bflag:$0x3] =	sbarrier.arrive $0xFFFF  }
0x3e: {  	_ =	shalt  }

// kernel: kernel.19.cloned.1.call-start
scs
__scs_entry_jumppad:
0x0: {  	(pc) =	sbr.rel $0x88, $3  }
0x1: {  	(tag) =	ssettag $0x0;
	lr =	simm.s32 $0x1  }
0x2: {  	[smem:$0x3F5F] =	sst lr;
	_ =	strace $0xD0000000  }
0x3: {  	_ = 	snop  }
0x4: {  	_ = 	snop  }
0x5: {  	_ = 	snop  }
0x6: {  	_ = 	snop  }
0x7: {  	_ = 	snop  }
__scs_overlays_trampoline_lowered:
0x8: {  	[smem:$0x3F6E] =	sst s0  }
0x9: {  	[smem:$0x3F6F] =	sst s1  }
0xa: {  	[smem:$0x3F70] =	sst s2  }
0xb: {  	[smem:$0x3F71] =	sst s3  }
0xc: {  	[smem:$0x3F72] =	sst s4  }
0xd: {  	[smem:$0x3F73] =	sst s5  }
0xe: {  	[smem:$0x3F74] =	sst s6  }
0xf: {  	[smem:$0x3F75] =	sst s7  }
0x10: {  	[smem:$0x3F76] =	sst s8  }
0x11: {  	[smem:$0x3F77] =	sst s9;
	s0 =	simm.s32 @!p0 $0x0  }
0x12: {  	s1 =	sld [smem:$0x3F5D];
	s0 =	simm.s32 @p0 $0x1  }
0x13: {  	[smem:$0x3F78] =	sst s0;
	s0 =	simm.s32 @!p1 $0x0  }
0x14: {  	s2 =	sld [smem:$0x3F5C];
	s0 =	simm.s32 @p1 $0x1  }
0x15: {  	[smem:$0x3F79] =	sst s0;
	s0 =	simm.s32 @!p2 $0x0  }
0x16: {  	s3 =	sld [smem:$0x3FDB];
	s0 =	simm.s32 @p2 $0x1  }
0x17: {  	s4 =	simm.s32 $0x1BF5;
	[smem:$0x3F7B] =	sst s0  }
0x18: {  	s0 =	sld [smem:$0x3F5E];
	_ =	swait.ge [sflag:s4], $0x0  }
0x19: {  	s7 =	sld [smem:$0x3F5F]  }
0x1a: {  	s8 =	sadd.s32 $0xFFFFE003, lr  }
0x1b: {  	s9 =	sadd.s32 $0xFFFFFEF7, lr;
	s5 =	simm.s32 $0xFFFFFFFF;
	p2 =	slt.u32 s8, $0xFFFFF086  }
0x1c: {  	p1 =	slt.u32 s9, $0xF7A;
	s5 =	simm.s32 @!p2 $0x0  }
0x1d: {  	s5 =	simm.s32 @p1 $0x1;
	p0 =	seq.s32 s7, s2  }
0x1e: {  	s7 =	smul.u32 @!p0 $0xF7A, s2;
	p2 =	seq.s32 @!p0 s5, $0x0  }
0x1f: {  	s9 =	smul.u32 $0xF7A, s1;
	s8 =	simm.s32 @!p0 $0x1BF5;
	p2 =	por !p2, p0  }
0x20: {  	[sflag:s8] =	ssyncset.s32 @!p0 $0xFFFFF086;
	s6 =	sadd.s32 @!p0 s3, s7;
	s7 =	simm.s32 @!p0 $0x108  }
0x21: {  	s3 =	sadd.s32 s3, s9;
	s6 =	sadd.s32 @!p0 $0x88, s6;
	s7 =	simm.s32 @p2 $0x1082  }
0x22: {  	[simem:s7], [sflag:s8] =	dma.local @!p0 [hbm:s6], $0xF7A  }
0x23: {  	s9 =	sor.u32 $0xD0000000, s2;
	s6 =	simm.s32 $0x108;
	_ =	swait.ge @!p0 [sflag:s8], $0x0  }
0x24: {  	s3 =	sadd.s32 $0x88, s3;
	s6 =	simm.s32 @!p1 $0x1082;
	[sflag:s4] =	ssyncset.s32 $0xFFFFF086  }
0x25: {  	[simem:s6], [sflag:s4] =	dma.local [hbm:s3], $0xF7A  }
0x26: {  	[smem:$0x3F5F] =	sst s1;
	(tag) =	ssettag s2;
	_ =	strace s9  }
0x27: {  	s1 =	sld [smem:$0x3F6F]  }
0x28: {  	s2 =	sld [smem:$0x3F70]  }
0x29: {  	s4 =	sld [smem:$0x3F72]  }
0x2a: {  	p0 =	seq.s32 s5, $0x0;
	s5 =	sld [smem:$0x3F73]  }
0x2b: {  	s6 =	sld [smem:$0x3F74]  }
0x2c: {  	s7 =	sld [smem:$0x3F75]  }
0x2d: {  	s3 =	simm.s32 $0x108;
	s8 =	sld [smem:$0x3F76]  }
0x2e: {  	s3 =	simm.s32 @!p0 $0x1082;
	s9 =	sld [smem:$0x3F77]  }
0x2f: {  	lr =	sadd.s32 s0, s3;
	s0 =	sld [smem:$0x3F6E]  }
0x30: {  	s3 =	sld [smem:$0x3F71]  }
0x31: {  	[smem:$0x3F7A] =	sst s10  }
0x32: {  	s10 =	sld [smem:$0x3F78];
	_ =	sdelay $0x3  }
0x33: {  	p0 =	seq.s32 s10, $0x1;
	s10 =	sld [smem:$0x3F7A];
	_ =	sdelay $0x3  }
0x34: {  	[smem:$0x3F7A] =	sst s10  }
0x35: {  	s10 =	sld [smem:$0x3F79];
	_ =	sdelay $0x3  }
0x36: {  	p1 =	seq.s32 s10, $0x1;
	s10 =	sld [smem:$0x3F7A];
	_ =	sdelay $0x3  }
0x37: {  	[smem:$0x3F7A] =	sst s10  }
0x38: {  	s10 =	sld [smem:$0x3F7B]  }
0x39: {  	_ = 	snop;
	(pc) =	sbr.ind lr, $3  }
0x3a: {  	_ = 	snop  }
0x3b: {  	_ = 	snop  }
0x3c: {  	p2 =	seq.s32 s10, $0x1;
	s10 =	sld [smem:$0x3F7A]  }
0x3d: {  	_ =	shalt  }
0x3e: {  	_ =	shalt  }
0x3f: {  	_ =	shalt  }
0x40: {  	_ =	shalt  }
0x41: {  	_ =	shalt  }
0x42: {  	_ =	shalt  }
0x43: {  	_ =	shalt  }
0x44: {  	_ =	shalt  }
0x45: {  	_ =	shalt  }
0x46: {  	_ =	shalt  }
0x47: {  	_ =	shalt  }
0x48: {  	_ =	shalt  }
0x49: {  	_ =	shalt  }
0x4a: {  	_ =	shalt  }
0x4b: {  	_ =	shalt  }
0x4c: {  	_ =	shalt  }
0x4d: {  	_ =	shalt  }
0x4e: {  	_ =	shalt  }
0x4f: {  	_ =	shalt  }
0x50: {  	_ =	shalt  }
0x51: {  	_ =	shalt  }
0x52: {  	_ =	shalt  }
0x53: {  	_ =	shalt  }
0x54: {  	_ =	shalt  }
0x55: {  	_ =	shalt  }
0x56: {  	_ =	shalt  }
0x57: {  	_ =	shalt  }
0x58: {  	_ =	shalt  }
0x59: {  	_ =	shalt  }
0x5a: {  	_ =	shalt  }
0x5b: {  	_ =	shalt  }
0x5c: {  	_ =	shalt  }
0x5d: {  	_ =	shalt  }
0x5e: {  	_ =	shalt  }
0x5f: {  	_ =	shalt  }
0x60: {  	_ =	shalt  }
0x61: {  	_ =	shalt  }
0x62: {  	_ =	shalt  }
0x63: {  	_ =	shalt  }
0x64: {  	_ =	shalt  }
0x65: {  	_ =	shalt  }
0x66: {  	_ =	shalt  }
0x67: {  	_ =	shalt  }
0x68: {  	_ =	shalt  }
0x69: {  	_ =	shalt  }
0x6a: {  	_ =	shalt  }
0x6b: {  	_ =	shalt  }
0x6c: {  	_ =	shalt  }
0x6d: {  	_ =	shalt  }
0x6e: {  	_ =	shalt  }
0x6f: {  	_ =	shalt  }
0x70: {  	_ =	shalt  }
0x71: {  	_ =	shalt  }
0x72: {  	_ =	shalt  }
0x73: {  	_ =	shalt  }
0x74: {  	_ =	shalt  }
0x75: {  	_ =	shalt  }
0x76: {  	_ =	shalt  }
0x77: {  	_ =	shalt  }
0x78: {  	_ =	shalt  }
0x79: {  	_ =	shalt  }
0x7a: {  	_ =	shalt  }
0x7b: {  	_ =	shalt  }
0x7c: {  	_ =	shalt  }
0x7d: {  	_ =	shalt  }
0x7e: {  	_ =	shalt  }
0x7f: {  	_ =	shalt  }
0x80: {  	_ =	shalt  }
0x81: {  	_ =	shalt  }
0x82: {  	_ =	shalt  }
0x83: {  	_ =	shalt  }
0x84: {  	_ =	shalt  }
0x85: {  	_ =	shalt  }
0x86: {  	_ =	shalt  }
0x87: {  	_ =	shalt  }
.Lfunc_end0:
.L_simem_size_0:
called_computation.1_lowered:
.L_overlay_start_0:
0x88: {  	s2 =	sld [smem:$0x3FD9]  }
0x89: {  	s3 =	sld [smem:$0x3FFE];
	_ =	sdelay $0x1  }
0x8a: {  	s1 =	srdreg.scid  }
0x8b: {  	s0 =	sand.u32 $0x1, s1  }
0x8c: {  	s16 =	sshll.u32 s0, $0xA;
	s2 =	sadd.s32 s3, s2  }
0x8d: {  	s2 =	sadd.s32 s2, s16  }
0x8e: {  	[smem:$0x3F86] =	sst s2  }
0x8f: {  	_ = 	snop  }
0x90: {  	(tm) =	ssettm $0x1  }
0x91: {  	s17 =	sld [smem:$0x3FFB];
	_ =	sdelay $0x3  }
0x92: {  	_ =	strace s17  }
0x93: {  	s2 =	sld [smem:$0x3FFC];
	_ =	sdelay $0x3  }
0x94: {  	_ =	strace s2  }
0x95: {  	s2 =	sld [smem:$0x3FFD];
	_ =	sdelay $0x3  }
0x96: {  	_ =	strace s2  }
0x97: {  	_ =	strace $0x8FFFFFFF  }
0x98: {  	s18 =	sld [smem:$0x3FDB];
	_ =	sdelay $0x1  }
0x99: {  	s19 =	simm.s32 $_scs_section_size  }
0x9a: {  	s4 =	simm.s32 $_size__tile_overlayer_lowered;
	s5 =	simm.s32 $_tile_overlayer_lowered  }
0x9b: {  	s22 =	simm.s32 $0x1BFF;
	s21 =	sshll.u32 s5, $0x1;
	s2 =	sadd.s32 s19, s18  }
0x9c: {  	s6 =	simm.s32 $0x0;
	s20 =	sshll.u32 s4, $0x1;
	s4 =	sadd.s32 s21, s2  }
0x9d: {  	[timem:s6], [sflag:s22] =	dma.local [hbm:s4], s20  }
0x9e: {  	_ =	swait.ge [sflag:s22], s20  }
0x9f: {  	s3 =	ssub.s32 $0x0, s20;
	[sflag:s22] =	ssyncset.done $0x0  }
0xa0: {  	[sflag:s22] =	ssyncadd.s32 s3;
	_ =	sdelay $0x1  }
0xa1: {  	s23 =	simm.s32 $0x1B8B  }
0xa2: {  	_ =	swait.ge [sflag:s23], $0x1  }
0xa3: {  	[sflag:s23] =	ssyncset.done $0x0  }
0xa4: {  	s25 =	simm.s32 $0x1B8E;
	s24 =	sld [smem:$0x3FFE];
	[sflag:s23] =	ssyncadd.s32 $0xFFFFFFFF  }
0xa5: {  	s26 =	simm.s32 $execute0_lowered;
	[smem:$0x3FD2] =	sst s25  }
0xa6: {  	s4 =	sshll.u32 s26, $0x1;
	_ =	strace $0x80000049;
	[dreg:$0x1] =	wrdreg $0xFFFFFFFF  }
0xa7: {  	s28 =	simm.s32 $_size_execute0_lowered;
	s2 =	sadd.s32 s2, s4;
	[dreg:$0x0] =	wrdreg $0x0  }
0xa8: {  	s4 =	sshll.u32 s28, $0x1;
	[dreg:$0x2] =	wrdreg s2  }
0xa9: {  	[dreg:$0x3] =	wrdreg s4  }
0xaa: {  	[dreg:$0x4] =	wrdreg $0xC0  }
0xab: {  	_ =	task [dreg:s6], $0x5FFFF  }
0xac: {  	[dreg:$0x1] =	wrdreg $0xFFFFFFFF  }
0xad: {  	[dreg:$0x0] =	wrdreg $0x60  }
0xae: {  	[dreg:$0x2] =	wrdreg s24  }
0xaf: {  	[dreg:$0x3] =	wrdreg $0x0  }
0xb0: {  	[dreg:$0x4] =	wrdreg $0x9  }
0xb1: {  	_ =	task.clear_ibuf [dreg:s6], $0x5FFFF;
	_ =	strace $0x90000049  }
0xb2: {  	s29 =	simm.s32 $0x9;
	_ =	strace $0x8000004B  }
0xb3: {  	_ =	swait.ge [sflag:s29], $0x1  }
0xb4: {  	[sflag:s29] =	ssyncadd.s32 $0xFFFFFFFF  }
0xb5: {  	_ =	strace $0x9000004B  }
0xb6: {  	_ =	sfence  }
0xb7: {  	s30 =	sld [smem:$0x0];
	_ =	sdelay $0x2  }
0xb8: {  	s31 =	sshll.u32 s1, $0xD;
	s1 =	sshrl.u32 s1, $0x2  }
0xb9: {  	s3 =	sand.u32 $0x4000, s31;
	s1 =	sadd.s32 s1, s30  }
0xba: {  	s0 =	sor.u32 s3, s0;
	s1 =	sshll.u32 s1, $0x11  }
0xbb: {  	s0 =	sor.u32 s1, s0  }
0xbc: {  	s0 =	sadd.s32 $0x8F2B, s0  }
0xbd: {  	[sflag:s0] =	ssyncadd.remote.s32 $0x1  }
0xbe: {  	_ =	sfence.sel $0xFFFF  }
0xbf: {  	[dreg:$0x0] =	wrdreg $0xFFFFFFFF;
	(pc) =	sbr.abs _section_cstart, $3  }
0xc0: {  	[dreg:$0x1] =	wrdreg $0xFFFFFFFF  }
0xc1: {  	_ =	task.clear_ibuf [dreg:s6], $0x2FFFF;
	_ =	strace $0x9FFFFFFF  }
0xc2: {  	(tm) =	ssettm $0x7FFFFFFF  }
0xc3: {  	_ =	shalt  }
tec
execute0_lowered:
.L_overlay_start_1:
0x0: {  	(tag) =	ssettag $0x1  }
0x1: {  	s5 =	rddreg [dreg:$0x0]  }
0x2: {  	s2 =	rddreg [dreg:$0x1]  }
0x3: {  	s0 =	srdreg.scid;
	s1 =	rddreg [dreg:$0x2];
	s3 =	simm.s32 $0x0  }
0x4: {  	s14 =	simm.s32 $0xEF00;
	s15 =	simm.s32 $0x80;
	s16 =	simm.s32 $0x13E00  }
0x5: {  	s17 =	simm.s32 $0x1;
	s18 =	simm.s32 $0xA080;
	s6 =	sand.u32 $0x1, s0  }
0x6: {  	s19 =	simm.s32 $0x15E00;
	s0 =	stileid.u32;
	s4 =	smul.u32 $0x4F000, s6  }
0x7: {  	s20 =	simm.s32 $0x2;
	s21 =	simm.s32 $0xA100;
	s7 =	smul.u32 $0x4F00, s0  }
0x8: {  	s22 =	simm.s32 $0xEF80;
	s23 =	simm.s32 $0x0;
	s8 =	smul.u32 $0xA000, s0  }
0x9: {  	[smem:$0x7FF] =	sst s3;
	s9 =	smul.u32 $0xA0000, s6;
	s6 =	ssub.s32 $0x2, s6  }
0xa: {  	_ =	strace $0x8000004A;
	s31 =	sshll.u32 s0, $0x6;
	s11 =	sshrl.u32 s6, $0x1  }
0xb: {  	s7 =	sadd.s32 s7, s4;
	s4 =	sadd.s32 $0xDDA00, s5;
	s29 =	sadd.s32 s8, s9  }
0xc: {  	s30 =	sshrl.u32 s8, $0x3;
	s11 =	ssub.s32 s6, s11;
	s13 =	sadd.s32 s8, s2  }
.Ltmp0:
0xd: {  	s6 =	sor.u32 $0x1C03, s31;
	s7 =	sshrl.u32 s7, $0x3;
	(pc) =	sbr.rel .LBB2_1-.Ltmp0, $4  }
0xe: {  	s9 =	sadd.s32 s30, s5;
	s10 =	sadd.s32 s7, s5;
	s7 =	sshrl.u32 s29, $0x3  }
0xf: {  	s12 =	sadd.s32 s7, s5;
	s5 =	sadd.s32 $0x104C00, s9;
	s7 =	sadd.s32 $0x2DA00, s10  }
0x10: {  	s8 =	sadd.s32 $0xAC00, s10;
	s10 =	smax.u32 s11, $0x1;
	s11 =	sshrl.u32 s13, $0x3  }
0x11: {  	s13 =	simm.s32 $0xA000;
	s9 =	sadd.s32 $0x118C00, s12;
	s12 =	simm.s32 $0x3  }
.LBB2_3:
0x12: {  	s24 =	sadd.s32 $0xF080, s25  }
0x13: {  	[spmem:s2] =	stream.indirect.scatter.add.f32 [tilespmem:s19], [sflag:$0x2], $0x40, s24, s15, $0xb8;
	[tilespmem:$0x17E00] =	vst v63  }
.LBB2_5:
0x14: {  	_ =	swait.ge [sflag:s20], $0x2000  }
0x15: {  	s23 =	sadd.s32 $0x1, s23;
	[sflag:s20] =	ssyncset.done $0x0  }
0x16: {  	p0 =	sne.s32 s23, s10;
	[sflag:s20] =	ssyncadd.s32 $0xFFFFE000  }
.Ltmp1:
0x17: {  	[bflag:$0x0] =	sbarrier.arrive $0xFFFF;
	(pc) =	sbr.rel @!p0 .LBB2_6-.Ltmp1, $4  }
0x18: {  	[hbm:s9], [sflag:s6] =	dma.local [spmem:s11], $0x1400  }
0x19: {  	_ =	swait.ge [sflag:s12], $0x1400  }
0x1a: {  	[sflag:s12] =	ssyncset.done $0x0  }
0x1b: {  	[sflag:s12] =	ssyncadd.s32 $0xFFFFEC00  }
.LBB2_1:
0x1c: {  	[spmem:s11], [sflag:s6] =	dma.local [hbm:s5], $0x1400  }
0x1d: {  	_ =	swait.ge [sflag:s12], $0x1400  }
0x1e: {  	[sflag:s12] =	ssyncset.done $0x0  }
0x1f: {  	[sflag:s12] =	ssyncadd.s32 $0xFFFFEC00  }
0x20: {  	[tilespmem:s13], [sflag:$0x3] =	stream.linear.gather [hbm4b:s7+s3], $0x4F00, $0x38;
	[tilespmem:$0x17E00] =	vst v63  }
0x21: {  	_ =	swait.ge [sflag:s12], $0x4F00  }
0x22: {  	[sflag:s12] =	ssyncset.done $0x0  }
0x23: {  	[sflag:s12] =	ssyncadd.s32 $0xFFFFB100  }
0x24: {  	[tilespmem:s14], [sflag:$0x3] =	stream.linear.gather [hbm4b:s8+s3], $0x4F00, $0x38;
	[tilespmem:$0x17E00] =	vst v63  }
0x25: {  	_ =	swait.ge [sflag:s12], $0x4F00  }
0x26: {  	[sflag:s12] =	ssyncset.done $0x0  }
0x27: {  	[sflag:s12] =	ssyncadd.s32 $0xFFFFB100  }
0x28: {  	[bflag:$0x0] =	sbarrier.arrive $0xFFFF  }
0x29: {  	[tilespmem:s16], [sflag:$0x1] =	stream.indirect.gather [hbm4b:s4+s15], $0x40, s13, s15, $0xb8;
	[tilespmem:$0x17E00] =	vst v63  }
0x2a: {  	_ =	swait.ge [sflag:s17], $0x2000  }
0x2b: {  	[sflag:s17] =	ssyncset.done $0x0  }
0x2c: {  	[sflag:s17] =	ssyncadd.s32 $0xFFFFE000  }
0x2d: {  	[tilespmem:s19], [sflag:$0x1] =	stream.indirect.gather [hbm4b:s4+s15], $0x40, s18, s15, $0xb8;
	[tilespmem:$0x17E00] =	vst v63  }
0x2e: {  	_ = 	snop  }
0x2f: {  	[spmem:s2] =	stream.indirect.scatter.add.f32 [tilespmem:s16], [sflag:$0x2], $0x40, s14, s15, $0xb8;
	[tilespmem:$0x17E00] =	vst v63  }
0x30: {  	_ =	swait.ge [sflag:s17], $0x2000  }
0x31: {  	[sflag:s17] =	ssyncset.done $0x0  }
0x32: {  	[sflag:s17] =	ssyncadd.s32 $0xFFFFE000  }
0x33: {  	_ =	swait.ge [sflag:s20], $0x2000  }
0x34: {  	[sflag:s20] =	ssyncset.done $0x0  }
0x35: {  	[sflag:s20] =	ssyncadd.s32 $0xFFFFE000  }
0x36: {  	[tilespmem:s16], [sflag:$0x1] =	stream.indirect.gather [hbm4b:s4+s15], $0x40, s21, s15, $0xb8;
	[tilespmem:$0x17E00] =	vst v63  }
0x37: {  	s24 =	simm.s32 $0x0  }
0x38: {  	[spmem:s2] =	stream.indirect.scatter.add.f32 [tilespmem:s19], [sflag:$0x2], $0x40, s22, s15, $0xb8;
	[tilespmem:$0x17E00] =	vst v63  }
.LBB2_2:
0x39: {  	_ =	swait.ge [sflag:s17], $0x2000  }
0x3a: {  	[sflag:s17] =	ssyncset.done $0x0  }
0x3b: {  	[sflag:s17] =	ssyncadd.s32 $0xFFFFE000  }
0x3c: {  	_ =	swait.ge [sflag:s20], $0x2000  }
0x3d: {  	s25 =	sshra.s32 s24, $0x2;
	[sflag:s20] =	ssyncset.done $0x0  }
0x3e: {  	s26 =	sadd.s32 $0xA180, s25;
	[sflag:s20] =	ssyncadd.s32 $0xFFFFE000  }
0x3f: {  	[tilespmem:s19], [sflag:$0x1] =	stream.indirect.gather [hbm4b:s4+s15], $0x40, s26, s15, $0xb8;
	[tilespmem:$0x17E00] =	vst v63  }
0x40: {  	s31 =	sadd.s32 $0xF000, s25  }
0x41: {  	[spmem:s2] =	stream.indirect.scatter.add.f32 [tilespmem:s16], [sflag:$0x2], $0x40, s31, s15, $0xb8;
	[tilespmem:$0x17E00] =	vst v63  }
0x42: {  	p0 =	sne.s32 s24, $0x13400;
	_ =	swait.ge [sflag:s17], $0x2000  }
.Ltmp2:
0x43: {  	[sflag:s17] =	ssyncset.done $0x0;
	(pc) =	sbr.rel @!p0 .LBB2_3-.Ltmp2, $4  }
0x44: {  	[sflag:s17] =	ssyncadd.s32 $0xFFFFE000  }
0x45: {  	_ =	swait.ge [sflag:s20], $0x2000  }
0x46: {  	[sflag:s20] =	ssyncset.done $0x0  }
0x47: {  	[sflag:s20] =	ssyncadd.s32 $0xFFFFE000  }
0x48: {  	s24 =	sadd.s32 $0x400, s24  }
0x49: {  	p0 =	sne.s32 s24, $0x13800  }
.Ltmp3:
0x4a: {  	_ = 	snop;
	(pc) =	sbr.rel @p0 .LBB2_2-.Ltmp3, $4  }
.Ltmp4:
0x4b: {  	s26 =	sadd.s32 $0xA200, s25;
	(pc) =	sbr.rel @!p0 .LBB2_5-.Ltmp4, $4  }
0x4c: {  	[tilespmem:s16], [sflag:$0x1] =	stream.indirect.gather [hbm4b:s4+s15], $0x40, s26, s15, $0xb8;
	[tilespmem:$0x17E00] =	vst v63  }
0x4d: {  	s31 =	sadd.s32 $0xF080, s25  }
0x4e: {  	[spmem:s2] =	stream.indirect.scatter.add.f32 [tilespmem:s19], [sflag:$0x2], $0x40, s31, s15, $0xb8;
	[tilespmem:$0x17E00] =	vst v63  }
0x4f: {  	_ = 	snop  }
.LBB2_6:
0x50: {  	_ =	sfence.sel $0x180000  }
0x51: {  	[bflag:$0x0] =	sbarrier.arrive $0xFFFF  }
0x52: {  	p0 =	sne.s32 s0, $0x0;
	_ =	strace $0x9000004A  }
0x53: {  	s0 =	sadd.s32 @!p0 $0x100000, s1;
	[bflag:$0x2] =	sbarrier.arrive $0xFFFF  }
0x54: {  	[sflag:s0] =	ssyncadd.tile.s32 @!p0 $0x1;
	_ =	shalt  }
.Lfunc_end2:
_tile_overlayer_lowered:
.L_overlay_start_2:
0x55: {  	(tag) =	ssettag $0x2  }
0x56: {  	s0 =	rddreg [dreg:$0x0];
	s2 =	stileid.u32  }
0x57: {  	s1 =	rddreg [dreg:$0x1];
	p0 =	sne.s32 s2, $0x0  }
0x58: {  	s3 =	rddreg [dreg:$0x2];
	[bflag:$0x3] =	sbarrier.arrive $0xFFFF;
	s2 =	simm.s32 @!p0 $0x1C03  }
0x59: {  	[timem:s3], [sflag:s2] =	dma.local @!p0 [hbm:s0], s1  }
0x5a: {  	s0 =	simm.s32 @!p0 $0x3  }
0x5b: {  	_ =	swait.ge @!p0 [sflag:s0], s1  }
0x5c: {  	s1 =	ssub.s32 @!p0 $0x0, s1;
	[sflag:s0] =	ssyncset.done @!p0 $0x0  }
0x5d: {  	[sflag:s0] =	ssyncadd.s32 @!p0 s1  }
0x5e: {  	[bflag:$0x3] =	sbarrier.arrive $0xFFFF  }
0x5f: {  	_ =	shalt  }

// kernel: kernel.22.cloned.1.call-start
scs
__scs_entry_jumppad:
0x0: {  	(pc) =	sbr.rel $0x88, $3  }
0x1: {  	(tag) =	ssettag $0x0;
	lr =	simm.s32 $0x1  }
0x2: {  	[smem:$0x3F5F] =	sst lr;
	_ =	strace $0xD0000000  }
0x3: {  	_ = 	snop  }
0x4: {  	_ = 	snop  }
0x5: {  	_ = 	snop  }
0x6: {  	_ = 	snop  }
0x7: {  	_ = 	snop  }
__scs_overlays_trampoline_lowered:
0x8: {  	[smem:$0x3F6E] =	sst s0  }
0x9: {  	[smem:$0x3F6F] =	sst s1  }
0xa: {  	[smem:$0x3F70] =	sst s2  }
0xb: {  	[smem:$0x3F71] =	sst s3  }
0xc: {  	[smem:$0x3F72] =	sst s4  }
0xd: {  	[smem:$0x3F73] =	sst s5  }
0xe: {  	[smem:$0x3F74] =	sst s6  }
0xf: {  	[smem:$0x3F75] =	sst s7  }
0x10: {  	[smem:$0x3F76] =	sst s8  }
0x11: {  	[smem:$0x3F77] =	sst s9;
	s0 =	simm.s32 @!p0 $0x0  }
0x12: {  	s1 =	sld [smem:$0x3F5D];
	s0 =	simm.s32 @p0 $0x1  }
0x13: {  	[smem:$0x3F78] =	sst s0;
	s0 =	simm.s32 @!p1 $0x0  }
0x14: {  	s2 =	sld [smem:$0x3F5C];
	s0 =	simm.s32 @p1 $0x1  }
0x15: {  	[smem:$0x3F79] =	sst s0;
	s0 =	simm.s32 @!p2 $0x0  }
0x16: {  	s3 =	sld [smem:$0x3FDB];
	s0 =	simm.s32 @p2 $0x1  }
0x17: {  	s4 =	simm.s32 $0x1BF5;
	[smem:$0x3F7B] =	sst s0  }
0x18: {  	s0 =	sld [smem:$0x3F5E];
	_ =	swait.ge [sflag:s4], $0x0  }
0x19: {  	s7 =	sld [smem:$0x3F5F]  }
0x1a: {  	s8 =	sadd.s32 $0xFFFFE003, lr  }
0x1b: {  	s9 =	sadd.s32 $0xFFFFFEF7, lr;
	s5 =	simm.s32 $0xFFFFFFFF;
	p2 =	slt.u32 s8, $0xFFFFF086  }
0x1c: {  	p1 =	slt.u32 s9, $0xF7A;
	s5 =	simm.s32 @!p2 $0x0  }
0x1d: {  	s5 =	simm.s32 @p1 $0x1;
	p0 =	seq.s32 s7, s2  }
0x1e: {  	s7 =	smul.u32 @!p0 $0xF7A, s2;
	p2 =	seq.s32 @!p0 s5, $0x0  }
0x1f: {  	s9 =	smul.u32 $0xF7A, s1;
	s8 =	simm.s32 @!p0 $0x1BF5;
	p2 =	por !p2, p0  }
0x20: {  	[sflag:s8] =	ssyncset.s32 @!p0 $0xFFFFF086;
	s6 =	sadd.s32 @!p0 s3, s7;
	s7 =	simm.s32 @!p0 $0x108  }
0x21: {  	s3 =	sadd.s32 s3, s9;
	s6 =	sadd.s32 @!p0 $0x88, s6;
	s7 =	simm.s32 @p2 $0x1082  }
0x22: {  	[simem:s7], [sflag:s8] =	dma.local @!p0 [hbm:s6], $0xF7A  }
0x23: {  	s9 =	sor.u32 $0xD0000000, s2;
	s6 =	simm.s32 $0x108;
	_ =	swait.ge @!p0 [sflag:s8], $0x0  }
0x24: {  	s3 =	sadd.s32 $0x88, s3;
	s6 =	simm.s32 @!p1 $0x1082;
	[sflag:s4] =	ssyncset.s32 $0xFFFFF086  }
0x25: {  	[simem:s6], [sflag:s4] =	dma.local [hbm:s3], $0xF7A  }
0x26: {  	[smem:$0x3F5F] =	sst s1;
	(tag) =	ssettag s2;
	_ =	strace s9  }
0x27: {  	s1 =	sld [smem:$0x3F6F]  }
0x28: {  	s2 =	sld [smem:$0x3F70]  }
0x29: {  	s4 =	sld [smem:$0x3F72]  }
0x2a: {  	p0 =	seq.s32 s5, $0x0;
	s5 =	sld [smem:$0x3F73]  }
0x2b: {  	s6 =	sld [smem:$0x3F74]  }
0x2c: {  	s7 =	sld [smem:$0x3F75]  }
0x2d: {  	s3 =	simm.s32 $0x108;
	s8 =	sld [smem:$0x3F76]  }
0x2e: {  	s3 =	simm.s32 @!p0 $0x1082;
	s9 =	sld [smem:$0x3F77]  }
0x2f: {  	lr =	sadd.s32 s0, s3;
	s0 =	sld [smem:$0x3F6E]  }
0x30: {  	s3 =	sld [smem:$0x3F71]  }
0x31: {  	[smem:$0x3F7A] =	sst s10  }
0x32: {  	s10 =	sld [smem:$0x3F78];
	_ =	sdelay $0x3  }
0x33: {  	p0 =	seq.s32 s10, $0x1;
	s10 =	sld [smem:$0x3F7A];
	_ =	sdelay $0x3  }
0x34: {  	[smem:$0x3F7A] =	sst s10  }
0x35: {  	s10 =	sld [smem:$0x3F79];
	_ =	sdelay $0x3  }
0x36: {  	p1 =	seq.s32 s10, $0x1;
	s10 =	sld [smem:$0x3F7A];
	_ =	sdelay $0x3  }
0x37: {  	[smem:$0x3F7A] =	sst s10  }
0x38: {  	s10 =	sld [smem:$0x3F7B]  }
0x39: {  	_ = 	snop;
	(pc) =	sbr.ind lr, $3  }
0x3a: {  	_ = 	snop  }
0x3b: {  	_ = 	snop  }
0x3c: {  	p2 =	seq.s32 s10, $0x1;
	s10 =	sld [smem:$0x3F7A]  }
0x3d: {  	_ =	shalt  }
0x3e: {  	_ =	shalt  }
0x3f: {  	_ =	shalt  }
0x40: {  	_ =	shalt  }
0x41: {  	_ =	shalt  }
0x42: {  	_ =	shalt  }
0x43: {  	_ =	shalt  }
0x44: {  	_ =	shalt  }
0x45: {  	_ =	shalt  }
0x46: {  	_ =	shalt  }
0x47: {  	_ =	shalt  }
0x48: {  	_ =	shalt  }
0x49: {  	_ =	shalt  }
0x4a: {  	_ =	shalt  }
0x4b: {  	_ =	shalt  }
0x4c: {  	_ =	shalt  }
0x4d: {  	_ =	shalt  }
0x4e: {  	_ =	shalt  }
0x4f: {  	_ =	shalt  }
0x50: {  	_ =	shalt  }
0x51: {  	_ =	shalt  }
0x52: {  	_ =	shalt  }
0x53: {  	_ =	shalt  }
0x54: {  	_ =	shalt  }
0x55: {  	_ =	shalt  }
0x56: {  	_ =	shalt  }
0x57: {  	_ =	shalt  }
0x58: {  	_ =	shalt  }
0x59: {  	_ =	shalt  }
0x5a: {  	_ =	shalt  }
0x5b: {  	_ =	shalt  }
0x5c: {  	_ =	shalt  }
0x5d: {  	_ =	shalt  }
0x5e: {  	_ =	shalt  }
0x5f: {  	_ =	shalt  }
0x60: {  	_ =	shalt  }
0x61: {  	_ =	shalt  }
0x62: {  	_ =	shalt  }
0x63: {  	_ =	shalt  }
0x64: {  	_ =	shalt  }
0x65: {  	_ =	shalt  }
0x66: {  	_ =	shalt  }
0x67: {  	_ =	shalt  }
0x68: {  	_ =	shalt  }
0x69: {  	_ =	shalt  }
0x6a: {  	_ =	shalt  }
0x6b: {  	_ =	shalt  }
0x6c: {  	_ =	shalt  }
0x6d: {  	_ =	shalt  }
0x6e: {  	_ =	shalt  }
0x6f: {  	_ =	shalt  }
0x70: {  	_ =	shalt  }
0x71: {  	_ =	shalt  }
0x72: {  	_ =	shalt  }
0x73: {  	_ =	shalt  }
0x74: {  	_ =	shalt  }
0x75: {  	_ =	shalt  }
0x76: {  	_ =	shalt  }
0x77: {  	_ =	shalt  }
0x78: {  	_ =	shalt  }
0x79: {  	_ =	shalt  }
0x7a: {  	_ =	shalt  }
0x7b: {  	_ =	shalt  }
0x7c: {  	_ =	shalt  }
0x7d: {  	_ =	shalt  }
0x7e: {  	_ =	shalt  }
0x7f: {  	_ =	shalt  }
0x80: {  	_ =	shalt  }
0x81: {  	_ =	shalt  }
0x82: {  	_ =	shalt  }
0x83: {  	_ =	shalt  }
0x84: {  	_ =	shalt  }
0x85: {  	_ =	shalt  }
0x86: {  	_ =	shalt  }
0x87: {  	_ =	shalt  }
.Lfunc_end0:
.L_simem_size_0:
called_computation.2_lowered:
.L_overlay_start_0:
0x88: {  	s2 =	sld [smem:$0x3FD9]  }
0x89: {  	s3 =	sld [smem:$0x3FFE];
	_ =	sdelay $0x1  }
0x8a: {  	s1 =	srdreg.scid  }
0x8b: {  	s0 =	sand.u32 $0x1, s1  }
0x8c: {  	s16 =	sshll.u32 s0, $0xA;
	s2 =	sadd.s32 s3, s2  }
0x8d: {  	s2 =	sadd.s32 s2, s16  }
0x8e: {  	[smem:$0x3F86] =	sst s2  }
0x8f: {  	_ = 	snop  }
0x90: {  	(tm) =	ssettm $0x1  }
0x91: {  	s17 =	sld [smem:$0x3FFB];
	_ =	sdelay $0x3  }
0x92: {  	_ =	strace s17  }
0x93: {  	s2 =	sld [smem:$0x3FFC];
	_ =	sdelay $0x3  }
0x94: {  	_ =	strace s2  }
0x95: {  	s2 =	sld [smem:$0x3FFD];
	_ =	sdelay $0x3  }
0x96: {  	_ =	strace s2  }
0x97: {  	_ =	strace $0x8FFFFFFF  }
0x98: {  	s18 =	sld [smem:$0x3FDB];
	_ =	sdelay $0x1  }
0x99: {  	s19 =	simm.s32 $_scs_section_size  }
0x9a: {  	s4 =	simm.s32 $_size__tile_overlayer_lowered;
	s5 =	simm.s32 $_tile_overlayer_lowered  }
0x9b: {  	s22 =	simm.s32 $0x1BFF;
	s21 =	sshll.u32 s5, $0x1;
	s2 =	sadd.s32 s19, s18  }
0x9c: {  	s6 =	simm.s32 $0x0;
	s20 =	sshll.u32 s4, $0x1;
	s4 =	sadd.s32 s21, s2  }
0x9d: {  	[timem:s6], [sflag:s22] =	dma.local [hbm:s4], s20  }
0x9e: {  	_ =	swait.ge [sflag:s22], s20  }
0x9f: {  	s3 =	ssub.s32 $0x0, s20;
	[sflag:s22] =	ssyncset.done $0x0  }
0xa0: {  	[sflag:s22] =	ssyncadd.s32 s3;
	_ =	sdelay $0x1  }
0xa1: {  	s23 =	simm.s32 $0x1B8B  }
0xa2: {  	_ =	swait.ge [sflag:s23], $0x1  }
0xa3: {  	[sflag:s23] =	ssyncset.done $0x0  }
0xa4: {  	s25 =	simm.s32 $0x1B8E;
	s24 =	sld [smem:$0x3FFE];
	[sflag:s23] =	ssyncadd.s32 $0xFFFFFFFF  }
0xa5: {  	s26 =	simm.s32 $execute0_lowered;
	[smem:$0x3FD2] =	sst s25  }
0xa6: {  	s4 =	sshll.u32 s26, $0x1;
	_ =	strace $0x8000004C;
	[dreg:$0x1] =	wrdreg $0xFFFFFFFF  }
0xa7: {  	s28 =	simm.s32 $_size_execute0_lowered;
	s2 =	sadd.s32 s2, s4;
	[dreg:$0x0] =	wrdreg $0x0  }
0xa8: {  	s4 =	sshll.u32 s28, $0x1;
	[dreg:$0x2] =	wrdreg s2  }
0xa9: {  	[dreg:$0x3] =	wrdreg s4  }
0xaa: {  	[dreg:$0x4] =	wrdreg $0xC0  }
0xab: {  	_ =	task [dreg:s6], $0x5FFFF  }
0xac: {  	[dreg:$0x1] =	wrdreg $0xFFFFFFFF  }
0xad: {  	[dreg:$0x0] =	wrdreg $0x60  }
0xae: {  	[dreg:$0x2] =	wrdreg s24  }
0xaf: {  	[dreg:$0x3] =	wrdreg $0x0  }
0xb0: {  	[dreg:$0x4] =	wrdreg $0x9  }
0xb1: {  	_ =	task.clear_ibuf [dreg:s6], $0x5FFFF;
	_ =	strace $0x9000004C  }
0xb2: {  	s29 =	simm.s32 $0x9;
	_ =	strace $0x8000004E  }
0xb3: {  	_ =	swait.ge [sflag:s29], $0x1  }
0xb4: {  	[sflag:s29] =	ssyncadd.s32 $0xFFFFFFFF  }
0xb5: {  	_ =	strace $0x9000004E  }
0xb6: {  	_ =	sfence  }
0xb7: {  	s30 =	sld [smem:$0x0];
	_ =	sdelay $0x2  }
0xb8: {  	s31 =	sshll.u32 s1, $0xD;
	s1 =	sshrl.u32 s1, $0x2  }
0xb9: {  	s3 =	sand.u32 $0x4000, s31;
	s1 =	sadd.s32 s1, s30  }
0xba: {  	s0 =	sor.u32 s3, s0;
	s1 =	sshll.u32 s1, $0x11  }
0xbb: {  	s0 =	sor.u32 s1, s0  }
0xbc: {  	s0 =	sadd.s32 $0x8F2B, s0  }
0xbd: {  	[sflag:s0] =	ssyncadd.remote.s32 $0x1  }
0xbe: {  	_ =	sfence.sel $0xFFFF  }
0xbf: {  	[dreg:$0x0] =	wrdreg $0xFFFFFFFF;
	(pc) =	sbr.abs _section_cstart, $3  }
0xc0: {  	[dreg:$0x1] =	wrdreg $0xFFFFFFFF  }
0xc1: {  	_ =	task.clear_ibuf [dreg:s6], $0x2FFFF;
	_ =	strace $0x9FFFFFFF  }
0xc2: {  	(tm) =	ssettm $0x7FFFFFFF  }
0xc3: {  	_ =	shalt  }
tec
execute0_lowered:
.L_overlay_start_1:
0x0: {  	(tag) =	ssettag $0x1  }
0x1: {  	s5 =	rddreg [dreg:$0x0]  }
0x2: {  	s2 =	rddreg [dreg:$0x1]  }
0x3: {  	s0 =	srdreg.scid;
	s1 =	rddreg [dreg:$0x2];
	s3 =	simm.s32 $0x0  }
0x4: {  	s14 =	simm.s32 $0xEF00;
	s15 =	simm.s32 $0x80;
	s16 =	simm.s32 $0x13E00  }
0x5: {  	s17 =	simm.s32 $0x1;
	s18 =	simm.s32 $0xA080;
	s6 =	sand.u32 $0x1, s0  }
0x6: {  	s19 =	simm.s32 $0x15E00;
	s0 =	stileid.u32;
	s4 =	smul.u32 $0x4F000, s6  }
0x7: {  	s20 =	simm.s32 $0x2;
	s21 =	simm.s32 $0xA100;
	s7 =	smul.u32 $0x4F00, s0  }
0x8: {  	s22 =	simm.s32 $0xEF80;
	s23 =	simm.s32 $0x0;
	s8 =	smul.u32 $0xA000, s0  }
0x9: {  	[smem:$0x7FF] =	sst s3;
	s9 =	smul.u32 $0xA0000, s6;
	s6 =	ssub.s32 $0x2, s6  }
0xa: {  	_ =	strace $0x8000004D;
	s31 =	sshll.u32 s0, $0x6;
	s11 =	sshrl.u32 s6, $0x1  }
0xb: {  	s7 =	sadd.s32 s7, s4;
	s4 =	sadd.s32 $0xDDA00, s5;
	s29 =	sadd.s32 s8, s9  }
0xc: {  	s30 =	sshrl.u32 s8, $0x3;
	s11 =	ssub.s32 s6, s11;
	s13 =	sadd.s32 s8, s2  }
.Ltmp0:
0xd: {  	s6 =	sor.u32 $0x1C03, s31;
	s7 =	sshrl.u32 s7, $0x3;
	(pc) =	sbr.rel .LBB2_1-.Ltmp0, $4  }
0xe: {  	s9 =	sadd.s32 s30, s5;
	s10 =	sadd.s32 s7, s5;
	s7 =	sshrl.u32 s29, $0x3  }
0xf: {  	s12 =	sadd.s32 s7, s5;
	s5 =	sadd.s32 $0x104C00, s9;
	s7 =	sadd.s32 $0x2DA00, s10  }
0x10: {  	s8 =	sadd.s32 $0xAC00, s10;
	s10 =	smax.u32 s11, $0x1;
	s11 =	sshrl.u32 s13, $0x3  }
0x11: {  	s13 =	simm.s32 $0xA000;
	s9 =	sadd.s32 $0x118C00, s12;
	s12 =	simm.s32 $0x3  }
.LBB2_3:
0x12: {  	s24 =	sadd.s32 $0xF080, s25  }
0x13: {  	[spmem:s2] =	stream.indirect.scatter.add.f32 [tilespmem:s19], [sflag:$0x2], $0x40, s24, s15, $0xb8;
	[tilespmem:$0x17E00] =	vst v63  }
.LBB2_5:
0x14: {  	_ =	swait.ge [sflag:s20], $0x2000  }
0x15: {  	s23 =	sadd.s32 $0x1, s23;
	[sflag:s20] =	ssyncset.done $0x0  }
0x16: {  	p0 =	sne.s32 s23, s10;
	[sflag:s20] =	ssyncadd.s32 $0xFFFFE000  }
.Ltmp1:
0x17: {  	[bflag:$0x0] =	sbarrier.arrive $0xFFFF;
	(pc) =	sbr.rel @!p0 .LBB2_6-.Ltmp1, $4  }
0x18: {  	[hbm:s9], [sflag:s6] =	dma.local [spmem:s11], $0x1400  }
0x19: {  	_ =	swait.ge [sflag:s12], $0x1400  }
0x1a: {  	[sflag:s12] =	ssyncset.done $0x0  }
0x1b: {  	[sflag:s12] =	ssyncadd.s32 $0xFFFFEC00  }
.LBB2_1:
0x1c: {  	[spmem:s11], [sflag:s6] =	dma.local [hbm:s5], $0x1400  }
0x1d: {  	_ =	swait.ge [sflag:s12], $0x1400  }
0x1e: {  	[sflag:s12] =	ssyncset.done $0x0  }
0x1f: {  	[sflag:s12] =	ssyncadd.s32 $0xFFFFEC00  }
0x20: {  	[tilespmem:s13], [sflag:$0x3] =	stream.linear.gather [hbm4b:s7+s3], $0x4F00, $0x38;
	[tilespmem:$0x17E00] =	vst v63  }
0x21: {  	_ =	swait.ge [sflag:s12], $0x4F00  }
0x22: {  	[sflag:s12] =	ssyncset.done $0x0  }
0x23: {  	[sflag:s12] =	ssyncadd.s32 $0xFFFFB100  }
0x24: {  	[tilespmem:s14], [sflag:$0x3] =	stream.linear.gather [hbm4b:s8+s3], $0x4F00, $0x38;
	[tilespmem:$0x17E00] =	vst v63  }
0x25: {  	_ =	swait.ge [sflag:s12], $0x4F00  }
0x26: {  	[sflag:s12] =	ssyncset.done $0x0  }
0x27: {  	[sflag:s12] =	ssyncadd.s32 $0xFFFFB100  }
0x28: {  	[bflag:$0x0] =	sbarrier.arrive $0xFFFF  }
0x29: {  	[tilespmem:s16], [sflag:$0x1] =	stream.indirect.gather [hbm4b:s4+s15], $0x40, s13, s15, $0xb8;
	[tilespmem:$0x17E00] =	vst v63  }
0x2a: {  	_ =	swait.ge [sflag:s17], $0x2000  }
0x2b: {  	[sflag:s17] =	ssyncset.done $0x0  }
0x2c: {  	[sflag:s17] =	ssyncadd.s32 $0xFFFFE000  }
0x2d: {  	[tilespmem:s19], [sflag:$0x1] =	stream.indirect.gather [hbm4b:s4+s15], $0x40, s18, s15, $0xb8;
	[tilespmem:$0x17E00] =	vst v63  }
0x2e: {  	_ = 	snop  }
0x2f: {  	[spmem:s2] =	stream.indirect.scatter.add.f32 [tilespmem:s16], [sflag:$0x2], $0x40, s14, s15, $0xb8;
	[tilespmem:$0x17E00] =	vst v63  }
0x30: {  	_ =	swait.ge [sflag:s17], $0x2000  }
0x31: {  	[sflag:s17] =	ssyncset.done $0x0  }
0x32: {  	[sflag:s17] =	ssyncadd.s32 $0xFFFFE000  }
0x33: {  	_ =	swait.ge [sflag:s20], $0x2000  }
0x34: {  	[sflag:s20] =	ssyncset.done $0x0  }
0x35: {  	[sflag:s20] =	ssyncadd.s32 $0xFFFFE000  }
0x36: {  	[tilespmem:s16], [sflag:$0x1] =	stream.indirect.gather [hbm4b:s4+s15], $0x40, s21, s15, $0xb8;
	[tilespmem:$0x17E00] =	vst v63  }
0x37: {  	s24 =	simm.s32 $0x0  }
0x38: {  	[spmem:s2] =	stream.indirect.scatter.add.f32 [tilespmem:s19], [sflag:$0x2], $0x40, s22, s15, $0xb8;
	[tilespmem:$0x17E00] =	vst v63  }
.LBB2_2:
0x39: {  	_ =	swait.ge [sflag:s17], $0x2000  }
0x3a: {  	[sflag:s17] =	ssyncset.done $0x0  }
0x3b: {  	[sflag:s17] =	ssyncadd.s32 $0xFFFFE000  }
0x3c: {  	_ =	swait.ge [sflag:s20], $0x2000  }
0x3d: {  	s25 =	sshra.s32 s24, $0x2;
	[sflag:s20] =	ssyncset.done $0x0  }
0x3e: {  	s26 =	sadd.s32 $0xA180, s25;
	[sflag:s20] =	ssyncadd.s32 $0xFFFFE000  }
0x3f: {  	[tilespmem:s19], [sflag:$0x1] =	stream.indirect.gather [hbm4b:s4+s15], $0x40, s26, s15, $0xb8;
	[tilespmem:$0x17E00] =	vst v63  }
0x40: {  	s31 =	sadd.s32 $0xF000, s25  }
0x41: {  	[spmem:s2] =	stream.indirect.scatter.add.f32 [tilespmem:s16], [sflag:$0x2], $0x40, s31, s15, $0xb8;
	[tilespmem:$0x17E00] =	vst v63  }
0x42: {  	p0 =	sne.s32 s24, $0x13400;
	_ =	swait.ge [sflag:s17], $0x2000  }
.Ltmp2:
0x43: {  	[sflag:s17] =	ssyncset.done $0x0;
	(pc) =	sbr.rel @!p0 .LBB2_3-.Ltmp2, $4  }
0x44: {  	[sflag:s17] =	ssyncadd.s32 $0xFFFFE000  }
0x45: {  	_ =	swait.ge [sflag:s20], $0x2000  }
0x46: {  	[sflag:s20] =	ssyncset.done $0x0  }
0x47: {  	[sflag:s20] =	ssyncadd.s32 $0xFFFFE000  }
0x48: {  	s24 =	sadd.s32 $0x400, s24  }
0x49: {  	p0 =	sne.s32 s24, $0x13800  }
.Ltmp3:
0x4a: {  	_ = 	snop;
	(pc) =	sbr.rel @p0 .LBB2_2-.Ltmp3, $4  }
.Ltmp4:
0x4b: {  	s26 =	sadd.s32 $0xA200, s25;
	(pc) =	sbr.rel @!p0 .LBB2_5-.Ltmp4, $4  }
0x4c: {  	[tilespmem:s16], [sflag:$0x1] =	stream.indirect.gather [hbm4b:s4+s15], $0x40, s26, s15, $0xb8;
	[tilespmem:$0x17E00] =	vst v63  }
0x4d: {  	s31 =	sadd.s32 $0xF080, s25  }
0x4e: {  	[spmem:s2] =	stream.indirect.scatter.add.f32 [tilespmem:s19], [sflag:$0x2], $0x40, s31, s15, $0xb8;
	[tilespmem:$0x17E00] =	vst v63  }
0x4f: {  	_ = 	snop  }
.LBB2_6:
0x50: {  	_ =	sfence.sel $0x180000  }
0x51: {  	[bflag:$0x0] =	sbarrier.arrive $0xFFFF  }
0x52: {  	p0 =	sne.s32 s0, $0x0;
	_ =	strace $0x9000004D  }
0x53: {  	s0 =	sadd.s32 @!p0 $0x100000, s1;
	[bflag:$0x2] =	sbarrier.arrive $0xFFFF  }
0x54: {  	[sflag:s0] =	ssyncadd.tile.s32 @!p0 $0x1;
	_ =	shalt  }
.Lfunc_end2:
_tile_overlayer_lowered:
.L_overlay_start_2:
0x55: {  	(tag) =	ssettag $0x2  }
0x56: {  	s0 =	rddreg [dreg:$0x0];
	s2 =	stileid.u32  }
0x57: {  	s1 =	rddreg [dreg:$0x1];
	p0 =	sne.s32 s2, $0x0  }
0x58: {  	s3 =	rddreg [dreg:$0x2];
	[bflag:$0x3] =	sbarrier.arrive $0xFFFF;
	s2 =	simm.s32 @!p0 $0x1C03  }
0x59: {  	[timem:s3], [sflag:s2] =	dma.local @!p0 [hbm:s0], s1  }
0x5a: {  	s0 =	simm.s32 @!p0 $0x3  }
0x5b: {  	_ =	swait.ge @!p0 [sflag:s0], s1  }
0x5c: {  	s1 =	ssub.s32 @!p0 $0x0, s1;
	[sflag:s0] =	ssyncset.done @!p0 $0x0  }
0x5d: {  	[sflag:s0] =	ssyncadd.s32 @!p0 s1  }
0x5e: {  	[bflag:$0x3] =	sbarrier.arrive $0xFFFF  }
0x5f: {  	_ =	shalt  }

// kernel: kernel.25.cloned.1.call-start
scs
__scs_entry_jumppad:
0x0: {  	(pc) =	sbr.rel $0x88, $3  }
0x1: {  	(tag) =	ssettag $0x0;
	lr =	simm.s32 $0x1  }
0x2: {  	[smem:$0x3F5F] =	sst lr;
	_ =	strace $0xD0000000  }
0x3: {  	_ = 	snop  }
0x4: {  	_ = 	snop  }
0x5: {  	_ = 	snop  }
0x6: {  	_ = 	snop  }
0x7: {  	_ = 	snop  }
__scs_overlays_trampoline_lowered:
0x8: {  	[smem:$0x3F6E] =	sst s0  }
0x9: {  	[smem:$0x3F6F] =	sst s1  }
0xa: {  	[smem:$0x3F70] =	sst s2  }
0xb: {  	[smem:$0x3F71] =	sst s3  }
0xc: {  	[smem:$0x3F72] =	sst s4  }
0xd: {  	[smem:$0x3F73] =	sst s5  }
0xe: {  	[smem:$0x3F74] =	sst s6  }
0xf: {  	[smem:$0x3F75] =	sst s7  }
0x10: {  	[smem:$0x3F76] =	sst s8  }
0x11: {  	[smem:$0x3F77] =	sst s9;
	s0 =	simm.s32 @!p0 $0x0  }
0x12: {  	s1 =	sld [smem:$0x3F5D];
	s0 =	simm.s32 @p0 $0x1  }
0x13: {  	[smem:$0x3F78] =	sst s0;
	s0 =	simm.s32 @!p1 $0x0  }
0x14: {  	s2 =	sld [smem:$0x3F5C];
	s0 =	simm.s32 @p1 $0x1  }
0x15: {  	[smem:$0x3F79] =	sst s0;
	s0 =	simm.s32 @!p2 $0x0  }
0x16: {  	s3 =	sld [smem:$0x3FDB];
	s0 =	simm.s32 @p2 $0x1  }
0x17: {  	s4 =	simm.s32 $0x1BF5;
	[smem:$0x3F7B] =	sst s0  }
0x18: {  	s0 =	sld [smem:$0x3F5E];
	_ =	swait.ge [sflag:s4], $0x0  }
0x19: {  	s7 =	sld [smem:$0x3F5F]  }
0x1a: {  	s8 =	sadd.s32 $0xFFFFE003, lr  }
0x1b: {  	s9 =	sadd.s32 $0xFFFFFEF7, lr;
	s5 =	simm.s32 $0xFFFFFFFF;
	p2 =	slt.u32 s8, $0xFFFFF086  }
0x1c: {  	p1 =	slt.u32 s9, $0xF7A;
	s5 =	simm.s32 @!p2 $0x0  }
0x1d: {  	s5 =	simm.s32 @p1 $0x1;
	p0 =	seq.s32 s7, s2  }
0x1e: {  	s7 =	smul.u32 @!p0 $0xF7A, s2;
	p2 =	seq.s32 @!p0 s5, $0x0  }
0x1f: {  	s9 =	smul.u32 $0xF7A, s1;
	s8 =	simm.s32 @!p0 $0x1BF5;
	p2 =	por !p2, p0  }
0x20: {  	[sflag:s8] =	ssyncset.s32 @!p0 $0xFFFFF086;
	s6 =	sadd.s32 @!p0 s3, s7;
	s7 =	simm.s32 @!p0 $0x108  }
0x21: {  	s3 =	sadd.s32 s3, s9;
	s6 =	sadd.s32 @!p0 $0x88, s6;
	s7 =	simm.s32 @p2 $0x1082  }
0x22: {  	[simem:s7], [sflag:s8] =	dma.local @!p0 [hbm:s6], $0xF7A  }
0x23: {  	s9 =	sor.u32 $0xD0000000, s2;
	s6 =	simm.s32 $0x108;
	_ =	swait.ge @!p0 [sflag:s8], $0x0  }
0x24: {  	s3 =	sadd.s32 $0x88, s3;
	s6 =	simm.s32 @!p1 $0x1082;
	[sflag:s4] =	ssyncset.s32 $0xFFFFF086  }
0x25: {  	[simem:s6], [sflag:s4] =	dma.local [hbm:s3], $0xF7A  }
0x26: {  	[smem:$0x3F5F] =	sst s1;
	(tag) =	ssettag s2;
	_ =	strace s9  }
0x27: {  	s1 =	sld [smem:$0x3F6F]  }
0x28: {  	s2 =	sld [smem:$0x3F70]  }
0x29: {  	s4 =	sld [smem:$0x3F72]  }
0x2a: {  	p0 =	seq.s32 s5, $0x0;
	s5 =	sld [smem:$0x3F73]  }
0x2b: {  	s6 =	sld [smem:$0x3F74]  }
0x2c: {  	s7 =	sld [smem:$0x3F75]  }
0x2d: {  	s3 =	simm.s32 $0x108;
	s8 =	sld [smem:$0x3F76]  }
0x2e: {  	s3 =	simm.s32 @!p0 $0x1082;
	s9 =	sld [smem:$0x3F77]  }
0x2f: {  	lr =	sadd.s32 s0, s3;
	s0 =	sld [smem:$0x3F6E]  }
0x30: {  	s3 =	sld [smem:$0x3F71]  }
0x31: {  	[smem:$0x3F7A] =	sst s10  }
0x32: {  	s10 =	sld [smem:$0x3F78];
	_ =	sdelay $0x3  }
0x33: {  	p0 =	seq.s32 s10, $0x1;
	s10 =	sld [smem:$0x3F7A];
	_ =	sdelay $0x3  }
0x34: {  	[smem:$0x3F7A] =	sst s10  }
0x35: {  	s10 =	sld [smem:$0x3F79];
	_ =	sdelay $0x3  }
0x36: {  	p1 =	seq.s32 s10, $0x1;
	s10 =	sld [smem:$0x3F7A];
	_ =	sdelay $0x3  }
0x37: {  	[smem:$0x3F7A] =	sst s10  }
0x38: {  	s10 =	sld [smem:$0x3F7B]  }
0x39: {  	_ = 	snop;
	(pc) =	sbr.ind lr, $3  }
0x3a: {  	_ = 	snop  }
0x3b: {  	_ = 	snop  }
0x3c: {  	p2 =	seq.s32 s10, $0x1;
	s10 =	sld [smem:$0x3F7A]  }
0x3d: {  	_ =	shalt  }
0x3e: {  	_ =	shalt  }
0x3f: {  	_ =	shalt  }
0x40: {  	_ =	shalt  }
0x41: {  	_ =	shalt  }
0x42: {  	_ =	shalt  }
0x43: {  	_ =	shalt  }
0x44: {  	_ =	shalt  }
0x45: {  	_ =	shalt  }
0x46: {  	_ =	shalt  }
0x47: {  	_ =	shalt  }
0x48: {  	_ =	shalt  }
0x49: {  	_ =	shalt  }
0x4a: {  	_ =	shalt  }
0x4b: {  	_ =	shalt  }
0x4c: {  	_ =	shalt  }
0x4d: {  	_ =	shalt  }
0x4e: {  	_ =	shalt  }
0x4f: {  	_ =	shalt  }
0x50: {  	_ =	shalt  }
0x51: {  	_ =	shalt  }
0x52: {  	_ =	shalt  }
0x53: {  	_ =	shalt  }
0x54: {  	_ =	shalt  }
0x55: {  	_ =	shalt  }
0x56: {  	_ =	shalt  }
0x57: {  	_ =	shalt  }
0x58: {  	_ =	shalt  }
0x59: {  	_ =	shalt  }
0x5a: {  	_ =	shalt  }
0x5b: {  	_ =	shalt  }
0x5c: {  	_ =	shalt  }
0x5d: {  	_ =	shalt  }
0x5e: {  	_ =	shalt  }
0x5f: {  	_ =	shalt  }
0x60: {  	_ =	shalt  }
0x61: {  	_ =	shalt  }
0x62: {  	_ =	shalt  }
0x63: {  	_ =	shalt  }
0x64: {  	_ =	shalt  }
0x65: {  	_ =	shalt  }
0x66: {  	_ =	shalt  }
0x67: {  	_ =	shalt  }
0x68: {  	_ =	shalt  }
0x69: {  	_ =	shalt  }
0x6a: {  	_ =	shalt  }
0x6b: {  	_ =	shalt  }
0x6c: {  	_ =	shalt  }
0x6d: {  	_ =	shalt  }
0x6e: {  	_ =	shalt  }
0x6f: {  	_ =	shalt  }
0x70: {  	_ =	shalt  }
0x71: {  	_ =	shalt  }
0x72: {  	_ =	shalt  }
0x73: {  	_ =	shalt  }
0x74: {  	_ =	shalt  }
0x75: {  	_ =	shalt  }
0x76: {  	_ =	shalt  }
0x77: {  	_ =	shalt  }
0x78: {  	_ =	shalt  }
0x79: {  	_ =	shalt  }
0x7a: {  	_ =	shalt  }
0x7b: {  	_ =	shalt  }
0x7c: {  	_ =	shalt  }
0x7d: {  	_ =	shalt  }
0x7e: {  	_ =	shalt  }
0x7f: {  	_ =	shalt  }
0x80: {  	_ =	shalt  }
0x81: {  	_ =	shalt  }
0x82: {  	_ =	shalt  }
0x83: {  	_ =	shalt  }
0x84: {  	_ =	shalt  }
0x85: {  	_ =	shalt  }
0x86: {  	_ =	shalt  }
0x87: {  	_ =	shalt  }
.Lfunc_end0:
.L_simem_size_0:
called_computation.3_lowered:
.L_overlay_start_0:
0x88: {  	s2 =	sld [smem:$0x3FD9]  }
0x89: {  	s3 =	sld [smem:$0x3FFE];
	_ =	sdelay $0x1  }
0x8a: {  	s1 =	srdreg.scid  }
0x8b: {  	s0 =	sand.u32 $0x1, s1  }
0x8c: {  	s16 =	sshll.u32 s0, $0xA;
	s2 =	sadd.s32 s3, s2  }
0x8d: {  	s2 =	sadd.s32 s2, s16  }
0x8e: {  	[smem:$0x3F86] =	sst s2  }
0x8f: {  	_ = 	snop  }
0x90: {  	(tm) =	ssettm $0x1  }
0x91: {  	s17 =	sld [smem:$0x3FFB];
	_ =	sdelay $0x3  }
0x92: {  	_ =	strace s17  }
0x93: {  	s2 =	sld [smem:$0x3FFC];
	_ =	sdelay $0x3  }
0x94: {  	_ =	strace s2  }
0x95: {  	s2 =	sld [smem:$0x3FFD];
	_ =	sdelay $0x3  }
0x96: {  	_ =	strace s2  }
0x97: {  	_ =	strace $0x8FFFFFFF  }
0x98: {  	s18 =	sld [smem:$0x3FDB];
	_ =	sdelay $0x1  }
0x99: {  	s19 =	simm.s32 $_scs_section_size  }
0x9a: {  	s4 =	simm.s32 $_size__tile_overlayer_lowered;
	s5 =	simm.s32 $_tile_overlayer_lowered  }
0x9b: {  	s22 =	simm.s32 $0x1BFF;
	s21 =	sshll.u32 s5, $0x1;
	s2 =	sadd.s32 s19, s18  }
0x9c: {  	s6 =	simm.s32 $0x0;
	s20 =	sshll.u32 s4, $0x1;
	s4 =	sadd.s32 s21, s2  }
0x9d: {  	[timem:s6], [sflag:s22] =	dma.local [hbm:s4], s20  }
0x9e: {  	_ =	swait.ge [sflag:s22], s20  }
0x9f: {  	s3 =	ssub.s32 $0x0, s20;
	[sflag:s22] =	ssyncset.done $0x0  }
0xa0: {  	[sflag:s22] =	ssyncadd.s32 s3;
	_ =	sdelay $0x1  }
0xa1: {  	s23 =	simm.s32 $0x1B8B  }
0xa2: {  	_ =	swait.ge [sflag:s23], $0x1  }
0xa3: {  	[sflag:s23] =	ssyncset.done $0x0  }
0xa4: {  	s25 =	simm.s32 $0x1B8E;
	s24 =	sld [smem:$0x3FFE];
	[sflag:s23] =	ssyncadd.s32 $0xFFFFFFFF  }
0xa5: {  	s26 =	simm.s32 $execute0_lowered;
	[smem:$0x3FD2] =	sst s25  }
0xa6: {  	s4 =	sshll.u32 s26, $0x1;
	_ =	strace $0x8000004F;
	[dreg:$0x1] =	wrdreg $0xFFFFFFFF  }
0xa7: {  	s28 =	simm.s32 $_size_execute0_lowered;
	s2 =	sadd.s32 s2, s4;
	[dreg:$0x0] =	wrdreg $0x0  }
0xa8: {  	s4 =	sshll.u32 s28, $0x1;
	[dreg:$0x2] =	wrdreg s2  }
0xa9: {  	[dreg:$0x3] =	wrdreg s4  }
0xaa: {  	[dreg:$0x4] =	wrdreg $0xC0  }
0xab: {  	_ =	task [dreg:s6], $0x5FFFF  }
0xac: {  	[dreg:$0x1] =	wrdreg $0xFFFFFFFF  }
0xad: {  	[dreg:$0x0] =	wrdreg $0x60  }
0xae: {  	[dreg:$0x2] =	wrdreg s24  }
0xaf: {  	[dreg:$0x3] =	wrdreg $0x0  }
0xb0: {  	[dreg:$0x4] =	wrdreg $0x9  }
0xb1: {  	_ =	task.clear_ibuf [dreg:s6], $0x5FFFF;
	_ =	strace $0x9000004F  }
0xb2: {  	s29 =	simm.s32 $0x9;
	_ =	strace $0x80000051  }
0xb3: {  	_ =	swait.ge [sflag:s29], $0x1  }
0xb4: {  	[sflag:s29] =	ssyncadd.s32 $0xFFFFFFFF  }
0xb5: {  	_ =	strace $0x90000051  }
0xb6: {  	_ =	sfence  }
0xb7: {  	s30 =	sld [smem:$0x0];
	_ =	sdelay $0x2  }
0xb8: {  	s31 =	sshll.u32 s1, $0xD;
	s1 =	sshrl.u32 s1, $0x2  }
0xb9: {  	s3 =	sand.u32 $0x4000, s31;
	s1 =	sadd.s32 s1, s30  }
0xba: {  	s0 =	sor.u32 s3, s0;
	s1 =	sshll.u32 s1, $0x11  }
0xbb: {  	s0 =	sor.u32 s1, s0  }
0xbc: {  	s0 =	sadd.s32 $0x8F2B, s0  }
0xbd: {  	[sflag:s0] =	ssyncadd.remote.s32 $0x1  }
0xbe: {  	_ =	sfence.sel $0xFFFF  }
0xbf: {  	[dreg:$0x0] =	wrdreg $0xFFFFFFFF;
	(pc) =	sbr.abs _section_cstart, $3  }
0xc0: {  	[dreg:$0x1] =	wrdreg $0xFFFFFFFF  }
0xc1: {  	_ =	task.clear_ibuf [dreg:s6], $0x2FFFF;
	_ =	strace $0x9FFFFFFF  }
0xc2: {  	(tm) =	ssettm $0x7FFFFFFF  }
0xc3: {  	_ =	shalt  }
tec
execute0_lowered:
.L_overlay_start_1:
0x0: {  	(tag) =	ssettag $0x1  }
0x1: {  	s5 =	rddreg [dreg:$0x0]  }
0x2: {  	s2 =	rddreg [dreg:$0x1]  }
0x3: {  	s0 =	srdreg.scid;
	s1 =	rddreg [dreg:$0x2];
	s3 =	simm.s32 $0x0  }
0x4: {  	s14 =	simm.s32 $0xEF00;
	s15 =	simm.s32 $0x80;
	s16 =	simm.s32 $0x13E00  }
0x5: {  	s17 =	simm.s32 $0x1;
	s18 =	simm.s32 $0xA080;
	s6 =	sand.u32 $0x1, s0  }
0x6: {  	s19 =	simm.s32 $0x15E00;
	s0 =	stileid.u32;
	s4 =	smul.u32 $0x4F000, s6  }
0x7: {  	s20 =	simm.s32 $0x2;
	s21 =	simm.s32 $0xA100;
	s7 =	smul.u32 $0x4F00, s0  }
0x8: {  	s22 =	simm.s32 $0xEF80;
	s23 =	simm.s32 $0x0;
	s8 =	smul.u32 $0xA000, s0  }
0x9: {  	[smem:$0x7FF] =	sst s3;
	s9 =	smul.u32 $0xA0000, s6;
	s6 =	ssub.s32 $0x2, s6  }
0xa: {  	_ =	strace $0x80000050;
	s31 =	sshll.u32 s0, $0x6;
	s11 =	sshrl.u32 s6, $0x1  }
0xb: {  	s7 =	sadd.s32 s7, s4;
	s4 =	sadd.s32 $0xDDA00, s5;
	s29 =	sadd.s32 s8, s9  }
0xc: {  	s30 =	sshrl.u32 s8, $0x3;
	s11 =	ssub.s32 s6, s11;
	s13 =	sadd.s32 s8, s2  }
.Ltmp0:
0xd: {  	s6 =	sor.u32 $0x1C03, s31;
	s7 =	sshrl.u32 s7, $0x3;
	(pc) =	sbr.rel .LBB2_1-.Ltmp0, $4  }
0xe: {  	s9 =	sadd.s32 s30, s5;
	s10 =	sadd.s32 s7, s5;
	s7 =	sshrl.u32 s29, $0x3  }
0xf: {  	s12 =	sadd.s32 s7, s5;
	s5 =	sadd.s32 $0x104C00, s9;
	s7 =	sadd.s32 $0x2DA00, s10  }
0x10: {  	s8 =	sadd.s32 $0xAC00, s10;
	s10 =	smax.u32 s11, $0x1;
	s11 =	sshrl.u32 s13, $0x3  }
0x11: {  	s13 =	simm.s32 $0xA000;
	s9 =	sadd.s32 $0x118C00, s12;
	s12 =	simm.s32 $0x3  }
.LBB2_3:
0x12: {  	s24 =	sadd.s32 $0xF080, s25  }
0x13: {  	[spmem:s2] =	stream.indirect.scatter.add.f32 [tilespmem:s19], [sflag:$0x2], $0x40, s24, s15, $0xb8;
	[tilespmem:$0x17E00] =	vst v63  }
.LBB2_5:
0x14: {  	_ =	swait.ge [sflag:s20], $0x2000  }
0x15: {  	s23 =	sadd.s32 $0x1, s23;
	[sflag:s20] =	ssyncset.done $0x0  }
0x16: {  	p0 =	sne.s32 s23, s10;
	[sflag:s20] =	ssyncadd.s32 $0xFFFFE000  }
.Ltmp1:
0x17: {  	[bflag:$0x0] =	sbarrier.arrive $0xFFFF;
	(pc) =	sbr.rel @!p0 .LBB2_6-.Ltmp1, $4  }
0x18: {  	[hbm:s9], [sflag:s6] =	dma.local [spmem:s11], $0x1400  }
0x19: {  	_ =	swait.ge [sflag:s12], $0x1400  }
0x1a: {  	[sflag:s12] =	ssyncset.done $0x0  }
0x1b: {  	[sflag:s12] =	ssyncadd.s32 $0xFFFFEC00  }
.LBB2_1:
0x1c: {  	[spmem:s11], [sflag:s6] =	dma.local [hbm:s5], $0x1400  }
0x1d: {  	_ =	swait.ge [sflag:s12], $0x1400  }
0x1e: {  	[sflag:s12] =	ssyncset.done $0x0  }
0x1f: {  	[sflag:s12] =	ssyncadd.s32 $0xFFFFEC00  }
0x20: {  	[tilespmem:s13], [sflag:$0x3] =	stream.linear.gather [hbm4b:s7+s3], $0x4F00, $0x38;
	[tilespmem:$0x17E00] =	vst v63  }
0x21: {  	_ =	swait.ge [sflag:s12], $0x4F00  }
0x22: {  	[sflag:s12] =	ssyncset.done $0x0  }
0x23: {  	[sflag:s12] =	ssyncadd.s32 $0xFFFFB100  }
0x24: {  	[tilespmem:s14], [sflag:$0x3] =	stream.linear.gather [hbm4b:s8+s3], $0x4F00, $0x38;
	[tilespmem:$0x17E00] =	vst v63  }
0x25: {  	_ =	swait.ge [sflag:s12], $0x4F00  }
0x26: {  	[sflag:s12] =	ssyncset.done $0x0  }
0x27: {  	[sflag:s12] =	ssyncadd.s32 $0xFFFFB100  }
0x28: {  	[bflag:$0x0] =	sbarrier.arrive $0xFFFF  }
0x29: {  	[tilespmem:s16], [sflag:$0x1] =	stream.indirect.gather [hbm4b:s4+s15], $0x40, s13, s15, $0xb8;
	[tilespmem:$0x17E00] =	vst v63  }
0x2a: {  	_ =	swait.ge [sflag:s17], $0x2000  }
0x2b: {  	[sflag:s17] =	ssyncset.done $0x0  }
0x2c: {  	[sflag:s17] =	ssyncadd.s32 $0xFFFFE000  }
0x2d: {  	[tilespmem:s19], [sflag:$0x1] =	stream.indirect.gather [hbm4b:s4+s15], $0x40, s18, s15, $0xb8;
	[tilespmem:$0x17E00] =	vst v63  }
0x2e: {  	_ = 	snop  }
0x2f: {  	[spmem:s2] =	stream.indirect.scatter.add.f32 [tilespmem:s16], [sflag:$0x2], $0x40, s14, s15, $0xb8;
	[tilespmem:$0x17E00] =	vst v63  }
0x30: {  	_ =	swait.ge [sflag:s17], $0x2000  }
0x31: {  	[sflag:s17] =	ssyncset.done $0x0  }
0x32: {  	[sflag:s17] =	ssyncadd.s32 $0xFFFFE000  }
0x33: {  	_ =	swait.ge [sflag:s20], $0x2000  }
0x34: {  	[sflag:s20] =	ssyncset.done $0x0  }
0x35: {  	[sflag:s20] =	ssyncadd.s32 $0xFFFFE000  }
0x36: {  	[tilespmem:s16], [sflag:$0x1] =	stream.indirect.gather [hbm4b:s4+s15], $0x40, s21, s15, $0xb8;
	[tilespmem:$0x17E00] =	vst v63  }
0x37: {  	s24 =	simm.s32 $0x0  }
0x38: {  	[spmem:s2] =	stream.indirect.scatter.add.f32 [tilespmem:s19], [sflag:$0x2], $0x40, s22, s15, $0xb8;
	[tilespmem:$0x17E00] =	vst v63  }
.LBB2_2:
0x39: {  	_ =	swait.ge [sflag:s17], $0x2000  }
0x3a: {  	[sflag:s17] =	ssyncset.done $0x0  }
0x3b: {  	[sflag:s17] =	ssyncadd.s32 $0xFFFFE000  }
0x3c: {  	_ =	swait.ge [sflag:s20], $0x2000  }
0x3d: {  	s25 =	sshra.s32 s24, $0x2;
	[sflag:s20] =	ssyncset.done $0x0  }
0x3e: {  	s26 =	sadd.s32 $0xA180, s25;
	[sflag:s20] =	ssyncadd.s32 $0xFFFFE000  }
0x3f: {  	[tilespmem:s19], [sflag:$0x1] =	stream.indirect.gather [hbm4b:s4+s15], $0x40, s26, s15, $0xb8;
	[tilespmem:$0x17E00] =	vst v63  }
0x40: {  	s31 =	sadd.s32 $0xF000, s25  }
0x41: {  	[spmem:s2] =	stream.indirect.scatter.add.f32 [tilespmem:s16], [sflag:$0x2], $0x40, s31, s15, $0xb8;
	[tilespmem:$0x17E00] =	vst v63  }
0x42: {  	p0 =	sne.s32 s24, $0x13400;
	_ =	swait.ge [sflag:s17], $0x2000  }
.Ltmp2:
0x43: {  	[sflag:s17] =	ssyncset.done $0x0;
	(pc) =	sbr.rel @!p0 .LBB2_3-.Ltmp2, $4  }
0x44: {  	[sflag:s17] =	ssyncadd.s32 $0xFFFFE000  }
0x45: {  	_ =	swait.ge [sflag:s20], $0x2000  }
0x46: {  	[sflag:s20] =	ssyncset.done $0x0  }
0x47: {  	[sflag:s20] =	ssyncadd.s32 $0xFFFFE000  }
0x48: {  	s24 =	sadd.s32 $0x400, s24  }
0x49: {  	p0 =	sne.s32 s24, $0x13800  }
.Ltmp3:
0x4a: {  	_ = 	snop;
	(pc) =	sbr.rel @p0 .LBB2_2-.Ltmp3, $4  }
.Ltmp4:
0x4b: {  	s26 =	sadd.s32 $0xA200, s25;
	(pc) =	sbr.rel @!p0 .LBB2_5-.Ltmp4, $4  }
0x4c: {  	[tilespmem:s16], [sflag:$0x1] =	stream.indirect.gather [hbm4b:s4+s15], $0x40, s26, s15, $0xb8;
	[tilespmem:$0x17E00] =	vst v63  }
0x4d: {  	s31 =	sadd.s32 $0xF080, s25  }
0x4e: {  	[spmem:s2] =	stream.indirect.scatter.add.f32 [tilespmem:s19], [sflag:$0x2], $0x40, s31, s15, $0xb8;
	[tilespmem:$0x17E00] =	vst v63  }
0x4f: {  	_ = 	snop  }
.LBB2_6:
0x50: {  	_ =	sfence.sel $0x180000  }
0x51: {  	[bflag:$0x0] =	sbarrier.arrive $0xFFFF  }
0x52: {  	p0 =	sne.s32 s0, $0x0;
	_ =	strace $0x90000050  }
0x53: {  	s0 =	sadd.s32 @!p0 $0x100000, s1;
	[bflag:$0x2] =	sbarrier.arrive $0xFFFF  }
0x54: {  	[sflag:s0] =	ssyncadd.tile.s32 @!p0 $0x1;
	_ =	shalt  }
.Lfunc_end2:
_tile_overlayer_lowered:
.L_overlay_start_2:
0x55: {  	(tag) =	ssettag $0x2  }
0x56: {  	s0 =	rddreg [dreg:$0x0];
	s2 =	stileid.u32  }
0x57: {  	s1 =	rddreg [dreg:$0x1];
	p0 =	sne.s32 s2, $0x0  }
0x58: {  	s3 =	rddreg [dreg:$0x2];
	[bflag:$0x3] =	sbarrier.arrive $0xFFFF;
	s2 =	simm.s32 @!p0 $0x1C03  }
0x59: {  	[timem:s3], [sflag:s2] =	dma.local @!p0 [hbm:s0], s1  }
0x5a: {  	s0 =	simm.s32 @!p0 $0x3  }
0x5b: {  	_ =	swait.ge @!p0 [sflag:s0], s1  }
0x5c: {  	s1 =	ssub.s32 @!p0 $0x0, s1;
	[sflag:s0] =	ssyncset.done @!p0 $0x0  }
0x5d: {  	[sflag:s0] =	ssyncadd.s32 @!p0 s1  }
0x5e: {  	[bflag:$0x3] =	sbarrier.arrive $0xFFFF  }
0x5f: {  	_ =	shalt  }

// kernel: kernel.28.cloned.1.call-start
scs
__scs_entry_jumppad:
0x0: {  	(pc) =	sbr.rel $0x88, $3  }
0x1: {  	(tag) =	ssettag $0x0;
	lr =	simm.s32 $0x1  }
0x2: {  	[smem:$0x3F5F] =	sst lr;
	_ =	strace $0xD0000000  }
0x3: {  	_ = 	snop  }
0x4: {  	_ = 	snop  }
0x5: {  	_ = 	snop  }
0x6: {  	_ = 	snop  }
0x7: {  	_ = 	snop  }
__scs_overlays_trampoline_lowered:
0x8: {  	[smem:$0x3F6E] =	sst s0  }
0x9: {  	[smem:$0x3F6F] =	sst s1  }
0xa: {  	[smem:$0x3F70] =	sst s2  }
0xb: {  	[smem:$0x3F71] =	sst s3  }
0xc: {  	[smem:$0x3F72] =	sst s4  }
0xd: {  	[smem:$0x3F73] =	sst s5  }
0xe: {  	[smem:$0x3F74] =	sst s6  }
0xf: {  	[smem:$0x3F75] =	sst s7  }
0x10: {  	[smem:$0x3F76] =	sst s8  }
0x11: {  	[smem:$0x3F77] =	sst s9;
	s0 =	simm.s32 @!p0 $0x0  }
0x12: {  	s1 =	sld [smem:$0x3F5D];
	s0 =	simm.s32 @p0 $0x1  }
0x13: {  	[smem:$0x3F78] =	sst s0;
	s0 =	simm.s32 @!p1 $0x0  }
0x14: {  	s2 =	sld [smem:$0x3F5C];
	s0 =	simm.s32 @p1 $0x1  }
0x15: {  	[smem:$0x3F79] =	sst s0;
	s0 =	simm.s32 @!p2 $0x0  }
0x16: {  	s3 =	sld [smem:$0x3FDB];
	s0 =	simm.s32 @p2 $0x1  }
0x17: {  	s4 =	simm.s32 $0x1BF5;
	[smem:$0x3F7B] =	sst s0  }
0x18: {  	s0 =	sld [smem:$0x3F5E];
	_ =	swait.ge [sflag:s4], $0x0  }
0x19: {  	s7 =	sld [smem:$0x3F5F]  }
0x1a: {  	s8 =	sadd.s32 $0xFFFFE003, lr  }
0x1b: {  	s9 =	sadd.s32 $0xFFFFFEF7, lr;
	s5 =	simm.s32 $0xFFFFFFFF;
	p2 =	slt.u32 s8, $0xFFFFF086  }
0x1c: {  	p1 =	slt.u32 s9, $0xF7A;
	s5 =	simm.s32 @!p2 $0x0  }
0x1d: {  	s5 =	simm.s32 @p1 $0x1;
	p0 =	seq.s32 s7, s2  }
0x1e: {  	s7 =	smul.u32 @!p0 $0xF7A, s2;
	p2 =	seq.s32 @!p0 s5, $0x0  }
0x1f: {  	s9 =	smul.u32 $0xF7A, s1;
	s8 =	simm.s32 @!p0 $0x1BF5;
	p2 =	por !p2, p0  }
0x20: {  	[sflag:s8] =	ssyncset.s32 @!p0 $0xFFFFF086;
	s6 =	sadd.s32 @!p0 s3, s7;
	s7 =	simm.s32 @!p0 $0x108  }
0x21: {  	s3 =	sadd.s32 s3, s9;
	s6 =	sadd.s32 @!p0 $0x88, s6;
	s7 =	simm.s32 @p2 $0x1082  }
0x22: {  	[simem:s7], [sflag:s8] =	dma.local @!p0 [hbm:s6], $0xF7A  }
0x23: {  	s9 =	sor.u32 $0xD0000000, s2;
	s6 =	simm.s32 $0x108;
	_ =	swait.ge @!p0 [sflag:s8], $0x0  }
0x24: {  	s3 =	sadd.s32 $0x88, s3;
	s6 =	simm.s32 @!p1 $0x1082;
	[sflag:s4] =	ssyncset.s32 $0xFFFFF086  }
0x25: {  	[simem:s6], [sflag:s4] =	dma.local [hbm:s3], $0xF7A  }
0x26: {  	[smem:$0x3F5F] =	sst s1;
	(tag) =	ssettag s2;
	_ =	strace s9  }
0x27: {  	s1 =	sld [smem:$0x3F6F]  }
0x28: {  	s2 =	sld [smem:$0x3F70]  }
0x29: {  	s4 =	sld [smem:$0x3F72]  }
0x2a: {  	p0 =	seq.s32 s5, $0x0;
	s5 =	sld [smem:$0x3F73]  }
0x2b: {  	s6 =	sld [smem:$0x3F74]  }
0x2c: {  	s7 =	sld [smem:$0x3F75]  }
0x2d: {  	s3 =	simm.s32 $0x108;
	s8 =	sld [smem:$0x3F76]  }
0x2e: {  	s3 =	simm.s32 @!p0 $0x1082;
	s9 =	sld [smem:$0x3F77]  }
0x2f: {  	lr =	sadd.s32 s0, s3;
	s0 =	sld [smem:$0x3F6E]  }
0x30: {  	s3 =	sld [smem:$0x3F71]  }
0x31: {  	[smem:$0x3F7A] =	sst s10  }
0x32: {  	s10 =	sld [smem:$0x3F78];
	_ =	sdelay $0x3  }
0x33: {  	p0 =	seq.s32 s10, $0x1;
	s10 =	sld [smem:$0x3F7A];
	_ =	sdelay $0x3  }
0x34: {  	[smem:$0x3F7A] =	sst s10  }
0x35: {  	s10 =	sld [smem:$0x3F79];
	_ =	sdelay $0x3  }
0x36: {  	p1 =	seq.s32 s10, $0x1;
	s10 =	sld [smem:$0x3F7A];
	_ =	sdelay $0x3  }
0x37: {  	[smem:$0x3F7A] =	sst s10  }
0x38: {  	s10 =	sld [smem:$0x3F7B]  }
0x39: {  	_ = 	snop;
	(pc) =	sbr.ind lr, $3  }
0x3a: {  	_ = 	snop  }
0x3b: {  	_ = 	snop  }
0x3c: {  	p2 =	seq.s32 s10, $0x1;
	s10 =	sld [smem:$0x3F7A]  }
0x3d: {  	_ =	shalt  }
0x3e: {  	_ =	shalt  }
0x3f: {  	_ =	shalt  }
0x40: {  	_ =	shalt  }
0x41: {  	_ =	shalt  }
0x42: {  	_ =	shalt  }
0x43: {  	_ =	shalt  }
0x44: {  	_ =	shalt  }
0x45: {  	_ =	shalt  }
0x46: {  	_ =	shalt  }
0x47: {  	_ =	shalt  }
0x48: {  	_ =	shalt  }
0x49: {  	_ =	shalt  }
0x4a: {  	_ =	shalt  }
0x4b: {  	_ =	shalt  }
0x4c: {  	_ =	shalt  }
0x4d: {  	_ =	shalt  }
0x4e: {  	_ =	shalt  }
0x4f: {  	_ =	shalt  }
0x50: {  	_ =	shalt  }
0x51: {  	_ =	shalt  }
0x52: {  	_ =	shalt  }
0x53: {  	_ =	shalt  }
0x54: {  	_ =	shalt  }
0x55: {  	_ =	shalt  }
0x56: {  	_ =	shalt  }
0x57: {  	_ =	shalt  }
0x58: {  	_ =	shalt  }
0x59: {  	_ =	shalt  }
0x5a: {  	_ =	shalt  }
0x5b: {  	_ =	shalt  }
0x5c: {  	_ =	shalt  }
0x5d: {  	_ =	shalt  }
0x5e: {  	_ =	shalt  }
0x5f: {  	_ =	shalt  }
0x60: {  	_ =	shalt  }
0x61: {  	_ =	shalt  }
0x62: {  	_ =	shalt  }
0x63: {  	_ =	shalt  }
0x64: {  	_ =	shalt  }
0x65: {  	_ =	shalt  }
0x66: {  	_ =	shalt  }
0x67: {  	_ =	shalt  }
0x68: {  	_ =	shalt  }
0x69: {  	_ =	shalt  }
0x6a: {  	_ =	shalt  }
0x6b: {  	_ =	shalt  }
0x6c: {  	_ =	shalt  }
0x6d: {  	_ =	shalt  }
0x6e: {  	_ =	shalt  }
0x6f: {  	_ =	shalt  }
0x70: {  	_ =	shalt  }
0x71: {  	_ =	shalt  }
0x72: {  	_ =	shalt  }
0x73: {  	_ =	shalt  }
0x74: {  	_ =	shalt  }
0x75: {  	_ =	shalt  }
0x76: {  	_ =	shalt  }
0x77: {  	_ =	shalt  }
0x78: {  	_ =	shalt  }
0x79: {  	_ =	shalt  }
0x7a: {  	_ =	shalt  }
0x7b: {  	_ =	shalt  }
0x7c: {  	_ =	shalt  }
0x7d: {  	_ =	shalt  }
0x7e: {  	_ =	shalt  }
0x7f: {  	_ =	shalt  }
0x80: {  	_ =	shalt  }
0x81: {  	_ =	shalt  }
0x82: {  	_ =	shalt  }
0x83: {  	_ =	shalt  }
0x84: {  	_ =	shalt  }
0x85: {  	_ =	shalt  }
0x86: {  	_ =	shalt  }
0x87: {  	_ =	shalt  }
.Lfunc_end0:
.L_simem_size_0:
called_computation.4_lowered:
.L_overlay_start_0:
0x88: {  	s2 =	sld [smem:$0x3FD9]  }
0x89: {  	s3 =	sld [smem:$0x3FFE];
	_ =	sdelay $0x1  }
0x8a: {  	s1 =	srdreg.scid  }
0x8b: {  	s0 =	sand.u32 $0x1, s1  }
0x8c: {  	s16 =	sshll.u32 s0, $0xA;
	s2 =	sadd.s32 s3, s2  }
0x8d: {  	s2 =	sadd.s32 s2, s16  }
0x8e: {  	[smem:$0x3F86] =	sst s2  }
0x8f: {  	_ = 	snop  }
0x90: {  	(tm) =	ssettm $0x1  }
0x91: {  	s17 =	sld [smem:$0x3FFB];
	_ =	sdelay $0x3  }
0x92: {  	_ =	strace s17  }
0x93: {  	s2 =	sld [smem:$0x3FFC];
	_ =	sdelay $0x3  }
0x94: {  	_ =	strace s2  }
0x95: {  	s2 =	sld [smem:$0x3FFD];
	_ =	sdelay $0x3  }
0x96: {  	_ =	strace s2  }
0x97: {  	_ =	strace $0x8FFFFFFF  }
0x98: {  	s18 =	sld [smem:$0x3FDB];
	_ =	sdelay $0x1  }
0x99: {  	s19 =	simm.s32 $_scs_section_size  }
0x9a: {  	s4 =	simm.s32 $_size__tile_overlayer_lowered;
	s5 =	simm.s32 $_tile_overlayer_lowered  }
0x9b: {  	s22 =	simm.s32 $0x1BFF;
	s21 =	sshll.u32 s5, $0x1;
	s2 =	sadd.s32 s19, s18  }
0x9c: {  	s6 =	simm.s32 $0x0;
	s20 =	sshll.u32 s4, $0x1;
	s4 =	sadd.s32 s21, s2  }
0x9d: {  	[timem:s6], [sflag:s22] =	dma.local [hbm:s4], s20  }
0x9e: {  	_ =	swait.ge [sflag:s22], s20  }
0x9f: {  	s3 =	ssub.s32 $0x0, s20;
	[sflag:s22] =	ssyncset.done $0x0  }
0xa0: {  	[sflag:s22] =	ssyncadd.s32 s3;
	_ =	sdelay $0x1  }
0xa1: {  	s23 =	simm.s32 $0x1B8B  }
0xa2: {  	_ =	swait.ge [sflag:s23], $0x1  }
0xa3: {  	[sflag:s23] =	ssyncset.done $0x0  }
0xa4: {  	s25 =	simm.s32 $0x1B8E;
	s24 =	sld [smem:$0x3FFE];
	[sflag:s23] =	ssyncadd.s32 $0xFFFFFFFF  }
0xa5: {  	s26 =	simm.s32 $execute0_lowered;
	[smem:$0x3FD2] =	sst s25  }
0xa6: {  	s4 =	sshll.u32 s26, $0x1;
	_ =	strace $0x80000052;
	[dreg:$0x1] =	wrdreg $0xFFFFFFFF  }
0xa7: {  	s28 =	simm.s32 $_size_execute0_lowered;
	s2 =	sadd.s32 s2, s4;
	[dreg:$0x0] =	wrdreg $0x0  }
0xa8: {  	s4 =	sshll.u32 s28, $0x1;
	[dreg:$0x2] =	wrdreg s2  }
0xa9: {  	[dreg:$0x3] =	wrdreg s4  }
0xaa: {  	[dreg:$0x4] =	wrdreg $0xC0  }
0xab: {  	_ =	task [dreg:s6], $0x5FFFF  }
0xac: {  	[dreg:$0x1] =	wrdreg $0xFFFFFFFF  }
0xad: {  	[dreg:$0x0] =	wrdreg $0x60  }
0xae: {  	[dreg:$0x2] =	wrdreg s24  }
0xaf: {  	[dreg:$0x3] =	wrdreg $0x0  }
0xb0: {  	[dreg:$0x4] =	wrdreg $0x9  }
0xb1: {  	_ =	task.clear_ibuf [dreg:s6], $0x5FFFF;
	_ =	strace $0x90000052  }
0xb2: {  	s29 =	simm.s32 $0x9;
	_ =	strace $0x80000054  }
0xb3: {  	_ =	swait.ge [sflag:s29], $0x1  }
0xb4: {  	[sflag:s29] =	ssyncadd.s32 $0xFFFFFFFF  }
0xb5: {  	_ =	strace $0x90000054  }
0xb6: {  	_ =	sfence  }
0xb7: {  	s30 =	sld [smem:$0x0];
	_ =	sdelay $0x2  }
0xb8: {  	s31 =	sshll.u32 s1, $0xD;
	s1 =	sshrl.u32 s1, $0x2  }
0xb9: {  	s3 =	sand.u32 $0x4000, s31;
	s1 =	sadd.s32 s1, s30  }
0xba: {  	s0 =	sor.u32 s3, s0;
	s1 =	sshll.u32 s1, $0x11  }
0xbb: {  	s0 =	sor.u32 s1, s0  }
0xbc: {  	s0 =	sadd.s32 $0x8F2B, s0  }
0xbd: {  	[sflag:s0] =	ssyncadd.remote.s32 $0x1  }
0xbe: {  	_ =	sfence.sel $0xFFFF  }
0xbf: {  	[dreg:$0x0] =	wrdreg $0xFFFFFFFF;
	(pc) =	sbr.abs _section_cstart, $3  }
0xc0: {  	[dreg:$0x1] =	wrdreg $0xFFFFFFFF  }
0xc1: {  	_ =	task.clear_ibuf [dreg:s6], $0x2FFFF;
	_ =	strace $0x9FFFFFFF  }
0xc2: {  	(tm) =	ssettm $0x7FFFFFFF  }
0xc3: {  	_ =	shalt  }
tec
execute0_lowered:
.L_overlay_start_1:
0x0: {  	(tag) =	ssettag $0x1  }
0x1: {  	s5 =	rddreg [dreg:$0x0]  }
0x2: {  	s2 =	rddreg [dreg:$0x1]  }
0x3: {  	s0 =	srdreg.scid;
	s1 =	rddreg [dreg:$0x2];
	s3 =	simm.s32 $0x0  }
0x4: {  	s14 =	simm.s32 $0xEF00;
	s15 =	simm.s32 $0x80;
	s16 =	simm.s32 $0x13E00  }
0x5: {  	s17 =	simm.s32 $0x1;
	s18 =	simm.s32 $0xA080;
	s6 =	sand.u32 $0x1, s0  }
0x6: {  	s19 =	simm.s32 $0x15E00;
	s0 =	stileid.u32;
	s4 =	smul.u32 $0x4F000, s6  }
0x7: {  	s20 =	simm.s32 $0x2;
	s21 =	simm.s32 $0xA100;
	s7 =	smul.u32 $0x4F00, s0  }
0x8: {  	s22 =	simm.s32 $0xEF80;
	s23 =	simm.s32 $0x0;
	s8 =	smul.u32 $0xA000, s0  }
0x9: {  	[smem:$0x7FF] =	sst s3;
	s9 =	smul.u32 $0xA0000, s6;
	s6 =	ssub.s32 $0x2, s6  }
0xa: {  	_ =	strace $0x80000053;
	s31 =	sshll.u32 s0, $0x6;
	s11 =	sshrl.u32 s6, $0x1  }
0xb: {  	s7 =	sadd.s32 s7, s4;
	s4 =	sadd.s32 $0xDDA00, s5;
	s29 =	sadd.s32 s8, s9  }
0xc: {  	s30 =	sshrl.u32 s8, $0x3;
	s11 =	ssub.s32 s6, s11;
	s13 =	sadd.s32 s8, s2  }
.Ltmp0:
0xd: {  	s6 =	sor.u32 $0x1C03, s31;
	s7 =	sshrl.u32 s7, $0x3;
	(pc) =	sbr.rel .LBB2_1-.Ltmp0, $4  }
0xe: {  	s9 =	sadd.s32 s30, s5;
	s10 =	sadd.s32 s7, s5;
	s7 =	sshrl.u32 s29, $0x3  }
0xf: {  	s12 =	sadd.s32 s7, s5;
	s5 =	sadd.s32 $0x104C00, s9;
	s7 =	sadd.s32 $0x2DA00, s10  }
0x10: {  	s8 =	sadd.s32 $0xAC00, s10;
	s10 =	smax.u32 s11, $0x1;
	s11 =	sshrl.u32 s13, $0x3  }
0x11: {  	s13 =	simm.s32 $0xA000;
	s9 =	sadd.s32 $0x118C00, s12;
	s12 =	simm.s32 $0x3  }
.LBB2_3:
0x12: {  	s24 =	sadd.s32 $0xF080, s25  }
0x13: {  	[spmem:s2] =	stream.indirect.scatter.add.f32 [tilespmem:s19], [sflag:$0x2], $0x40, s24, s15, $0xb8;
	[tilespmem:$0x17E00] =	vst v63  }
.LBB2_5:
0x14: {  	_ =	swait.ge [sflag:s20], $0x2000  }
0x15: {  	s23 =	sadd.s32 $0x1, s23;
	[sflag:s20] =	ssyncset.done $0x0  }
0x16: {  	p0 =	sne.s32 s23, s10;
	[sflag:s20] =	ssyncadd.s32 $0xFFFFE000  }
.Ltmp1:
0x17: {  	[bflag:$0x0] =	sbarrier.arrive $0xFFFF;
	(pc) =	sbr.rel @!p0 .LBB2_6-.Ltmp1, $4  }
0x18: {  	[hbm:s9], [sflag:s6] =	dma.local [spmem:s11], $0x1400  }
0x19: {  	_ =	swait.ge [sflag:s12], $0x1400  }
0x1a: {  	[sflag:s12] =	ssyncset.done $0x0  }
0x1b: {  	[sflag:s12] =	ssyncadd.s32 $0xFFFFEC00  }
.LBB2_1:
0x1c: {  	[spmem:s11], [sflag:s6] =	dma.local [hbm:s5], $0x1400  }
0x1d: {  	_ =	swait.ge [sflag:s12], $0x1400  }
0x1e: {  	[sflag:s12] =	ssyncset.done $0x0  }
0x1f: {  	[sflag:s12] =	ssyncadd.s32 $0xFFFFEC00  }
0x20: {  	[tilespmem:s13], [sflag:$0x3] =	stream.linear.gather [hbm4b:s7+s3], $0x4F00, $0x38;
	[tilespmem:$0x17E00] =	vst v63  }
0x21: {  	_ =	swait.ge [sflag:s12], $0x4F00  }
0x22: {  	[sflag:s12] =	ssyncset.done $0x0  }
0x23: {  	[sflag:s12] =	ssyncadd.s32 $0xFFFFB100  }
0x24: {  	[tilespmem:s14], [sflag:$0x3] =	stream.linear.gather [hbm4b:s8+s3], $0x4F00, $0x38;
	[tilespmem:$0x17E00] =	vst v63  }
0x25: {  	_ =	swait.ge [sflag:s12], $0x4F00  }
0x26: {  	[sflag:s12] =	ssyncset.done $0x0  }
0x27: {  	[sflag:s12] =	ssyncadd.s32 $0xFFFFB100  }
0x28: {  	[bflag:$0x0] =	sbarrier.arrive $0xFFFF  }
0x29: {  	[tilespmem:s16], [sflag:$0x1] =	stream.indirect.gather [hbm4b:s4+s15], $0x40, s13, s15, $0xb8;
	[tilespmem:$0x17E00] =	vst v63  }
0x2a: {  	_ =	swait.ge [sflag:s17], $0x2000  }
0x2b: {  	[sflag:s17] =	ssyncset.done $0x0  }
0x2c: {  	[sflag:s17] =	ssyncadd.s32 $0xFFFFE000  }
0x2d: {  	[tilespmem:s19], [sflag:$0x1] =	stream.indirect.gather [hbm4b:s4+s15], $0x40, s18, s15, $0xb8;
	[tilespmem:$0x17E00] =	vst v63  }
0x2e: {  	_ = 	snop  }
0x2f: {  	[spmem:s2] =	stream.indirect.scatter.add.f32 [tilespmem:s16], [sflag:$0x2], $0x40, s14, s15, $0xb8;
	[tilespmem:$0x17E00] =	vst v63  }
0x30: {  	_ =	swait.ge [sflag:s17], $0x2000  }
0x31: {  	[sflag:s17] =	ssyncset.done $0x0  }
0x32: {  	[sflag:s17] =	ssyncadd.s32 $0xFFFFE000  }
0x33: {  	_ =	swait.ge [sflag:s20], $0x2000  }
0x34: {  	[sflag:s20] =	ssyncset.done $0x0  }
0x35: {  	[sflag:s20] =	ssyncadd.s32 $0xFFFFE000  }
0x36: {  	[tilespmem:s16], [sflag:$0x1] =	stream.indirect.gather [hbm4b:s4+s15], $0x40, s21, s15, $0xb8;
	[tilespmem:$0x17E00] =	vst v63  }
0x37: {  	s24 =	simm.s32 $0x0  }
0x38: {  	[spmem:s2] =	stream.indirect.scatter.add.f32 [tilespmem:s19], [sflag:$0x2], $0x40, s22, s15, $0xb8;
	[tilespmem:$0x17E00] =	vst v63  }
.LBB2_2:
0x39: {  	_ =	swait.ge [sflag:s17], $0x2000  }
0x3a: {  	[sflag:s17] =	ssyncset.done $0x0  }
0x3b: {  	[sflag:s17] =	ssyncadd.s32 $0xFFFFE000  }
0x3c: {  	_ =	swait.ge [sflag:s20], $0x2000  }
0x3d: {  	s25 =	sshra.s32 s24, $0x2;
	[sflag:s20] =	ssyncset.done $0x0  }
0x3e: {  	s26 =	sadd.s32 $0xA180, s25;
	[sflag:s20] =	ssyncadd.s32 $0xFFFFE000  }
0x3f: {  	[tilespmem:s19], [sflag:$0x1] =	stream.indirect.gather [hbm4b:s4+s15], $0x40, s26, s15, $0xb8;
	[tilespmem:$0x17E00] =	vst v63  }
0x40: {  	s31 =	sadd.s32 $0xF000, s25  }
0x41: {  	[spmem:s2] =	stream.indirect.scatter.add.f32 [tilespmem:s16], [sflag:$0x2], $0x40, s31, s15, $0xb8;
	[tilespmem:$0x17E00] =	vst v63  }
0x42: {  	p0 =	sne.s32 s24, $0x13400;
	_ =	swait.ge [sflag:s17], $0x2000  }
.Ltmp2:
0x43: {  	[sflag:s17] =	ssyncset.done $0x0;
	(pc) =	sbr.rel @!p0 .LBB2_3-.Ltmp2, $4  }
0x44: {  	[sflag:s17] =	ssyncadd.s32 $0xFFFFE000  }
0x45: {  	_ =	swait.ge [sflag:s20], $0x2000  }
0x46: {  	[sflag:s20] =	ssyncset.done $0x0  }
0x47: {  	[sflag:s20] =	ssyncadd.s32 $0xFFFFE000  }
0x48: {  	s24 =	sadd.s32 $0x400, s24  }
0x49: {  	p0 =	sne.s32 s24, $0x13800  }
.Ltmp3:
0x4a: {  	_ = 	snop;
	(pc) =	sbr.rel @p0 .LBB2_2-.Ltmp3, $4  }
.Ltmp4:
0x4b: {  	s26 =	sadd.s32 $0xA200, s25;
	(pc) =	sbr.rel @!p0 .LBB2_5-.Ltmp4, $4  }
0x4c: {  	[tilespmem:s16], [sflag:$0x1] =	stream.indirect.gather [hbm4b:s4+s15], $0x40, s26, s15, $0xb8;
	[tilespmem:$0x17E00] =	vst v63  }
0x4d: {  	s31 =	sadd.s32 $0xF080, s25  }
0x4e: {  	[spmem:s2] =	stream.indirect.scatter.add.f32 [tilespmem:s19], [sflag:$0x2], $0x40, s31, s15, $0xb8;
	[tilespmem:$0x17E00] =	vst v63  }
0x4f: {  	_ = 	snop  }
.LBB2_6:
0x50: {  	_ =	sfence.sel $0x180000  }
0x51: {  	[bflag:$0x0] =	sbarrier.arrive $0xFFFF  }
0x52: {  	p0 =	sne.s32 s0, $0x0;
	_ =	strace $0x90000053  }
0x53: {  	s0 =	sadd.s32 @!p0 $0x100000, s1;
	[bflag:$0x2] =	sbarrier.arrive $0xFFFF  }
0x54: {  	[sflag:s0] =	ssyncadd.tile.s32 @!p0 $0x1;
	_ =	shalt  }
.Lfunc_end2:
_tile_overlayer_lowered:
.L_overlay_start_2:
0x55: {  	(tag) =	ssettag $0x2  }
0x56: {  	s0 =	rddreg [dreg:$0x0];
	s2 =	stileid.u32  }
0x57: {  	s1 =	rddreg [dreg:$0x1];
	p0 =	sne.s32 s2, $0x0  }
0x58: {  	s3 =	rddreg [dreg:$0x2];
	[bflag:$0x3] =	sbarrier.arrive $0xFFFF;
	s2 =	simm.s32 @!p0 $0x1C03  }
0x59: {  	[timem:s3], [sflag:s2] =	dma.local @!p0 [hbm:s0], s1  }
0x5a: {  	s0 =	simm.s32 @!p0 $0x3  }
0x5b: {  	_ =	swait.ge @!p0 [sflag:s0], s1  }
0x5c: {  	s1 =	ssub.s32 @!p0 $0x0, s1;
	[sflag:s0] =	ssyncset.done @!p0 $0x0  }
0x5d: {  	[sflag:s0] =	ssyncadd.s32 @!p0 s1  }
0x5e: {  	[bflag:$0x3] =	sbarrier.arrive $0xFFFF  }
0x5f: {  	_ =	shalt  }

// kernel: kernel.31.cloned.1.call-start
scs
__scs_entry_jumppad:
0x0: {  	(pc) =	sbr.rel $0x88, $3  }
0x1: {  	(tag) =	ssettag $0x0;
	lr =	simm.s32 $0x1  }
0x2: {  	[smem:$0x3F5F] =	sst lr;
	_ =	strace $0xD0000000  }
0x3: {  	_ = 	snop  }
0x4: {  	_ = 	snop  }
0x5: {  	_ = 	snop  }
0x6: {  	_ = 	snop  }
0x7: {  	_ = 	snop  }
__scs_overlays_trampoline_lowered:
0x8: {  	[smem:$0x3F6E] =	sst s0  }
0x9: {  	[smem:$0x3F6F] =	sst s1  }
0xa: {  	[smem:$0x3F70] =	sst s2  }
0xb: {  	[smem:$0x3F71] =	sst s3  }
0xc: {  	[smem:$0x3F72] =	sst s4  }
0xd: {  	[smem:$0x3F73] =	sst s5  }
0xe: {  	[smem:$0x3F74] =	sst s6  }
0xf: {  	[smem:$0x3F75] =	sst s7  }
0x10: {  	[smem:$0x3F76] =	sst s8  }
0x11: {  	[smem:$0x3F77] =	sst s9;
	s0 =	simm.s32 @!p0 $0x0  }
0x12: {  	s1 =	sld [smem:$0x3F5D];
	s0 =	simm.s32 @p0 $0x1  }
0x13: {  	[smem:$0x3F78] =	sst s0;
	s0 =	simm.s32 @!p1 $0x0  }
0x14: {  	s2 =	sld [smem:$0x3F5C];
	s0 =	simm.s32 @p1 $0x1  }
0x15: {  	[smem:$0x3F79] =	sst s0;
	s0 =	simm.s32 @!p2 $0x0  }
0x16: {  	s3 =	sld [smem:$0x3FDB];
	s0 =	simm.s32 @p2 $0x1  }
0x17: {  	s4 =	simm.s32 $0x1BF5;
	[smem:$0x3F7B] =	sst s0  }
0x18: {  	s0 =	sld [smem:$0x3F5E];
	_ =	swait.ge [sflag:s4], $0x0  }
0x19: {  	s7 =	sld [smem:$0x3F5F]  }
0x1a: {  	s8 =	sadd.s32 $0xFFFFE003, lr  }
0x1b: {  	s9 =	sadd.s32 $0xFFFFFEF7, lr;
	s5 =	simm.s32 $0xFFFFFFFF;
	p2 =	slt.u32 s8, $0xFFFFF086  }
0x1c: {  	p1 =	slt.u32 s9, $0xF7A;
	s5 =	simm.s32 @!p2 $0x0  }
0x1d: {  	s5 =	simm.s32 @p1 $0x1;
	p0 =	seq.s32 s7, s2  }
0x1e: {  	s7 =	smul.u32 @!p0 $0xF7A, s2;
	p2 =	seq.s32 @!p0 s5, $0x0  }
0x1f: {  	s9 =	smul.u32 $0xF7A, s1;
	s8 =	simm.s32 @!p0 $0x1BF5;
	p2 =	por !p2, p0  }
0x20: {  	[sflag:s8] =	ssyncset.s32 @!p0 $0xFFFFF086;
	s6 =	sadd.s32 @!p0 s3, s7;
	s7 =	simm.s32 @!p0 $0x108  }
0x21: {  	s3 =	sadd.s32 s3, s9;
	s6 =	sadd.s32 @!p0 $0x88, s6;
	s7 =	simm.s32 @p2 $0x1082  }
0x22: {  	[simem:s7], [sflag:s8] =	dma.local @!p0 [hbm:s6], $0xF7A  }
0x23: {  	s9 =	sor.u32 $0xD0000000, s2;
	s6 =	simm.s32 $0x108;
	_ =	swait.ge @!p0 [sflag:s8], $0x0  }
0x24: {  	s3 =	sadd.s32 $0x88, s3;
	s6 =	simm.s32 @!p1 $0x1082;
	[sflag:s4] =	ssyncset.s32 $0xFFFFF086  }
0x25: {  	[simem:s6], [sflag:s4] =	dma.local [hbm:s3], $0xF7A  }
0x26: {  	[smem:$0x3F5F] =	sst s1;
	(tag) =	ssettag s2;
	_ =	strace s9  }
0x27: {  	s1 =	sld [smem:$0x3F6F]  }
0x28: {  	s2 =	sld [smem:$0x3F70]  }
0x29: {  	s4 =	sld [smem:$0x3F72]  }
0x2a: {  	p0 =	seq.s32 s5, $0x0;
	s5 =	sld [smem:$0x3F73]  }
0x2b: {  	s6 =	sld [smem:$0x3F74]  }
0x2c: {  	s7 =	sld [smem:$0x3F75]  }
0x2d: {  	s3 =	simm.s32 $0x108;
	s8 =	sld [smem:$0x3F76]  }
0x2e: {  	s3 =	simm.s32 @!p0 $0x1082;
	s9 =	sld [smem:$0x3F77]  }
0x2f: {  	lr =	sadd.s32 s0, s3;
	s0 =	sld [smem:$0x3F6E]  }
0x30: {  	s3 =	sld [smem:$0x3F71]  }
0x31: {  	[smem:$0x3F7A] =	sst s10  }
0x32: {  	s10 =	sld [smem:$0x3F78];
	_ =	sdelay $0x3  }
0x33: {  	p0 =	seq.s32 s10, $0x1;
	s10 =	sld [smem:$0x3F7A];
	_ =	sdelay $0x3  }
0x34: {  	[smem:$0x3F7A] =	sst s10  }
0x35: {  	s10 =	sld [smem:$0x3F79];
	_ =	sdelay $0x3  }
0x36: {  	p1 =	seq.s32 s10, $0x1;
	s10 =	sld [smem:$0x3F7A];
	_ =	sdelay $0x3  }
0x37: {  	[smem:$0x3F7A] =	sst s10  }
0x38: {  	s10 =	sld [smem:$0x3F7B]  }
0x39: {  	_ = 	snop;
	(pc) =	sbr.ind lr, $3  }
0x3a: {  	_ = 	snop  }
0x3b: {  	_ = 	snop  }
0x3c: {  	p2 =	seq.s32 s10, $0x1;
	s10 =	sld [smem:$0x3F7A]  }
0x3d: {  	_ =	shalt  }
0x3e: {  	_ =	shalt  }
0x3f: {  	_ =	shalt  }
0x40: {  	_ =	shalt  }
0x41: {  	_ =	shalt  }
0x42: {  	_ =	shalt  }
0x43: {  	_ =	shalt  }
0x44: {  	_ =	shalt  }
0x45: {  	_ =	shalt  }
0x46: {  	_ =	shalt  }
0x47: {  	_ =	shalt  }
0x48: {  	_ =	shalt  }
0x49: {  	_ =	shalt  }
0x4a: {  	_ =	shalt  }
0x4b: {  	_ =	shalt  }
0x4c: {  	_ =	shalt  }
0x4d: {  	_ =	shalt  }
0x4e: {  	_ =	shalt  }
0x4f: {  	_ =	shalt  }
0x50: {  	_ =	shalt  }
0x51: {  	_ =	shalt  }
0x52: {  	_ =	shalt  }
0x53: {  	_ =	shalt  }
0x54: {  	_ =	shalt  }
0x55: {  	_ =	shalt  }
0x56: {  	_ =	shalt  }
0x57: {  	_ =	shalt  }
0x58: {  	_ =	shalt  }
0x59: {  	_ =	shalt  }
0x5a: {  	_ =	shalt  }
0x5b: {  	_ =	shalt  }
0x5c: {  	_ =	shalt  }
0x5d: {  	_ =	shalt  }
0x5e: {  	_ =	shalt  }
0x5f: {  	_ =	shalt  }
0x60: {  	_ =	shalt  }
0x61: {  	_ =	shalt  }
0x62: {  	_ =	shalt  }
0x63: {  	_ =	shalt  }
0x64: {  	_ =	shalt  }
0x65: {  	_ =	shalt  }
0x66: {  	_ =	shalt  }
0x67: {  	_ =	shalt  }
0x68: {  	_ =	shalt  }
0x69: {  	_ =	shalt  }
0x6a: {  	_ =	shalt  }
0x6b: {  	_ =	shalt  }
0x6c: {  	_ =	shalt  }
0x6d: {  	_ =	shalt  }
0x6e: {  	_ =	shalt  }
0x6f: {  	_ =	shalt  }
0x70: {  	_ =	shalt  }
0x71: {  	_ =	shalt  }
0x72: {  	_ =	shalt  }
0x73: {  	_ =	shalt  }
0x74: {  	_ =	shalt  }
0x75: {  	_ =	shalt  }
0x76: {  	_ =	shalt  }
0x77: {  	_ =	shalt  }
0x78: {  	_ =	shalt  }
0x79: {  	_ =	shalt  }
0x7a: {  	_ =	shalt  }
0x7b: {  	_ =	shalt  }
0x7c: {  	_ =	shalt  }
0x7d: {  	_ =	shalt  }
0x7e: {  	_ =	shalt  }
0x7f: {  	_ =	shalt  }
0x80: {  	_ =	shalt  }
0x81: {  	_ =	shalt  }
0x82: {  	_ =	shalt  }
0x83: {  	_ =	shalt  }
0x84: {  	_ =	shalt  }
0x85: {  	_ =	shalt  }
0x86: {  	_ =	shalt  }
0x87: {  	_ =	shalt  }
.Lfunc_end0:
.L_simem_size_0:
called_computation.5_lowered:
.L_overlay_start_0:
0x88: {  	s2 =	sld [smem:$0x3FD9]  }
0x89: {  	s3 =	sld [smem:$0x3FFE];
	_ =	sdelay $0x1  }
0x8a: {  	s1 =	srdreg.scid  }
0x8b: {  	s0 =	sand.u32 $0x1, s1  }
0x8c: {  	s16 =	sshll.u32 s0, $0xA;
	s2 =	sadd.s32 s3, s2  }
0x8d: {  	s2 =	sadd.s32 s2, s16  }
0x8e: {  	[smem:$0x3F86] =	sst s2  }
0x8f: {  	_ = 	snop  }
0x90: {  	(tm) =	ssettm $0x1  }
0x91: {  	s17 =	sld [smem:$0x3FFB];
	_ =	sdelay $0x3  }
0x92: {  	_ =	strace s17  }
0x93: {  	s2 =	sld [smem:$0x3FFC];
	_ =	sdelay $0x3  }
0x94: {  	_ =	strace s2  }
0x95: {  	s2 =	sld [smem:$0x3FFD];
	_ =	sdelay $0x3  }
0x96: {  	_ =	strace s2  }
0x97: {  	_ =	strace $0x8FFFFFFF  }
0x98: {  	s18 =	sld [smem:$0x3FDB];
	_ =	sdelay $0x1  }
0x99: {  	s19 =	simm.s32 $_scs_section_size  }
0x9a: {  	s4 =	simm.s32 $_size__tile_overlayer_lowered;
	s5 =	simm.s32 $_tile_overlayer_lowered  }
0x9b: {  	s22 =	simm.s32 $0x1BFF;
	s21 =	sshll.u32 s5, $0x1;
	s2 =	sadd.s32 s19, s18  }
0x9c: {  	s6 =	simm.s32 $0x0;
	s20 =	sshll.u32 s4, $0x1;
	s4 =	sadd.s32 s21, s2  }
0x9d: {  	[timem:s6], [sflag:s22] =	dma.local [hbm:s4], s20  }
0x9e: {  	_ =	swait.ge [sflag:s22], s20  }
0x9f: {  	s3 =	ssub.s32 $0x0, s20;
	[sflag:s22] =	ssyncset.done $0x0  }
0xa0: {  	[sflag:s22] =	ssyncadd.s32 s3;
	_ =	sdelay $0x1  }
0xa1: {  	s23 =	simm.s32 $0x1B8B  }
0xa2: {  	_ =	swait.ge [sflag:s23], $0x1  }
0xa3: {  	[sflag:s23] =	ssyncset.done $0x0  }
0xa4: {  	s25 =	simm.s32 $0x1B8E;
	s24 =	sld [smem:$0x3FFE];
	[sflag:s23] =	ssyncadd.s32 $0xFFFFFFFF  }
0xa5: {  	s26 =	simm.s32 $execute0_lowered;
	[smem:$0x3FD2] =	sst s25  }
0xa6: {  	s4 =	sshll.u32 s26, $0x1;
	_ =	strace $0x80000055;
	[dreg:$0x1] =	wrdreg $0xFFFFFFFF  }
0xa7: {  	s28 =	simm.s32 $_size_execute0_lowered;
	s2 =	sadd.s32 s2, s4;
	[dreg:$0x0] =	wrdreg $0x0  }
0xa8: {  	s4 =	sshll.u32 s28, $0x1;
	[dreg:$0x2] =	wrdreg s2  }
0xa9: {  	[dreg:$0x3] =	wrdreg s4  }
0xaa: {  	[dreg:$0x4] =	wrdreg $0xC0  }
0xab: {  	_ =	task [dreg:s6], $0x5FFFF  }
0xac: {  	[dreg:$0x1] =	wrdreg $0xFFFFFFFF  }
0xad: {  	[dreg:$0x0] =	wrdreg $0x60  }
0xae: {  	[dreg:$0x2] =	wrdreg s24  }
0xaf: {  	[dreg:$0x3] =	wrdreg $0x0  }
0xb0: {  	[dreg:$0x4] =	wrdreg $0x9  }
0xb1: {  	_ =	task.clear_ibuf [dreg:s6], $0x5FFFF;
	_ =	strace $0x90000055  }
0xb2: {  	s29 =	simm.s32 $0x9;
	_ =	strace $0x80000057  }
0xb3: {  	_ =	swait.ge [sflag:s29], $0x1  }
0xb4: {  	[sflag:s29] =	ssyncadd.s32 $0xFFFFFFFF  }
0xb5: {  	_ =	strace $0x90000057  }
0xb6: {  	_ =	sfence  }
0xb7: {  	s30 =	sld [smem:$0x0];
	_ =	sdelay $0x2  }
0xb8: {  	s31 =	sshll.u32 s1, $0xD;
	s1 =	sshrl.u32 s1, $0x2  }
0xb9: {  	s3 =	sand.u32 $0x4000, s31;
	s1 =	sadd.s32 s1, s30  }
0xba: {  	s0 =	sor.u32 s3, s0;
	s1 =	sshll.u32 s1, $0x11  }
0xbb: {  	s0 =	sor.u32 s1, s0  }
0xbc: {  	s0 =	sadd.s32 $0x8F2B, s0  }
0xbd: {  	[sflag:s0] =	ssyncadd.remote.s32 $0x1  }
0xbe: {  	_ =	sfence.sel $0xFFFF  }
0xbf: {  	[dreg:$0x0] =	wrdreg $0xFFFFFFFF;
	(pc) =	sbr.abs _section_cstart, $3  }
0xc0: {  	[dreg:$0x1] =	wrdreg $0xFFFFFFFF  }
0xc1: {  	_ =	task.clear_ibuf [dreg:s6], $0x2FFFF;
	_ =	strace $0x9FFFFFFF  }
0xc2: {  	(tm) =	ssettm $0x7FFFFFFF  }
0xc3: {  	_ =	shalt  }
tec
execute0_lowered:
.L_overlay_start_1:
0x0: {  	(tag) =	ssettag $0x1  }
0x1: {  	s5 =	rddreg [dreg:$0x0]  }
0x2: {  	s2 =	rddreg [dreg:$0x1]  }
0x3: {  	s0 =	srdreg.scid;
	s1 =	rddreg [dreg:$0x2];
	s3 =	simm.s32 $0x0  }
0x4: {  	s14 =	simm.s32 $0xEF00;
	s15 =	simm.s32 $0x80;
	s16 =	simm.s32 $0x13E00  }
0x5: {  	s17 =	simm.s32 $0x1;
	s18 =	simm.s32 $0xA080;
	s6 =	sand.u32 $0x1, s0  }
0x6: {  	s19 =	simm.s32 $0x15E00;
	s0 =	stileid.u32;
	s4 =	smul.u32 $0x4F000, s6  }
0x7: {  	s20 =	simm.s32 $0x2;
	s21 =	simm.s32 $0xA100;
	s7 =	smul.u32 $0x4F00, s0  }
0x8: {  	s22 =	simm.s32 $0xEF80;
	s23 =	simm.s32 $0x0;
	s8 =	smul.u32 $0xA000, s0  }
0x9: {  	[smem:$0x7FF] =	sst s3;
	s9 =	smul.u32 $0xA0000, s6;
	s6 =	ssub.s32 $0x2, s6  }
0xa: {  	_ =	strace $0x80000056;
	s31 =	sshll.u32 s0, $0x6;
	s11 =	sshrl.u32 s6, $0x1  }
0xb: {  	s7 =	sadd.s32 s7, s4;
	s4 =	sadd.s32 $0xDDA00, s5;
	s29 =	sadd.s32 s8, s9  }
0xc: {  	s30 =	sshrl.u32 s8, $0x3;
	s11 =	ssub.s32 s6, s11;
	s13 =	sadd.s32 s8, s2  }
.Ltmp0:
0xd: {  	s6 =	sor.u32 $0x1C03, s31;
	s7 =	sshrl.u32 s7, $0x3;
	(pc) =	sbr.rel .LBB2_1-.Ltmp0, $4  }
0xe: {  	s9 =	sadd.s32 s30, s5;
	s10 =	sadd.s32 s7, s5;
	s7 =	sshrl.u32 s29, $0x3  }
0xf: {  	s12 =	sadd.s32 s7, s5;
	s5 =	sadd.s32 $0x104C00, s9;
	s7 =	sadd.s32 $0x2DA00, s10  }
0x10: {  	s8 =	sadd.s32 $0xAC00, s10;
	s10 =	smax.u32 s11, $0x1;
	s11 =	sshrl.u32 s13, $0x3  }
0x11: {  	s13 =	simm.s32 $0xA000;
	s9 =	sadd.s32 $0x118C00, s12;
	s12 =	simm.s32 $0x3  }
.LBB2_3:
0x12: {  	s24 =	sadd.s32 $0xF080, s25  }
0x13: {  	[spmem:s2] =	stream.indirect.scatter.add.f32 [tilespmem:s19], [sflag:$0x2], $0x40, s24, s15, $0xb8;
	[tilespmem:$0x17E00] =	vst v63  }
.LBB2_5:
0x14: {  	_ =	swait.ge [sflag:s20], $0x2000  }
0x15: {  	s23 =	sadd.s32 $0x1, s23;
	[sflag:s20] =	ssyncset.done $0x0  }
0x16: {  	p0 =	sne.s32 s23, s10;
	[sflag:s20] =	ssyncadd.s32 $0xFFFFE000  }
.Ltmp1:
0x17: {  	[bflag:$0x0] =	sbarrier.arrive $0xFFFF;
	(pc) =	sbr.rel @!p0 .LBB2_6-.Ltmp1, $4  }
0x18: {  	[hbm:s9], [sflag:s6] =	dma.local [spmem:s11], $0x1400  }
0x19: {  	_ =	swait.ge [sflag:s12], $0x1400  }
0x1a: {  	[sflag:s12] =	ssyncset.done $0x0  }
0x1b: {  	[sflag:s12] =	ssyncadd.s32 $0xFFFFEC00  }
.LBB2_1:
0x1c: {  	[spmem:s11], [sflag:s6] =	dma.local [hbm:s5], $0x1400  }
0x1d: {  	_ =	swait.ge [sflag:s12], $0x1400  }
0x1e: {  	[sflag:s12] =	ssyncset.done $0x0  }
0x1f: {  	[sflag:s12] =	ssyncadd.s32 $0xFFFFEC00  }
0x20: {  	[tilespmem:s13], [sflag:$0x3] =	stream.linear.gather [hbm4b:s7+s3], $0x4F00, $0x38;
	[tilespmem:$0x17E00] =	vst v63  }
0x21: {  	_ =	swait.ge [sflag:s12], $0x4F00  }
0x22: {  	[sflag:s12] =	ssyncset.done $0x0  }
0x23: {  	[sflag:s12] =	ssyncadd.s32 $0xFFFFB100  }
0x24: {  	[tilespmem:s14], [sflag:$0x3] =	stream.linear.gather [hbm4b:s8+s3], $0x4F00, $0x38;
	[tilespmem:$0x17E00] =	vst v63  }
0x25: {  	_ =	swait.ge [sflag:s12], $0x4F00  }
0x26: {  	[sflag:s12] =	ssyncset.done $0x0  }
0x27: {  	[sflag:s12] =	ssyncadd.s32 $0xFFFFB100  }
0x28: {  	[bflag:$0x0] =	sbarrier.arrive $0xFFFF  }
0x29: {  	[tilespmem:s16], [sflag:$0x1] =	stream.indirect.gather [hbm4b:s4+s15], $0x40, s13, s15, $0xb8;
	[tilespmem:$0x17E00] =	vst v63  }
0x2a: {  	_ =	swait.ge [sflag:s17], $0x2000  }
0x2b: {  	[sflag:s17] =	ssyncset.done $0x0  }
0x2c: {  	[sflag:s17] =	ssyncadd.s32 $0xFFFFE000  }
0x2d: {  	[tilespmem:s19], [sflag:$0x1] =	stream.indirect.gather [hbm4b:s4+s15], $0x40, s18, s15, $0xb8;
	[tilespmem:$0x17E00] =	vst v63  }
0x2e: {  	_ = 	snop  }
0x2f: {  	[spmem:s2] =	stream.indirect.scatter.add.f32 [tilespmem:s16], [sflag:$0x2], $0x40, s14, s15, $0xb8;
	[tilespmem:$0x17E00] =	vst v63  }
0x30: {  	_ =	swait.ge [sflag:s17], $0x2000  }
0x31: {  	[sflag:s17] =	ssyncset.done $0x0  }
0x32: {  	[sflag:s17] =	ssyncadd.s32 $0xFFFFE000  }
0x33: {  	_ =	swait.ge [sflag:s20], $0x2000  }
0x34: {  	[sflag:s20] =	ssyncset.done $0x0  }
0x35: {  	[sflag:s20] =	ssyncadd.s32 $0xFFFFE000  }
0x36: {  	[tilespmem:s16], [sflag:$0x1] =	stream.indirect.gather [hbm4b:s4+s15], $0x40, s21, s15, $0xb8;
	[tilespmem:$0x17E00] =	vst v63  }
0x37: {  	s24 =	simm.s32 $0x0  }
0x38: {  	[spmem:s2] =	stream.indirect.scatter.add.f32 [tilespmem:s19], [sflag:$0x2], $0x40, s22, s15, $0xb8;
	[tilespmem:$0x17E00] =	vst v63  }
.LBB2_2:
0x39: {  	_ =	swait.ge [sflag:s17], $0x2000  }
0x3a: {  	[sflag:s17] =	ssyncset.done $0x0  }
0x3b: {  	[sflag:s17] =	ssyncadd.s32 $0xFFFFE000  }
0x3c: {  	_ =	swait.ge [sflag:s20], $0x2000  }
0x3d: {  	s25 =	sshra.s32 s24, $0x2;
	[sflag:s20] =	ssyncset.done $0x0  }
0x3e: {  	s26 =	sadd.s32 $0xA180, s25;
	[sflag:s20] =	ssyncadd.s32 $0xFFFFE000  }
0x3f: {  	[tilespmem:s19], [sflag:$0x1] =	stream.indirect.gather [hbm4b:s4+s15], $0x40, s26, s15, $0xb8;
	[tilespmem:$0x17E00] =	vst v63  }
0x40: {  	s31 =	sadd.s32 $0xF000, s25  }
0x41: {  	[spmem:s2] =	stream.indirect.scatter.add.f32 [tilespmem:s16], [sflag:$0x2], $0x40, s31, s15, $0xb8;
	[tilespmem:$0x17E00] =	vst v63  }
0x42: {  	p0 =	sne.s32 s24, $0x13400;
	_ =	swait.ge [sflag:s17], $0x2000  }
.Ltmp2:
0x43: {  	[sflag:s17] =	ssyncset.done $0x0;
	(pc) =	sbr.rel @!p0 .LBB2_3-.Ltmp2, $4  }
0x44: {  	[sflag:s17] =	ssyncadd.s32 $0xFFFFE000  }
0x45: {  	_ =	swait.ge [sflag:s20], $0x2000  }
0x46: {  	[sflag:s20] =	ssyncset.done $0x0  }
0x47: {  	[sflag:s20] =	ssyncadd.s32 $0xFFFFE000  }
0x48: {  	s24 =	sadd.s32 $0x400, s24  }
0x49: {  	p0 =	sne.s32 s24, $0x13800  }
.Ltmp3:
0x4a: {  	_ = 	snop;
	(pc) =	sbr.rel @p0 .LBB2_2-.Ltmp3, $4  }
.Ltmp4:
0x4b: {  	s26 =	sadd.s32 $0xA200, s25;
	(pc) =	sbr.rel @!p0 .LBB2_5-.Ltmp4, $4  }
0x4c: {  	[tilespmem:s16], [sflag:$0x1] =	stream.indirect.gather [hbm4b:s4+s15], $0x40, s26, s15, $0xb8;
	[tilespmem:$0x17E00] =	vst v63  }
0x4d: {  	s31 =	sadd.s32 $0xF080, s25  }
0x4e: {  	[spmem:s2] =	stream.indirect.scatter.add.f32 [tilespmem:s19], [sflag:$0x2], $0x40, s31, s15, $0xb8;
	[tilespmem:$0x17E00] =	vst v63  }
0x4f: {  	_ = 	snop  }
.LBB2_6:
0x50: {  	_ =	sfence.sel $0x180000  }
0x51: {  	[bflag:$0x0] =	sbarrier.arrive $0xFFFF  }
0x52: {  	p0 =	sne.s32 s0, $0x0;
	_ =	strace $0x90000056  }
0x53: {  	s0 =	sadd.s32 @!p0 $0x100000, s1;
	[bflag:$0x2] =	sbarrier.arrive $0xFFFF  }
0x54: {  	[sflag:s0] =	ssyncadd.tile.s32 @!p0 $0x1;
	_ =	shalt  }
.Lfunc_end2:
_tile_overlayer_lowered:
.L_overlay_start_2:
0x55: {  	(tag) =	ssettag $0x2  }
0x56: {  	s0 =	rddreg [dreg:$0x0];
	s2 =	stileid.u32  }
0x57: {  	s1 =	rddreg [dreg:$0x1];
	p0 =	sne.s32 s2, $0x0  }
0x58: {  	s3 =	rddreg [dreg:$0x2];
	[bflag:$0x3] =	sbarrier.arrive $0xFFFF;
	s2 =	simm.s32 @!p0 $0x1C03  }
0x59: {  	[timem:s3], [sflag:s2] =	dma.local @!p0 [hbm:s0], s1  }
0x5a: {  	s0 =	simm.s32 @!p0 $0x3  }
0x5b: {  	_ =	swait.ge @!p0 [sflag:s0], s1  }
0x5c: {  	s1 =	ssub.s32 @!p0 $0x0, s1;
	[sflag:s0] =	ssyncset.done @!p0 $0x0  }
0x5d: {  	[sflag:s0] =	ssyncadd.s32 @!p0 s1  }
0x5e: {  	[bflag:$0x3] =	sbarrier.arrive $0xFFFF  }
0x5f: {  	_ =	shalt  }

// kernel: kernel.34.cloned.1.call-start
scs
__scs_entry_jumppad:
0x0: {  	(pc) =	sbr.rel $0x88, $3  }
0x1: {  	(tag) =	ssettag $0x0;
	lr =	simm.s32 $0x1  }
0x2: {  	[smem:$0x3F5F] =	sst lr;
	_ =	strace $0xD0000000  }
0x3: {  	_ = 	snop  }
0x4: {  	_ = 	snop  }
0x5: {  	_ = 	snop  }
0x6: {  	_ = 	snop  }
0x7: {  	_ = 	snop  }
__scs_overlays_trampoline_lowered:
0x8: {  	[smem:$0x3F6E] =	sst s0  }
0x9: {  	[smem:$0x3F6F] =	sst s1  }
0xa: {  	[smem:$0x3F70] =	sst s2  }
0xb: {  	[smem:$0x3F71] =	sst s3  }
0xc: {  	[smem:$0x3F72] =	sst s4  }
0xd: {  	[smem:$0x3F73] =	sst s5  }
0xe: {  	[smem:$0x3F74] =	sst s6  }
0xf: {  	[smem:$0x3F75] =	sst s7  }
0x10: {  	[smem:$0x3F76] =	sst s8  }
0x11: {  	[smem:$0x3F77] =	sst s9;
	s0 =	simm.s32 @!p0 $0x0  }
0x12: {  	s1 =	sld [smem:$0x3F5D];
	s0 =	simm.s32 @p0 $0x1  }
0x13: {  	[smem:$0x3F78] =	sst s0;
	s0 =	simm.s32 @!p1 $0x0  }
0x14: {  	s2 =	sld [smem:$0x3F5C];
	s0 =	simm.s32 @p1 $0x1  }
0x15: {  	[smem:$0x3F79] =	sst s0;
	s0 =	simm.s32 @!p2 $0x0  }
0x16: {  	s3 =	sld [smem:$0x3FDB];
	s0 =	simm.s32 @p2 $0x1  }
0x17: {  	s4 =	simm.s32 $0x1BF5;
	[smem:$0x3F7B] =	sst s0  }
0x18: {  	s0 =	sld [smem:$0x3F5E];
	_ =	swait.ge [sflag:s4], $0x0  }
0x19: {  	s7 =	sld [smem:$0x3F5F]  }
0x1a: {  	s8 =	sadd.s32 $0xFFFFE003, lr  }
0x1b: {  	s9 =	sadd.s32 $0xFFFFFEF7, lr;
	s5 =	simm.s32 $0xFFFFFFFF;
	p2 =	slt.u32 s8, $0xFFFFF086  }
0x1c: {  	p1 =	slt.u32 s9, $0xF7A;
	s5 =	simm.s32 @!p2 $0x0  }
0x1d: {  	s5 =	simm.s32 @p1 $0x1;
	p0 =	seq.s32 s7, s2  }
0x1e: {  	s7 =	smul.u32 @!p0 $0xF7A, s2;
	p2 =	seq.s32 @!p0 s5, $0x0  }
0x1f: {  	s9 =	smul.u32 $0xF7A, s1;
	s8 =	simm.s32 @!p0 $0x1BF5;
	p2 =	por !p2, p0  }
0x20: {  	[sflag:s8] =	ssyncset.s32 @!p0 $0xFFFFF086;
	s6 =	sadd.s32 @!p0 s3, s7;
	s7 =	simm.s32 @!p0 $0x108  }
0x21: {  	s3 =	sadd.s32 s3, s9;
	s6 =	sadd.s32 @!p0 $0x88, s6;
	s7 =	simm.s32 @p2 $0x1082  }
0x22: {  	[simem:s7], [sflag:s8] =	dma.local @!p0 [hbm:s6], $0xF7A  }
0x23: {  	s9 =	sor.u32 $0xD0000000, s2;
	s6 =	simm.s32 $0x108;
	_ =	swait.ge @!p0 [sflag:s8], $0x0  }
0x24: {  	s3 =	sadd.s32 $0x88, s3;
	s6 =	simm.s32 @!p1 $0x1082;
	[sflag:s4] =	ssyncset.s32 $0xFFFFF086  }
0x25: {  	[simem:s6], [sflag:s4] =	dma.local [hbm:s3], $0xF7A  }
0x26: {  	[smem:$0x3F5F] =	sst s1;
	(tag) =	ssettag s2;
	_ =	strace s9  }
0x27: {  	s1 =	sld [smem:$0x3F6F]  }
0x28: {  	s2 =	sld [smem:$0x3F70]  }
0x29: {  	s4 =	sld [smem:$0x3F72]  }
0x2a: {  	p0 =	seq.s32 s5, $0x0;
	s5 =	sld [smem:$0x3F73]  }
0x2b: {  	s6 =	sld [smem:$0x3F74]  }
0x2c: {  	s7 =	sld [smem:$0x3F75]  }
0x2d: {  	s3 =	simm.s32 $0x108;
	s8 =	sld [smem:$0x3F76]  }
0x2e: {  	s3 =	simm.s32 @!p0 $0x1082;
	s9 =	sld [smem:$0x3F77]  }
0x2f: {  	lr =	sadd.s32 s0, s3;
	s0 =	sld [smem:$0x3F6E]  }
0x30: {  	s3 =	sld [smem:$0x3F71]  }
0x31: {  	[smem:$0x3F7A] =	sst s10  }
0x32: {  	s10 =	sld [smem:$0x3F78];
	_ =	sdelay $0x3  }
0x33: {  	p0 =	seq.s32 s10, $0x1;
	s10 =	sld [smem:$0x3F7A];
	_ =	sdelay $0x3  }
0x34: {  	[smem:$0x3F7A] =	sst s10  }
0x35: {  	s10 =	sld [smem:$0x3F79];
	_ =	sdelay $0x3  }
0x36: {  	p1 =	seq.s32 s10, $0x1;
	s10 =	sld [smem:$0x3F7A];
	_ =	sdelay $0x3  }
0x37: {  	[smem:$0x3F7A] =	sst s10  }
0x38: {  	s10 =	sld [smem:$0x3F7B]  }
0x39: {  	_ = 	snop;
	(pc) =	sbr.ind lr, $3  }
0x3a: {  	_ = 	snop  }
0x3b: {  	_ = 	snop  }
0x3c: {  	p2 =	seq.s32 s10, $0x1;
	s10 =	sld [smem:$0x3F7A]  }
0x3d: {  	_ =	shalt  }
0x3e: {  	_ =	shalt  }
0x3f: {  	_ =	shalt  }
0x40: {  	_ =	shalt  }
0x41: {  	_ =	shalt  }
0x42: {  	_ =	shalt  }
0x43: {  	_ =	shalt  }
0x44: {  	_ =	shalt  }
0x45: {  	_ =	shalt  }
0x46: {  	_ =	shalt  }
0x47: {  	_ =	shalt  }
0x48: {  	_ =	shalt  }
0x49: {  	_ =	shalt  }
0x4a: {  	_ =	shalt  }
0x4b: {  	_ =	shalt  }
0x4c: {  	_ =	shalt  }
0x4d: {  	_ =	shalt  }
0x4e: {  	_ =	shalt  }
0x4f: {  	_ =	shalt  }
0x50: {  	_ =	shalt  }
0x51: {  	_ =	shalt  }
0x52: {  	_ =	shalt  }
0x53: {  	_ =	shalt  }
0x54: {  	_ =	shalt  }
0x55: {  	_ =	shalt  }
0x56: {  	_ =	shalt  }
0x57: {  	_ =	shalt  }
0x58: {  	_ =	shalt  }
0x59: {  	_ =	shalt  }
0x5a: {  	_ =	shalt  }
0x5b: {  	_ =	shalt  }
0x5c: {  	_ =	shalt  }
0x5d: {  	_ =	shalt  }
0x5e: {  	_ =	shalt  }
0x5f: {  	_ =	shalt  }
0x60: {  	_ =	shalt  }
0x61: {  	_ =	shalt  }
0x62: {  	_ =	shalt  }
0x63: {  	_ =	shalt  }
0x64: {  	_ =	shalt  }
0x65: {  	_ =	shalt  }
0x66: {  	_ =	shalt  }
0x67: {  	_ =	shalt  }
0x68: {  	_ =	shalt  }
0x69: {  	_ =	shalt  }
0x6a: {  	_ =	shalt  }
0x6b: {  	_ =	shalt  }
0x6c: {  	_ =	shalt  }
0x6d: {  	_ =	shalt  }
0x6e: {  	_ =	shalt  }
0x6f: {  	_ =	shalt  }
0x70: {  	_ =	shalt  }
0x71: {  	_ =	shalt  }
0x72: {  	_ =	shalt  }
0x73: {  	_ =	shalt  }
0x74: {  	_ =	shalt  }
0x75: {  	_ =	shalt  }
0x76: {  	_ =	shalt  }
0x77: {  	_ =	shalt  }
0x78: {  	_ =	shalt  }
0x79: {  	_ =	shalt  }
0x7a: {  	_ =	shalt  }
0x7b: {  	_ =	shalt  }
0x7c: {  	_ =	shalt  }
0x7d: {  	_ =	shalt  }
0x7e: {  	_ =	shalt  }
0x7f: {  	_ =	shalt  }
0x80: {  	_ =	shalt  }
0x81: {  	_ =	shalt  }
0x82: {  	_ =	shalt  }
0x83: {  	_ =	shalt  }
0x84: {  	_ =	shalt  }
0x85: {  	_ =	shalt  }
0x86: {  	_ =	shalt  }
0x87: {  	_ =	shalt  }
.Lfunc_end0:
.L_simem_size_0:
called_computation.6_lowered:
.L_overlay_start_0:
0x88: {  	s2 =	sld [smem:$0x3FD9]  }
0x89: {  	s3 =	sld [smem:$0x3FFE];
	_ =	sdelay $0x1  }
0x8a: {  	s1 =	srdreg.scid  }
0x8b: {  	s0 =	sand.u32 $0x1, s1  }
0x8c: {  	s16 =	sshll.u32 s0, $0xA;
	s2 =	sadd.s32 s3, s2  }
0x8d: {  	s2 =	sadd.s32 s2, s16  }
0x8e: {  	[smem:$0x3F86] =	sst s2  }
0x8f: {  	_ = 	snop  }
0x90: {  	(tm) =	ssettm $0x1  }
0x91: {  	s17 =	sld [smem:$0x3FFB];
	_ =	sdelay $0x3  }
0x92: {  	_ =	strace s17  }
0x93: {  	s2 =	sld [smem:$0x3FFC];
	_ =	sdelay $0x3  }
0x94: {  	_ =	strace s2  }
0x95: {  	s2 =	sld [smem:$0x3FFD];
	_ =	sdelay $0x3  }
0x96: {  	_ =	strace s2  }
0x97: {  	_ =	strace $0x8FFFFFFF  }
0x98: {  	s18 =	sld [smem:$0x3FDB];
	_ =	sdelay $0x1  }
0x99: {  	s19 =	simm.s32 $_scs_section_size  }
0x9a: {  	s4 =	simm.s32 $_size__tile_overlayer_lowered;
	s5 =	simm.s32 $_tile_overlayer_lowered  }
0x9b: {  	s22 =	simm.s32 $0x1BFF;
	s21 =	sshll.u32 s5, $0x1;
	s2 =	sadd.s32 s19, s18  }
0x9c: {  	s6 =	simm.s32 $0x0;
	s20 =	sshll.u32 s4, $0x1;
	s4 =	sadd.s32 s21, s2  }
0x9d: {  	[timem:s6], [sflag:s22] =	dma.local [hbm:s4], s20  }
0x9e: {  	_ =	swait.ge [sflag:s22], s20  }
0x9f: {  	s3 =	ssub.s32 $0x0, s20;
	[sflag:s22] =	ssyncset.done $0x0  }
0xa0: {  	[sflag:s22] =	ssyncadd.s32 s3;
	_ =	sdelay $0x1  }
0xa1: {  	s23 =	simm.s32 $0x1B8B  }
0xa2: {  	_ =	swait.ge [sflag:s23], $0x1  }
0xa3: {  	[sflag:s23] =	ssyncset.done $0x0  }
0xa4: {  	s25 =	simm.s32 $0x1B8E;
	s24 =	sld [smem:$0x3FFE];
	[sflag:s23] =	ssyncadd.s32 $0xFFFFFFFF  }
0xa5: {  	s26 =	simm.s32 $execute0_lowered;
	[smem:$0x3FD2] =	sst s25  }
0xa6: {  	s4 =	sshll.u32 s26, $0x1;
	_ =	strace $0x80000058;
	[dreg:$0x1] =	wrdreg $0xFFFFFFFF  }
0xa7: {  	s28 =	simm.s32 $_size_execute0_lowered;
	s2 =	sadd.s32 s2, s4;
	[dreg:$0x0] =	wrdreg $0x0  }
0xa8: {  	s4 =	sshll.u32 s28, $0x1;
	[dreg:$0x2] =	wrdreg s2  }
0xa9: {  	[dreg:$0x3] =	wrdreg s4  }
0xaa: {  	[dreg:$0x4] =	wrdreg $0xC0  }
0xab: {  	_ =	task [dreg:s6], $0x5FFFF  }
0xac: {  	[dreg:$0x1] =	wrdreg $0xFFFFFFFF  }
0xad: {  	[dreg:$0x0] =	wrdreg $0x60  }
0xae: {  	[dreg:$0x2] =	wrdreg s24  }
0xaf: {  	[dreg:$0x3] =	wrdreg $0x0  }
0xb0: {  	[dreg:$0x4] =	wrdreg $0x9  }
0xb1: {  	_ =	task.clear_ibuf [dreg:s6], $0x5FFFF;
	_ =	strace $0x90000058  }
0xb2: {  	s29 =	simm.s32 $0x9;
	_ =	strace $0x8000005A  }
0xb3: {  	_ =	swait.ge [sflag:s29], $0x1  }
0xb4: {  	[sflag:s29] =	ssyncadd.s32 $0xFFFFFFFF  }
0xb5: {  	_ =	strace $0x9000005A  }
0xb6: {  	_ =	sfence  }
0xb7: {  	s30 =	sld [smem:$0x0];
	_ =	sdelay $0x2  }
0xb8: {  	s31 =	sshll.u32 s1, $0xD;
	s1 =	sshrl.u32 s1, $0x2  }
0xb9: {  	s3 =	sand.u32 $0x4000, s31;
	s1 =	sadd.s32 s1, s30  }
0xba: {  	s0 =	sor.u32 s3, s0;
	s1 =	sshll.u32 s1, $0x11  }
0xbb: {  	s0 =	sor.u32 s1, s0  }
0xbc: {  	s0 =	sadd.s32 $0x8F2B, s0  }
0xbd: {  	[sflag:s0] =	ssyncadd.remote.s32 $0x1  }
0xbe: {  	_ =	sfence.sel $0xFFFF  }
0xbf: {  	[dreg:$0x0] =	wrdreg $0xFFFFFFFF;
	(pc) =	sbr.abs _section_cstart, $3  }
0xc0: {  	[dreg:$0x1] =	wrdreg $0xFFFFFFFF  }
0xc1: {  	_ =	task.clear_ibuf [dreg:s6], $0x2FFFF;
	_ =	strace $0x9FFFFFFF  }
0xc2: {  	(tm) =	ssettm $0x7FFFFFFF  }
0xc3: {  	_ =	shalt  }
tec
execute0_lowered:
.L_overlay_start_1:
0x0: {  	(tag) =	ssettag $0x1  }
0x1: {  	s5 =	rddreg [dreg:$0x0]  }
0x2: {  	s2 =	rddreg [dreg:$0x1]  }
0x3: {  	s0 =	srdreg.scid;
	s1 =	rddreg [dreg:$0x2];
	s3 =	simm.s32 $0x0  }
0x4: {  	s14 =	simm.s32 $0xEF00;
	s15 =	simm.s32 $0x80;
	s16 =	simm.s32 $0x13E00  }
0x5: {  	s17 =	simm.s32 $0x1;
	s18 =	simm.s32 $0xA080;
	s6 =	sand.u32 $0x1, s0  }
0x6: {  	s19 =	simm.s32 $0x15E00;
	s0 =	stileid.u32;
	s4 =	smul.u32 $0x4F000, s6  }
0x7: {  	s20 =	simm.s32 $0x2;
	s21 =	simm.s32 $0xA100;
	s7 =	smul.u32 $0x4F00, s0  }
0x8: {  	s22 =	simm.s32 $0xEF80;
	s23 =	simm.s32 $0x0;
	s8 =	smul.u32 $0xA000, s0  }
0x9: {  	[smem:$0x7FF] =	sst s3;
	s9 =	smul.u32 $0xA0000, s6;
	s6 =	ssub.s32 $0x2, s6  }
0xa: {  	_ =	strace $0x80000059;
	s31 =	sshll.u32 s0, $0x6;
	s11 =	sshrl.u32 s6, $0x1  }
0xb: {  	s7 =	sadd.s32 s7, s4;
	s4 =	sadd.s32 $0x41600, s5;
	s29 =	sadd.s32 s8, s9  }
0xc: {  	s30 =	sshrl.u32 s8, $0x3;
	s11 =	ssub.s32 s6, s11;
	s13 =	sadd.s32 s8, s2  }
.Ltmp0:
0xd: {  	s6 =	sor.u32 $0x1C03, s31;
	s7 =	sshrl.u32 s7, $0x3;
	(pc) =	sbr.rel .LBB2_1-.Ltmp0, $4  }
0xe: {  	s9 =	sadd.s32 s30, s5;
	s10 =	sadd.s32 s7, s5;
	s7 =	sshrl.u32 s29, $0x3  }
0xf: {  	s12 =	sadd.s32 s7, s5;
	s5 =	sadd.s32 $0x104C00, s9;
	s7 =	sadd.s32 $0x2DA00, s10  }
0x10: {  	s8 =	sadd.s32 $0xAC00, s10;
	s10 =	smax.u32 s11, $0x1;
	s11 =	sshrl.u32 s13, $0x3  }
0x11: {  	s13 =	simm.s32 $0xA000;
	s9 =	sadd.s32 $0x68800, s12;
	s12 =	simm.s32 $0x3  }
.LBB2_3:
0x12: {  	s24 =	sadd.s32 $0xF080, s25  }
0x13: {  	[spmem:s2] =	stream.indirect.scatter.add.f32 [tilespmem:s19], [sflag:$0x2], $0x40, s24, s15, $0xb8;
	[tilespmem:$0x17E00] =	vst v63  }
.LBB2_5:
0x14: {  	_ =	swait.ge [sflag:s20], $0x2000  }
0x15: {  	s23 =	sadd.s32 $0x1, s23;
	[sflag:s20] =	ssyncset.done $0x0  }
0x16: {  	p0 =	sne.s32 s23, s10;
	[sflag:s20] =	ssyncadd.s32 $0xFFFFE000  }
.Ltmp1:
0x17: {  	[bflag:$0x0] =	sbarrier.arrive $0xFFFF;
	(pc) =	sbr.rel @!p0 .LBB2_6-.Ltmp1, $4  }
0x18: {  	[hbm:s9], [sflag:s6] =	dma.local [spmem:s11], $0x1400  }
0x19: {  	_ =	swait.ge [sflag:s12], $0x1400  }
0x1a: {  	[sflag:s12] =	ssyncset.done $0x0  }
0x1b: {  	[sflag:s12] =	ssyncadd.s32 $0xFFFFEC00  }
.LBB2_1:
0x1c: {  	[spmem:s11], [sflag:s6] =	dma.local [hbm:s5], $0x1400  }
0x1d: {  	_ =	swait.ge [sflag:s12], $0x1400  }
0x1e: {  	[sflag:s12] =	ssyncset.done $0x0  }
0x1f: {  	[sflag:s12] =	ssyncadd.s32 $0xFFFFEC00  }
0x20: {  	[tilespmem:s13], [sflag:$0x3] =	stream.linear.gather [hbm4b:s7+s3], $0x4F00, $0x38;
	[tilespmem:$0x17E00] =	vst v63  }
0x21: {  	_ =	swait.ge [sflag:s12], $0x4F00  }
0x22: {  	[sflag:s12] =	ssyncset.done $0x0  }
0x23: {  	[sflag:s12] =	ssyncadd.s32 $0xFFFFB100  }
0x24: {  	[tilespmem:s14], [sflag:$0x3] =	stream.linear.gather [hbm4b:s8+s3], $0x4F00, $0x38;
	[tilespmem:$0x17E00] =	vst v63  }
0x25: {  	_ =	swait.ge [sflag:s12], $0x4F00  }
0x26: {  	[sflag:s12] =	ssyncset.done $0x0  }
0x27: {  	[sflag:s12] =	ssyncadd.s32 $0xFFFFB100  }
0x28: {  	[bflag:$0x0] =	sbarrier.arrive $0xFFFF  }
0x29: {  	[tilespmem:s16], [sflag:$0x1] =	stream.indirect.gather [hbm4b:s4+s15], $0x40, s13, s15, $0xb8;
	[tilespmem:$0x17E00] =	vst v63  }
0x2a: {  	_ =	swait.ge [sflag:s17], $0x2000  }
0x2b: {  	[sflag:s17] =	ssyncset.done $0x0  }
0x2c: {  	[sflag:s17] =	ssyncadd.s32 $0xFFFFE000  }
0x2d: {  	[tilespmem:s19], [sflag:$0x1] =	stream.indirect.gather [hbm4b:s4+s15], $0x40, s18, s15, $0xb8;
	[tilespmem:$0x17E00] =	vst v63  }
0x2e: {  	_ = 	snop  }
0x2f: {  	[spmem:s2] =	stream.indirect.scatter.add.f32 [tilespmem:s16], [sflag:$0x2], $0x40, s14, s15, $0xb8;
	[tilespmem:$0x17E00] =	vst v63  }
0x30: {  	_ =	swait.ge [sflag:s17], $0x2000  }
0x31: {  	[sflag:s17] =	ssyncset.done $0x0  }
0x32: {  	[sflag:s17] =	ssyncadd.s32 $0xFFFFE000  }
0x33: {  	_ =	swait.ge [sflag:s20], $0x2000  }
0x34: {  	[sflag:s20] =	ssyncset.done $0x0  }
0x35: {  	[sflag:s20] =	ssyncadd.s32 $0xFFFFE000  }
0x36: {  	[tilespmem:s16], [sflag:$0x1] =	stream.indirect.gather [hbm4b:s4+s15], $0x40, s21, s15, $0xb8;
	[tilespmem:$0x17E00] =	vst v63  }
0x37: {  	s24 =	simm.s32 $0x0  }
0x38: {  	[spmem:s2] =	stream.indirect.scatter.add.f32 [tilespmem:s19], [sflag:$0x2], $0x40, s22, s15, $0xb8;
	[tilespmem:$0x17E00] =	vst v63  }
.LBB2_2:
0x39: {  	_ =	swait.ge [sflag:s17], $0x2000  }
0x3a: {  	[sflag:s17] =	ssyncset.done $0x0  }
0x3b: {  	[sflag:s17] =	ssyncadd.s32 $0xFFFFE000  }
0x3c: {  	_ =	swait.ge [sflag:s20], $0x2000  }
0x3d: {  	s25 =	sshra.s32 s24, $0x2;
	[sflag:s20] =	ssyncset.done $0x0  }
0x3e: {  	s26 =	sadd.s32 $0xA180, s25;
	[sflag:s20] =	ssyncadd.s32 $0xFFFFE000  }
0x3f: {  	[tilespmem:s19], [sflag:$0x1] =	stream.indirect.gather [hbm4b:s4+s15], $0x40, s26, s15, $0xb8;
	[tilespmem:$0x17E00] =	vst v63  }
0x40: {  	s31 =	sadd.s32 $0xF000, s25  }
0x41: {  	[spmem:s2] =	stream.indirect.scatter.add.f32 [tilespmem:s16], [sflag:$0x2], $0x40, s31, s15, $0xb8;
	[tilespmem:$0x17E00] =	vst v63  }
0x42: {  	p0 =	sne.s32 s24, $0x13400;
	_ =	swait.ge [sflag:s17], $0x2000  }
.Ltmp2:
0x43: {  	[sflag:s17] =	ssyncset.done $0x0;
	(pc) =	sbr.rel @!p0 .LBB2_3-.Ltmp2, $4  }
0x44: {  	[sflag:s17] =	ssyncadd.s32 $0xFFFFE000  }
0x45: {  	_ =	swait.ge [sflag:s20], $0x2000  }
0x46: {  	[sflag:s20] =	ssyncset.done $0x0  }
0x47: {  	[sflag:s20] =	ssyncadd.s32 $0xFFFFE000  }
0x48: {  	s24 =	sadd.s32 $0x400, s24  }
0x49: {  	p0 =	sne.s32 s24, $0x13800  }
.Ltmp3:
0x4a: {  	_ = 	snop;
	(pc) =	sbr.rel @p0 .LBB2_2-.Ltmp3, $4  }
.Ltmp4:
0x4b: {  	s26 =	sadd.s32 $0xA200, s25;
	(pc) =	sbr.rel @!p0 .LBB2_5-.Ltmp4, $4  }
0x4c: {  	[tilespmem:s16], [sflag:$0x1] =	stream.indirect.gather [hbm4b:s4+s15], $0x40, s26, s15, $0xb8;
	[tilespmem:$0x17E00] =	vst v63  }
0x4d: {  	s31 =	sadd.s32 $0xF080, s25  }
0x4e: {  	[spmem:s2] =	stream.indirect.scatter.add.f32 [tilespmem:s19], [sflag:$0x2], $0x40, s31, s15, $0xb8;
	[tilespmem:$0x17E00] =	vst v63  }
0x4f: {  	_ = 	snop  }
.LBB2_6:
0x50: {  	_ =	sfence.sel $0x180000  }
0x51: {  	[bflag:$0x0] =	sbarrier.arrive $0xFFFF  }
0x52: {  	p0 =	sne.s32 s0, $0x0;
	_ =	strace $0x90000059  }
0x53: {  	s0 =	sadd.s32 @!p0 $0x100000, s1;
	[bflag:$0x2] =	sbarrier.arrive $0xFFFF  }
0x54: {  	[sflag:s0] =	ssyncadd.tile.s32 @!p0 $0x1;
	_ =	shalt  }
.Lfunc_end2:
_tile_overlayer_lowered:
.L_overlay_start_2:
0x55: {  	(tag) =	ssettag $0x2  }
0x56: {  	s0 =	rddreg [dreg:$0x0];
	s2 =	stileid.u32  }
0x57: {  	s1 =	rddreg [dreg:$0x1];
	p0 =	sne.s32 s2, $0x0  }
0x58: {  	s3 =	rddreg [dreg:$0x2];
	[bflag:$0x3] =	sbarrier.arrive $0xFFFF;
	s2 =	simm.s32 @!p0 $0x1C03  }
0x59: {  	[timem:s3], [sflag:s2] =	dma.local @!p0 [hbm:s0], s1  }
0x5a: {  	s0 =	simm.s32 @!p0 $0x3  }
0x5b: {  	_ =	swait.ge @!p0 [sflag:s0], s1  }
0x5c: {  	s1 =	ssub.s32 @!p0 $0x0, s1;
	[sflag:s0] =	ssyncset.done @!p0 $0x0  }
0x5d: {  	[sflag:s0] =	ssyncadd.s32 @!p0 s1  }
0x5e: {  	[bflag:$0x3] =	sbarrier.arrive $0xFFFF  }
0x5f: {  	_ =	shalt  }

</sc_bundles>
